<compile_context>
chip_gen: v7x
topology: tpu7x:2x2x1
jax: 0.10.2.dev20260603
libtpu: 0.0.44.dev20260713+nightly
codegen_flags: <defaults>
</compile_context>

<pallas_src>
import functools

import jax
import jax.numpy as jnp
from jax import lax
from jax.experimental import pallas as pl
from jax.experimental.pallas import tpu as pltpu
from jax.experimental.pallas import tpu_sc as plsc

N = 10000
E = 320000
D = 128
L = 4
G = 16
NP = 10240
NC = 2
NS = 16
RPS = NP // NS
EPS = E // NS
EPW = E // (NC * NS)
C = 160
CC = 200
CW = 16

_f32 = jnp.float32


def _prep_body(x_ref, wemb_ref, bemb_ref, out_ref):
    h0 = jnp.dot(x_ref[...], wemb_ref[...], preferred_element_type=_f32)
    out_ref[...] = h0 + bemb_ref[...]


def _prep(x, W_emb, b_emb):
    return pl.pallas_call(
        _prep_body,
        out_shape=jax.ShapeDtypeStruct((N, D), _f32),
    )(x, W_emb, b_emb.reshape(1, D))


TE = 8000


def _u_body(ew_ref, p1_ref, out_ref):
    u = jnp.dot(ew_ref[...], p1_ref[...], preferred_element_type=_f32)
    out_ref[...] = jnp.maximum(u, 0.0)


def _u_layer(edge_w, pos1_Wi):
    return pl.pallas_call(
        _u_body,
        grid=(E // TE,),
        in_specs=[
            pl.BlockSpec((TE, 2), lambda t: (t, 0)),
            pl.BlockSpec((2, D), lambda t: (0, 0)),
        ],
        out_specs=pl.BlockSpec((TE, D), lambda t: (t, 0)),
        out_shape=jax.ShapeDtypeStruct((E, D), _f32),
    )(edge_w, pos1_Wi)


def _count_body(dst_hbm, ones_hbm, zeros_hbm, out0, out1,
                acc, didx, ones):
    c = lax.axis_index("c")
    s = lax.axis_index("s")

    pltpu.sync_copy(zeros_hbm.at[pl.ds(s * RPS, RPS), :],
                    acc.at[pl.ds(s * RPS, RPS), :])
    pltpu.sync_copy(ones_hbm, ones)
    plsc.subcore_barrier()

    base0 = (c * NS + s) * EPW

    def chunk(k, carry):
        b = base0 + k * CC
        pltpu.sync_copy(dst_hbm.at[pl.ds(b, CC)], didx)
        pltpu.sync_copy(ones, acc.at[didx], add=True)
        return carry

    lax.fori_loop(0, EPW // CC, chunk, 0)
    plsc.subcore_barrier()

    @pl.when(c == 0)
    def _():
        pltpu.sync_copy(acc.at[pl.ds(s * RPS, RPS), :],
                        out0.at[pl.ds(s * RPS, RPS), :])

    @pl.when(c == 1)
    def _():
        pltpu.sync_copy(acc.at[pl.ds(s * RPS, RPS), :],
                        out1.at[pl.ds(s * RPS, RPS), :])


_count_pass = pl.kernel(
    _count_body,
    out_type=(jax.ShapeDtypeStruct((NP, CW), _f32),
              jax.ShapeDtypeStruct((NP, CW), _f32)),
    mesh=plsc.VectorSubcoreMesh(core_axis_name="c", subcore_axis_name="s",
                                num_cores=NC, num_subcores=NS),
    scratch_types=[
        pltpu.VMEM_SHARED((NP, CW), _f32),
        pltpu.VMEM((CC,), jnp.int32),
        pltpu.VMEM((CC, CW), _f32),
    ],
    compiler_params=pltpu.CompilerParams(use_tc_tiling_on_sc=False),
)


NCH = EPS // C
NCHQ = NCH // 4


def _edge_body(u_hbm, hext_hbm, src_hbm, dst_hbm, zeros_hbm,
               out_u, out_h, acc,
               sidx0, sidx1, sidx2, sidx3, didx0, didx1, didx2, didx3,
               rowsA, rowsB, i0, i1, i2, i3, ra, rb):
    c = lax.axis_index("c")
    s = lax.axis_index("s")

    pltpu.sync_copy(zeros_hbm.at[pl.ds(s * RPS, RPS), :],
                    acc.at[pl.ds(s * RPS, RPS), :])
    plsc.subcore_barrier()

    base0 = s * EPS
    sl = [(didx0, sidx0, i0), (didx1, sidx1, i1),
          (didx2, sidx2, i2), (didx3, sidx3, i3)]

    def load_idx(k, j):
        didx, sidx, sem = sl[j]
        b = base0 + k * C
        pltpu.async_copy(dst_hbm.at[pl.ds(b, C)], didx, sem)

        @pl.when(c == 1)
        def _():
            pltpu.async_copy(src_hbm.at[pl.ds(b, C)], sidx, sem)

    def drain_idx(j):
        didx, sidx, sem = sl[j]
        pltpu.make_async_copy(dst_hbm.at[pl.ds(0, C)], didx, sem).wait()

        @pl.when(c == 1)
        def _():
            pltpu.make_async_copy(src_hbm.at[pl.ds(0, C)], sidx, sem).wait()

    def load_rows(k, j, buf, sem):
        @pl.when(c == 0)
        def _():
            pltpu.async_copy(u_hbm.at[pl.ds(base0 + k * C, C), :], buf, sem)

        @pl.when(c == 1)
        def _():
            pltpu.async_copy(hext_hbm.at[sl[j][1]], buf, sem)

    def drain_rows(buf, sem):
        pltpu.make_async_copy(u_hbm.at[pl.ds(0, C), :], buf, sem).wait()

    def scatter(buf, j):
        pltpu.sync_copy(buf, acc.at[sl[j][0]], add=True)

    for j in range(4):
        load_idx(j, j)
    drain_idx(0)
    load_rows(0, 0, rowsA, ra)

    def body(g, carry):
        q = 4 * g
        drain_idx(1)
        load_rows(q + 1, 1, rowsB, rb)
        drain_rows(rowsA, ra)
        scatter(rowsA, 0)

        @pl.when(q + 4 < NCH)
        def _():
            load_idx(q + 4, 0)

        drain_idx(2)
        load_rows(q + 2, 2, rowsA, ra)
        drain_rows(rowsB, rb)
        scatter(rowsB, 1)

        @pl.when(q + 5 < NCH)
        def _():
            load_idx(q + 5, 1)

        drain_idx(3)
        load_rows(q + 3, 3, rowsB, rb)
        drain_rows(rowsA, ra)
        scatter(rowsA, 2)

        @pl.when(q + 6 < NCH)
        def _():
            load_idx(q + 6, 2)

        @pl.when(q + 4 < NCH)
        def _():
            drain_idx(0)
            load_rows(q + 4, 0, rowsA, ra)

        drain_rows(rowsB, rb)
        scatter(rowsB, 3)

        @pl.when(q + 7 < NCH)
        def _():
            load_idx(q + 7, 3)

        return carry

    lax.fori_loop(0, NCHQ, body, 0)

    drain_rows(rowsA, ra)
    scatter(rowsA, 0)
    plsc.subcore_barrier()

    @pl.when(c == 0)
    def _():
        pltpu.sync_copy(acc.at[pl.ds(s * RPS, RPS), :],
                        out_u.at[pl.ds(s * RPS, RPS), :])

    @pl.when(c == 1)
    def _():
        pltpu.sync_copy(acc.at[pl.ds(s * RPS, RPS), :],
                        out_h.at[pl.ds(s * RPS, RPS), :])


_edge_pass = pl.kernel(
    _edge_body,
    out_type=(jax.ShapeDtypeStruct((NP, D), _f32),
              jax.ShapeDtypeStruct((NP, D), _f32)),
    mesh=plsc.VectorSubcoreMesh(core_axis_name="c", subcore_axis_name="s",
                                num_cores=NC, num_subcores=NS),
    scratch_types=(
        [pltpu.VMEM_SHARED((NP, D), _f32)]
        + [pltpu.VMEM((C,), jnp.int32) for _ in range(8)]
        + [pltpu.VMEM((C, D), _f32) for _ in range(2)]
        + [pltpu.SemaphoreType.DMA for _ in range(6)]
    ),
    compiler_params=pltpu.CompilerParams(use_tc_tiling_on_sc=False),
)


def _update_core(su_ref, sh_ref, c0_ref, c1_ref, p2_ref, l2_ref, l1_ref,
                 b1_ref, gam_ref, bet_ref):
    su = su_ref[0:N, :]
    sh = sh_ref[0:N, :]
    cnt = c0_ref[0:N, 0:1] + c1_ref[0:N, 0:1]
    m = jnp.dot(su, p2_ref[...], preferred_element_type=_f32) + sh
    m = jnp.dot(m, l2_ref[...], preferred_element_type=_f32)
    aggr = m / jnp.maximum(cnt, 1.0)
    h2 = jnp.dot(aggr, l1_ref[...], preferred_element_type=_f32) + b1_ref[...]
    mu = jnp.mean(h2, axis=0, keepdims=True)
    var = jnp.mean((h2 - mu) * (h2 - mu), axis=0, keepdims=True)
    hn = (h2 - mu) * lax.rsqrt(var + 1e-5) * gam_ref[...] + bet_ref[...]
    return jnp.maximum(hn, 0.0)


def _layer_body(su_ref, sh_ref, c0_ref, c1_ref, p2_ref, l2_ref, l1_ref,
                b1_ref, gam_ref, bet_ref, out_ref):
    out_ref[...] = _update_core(su_ref, sh_ref, c0_ref, c1_ref, p2_ref,
                                l2_ref, l1_ref, b1_ref, gam_ref, bet_ref)


def _layer_update(su, sh, c0, c1, p2, l2, l1, b1, gam, bet):
    return pl.pallas_call(
        _layer_body,
        out_shape=jax.ShapeDtypeStruct((N, D), _f32),
    )(su, sh, c0, c1, p2, l2, l1, b1, gam, bet)


def _final_body(su_ref, sh_ref, c0_ref, c1_ref, p2_ref, l2_ref, l1_ref,
                b1_ref, gam_ref, bet_ref, batch_ref, out_ref):
    h = _update_core(su_ref, sh_ref, c0_ref, c1_ref, p2_ref, l2_ref,
                     l1_ref, b1_ref, gam_ref, bet_ref)
    bt = jnp.broadcast_to(batch_ref[...], (G, N))
    onehot = (lax.broadcasted_iota(jnp.int32, (G, N), 0) == bt).astype(_f32)
    pool = jnp.dot(onehot, h, preferred_element_type=_f32)
    cnts = jnp.sum(onehot, axis=1, keepdims=True)
    out_ref[...] = pool / jnp.maximum(cnts, 1.0)


def _final_update(su, sh, c0, c1, p2, l2, l1, b1, gam, bet, batch2d):
    return pl.pallas_call(
        _final_body,
        out_shape=jax.ShapeDtypeStruct((G, D), _f32),
    )(su, sh, c0, c1, p2, l2, l1, b1, gam, bet, batch2d)


def kernel(x, edge_index, edge_w, batch, W_emb, b_emb, pos1_W, pos2_W,
           lin2_W, lin1_W, lin1_b, bn_gamma, bn_beta):
    src = edge_index[0]
    dst = edge_index[1]
    zeros = jnp.zeros((NP, D), _f32)
    zeros16 = jnp.zeros((NP, CW), _f32)
    ones16 = jnp.ones((CC, CW), _f32)

    hext = _prep(x, W_emb, b_emb)
    c0, c1 = _count_pass(dst, ones16, zeros16)
    u_layers = [_u_layer(edge_w, pos1_W[i]) for i in range(L)]

    for i in range(L):
        su, sh = _edge_pass(u_layers[i], hext, src, dst, zeros)
        p2 = pos2_W[i]
        l2 = lin2_W[i]
        l1 = lin1_W[i]
        b1 = lin1_b[i].reshape(1, D)
        gam = bn_gamma[i].reshape(1, D)
        bet = bn_beta[i].reshape(1, D)
        if i < L - 1:
            hext = _layer_update(su, sh, c0, c1, p2, l2, l1, b1, gam, bet)
        else:
            out = _final_update(su, sh, c0, c1, p2, l2, l1, b1, gam, bet,
                                batch.reshape(1, N))
    return out

# --- scband reference (transcript-rebuilt; emitter-appended) ---
"""Pipeline reference for scband-sagenet1-89077621719476 (READ-ONLY COPY).

The authoritative reference and input builder live on the scoring server;
editing this copy changes nothing except your own understanding.
"""

import jax, jax.numpy as jnp
import numpy as np

N = 10000
E = 320000
D = 128
L = 4
G = 16


def setup_inputs(seed: int = 0) -> dict:
    key = jax.random.key(seed)
    ks = jax.random.split(key, 20)
    x = jax.random.normal(ks[0], (N, D), dtype=jnp.float32)
    edge_index = jax.random.randint(ks[1], (2, E), 0, N, dtype=jnp.int32)
    edge_w = jax.random.uniform(ks[2], (E, 2), dtype=jnp.float32)
    batch = jnp.sort(jax.random.randint(ks[3], (N,), 0, G, dtype=jnp.int32))
    s = 0.05
    W_emb = jax.random.normal(ks[4], (D, D), dtype=jnp.float32) * s
    b_emb = jnp.zeros((D,), dtype=jnp.float32)
    pos1_W = jax.random.normal(ks[5], (L, 2, D), dtype=jnp.float32) * s
    pos2_W = jax.random.normal(ks[6], (L, D, D), dtype=jnp.float32) * s
    lin2_W = jax.random.normal(ks[7], (L, D, D), dtype=jnp.float32) * s
    lin1_W = jax.random.normal(ks[8], (L, D, D), dtype=jnp.float32) * s
    lin1_b = jnp.zeros((L, D), dtype=jnp.float32)
    bn_gamma = jnp.ones((L, D), dtype=jnp.float32)
    bn_beta = jnp.zeros((L, D), dtype=jnp.float32)
    return {
        "x": x, "edge_index": edge_index, "edge_w": edge_w, "batch": batch,
        "W_emb": W_emb, "b_emb": b_emb, "pos1_W": pos1_W, "pos2_W": pos2_W,
        "lin2_W": lin2_W, "lin1_W": lin1_W, "lin1_b": lin1_b,
        "bn_gamma": bn_gamma, "bn_beta": bn_beta,
    }


def _segment_mean(vals, idx, n):
    s = jax.ops.segment_sum(vals, idx, num_segments=n)
    c = jax.ops.segment_sum(jnp.ones((vals.shape[0],), jnp.float32), idx, num_segments=n)
    return s / jnp.maximum(c, 1.0)[:, None]


def reference(x, edge_index, edge_w, batch, W_emb, b_emb, pos1_W, pos2_W, lin2_W, lin1_W, lin1_b, bn_gamma, bn_beta):
    h = x @ W_emb + b_emb
    src = edge_index[0]
    dst = edge_index[1]
    for i in range(L):
        # PositionEmbedding (has_act=False): linear -> relu -> linear
        pe = jax.nn.relu(edge_w @ pos1_W[i]) @ pos2_W[i]
        # message: linear2(edge_weight + x_j); x_j gathered from source nodes
        msg = (pe + h[src]) @ lin2_W[i]
        # aggr='mean' scatter onto destination nodes
        aggr = _segment_mean(msg, dst, N)
        # update: linear1(aggr_out)
        h2 = aggr @ lin1_W[i] + lin1_b[i]
        # BatchNorm1d (training-mode batch stats, eps=1e-5)
        mu = jnp.mean(h2, axis=0)
        var = jnp.var(h2, axis=0)
        h2 = (h2 - mu) / jnp.sqrt(var + 1e-5) * bn_gamma[i] + bn_beta[i]
        h = jax.nn.relu(h2)
    # global mean pool over graphs in the batch
    return _segment_mean(h, batch, G)

if __name__ == "__main__":
    import jax
    _d = setup_inputs()
    print(jax.jit(kernel)(*tuple(_d.values())))

</pallas_src>

<mosaic_0001>
#map = affine_map<(d0, d1) -> (0, 0)>
#map1 = affine_map<(d0, d1) -> (0)>
module attributes {stable_mosaic.version = 14 : i64} {
  func.func @_edge_body(%arg0: i32, %arg1: i32, %arg2: memref<320000x128xf32, #tpu.memory_space<hbm>>, %arg3: memref<10000x128xf32, #tpu.memory_space<hbm>>, %arg4: memref<320000xi32, #tpu.memory_space<hbm>>, %arg5: memref<320000xi32, #tpu.memory_space<hbm>>, %arg6: memref<10240x128xf32, #tpu.memory_space<hbm>>, %arg7: memref<10240x128xf32, #tpu.memory_space<hbm>>, %arg8: memref<10240x128xf32, #tpu.memory_space<hbm>>, %arg9: memref<10240x128xf32, #tpu.memory_space<vmem_shared>>, %arg10: memref<160xi32, #tpu.memory_space<vmem>>, %arg11: memref<160xi32, #tpu.memory_space<vmem>>, %arg12: memref<160xi32, #tpu.memory_space<vmem>>, %arg13: memref<160xi32, #tpu.memory_space<vmem>>, %arg14: memref<160xi32, #tpu.memory_space<vmem>>, %arg15: memref<160xi32, #tpu.memory_space<vmem>>, %arg16: memref<160xi32, #tpu.memory_space<vmem>>, %arg17: memref<160xi32, #tpu.memory_space<vmem>>, %arg18: memref<160x128xf32, #tpu.memory_space<vmem>>, %arg19: memref<160x128xf32, #tpu.memory_space<vmem>>, %arg20: memref<!tpu.dma_semaphore, #tpu.memory_space<semaphore_mem>>, %arg21: memref<!tpu.dma_semaphore, #tpu.memory_space<semaphore_mem>>, %arg22: memref<!tpu.dma_semaphore, #tpu.memory_space<semaphore_mem>>, %arg23: memref<!tpu.dma_semaphore, #tpu.memory_space<semaphore_mem>>, %arg24: memref<!tpu.dma_semaphore, #tpu.memory_space<semaphore_mem>>, %arg25: memref<!tpu.dma_semaphore, #tpu.memory_space<semaphore_mem>>) attributes {dimension_semantics = [#tpu.dimension_semantics<core_parallel>, #tpu.dimension_semantics<subcore_parallel>], iteration_bounds = array<i64: 2, 16>, scalar_prefetch = 0 : i64, scratch_operands = 17 : i64, tpu.core_type = #tpu.core_type<sc_vector_subcore>, window_params = [{transform_indices = #map}, {transform_indices = #map}, {transform_indices = #map1}, {transform_indices = #map1}, {transform_indices = #map}, {transform_indices = #map}, {transform_indices = #map}]} {
    %mul3A = arith.constant 640 : i32
    %mul3A_0 = arith.muli %arg1, %mul3A : i32
    %mul3A_1 = arith.constant 640 : i32
    %mul3A_2 = arith.muli %arg1, %mul3A_1 : i32
    "tpu.region"() ({
      %run_scoped3A = tpu.sem_alloc : memref<!tpu.dma_semaphore, #tpu.memory_space<semaphore_mem>>
      %dma_start3A_76 = arith.constant 0 : i32
      %dma_start3A_77 = tpu.memref_slice %arg9[%mul3A_2, %dma_start3A_76] : memref<10240x128xf32, #tpu.memory_space<vmem_shared>> -> memref<640x128xf32, #tpu.memory_space<vmem_shared>>
      %dma_start3A_78 = arith.constant 0 : i32
      %dma_start3A_79 = tpu.memref_slice %arg6[%mul3A_0, %dma_start3A_78] : memref<10240x128xf32, #tpu.memory_space<hbm>> -> memref<640x128xf32, #tpu.memory_space<hbm>>
      tpu.enqueue_dma source(%dma_start3A_79 : memref<640x128xf32, #tpu.memory_space<hbm>>) target(%dma_start3A_77 : memref<640x128xf32, #tpu.memory_space<vmem_shared>>) target_semaphore(%run_scoped3A : memref<!tpu.dma_semaphore, #tpu.memory_space<semaphore_mem>>)
      %dma_wait3A_80 = arith.constant 0 : i32
      %dma_wait3A_81 = tpu.memref_slice %arg9[%mul3A_2, %dma_wait3A_80] : memref<10240x128xf32, #tpu.memory_space<vmem_shared>> -> memref<640x128xf32, #tpu.memory_space<vmem_shared>>
      %dma_wait3A_82 = arith.constant 0 : i32
      %dma_wait3A_83 = tpu.memref_slice %arg6[%mul3A_0, %dma_wait3A_82] : memref<10240x128xf32, #tpu.memory_space<hbm>> -> memref<640x128xf32, #tpu.memory_space<hbm>>
      tpu.wait_dma2 semaphore(%run_scoped3A : memref<!tpu.dma_semaphore, #tpu.memory_space<semaphore_mem>>) src(%dma_wait3A_83 : memref<640x128xf32, #tpu.memory_space<hbm>>) dst(%dma_wait3A_81 : memref<640x128xf32, #tpu.memory_space<vmem_shared>>)
      tpu.yield
    }) : () -> ()
    %barrier3A = arith.constant 0 : index
    tpu.barrier barrier_id(%barrier3A)
    %mul3A_3 = arith.constant 20000 : i32
    %mul3A_4 = arith.muli %arg1, %mul3A_3 : i32
    %add3A = arith.constant 0 : i32
    %add3A_5 = arith.addi %mul3A_4, %add3A : i32
    %dma_start3A = tpu.memref_slice %arg5[%add3A_5] : memref<320000xi32, #tpu.memory_space<hbm>> -> memref<160xi32, #tpu.memory_space<hbm>>
    %dma_start3A_6 = tpu.memref_slice %arg5[%add3A_5] : memref<320000xi32, #tpu.memory_space<hbm>> -> memref<160xi32, #tpu.memory_space<hbm>>
    tpu.enqueue_dma source(%dma_start3A_6 : memref<160xi32, #tpu.memory_space<hbm>>) target(%arg14 : memref<160xi32, #tpu.memory_space<vmem>>) target_semaphore(%arg20 : memref<!tpu.dma_semaphore, #tpu.memory_space<semaphore_mem>>)
    %eq3A = arith.constant 1 : i32
    %eq3A_7 = arith.cmpi eq, %arg0, %eq3A : i32
    %convert_element_type3A = arith.extui %eq3A_7 : i1 to i32
    %cond3A = arith.constant 0 : i32
    %cond3A_8 = arith.cmpi ne, %convert_element_type3A, %cond3A : i32
    scf.if %cond3A_8 {
      %dma_start3A_76 = tpu.memref_slice %arg4[%add3A_5] : memref<320000xi32, #tpu.memory_space<hbm>> -> memref<160xi32, #tpu.memory_space<hbm>>
      %dma_start3A_77 = tpu.memref_slice %arg4[%add3A_5] : memref<320000xi32, #tpu.memory_space<hbm>> -> memref<160xi32, #tpu.memory_space<hbm>>
      tpu.enqueue_dma source(%dma_start3A_77 : memref<160xi32, #tpu.memory_space<hbm>>) target(%arg10 : memref<160xi32, #tpu.memory_space<vmem>>) target_semaphore(%arg20 : memref<!tpu.dma_semaphore, #tpu.memory_space<semaphore_mem>>)
    } else {
    }
    %add3A_9 = arith.constant 160 : i32
    %add3A_10 = arith.addi %mul3A_4, %add3A_9 : i32
    %dma_start3A_11 = tpu.memref_slice %arg5[%add3A_10] : memref<320000xi32, #tpu.memory_space<hbm>> -> memref<160xi32, #tpu.memory_space<hbm>>
    %dma_start3A_12 = tpu.memref_slice %arg5[%add3A_10] : memref<320000xi32, #tpu.memory_space<hbm>> -> memref<160xi32, #tpu.memory_space<hbm>>
    tpu.enqueue_dma source(%dma_start3A_12 : memref<160xi32, #tpu.memory_space<hbm>>) target(%arg15 : memref<160xi32, #tpu.memory_space<vmem>>) target_semaphore(%arg21 : memref<!tpu.dma_semaphore, #tpu.memory_space<semaphore_mem>>)
    %eq3A_13 = arith.constant 1 : i32
    %eq3A_14 = arith.cmpi eq, %arg0, %eq3A_13 : i32
    %convert_element_type3A_15 = arith.extui %eq3A_14 : i1 to i32
    %cond3A_16 = arith.constant 0 : i32
    %cond3A_17 = arith.cmpi ne, %convert_element_type3A_15, %cond3A_16 : i32
    scf.if %cond3A_17 {
      %dma_start3A_76 = tpu.memref_slice %arg4[%add3A_10] : memref<320000xi32, #tpu.memory_space<hbm>> -> memref<160xi32, #tpu.memory_space<hbm>>
      %dma_start3A_77 = tpu.memref_slice %arg4[%add3A_10] : memref<320000xi32, #tpu.memory_space<hbm>> -> memref<160xi32, #tpu.memory_space<hbm>>
      tpu.enqueue_dma source(%dma_start3A_77 : memref<160xi32, #tpu.memory_space<hbm>>) target(%arg11 : memref<160xi32, #tpu.memory_space<vmem>>) target_semaphore(%arg21 : memref<!tpu.dma_semaphore, #tpu.memory_space<semaphore_mem>>)
    } else {
    }
    %add3A_18 = arith.constant 320 : i32
    %add3A_19 = arith.addi %mul3A_4, %add3A_18 : i32
    %dma_start3A_20 = tpu.memref_slice %arg5[%add3A_19] : memref<320000xi32, #tpu.memory_space<hbm>> -> memref<160xi32, #tpu.memory_space<hbm>>
    %dma_start3A_21 = tpu.memref_slice %arg5[%add3A_19] : memref<320000xi32, #tpu.memory_space<hbm>> -> memref<160xi32, #tpu.memory_space<hbm>>
    tpu.enqueue_dma source(%dma_start3A_21 : memref<160xi32, #tpu.memory_space<hbm>>) target(%arg16 : memref<160xi32, #tpu.memory_space<vmem>>) target_semaphore(%arg22 : memref<!tpu.dma_semaphore, #tpu.memory_space<semaphore_mem>>)
    %eq3A_22 = arith.constant 1 : i32
    %eq3A_23 = arith.cmpi eq, %arg0, %eq3A_22 : i32
    %convert_element_type3A_24 = arith.extui %eq3A_23 : i1 to i32
    %cond3A_25 = arith.constant 0 : i32
    %cond3A_26 = arith.cmpi ne, %convert_element_type3A_24, %cond3A_25 : i32
    scf.if %cond3A_26 {
      %dma_start3A_76 = tpu.memref_slice %arg4[%add3A_19] : memref<320000xi32, #tpu.memory_space<hbm>> -> memref<160xi32, #tpu.memory_space<hbm>>
      %dma_start3A_77 = tpu.memref_slice %arg4[%add3A_19] : memref<320000xi32, #tpu.memory_space<hbm>> -> memref<160xi32, #tpu.memory_space<hbm>>
      tpu.enqueue_dma source(%dma_start3A_77 : memref<160xi32, #tpu.memory_space<hbm>>) target(%arg12 : memref<160xi32, #tpu.memory_space<vmem>>) target_semaphore(%arg22 : memref<!tpu.dma_semaphore, #tpu.memory_space<semaphore_mem>>)
    } else {
    }
    %add3A_27 = arith.constant 480 : i32
    %add3A_28 = arith.addi %mul3A_4, %add3A_27 : i32
    %dma_start3A_29 = tpu.memref_slice %arg5[%add3A_28] : memref<320000xi32, #tpu.memory_space<hbm>> -> memref<160xi32, #tpu.memory_space<hbm>>
    %dma_start3A_30 = tpu.memref_slice %arg5[%add3A_28] : memref<320000xi32, #tpu.memory_space<hbm>> -> memref<160xi32, #tpu.memory_space<hbm>>
    tpu.enqueue_dma source(%dma_start3A_30 : memref<160xi32, #tpu.memory_space<hbm>>) target(%arg17 : memref<160xi32, #tpu.memory_space<vmem>>) target_semaphore(%arg23 : memref<!tpu.dma_semaphore, #tpu.memory_space<semaphore_mem>>)
    %eq3A_31 = arith.constant 1 : i32
    %eq3A_32 = arith.cmpi eq, %arg0, %eq3A_31 : i32
    %convert_element_type3A_33 = arith.extui %eq3A_32 : i1 to i32
    %cond3A_34 = arith.constant 0 : i32
    %cond3A_35 = arith.cmpi ne, %convert_element_type3A_33, %cond3A_34 : i32
    scf.if %cond3A_35 {
      %dma_start3A_76 = tpu.memref_slice %arg4[%add3A_28] : memref<320000xi32, #tpu.memory_space<hbm>> -> memref<160xi32, #tpu.memory_space<hbm>>
      %dma_start3A_77 = tpu.memref_slice %arg4[%add3A_28] : memref<320000xi32, #tpu.memory_space<hbm>> -> memref<160xi32, #tpu.memory_space<hbm>>
      tpu.enqueue_dma source(%dma_start3A_77 : memref<160xi32, #tpu.memory_space<hbm>>) target(%arg13 : memref<160xi32, #tpu.memory_space<vmem>>) target_semaphore(%arg23 : memref<!tpu.dma_semaphore, #tpu.memory_space<semaphore_mem>>)
    } else {
    }
    %dma_wait3A = arith.constant 0 : i32
    %dma_wait3A_36 = tpu.memref_slice %arg5[%dma_wait3A] : memref<320000xi32, #tpu.memory_space<hbm>> -> memref<160xi32, #tpu.memory_space<hbm>>
    %dma_wait3A_37 = arith.constant 0 : i32
    %dma_wait3A_38 = tpu.memref_slice %arg5[%dma_wait3A_37] : memref<320000xi32, #tpu.memory_space<hbm>> -> memref<160xi32, #tpu.memory_space<hbm>>
    tpu.wait_dma2 semaphore(%arg20 : memref<!tpu.dma_semaphore, #tpu.memory_space<semaphore_mem>>) src(%dma_wait3A_38 : memref<160xi32, #tpu.memory_space<hbm>>) dst(%arg14 : memref<160xi32, #tpu.memory_space<vmem>>)
    %eq3A_39 = arith.constant 1 : i32
    %eq3A_40 = arith.cmpi eq, %arg0, %eq3A_39 : i32
    %convert_element_type3A_41 = arith.extui %eq3A_40 : i1 to i32
    %cond3A_42 = arith.constant 0 : i32
    %cond3A_43 = arith.cmpi ne, %convert_element_type3A_41, %cond3A_42 : i32
    scf.if %cond3A_43 {
      %dma_wait3A_76 = arith.constant 0 : i32
      %dma_wait3A_77 = tpu.memref_slice %arg4[%dma_wait3A_76] : memref<320000xi32, #tpu.memory_space<hbm>> -> memref<160xi32, #tpu.memory_space<hbm>>
      %dma_wait3A_78 = arith.constant 0 : i32
      %dma_wait3A_79 = tpu.memref_slice %arg4[%dma_wait3A_78] : memref<320000xi32, #tpu.memory_space<hbm>> -> memref<160xi32, #tpu.memory_space<hbm>>
      tpu.wait_dma2 semaphore(%arg20 : memref<!tpu.dma_semaphore, #tpu.memory_space<semaphore_mem>>) src(%dma_wait3A_79 : memref<160xi32, #tpu.memory_space<hbm>>) dst(%arg10 : memref<160xi32, #tpu.memory_space<vmem>>)
    } else {
    }
    %eq3A_44 = arith.constant 0 : i32
    %eq3A_45 = arith.cmpi eq, %arg0, %eq3A_44 : i32
    %convert_element_type3A_46 = arith.extui %eq3A_45 : i1 to i32
    %cond3A_47 = arith.constant 0 : i32
    %cond3A_48 = arith.cmpi ne, %convert_element_type3A_46, %cond3A_47 : i32
    scf.if %cond3A_48 {
      %add3A_76 = arith.constant 0 : i32
      %add3A_77 = arith.addi %mul3A_4, %add3A_76 : i32
      %dma_start3A_78 = arith.constant 0 : i32
      %dma_start3A_79 = tpu.memref_slice %arg2[%add3A_77, %dma_start3A_78] : memref<320000x128xf32, #tpu.memory_space<hbm>> -> memref<160x128xf32, #tpu.memory_space<hbm>>
      %dma_start3A_80 = arith.constant 0 : i32
      %dma_start3A_81 = tpu.memref_slice %arg2[%add3A_77, %dma_start3A_80] : memref<320000x128xf32, #tpu.memory_space<hbm>> -> memref<160x128xf32, #tpu.memory_space<hbm>>
      tpu.enqueue_dma source(%dma_start3A_81 : memref<160x128xf32, #tpu.memory_space<hbm>>) target(%arg18 : memref<160x128xf32, #tpu.memory_space<vmem>>) target_semaphore(%arg24 : memref<!tpu.dma_semaphore, #tpu.memory_space<semaphore_mem>>)
    } else {
    }
    %eq3A_49 = arith.constant 1 : i32
    %eq3A_50 = arith.cmpi eq, %arg0, %eq3A_49 : i32
    %convert_element_type3A_51 = arith.extui %eq3A_50 : i1 to i32
    %cond3A_52 = arith.constant 0 : i32
    %cond3A_53 = arith.cmpi ne, %convert_element_type3A_51, %cond3A_52 : i32
    scf.if %cond3A_53 {
      %dma_start3A_76 = arith.constant 0 : i32
      %dma_start3A_77 = arith.constant 0 : i32
      %dma_start3A_78 = tpu.memref_slice %arg3[%dma_start3A_76, %dma_start3A_77] : memref<10000x128xf32, #tpu.memory_space<hbm>> -> memref<10000x128xf32, #tpu.memory_space<hbm>>
      tpu.enqueue_indirect_dma source(%dma_start3A_78 : memref<10000x128xf32, #tpu.memory_space<hbm>>) target(%arg18 : memref<160x128xf32, #tpu.memory_space<vmem>>) offsets(%arg10 : memref<160xi32, #tpu.memory_space<vmem>>) semaphore(%arg24 : memref<!tpu.dma_semaphore, #tpu.memory_space<semaphore_mem>>)
    } else {
    }
    %scan3A = arith.constant 0 : i32
    %scan3A_54 = arith.constant 0 : i32
    %scan3A_55 = arith.constant 31 : i32
    %scan3A_56 = arith.addi %scan3A_54, %scan3A_55 : i32
    %scan3A_57 = arith.constant 1 : i32
    scf.for %scan3A_76 = %scan3A_54 to %scan3A_56 step %scan3A_57  : i32 {
      %mul3A_77 = arith.constant 4 : i32
      %mul3A_78 = arith.muli %mul3A_77, %scan3A_76 : i32
      %dma_wait3A_79 = arith.constant 0 : i32
      %dma_wait3A_80 = tpu.memref_slice %arg5[%dma_wait3A_79] : memref<320000xi32, #tpu.memory_space<hbm>> -> memref<160xi32, #tpu.memory_space<hbm>>
      %dma_wait3A_81 = arith.constant 0 : i32
      %dma_wait3A_82 = tpu.memref_slice %arg5[%dma_wait3A_81] : memref<320000xi32, #tpu.memory_space<hbm>> -> memref<160xi32, #tpu.memory_space<hbm>>
      tpu.wait_dma2 semaphore(%arg21 : memref<!tpu.dma_semaphore, #tpu.memory_space<semaphore_mem>>) src(%dma_wait3A_82 : memref<160xi32, #tpu.memory_space<hbm>>) dst(%arg15 : memref<160xi32, #tpu.memory_space<vmem>>)
      %eq3A_83 = arith.constant 1 : i32
      %eq3A_84 = arith.cmpi eq, %arg0, %eq3A_83 : i32
      %convert_element_type3A_85 = arith.extui %eq3A_84 : i1 to i32
      %cond3A_86 = arith.constant 0 : i32
      %cond3A_87 = arith.cmpi ne, %convert_element_type3A_85, %cond3A_86 : i32
      scf.if %cond3A_87 {
        %dma_wait3A_200 = arith.constant 0 : i32
        %dma_wait3A_201 = tpu.memref_slice %arg4[%dma_wait3A_200] : memref<320000xi32, #tpu.memory_space<hbm>> -> memref<160xi32, #tpu.memory_space<hbm>>
        %dma_wait3A_202 = arith.constant 0 : i32
        %dma_wait3A_203 = tpu.memref_slice %arg4[%dma_wait3A_202] : memref<320000xi32, #tpu.memory_space<hbm>> -> memref<160xi32, #tpu.memory_space<hbm>>
        tpu.wait_dma2 semaphore(%arg21 : memref<!tpu.dma_semaphore, #tpu.memory_space<semaphore_mem>>) src(%dma_wait3A_203 : memref<160xi32, #tpu.memory_space<hbm>>) dst(%arg11 : memref<160xi32, #tpu.memory_space<vmem>>)
      } else {
      }
      %add3A_88 = arith.constant 1 : i32
      %add3A_89 = arith.addi %mul3A_78, %add3A_88 : i32
      %eq3A_90 = arith.constant 0 : i32
      %eq3A_91 = arith.cmpi eq, %arg0, %eq3A_90 : i32
      %convert_element_type3A_92 = arith.extui %eq3A_91 : i1 to i32
      %cond3A_93 = arith.constant 0 : i32
      %cond3A_94 = arith.cmpi ne, %convert_element_type3A_92, %cond3A_93 : i32
      scf.if %cond3A_94 {
        %mul3A_200 = arith.constant 160 : i32
        %mul3A_201 = arith.muli %add3A_89, %mul3A_200 : i32
        %add3A_202 = arith.addi %mul3A_4, %mul3A_201 : i32
        %dma_start3A_203 = arith.constant 0 : i32
        %dma_start3A_204 = tpu.memref_slice %arg2[%add3A_202, %dma_start3A_203] : memref<320000x128xf32, #tpu.memory_space<hbm>> -> memref<160x128xf32, #tpu.memory_space<hbm>>
        %dma_start3A_205 = arith.constant 0 : i32
        %dma_start3A_206 = tpu.memref_slice %arg2[%add3A_202, %dma_start3A_205] : memref<320000x128xf32, #tpu.memory_space<hbm>> -> memref<160x128xf32, #tpu.memory_space<hbm>>
        tpu.enqueue_dma source(%dma_start3A_206 : memref<160x128xf32, #tpu.memory_space<hbm>>) target(%arg19 : memref<160x128xf32, #tpu.memory_space<vmem>>) target_semaphore(%arg25 : memref<!tpu.dma_semaphore, #tpu.memory_space<semaphore_mem>>)
      } else {
      }
      %eq3A_95 = arith.constant 1 : i32
      %eq3A_96 = arith.cmpi eq, %arg0, %eq3A_95 : i32
      %convert_element_type3A_97 = arith.extui %eq3A_96 : i1 to i32
      %cond3A_98 = arith.constant 0 : i32
      %cond3A_99 = arith.cmpi ne, %convert_element_type3A_97, %cond3A_98 : i32
      scf.if %cond3A_99 {
        %dma_start3A_200 = arith.constant 0 : i32
        %dma_start3A_201 = arith.constant 0 : i32
        %dma_start3A_202 = tpu.memref_slice %arg3[%dma_start3A_200, %dma_start3A_201] : memref<10000x128xf32, #tpu.memory_space<hbm>> -> memref<10000x128xf32, #tpu.memory_space<hbm>>
        tpu.enqueue_indirect_dma source(%dma_start3A_202 : memref<10000x128xf32, #tpu.memory_space<hbm>>) target(%arg19 : memref<160x128xf32, #tpu.memory_space<vmem>>) offsets(%arg11 : memref<160xi32, #tpu.memory_space<vmem>>) semaphore(%arg25 : memref<!tpu.dma_semaphore, #tpu.memory_space<semaphore_mem>>)
      } else {
      }
      %dma_wait3A_100 = arith.constant 0 : i32
      %dma_wait3A_101 = arith.constant 0 : i32
      %dma_wait3A_102 = tpu.memref_slice %arg2[%dma_wait3A_100, %dma_wait3A_101] : memref<320000x128xf32, #tpu.memory_space<hbm>> -> memref<160x128xf32, #tpu.memory_space<hbm>>
      %dma_wait3A_103 = arith.constant 0 : i32
      %dma_wait3A_104 = arith.constant 0 : i32
      %dma_wait3A_105 = tpu.memref_slice %arg2[%dma_wait3A_103, %dma_wait3A_104] : memref<320000x128xf32, #tpu.memory_space<hbm>> -> memref<160x128xf32, #tpu.memory_space<hbm>>
      tpu.wait_dma2 semaphore(%arg24 : memref<!tpu.dma_semaphore, #tpu.memory_space<semaphore_mem>>) src(%dma_wait3A_105 : memref<160x128xf32, #tpu.memory_space<hbm>>) dst(%arg18 : memref<160x128xf32, #tpu.memory_space<vmem>>)
      "tpu.region"() ({
        %run_scoped3A = tpu.sem_alloc : memref<!tpu.dma_semaphore, #tpu.memory_space<semaphore_mem>>
        %dma_start3A_200 = arith.constant 0 : i32
        %dma_start3A_201 = arith.constant 0 : i32
        %dma_start3A_202 = tpu.memref_slice %arg9[%dma_start3A_200, %dma_start3A_201] : memref<10240x128xf32, #tpu.memory_space<vmem_shared>> -> memref<10240x128xf32, #tpu.memory_space<vmem_shared>>
        tpu.enqueue_indirect_dma source(%arg18 : memref<160x128xf32, #tpu.memory_space<vmem>>) target(%dma_start3A_202 : memref<10240x128xf32, #tpu.memory_space<vmem_shared>>) offsets(%arg14 : memref<160xi32, #tpu.memory_space<vmem>>) semaphore(%run_scoped3A : memref<!tpu.dma_semaphore, #tpu.memory_space<semaphore_mem>>) {add = true}
        %dma_wait3A_203 = arith.constant 0 : i32
        %dma_wait3A_204 = arith.constant 0 : i32
        %dma_wait3A_205 = tpu.memref_slice %arg9[%dma_wait3A_203, %dma_wait3A_204] : memref<10240x128xf32, #tpu.memory_space<vmem_shared>> -> memref<10240x128xf32, #tpu.memory_space<vmem_shared>>
        tpu.wait_indirect_dma semaphore(%run_scoped3A : memref<!tpu.dma_semaphore, #tpu.memory_space<semaphore_mem>>) src(%arg18 : memref<160x128xf32, #tpu.memory_space<vmem>>) dst(%dma_wait3A_205 : memref<10240x128xf32, #tpu.memory_space<vmem_shared>>)
        tpu.yield
      }) : () -> ()
      %add3A_106 = arith.constant 4 : i32
      %add3A_107 = arith.addi %mul3A_78, %add3A_106 : i32
      %lt3A = arith.constant 125 : i32
      %lt3A_108 = arith.cmpi slt, %add3A_107, %lt3A : i32
      %convert_element_type3A_109 = arith.extui %lt3A_108 : i1 to i32
      %cond3A_110 = arith.constant 0 : i32
      %cond3A_111 = arith.cmpi ne, %convert_element_type3A_109, %cond3A_110 : i32
      scf.if %cond3A_111 {
        %add3A_200 = arith.constant 4 : i32
        %add3A_201 = arith.addi %mul3A_78, %add3A_200 : i32
        %mul3A_202 = arith.constant 160 : i32
        %mul3A_203 = arith.muli %add3A_201, %mul3A_202 : i32
        %add3A_204 = arith.addi %mul3A_4, %mul3A_203 : i32
        %dma_start3A_205 = tpu.memref_slice %arg5[%add3A_204] : memref<320000xi32, #tpu.memory_space<hbm>> -> memref<160xi32, #tpu.memory_space<hbm>>
        %dma_start3A_206 = tpu.memref_slice %arg5[%add3A_204] : memref<320000xi32, #tpu.memory_space<hbm>> -> memref<160xi32, #tpu.memory_space<hbm>>
        tpu.enqueue_dma source(%dma_start3A_206 : memref<160xi32, #tpu.memory_space<hbm>>) target(%arg14 : memref<160xi32, #tpu.memory_space<vmem>>) target_semaphore(%arg20 : memref<!tpu.dma_semaphore, #tpu.memory_space<semaphore_mem>>)
        %eq3A_207 = arith.constant 1 : i32
        %eq3A_208 = arith.cmpi eq, %arg0, %eq3A_207 : i32
        %convert_element_type3A_209 = arith.extui %eq3A_208 : i1 to i32
        %cond3A_210 = arith.constant 0 : i32
        %cond3A_211 = arith.cmpi ne, %convert_element_type3A_209, %cond3A_210 : i32
        scf.if %cond3A_211 {
          %dma_start3A_212 = tpu.memref_slice %arg4[%add3A_204] : memref<320000xi32, #tpu.memory_space<hbm>> -> memref<160xi32, #tpu.memory_space<hbm>>
          %dma_start3A_213 = tpu.memref_slice %arg4[%add3A_204] : memref<320000xi32, #tpu.memory_space<hbm>> -> memref<160xi32, #tpu.memory_space<hbm>>
          tpu.enqueue_dma source(%dma_start3A_213 : memref<160xi32, #tpu.memory_space<hbm>>) target(%arg10 : memref<160xi32, #tpu.memory_space<vmem>>) target_semaphore(%arg20 : memref<!tpu.dma_semaphore, #tpu.memory_space<semaphore_mem>>)
        } else {
        }
      } else {
      }
      %dma_wait3A_112 = arith.constant 0 : i32
      %dma_wait3A_113 = tpu.memref_slice %arg5[%dma_wait3A_112] : memref<320000xi32, #tpu.memory_space<hbm>> -> memref<160xi32, #tpu.memory_space<hbm>>
      %dma_wait3A_114 = arith.constant 0 : i32
      %dma_wait3A_115 = tpu.memref_slice %arg5[%dma_wait3A_114] : memref<320000xi32, #tpu.memory_space<hbm>> -> memref<160xi32, #tpu.memory_space<hbm>>
      tpu.wait_dma2 semaphore(%arg22 : memref<!tpu.dma_semaphore, #tpu.memory_space<semaphore_mem>>) src(%dma_wait3A_115 : memref<160xi32, #tpu.memory_space<hbm>>) dst(%arg16 : memref<160xi32, #tpu.memory_space<vmem>>)
      %eq3A_116 = arith.constant 1 : i32
      %eq3A_117 = arith.cmpi eq, %arg0, %eq3A_116 : i32
      %convert_element_type3A_118 = arith.extui %eq3A_117 : i1 to i32
      %cond3A_119 = arith.constant 0 : i32
      %cond3A_120 = arith.cmpi ne, %convert_element_type3A_118, %cond3A_119 : i32
      scf.if %cond3A_120 {
        %dma_wait3A_200 = arith.constant 0 : i32
        %dma_wait3A_201 = tpu.memref_slice %arg4[%dma_wait3A_200] : memref<320000xi32, #tpu.memory_space<hbm>> -> memref<160xi32, #tpu.memory_space<hbm>>
        %dma_wait3A_202 = arith.constant 0 : i32
        %dma_wait3A_203 = tpu.memref_slice %arg4[%dma_wait3A_202] : memref<320000xi32, #tpu.memory_space<hbm>> -> memref<160xi32, #tpu.memory_space<hbm>>
        tpu.wait_dma2 semaphore(%arg22 : memref<!tpu.dma_semaphore, #tpu.memory_space<semaphore_mem>>) src(%dma_wait3A_203 : memref<160xi32, #tpu.memory_space<hbm>>) dst(%arg12 : memref<160xi32, #tpu.memory_space<vmem>>)
      } else {
      }
      %add3A_121 = arith.constant 2 : i32
      %add3A_122 = arith.addi %mul3A_78, %add3A_121 : i32
      %eq3A_123 = arith.constant 0 : i32
      %eq3A_124 = arith.cmpi eq, %arg0, %eq3A_123 : i32
      %convert_element_type3A_125 = arith.extui %eq3A_124 : i1 to i32
      %cond3A_126 = arith.constant 0 : i32
      %cond3A_127 = arith.cmpi ne, %convert_element_type3A_125, %cond3A_126 : i32
      scf.if %cond3A_127 {
        %mul3A_200 = arith.constant 160 : i32
        %mul3A_201 = arith.muli %add3A_122, %mul3A_200 : i32
        %add3A_202 = arith.addi %mul3A_4, %mul3A_201 : i32
        %dma_start3A_203 = arith.constant 0 : i32
        %dma_start3A_204 = tpu.memref_slice %arg2[%add3A_202, %dma_start3A_203] : memref<320000x128xf32, #tpu.memory_space<hbm>> -> memref<160x128xf32, #tpu.memory_space<hbm>>
        %dma_start3A_205 = arith.constant 0 : i32
        %dma_start3A_206 = tpu.memref_slice %arg2[%add3A_202, %dma_start3A_205] : memref<320000x128xf32, #tpu.memory_space<hbm>> -> memref<160x128xf32, #tpu.memory_space<hbm>>
        tpu.enqueue_dma source(%dma_start3A_206 : memref<160x128xf32, #tpu.memory_space<hbm>>) target(%arg18 : memref<160x128xf32, #tpu.memory_space<vmem>>) target_semaphore(%arg24 : memref<!tpu.dma_semaphore, #tpu.memory_space<semaphore_mem>>)
      } else {
      }
      %eq3A_128 = arith.constant 1 : i32
      %eq3A_129 = arith.cmpi eq, %arg0, %eq3A_128 : i32
      %convert_element_type3A_130 = arith.extui %eq3A_129 : i1 to i32
      %cond3A_131 = arith.constant 0 : i32
      %cond3A_132 = arith.cmpi ne, %convert_element_type3A_130, %cond3A_131 : i32
      scf.if %cond3A_132 {
        %dma_start3A_200 = arith.constant 0 : i32
        %dma_start3A_201 = arith.constant 0 : i32
        %dma_start3A_202 = tpu.memref_slice %arg3[%dma_start3A_200, %dma_start3A_201] : memref<10000x128xf32, #tpu.memory_space<hbm>> -> memref<10000x128xf32, #tpu.memory_space<hbm>>
        tpu.enqueue_indirect_dma source(%dma_start3A_202 : memref<10000x128xf32, #tpu.memory_space<hbm>>) target(%arg18 : memref<160x128xf32, #tpu.memory_space<vmem>>) offsets(%arg12 : memref<160xi32, #tpu.memory_space<vmem>>) semaphore(%arg24 : memref<!tpu.dma_semaphore, #tpu.memory_space<semaphore_mem>>)
      } else {
      }
      %dma_wait3A_133 = arith.constant 0 : i32
      %dma_wait3A_134 = arith.constant 0 : i32
      %dma_wait3A_135 = tpu.memref_slice %arg2[%dma_wait3A_133, %dma_wait3A_134] : memref<320000x128xf32, #tpu.memory_space<hbm>> -> memref<160x128xf32, #tpu.memory_space<hbm>>
      %dma_wait3A_136 = arith.constant 0 : i32
      %dma_wait3A_137 = arith.constant 0 : i32
      %dma_wait3A_138 = tpu.memref_slice %arg2[%dma_wait3A_136, %dma_wait3A_137] : memref<320000x128xf32, #tpu.memory_space<hbm>> -> memref<160x128xf32, #tpu.memory_space<hbm>>
      tpu.wait_dma2 semaphore(%arg25 : memref<!tpu.dma_semaphore, #tpu.memory_space<semaphore_mem>>) src(%dma_wait3A_138 : memref<160x128xf32, #tpu.memory_space<hbm>>) dst(%arg19 : memref<160x128xf32, #tpu.memory_space<vmem>>)
      "tpu.region"() ({
        %run_scoped3A = tpu.sem_alloc : memref<!tpu.dma_semaphore, #tpu.memory_space<semaphore_mem>>
        %dma_start3A_200 = arith.constant 0 : i32
        %dma_start3A_201 = arith.constant 0 : i32
        %dma_start3A_202 = tpu.memref_slice %arg9[%dma_start3A_200, %dma_start3A_201] : memref<10240x128xf32, #tpu.memory_space<vmem_shared>> -> memref<10240x128xf32, #tpu.memory_space<vmem_shared>>
        tpu.enqueue_indirect_dma source(%arg19 : memref<160x128xf32, #tpu.memory_space<vmem>>) target(%dma_start3A_202 : memref<10240x128xf32, #tpu.memory_space<vmem_shared>>) offsets(%arg15 : memref<160xi32, #tpu.memory_space<vmem>>) semaphore(%run_scoped3A : memref<!tpu.dma_semaphore, #tpu.memory_space<semaphore_mem>>) {add = true}
        %dma_wait3A_203 = arith.constant 0 : i32
        %dma_wait3A_204 = arith.constant 0 : i32
        %dma_wait3A_205 = tpu.memref_slice %arg9[%dma_wait3A_203, %dma_wait3A_204] : memref<10240x128xf32, #tpu.memory_space<vmem_shared>> -> memref<10240x128xf32, #tpu.memory_space<vmem_shared>>
        tpu.wait_indirect_dma semaphore(%run_scoped3A : memref<!tpu.dma_semaphore, #tpu.memory_space<semaphore_mem>>) src(%arg19 : memref<160x128xf32, #tpu.memory_space<vmem>>) dst(%dma_wait3A_205 : memref<10240x128xf32, #tpu.memory_space<vmem_shared>>)
        tpu.yield
      }) : () -> ()
      %add3A_139 = arith.constant 5 : i32
      %add3A_140 = arith.addi %mul3A_78, %add3A_139 : i32
      %lt3A_141 = arith.constant 125 : i32
      %lt3A_142 = arith.cmpi slt, %add3A_140, %lt3A_141 : i32
      %convert_element_type3A_143 = arith.extui %lt3A_142 : i1 to i32
      %cond3A_144 = arith.constant 0 : i32
      %cond3A_145 = arith.cmpi ne, %convert_element_type3A_143, %cond3A_144 : i32
      scf.if %cond3A_145 {
        %add3A_200 = arith.constant 5 : i32
        %add3A_201 = arith.addi %mul3A_78, %add3A_200 : i32
        %mul3A_202 = arith.constant 160 : i32
        %mul3A_203 = arith.muli %add3A_201, %mul3A_202 : i32
        %add3A_204 = arith.addi %mul3A_4, %mul3A_203 : i32
        %dma_start3A_205 = tpu.memref_slice %arg5[%add3A_204] : memref<320000xi32, #tpu.memory_space<hbm>> -> memref<160xi32, #tpu.memory_space<hbm>>
        %dma_start3A_206 = tpu.memref_slice %arg5[%add3A_204] : memref<320000xi32, #tpu.memory_space<hbm>> -> memref<160xi32, #tpu.memory_space<hbm>>
        tpu.enqueue_dma source(%dma_start3A_206 : memref<160xi32, #tpu.memory_space<hbm>>) target(%arg15 : memref<160xi32, #tpu.memory_space<vmem>>) target_semaphore(%arg21 : memref<!tpu.dma_semaphore, #tpu.memory_space<semaphore_mem>>)
        %eq3A_207 = arith.constant 1 : i32
        %eq3A_208 = arith.cmpi eq, %arg0, %eq3A_207 : i32
        %convert_element_type3A_209 = arith.extui %eq3A_208 : i1 to i32
        %cond3A_210 = arith.constant 0 : i32
        %cond3A_211 = arith.cmpi ne, %convert_element_type3A_209, %cond3A_210 : i32
        scf.if %cond3A_211 {
          %dma_start3A_212 = tpu.memref_slice %arg4[%add3A_204] : memref<320000xi32, #tpu.memory_space<hbm>> -> memref<160xi32, #tpu.memory_space<hbm>>
          %dma_start3A_213 = tpu.memref_slice %arg4[%add3A_204] : memref<320000xi32, #tpu.memory_space<hbm>> -> memref<160xi32, #tpu.memory_space<hbm>>
          tpu.enqueue_dma source(%dma_start3A_213 : memref<160xi32, #tpu.memory_space<hbm>>) target(%arg11 : memref<160xi32, #tpu.memory_space<vmem>>) target_semaphore(%arg21 : memref<!tpu.dma_semaphore, #tpu.memory_space<semaphore_mem>>)
        } else {
        }
      } else {
      }
      %dma_wait3A_146 = arith.constant 0 : i32
      %dma_wait3A_147 = tpu.memref_slice %arg5[%dma_wait3A_146] : memref<320000xi32, #tpu.memory_space<hbm>> -> memref<160xi32, #tpu.memory_space<hbm>>
      %dma_wait3A_148 = arith.constant 0 : i32
      %dma_wait3A_149 = tpu.memref_slice %arg5[%dma_wait3A_148] : memref<320000xi32, #tpu.memory_space<hbm>> -> memref<160xi32, #tpu.memory_space<hbm>>
      tpu.wait_dma2 semaphore(%arg23 : memref<!tpu.dma_semaphore, #tpu.memory_space<semaphore_mem>>) src(%dma_wait3A_149 : memref<160xi32, #tpu.memory_space<hbm>>) dst(%arg17 : memref<160xi32, #tpu.memory_space<vmem>>)
      %eq3A_150 = arith.constant 1 : i32
      %eq3A_151 = arith.cmpi eq, %arg0, %eq3A_150 : i32
      %convert_element_type3A_152 = arith.extui %eq3A_151 : i1 to i32
      %cond3A_153 = arith.constant 0 : i32
      %cond3A_154 = arith.cmpi ne, %convert_element_type3A_152, %cond3A_153 : i32
      scf.if %cond3A_154 {
        %dma_wait3A_200 = arith.constant 0 : i32
        %dma_wait3A_201 = tpu.memref_slice %arg4[%dma_wait3A_200] : memref<320000xi32, #tpu.memory_space<hbm>> -> memref<160xi32, #tpu.memory_space<hbm>>
        %dma_wait3A_202 = arith.constant 0 : i32
        %dma_wait3A_203 = tpu.memref_slice %arg4[%dma_wait3A_202] : memref<320000xi32, #tpu.memory_space<hbm>> -> memref<160xi32, #tpu.memory_space<hbm>>
        tpu.wait_dma2 semaphore(%arg23 : memref<!tpu.dma_semaphore, #tpu.memory_space<semaphore_mem>>) src(%dma_wait3A_203 : memref<160xi32, #tpu.memory_space<hbm>>) dst(%arg13 : memref<160xi32, #tpu.memory_space<vmem>>)
      } else {
      }
      %add3A_155 = arith.constant 3 : i32
      %add3A_156 = arith.addi %mul3A_78, %add3A_155 : i32
      %eq3A_157 = arith.constant 0 : i32
      %eq3A_158 = arith.cmpi eq, %arg0, %eq3A_157 : i32
      %convert_element_type3A_159 = arith.extui %eq3A_158 : i1 to i32
      %cond3A_160 = arith.constant 0 : i32
      %cond3A_161 = arith.cmpi ne, %convert_element_type3A_159, %cond3A_160 : i32
      scf.if %cond3A_161 {
        %mul3A_200 = arith.constant 160 : i32
        %mul3A_201 = arith.muli %add3A_156, %mul3A_200 : i32
        %add3A_202 = arith.addi %mul3A_4, %mul3A_201 : i32
        %dma_start3A_203 = arith.constant 0 : i32
        %dma_start3A_204 = tpu.memref_slice %arg2[%add3A_202, %dma_start3A_203] : memref<320000x128xf32, #tpu.memory_space<hbm>> -> memref<160x128xf32, #tpu.memory_space<hbm>>
        %dma_start3A_205 = arith.constant 0 : i32
        %dma_start3A_206 = tpu.memref_slice %arg2[%add3A_202, %dma_start3A_205] : memref<320000x128xf32, #tpu.memory_space<hbm>> -> memref<160x128xf32, #tpu.memory_space<hbm>>
        tpu.enqueue_dma source(%dma_start3A_206 : memref<160x128xf32, #tpu.memory_space<hbm>>) target(%arg19 : memref<160x128xf32, #tpu.memory_space<vmem>>) target_semaphore(%arg25 : memref<!tpu.dma_semaphore, #tpu.memory_space<semaphore_mem>>)
      } else {
      }
      %eq3A_162 = arith.constant 1 : i32
      %eq3A_163 = arith.cmpi eq, %arg0, %eq3A_162 : i32
      %convert_element_type3A_164 = arith.extui %eq3A_163 : i1 to i32
      %cond3A_165 = arith.constant 0 : i32
      %cond3A_166 = arith.cmpi ne, %convert_element_type3A_164, %cond3A_165 : i32
      scf.if %cond3A_166 {
        %dma_start3A_200 = arith.constant 0 : i32
        %dma_start3A_201 = arith.constant 0 : i32
        %dma_start3A_202 = tpu.memref_slice %arg3[%dma_start3A_200, %dma_start3A_201] : memref<10000x128xf32, #tpu.memory_space<hbm>> -> memref<10000x128xf32, #tpu.memory_space<hbm>>
        tpu.enqueue_indirect_dma source(%dma_start3A_202 : memref<10000x128xf32, #tpu.memory_space<hbm>>) target(%arg19 : memref<160x128xf32, #tpu.memory_space<vmem>>) offsets(%arg13 : memref<160xi32, #tpu.memory_space<vmem>>) semaphore(%arg25 : memref<!tpu.dma_semaphore, #tpu.memory_space<semaphore_mem>>)
      } else {
      }
      %dma_wait3A_167 = arith.constant 0 : i32
      %dma_wait3A_168 = arith.constant 0 : i32
      %dma_wait3A_169 = tpu.memref_slice %arg2[%dma_wait3A_167, %dma_wait3A_168] : memref<320000x128xf32, #tpu.memory_space<hbm>> -> memref<160x128xf32, #tpu.memory_space<hbm>>
      %dma_wait3A_170 = arith.constant 0 : i32
      %dma_wait3A_171 = arith.constant 0 : i32
      %dma_wait3A_172 = tpu.memref_slice %arg2[%dma_wait3A_170, %dma_wait3A_171] : memref<320000x128xf32, #tpu.memory_space<hbm>> -> memref<160x128xf32, #tpu.memory_space<hbm>>
      tpu.wait_dma2 semaphore(%arg24 : memref<!tpu.dma_semaphore, #tpu.memory_space<semaphore_mem>>) src(%dma_wait3A_172 : memref<160x128xf32, #tpu.memory_space<hbm>>) dst(%arg18 : memref<160x128xf32, #tpu.memory_space<vmem>>)
      "tpu.region"() ({
        %run_scoped3A = tpu.sem_alloc : memref<!tpu.dma_semaphore, #tpu.memory_space<semaphore_mem>>
        %dma_start3A_200 = arith.constant 0 : i32
        %dma_start3A_201 = arith.constant 0 : i32
        %dma_start3A_202 = tpu.memref_slice %arg9[%dma_start3A_200, %dma_start3A_201] : memref<10240x128xf32, #tpu.memory_space<vmem_shared>> -> memref<10240x128xf32, #tpu.memory_space<vmem_shared>>
        tpu.enqueue_indirect_dma source(%arg18 : memref<160x128xf32, #tpu.memory_space<vmem>>) target(%dma_start3A_202 : memref<10240x128xf32, #tpu.memory_space<vmem_shared>>) offsets(%arg16 : memref<160xi32, #tpu.memory_space<vmem>>) semaphore(%run_scoped3A : memref<!tpu.dma_semaphore, #tpu.memory_space<semaphore_mem>>) {add = true}
        %dma_wait3A_203 = arith.constant 0 : i32
        %dma_wait3A_204 = arith.constant 0 : i32
        %dma_wait3A_205 = tpu.memref_slice %arg9[%dma_wait3A_203, %dma_wait3A_204] : memref<10240x128xf32, #tpu.memory_space<vmem_shared>> -> memref<10240x128xf32, #tpu.memory_space<vmem_shared>>
        tpu.wait_indirect_dma semaphore(%run_scoped3A : memref<!tpu.dma_semaphore, #tpu.memory_space<semaphore_mem>>) src(%arg18 : memref<160x128xf32, #tpu.memory_space<vmem>>) dst(%dma_wait3A_205 : memref<10240x128xf32, #tpu.memory_space<vmem_shared>>)
        tpu.yield
      }) : () -> ()
      %add3A_173 = arith.constant 6 : i32
      %add3A_174 = arith.addi %mul3A_78, %add3A_173 : i32
      %lt3A_175 = arith.constant 125 : i32
      %lt3A_176 = arith.cmpi slt, %add3A_174, %lt3A_175 : i32
      %convert_element_type3A_177 = arith.extui %lt3A_176 : i1 to i32
      %cond3A_178 = arith.constant 0 : i32
      %cond3A_179 = arith.cmpi ne, %convert_element_type3A_177, %cond3A_178 : i32
      scf.if %cond3A_179 {
        %add3A_200 = arith.constant 6 : i32
        %add3A_201 = arith.addi %mul3A_78, %add3A_200 : i32
        %mul3A_202 = arith.constant 160 : i32
        %mul3A_203 = arith.muli %add3A_201, %mul3A_202 : i32
        %add3A_204 = arith.addi %mul3A_4, %mul3A_203 : i32
        %dma_start3A_205 = tpu.memref_slice %arg5[%add3A_204] : memref<320000xi32, #tpu.memory_space<hbm>> -> memref<160xi32, #tpu.memory_space<hbm>>
        %dma_start3A_206 = tpu.memref_slice %arg5[%add3A_204] : memref<320000xi32, #tpu.memory_space<hbm>> -> memref<160xi32, #tpu.memory_space<hbm>>
        tpu.enqueue_dma source(%dma_start3A_206 : memref<160xi32, #tpu.memory_space<hbm>>) target(%arg16 : memref<160xi32, #tpu.memory_space<vmem>>) target_semaphore(%arg22 : memref<!tpu.dma_semaphore, #tpu.memory_space<semaphore_mem>>)
        %eq3A_207 = arith.constant 1 : i32
        %eq3A_208 = arith.cmpi eq, %arg0, %eq3A_207 : i32
        %convert_element_type3A_209 = arith.extui %eq3A_208 : i1 to i32
        %cond3A_210 = arith.constant 0 : i32
        %cond3A_211 = arith.cmpi ne, %convert_element_type3A_209, %cond3A_210 : i32
        scf.if %cond3A_211 {
          %dma_start3A_212 = tpu.memref_slice %arg4[%add3A_204] : memref<320000xi32, #tpu.memory_space<hbm>> -> memref<160xi32, #tpu.memory_space<hbm>>
          %dma_start3A_213 = tpu.memref_slice %arg4[%add3A_204] : memref<320000xi32, #tpu.memory_space<hbm>> -> memref<160xi32, #tpu.memory_space<hbm>>
          tpu.enqueue_dma source(%dma_start3A_213 : memref<160xi32, #tpu.memory_space<hbm>>) target(%arg12 : memref<160xi32, #tpu.memory_space<vmem>>) target_semaphore(%arg22 : memref<!tpu.dma_semaphore, #tpu.memory_space<semaphore_mem>>)
        } else {
        }
      } else {
      }
      %add3A_180 = arith.constant 4 : i32
      %add3A_181 = arith.addi %mul3A_78, %add3A_180 : i32
      %lt3A_182 = arith.constant 125 : i32
      %lt3A_183 = arith.cmpi slt, %add3A_181, %lt3A_182 : i32
      %convert_element_type3A_184 = arith.extui %lt3A_183 : i1 to i32
      %cond3A_185 = arith.constant 0 : i32
      %cond3A_186 = arith.cmpi ne, %convert_element_type3A_184, %cond3A_185 : i32
      scf.if %cond3A_186 {
        %dma_wait3A_200 = arith.constant 0 : i32
        %dma_wait3A_201 = tpu.memref_slice %arg5[%dma_wait3A_200] : memref<320000xi32, #tpu.memory_space<hbm>> -> memref<160xi32, #tpu.memory_space<hbm>>
        %dma_wait3A_202 = arith.constant 0 : i32
        %dma_wait3A_203 = tpu.memref_slice %arg5[%dma_wait3A_202] : memref<320000xi32, #tpu.memory_space<hbm>> -> memref<160xi32, #tpu.memory_space<hbm>>
        tpu.wait_dma2 semaphore(%arg20 : memref<!tpu.dma_semaphore, #tpu.memory_space<semaphore_mem>>) src(%dma_wait3A_203 : memref<160xi32, #tpu.memory_space<hbm>>) dst(%arg14 : memref<160xi32, #tpu.memory_space<vmem>>)
        %eq3A_204 = arith.constant 1 : i32
        %eq3A_205 = arith.cmpi eq, %arg0, %eq3A_204 : i32
        %convert_element_type3A_206 = arith.extui %eq3A_205 : i1 to i32
        %cond3A_207 = arith.constant 0 : i32
        %cond3A_208 = arith.cmpi ne, %convert_element_type3A_206, %cond3A_207 : i32
        scf.if %cond3A_208 {
          %dma_wait3A_221 = arith.constant 0 : i32
          %dma_wait3A_222 = tpu.memref_slice %arg4[%dma_wait3A_221] : memref<320000xi32, #tpu.memory_space<hbm>> -> memref<160xi32, #tpu.memory_space<hbm>>
          %dma_wait3A_223 = arith.constant 0 : i32
          %dma_wait3A_224 = tpu.memref_slice %arg4[%dma_wait3A_223] : memref<320000xi32, #tpu.memory_space<hbm>> -> memref<160xi32, #tpu.memory_space<hbm>>
          tpu.wait_dma2 semaphore(%arg20 : memref<!tpu.dma_semaphore, #tpu.memory_space<semaphore_mem>>) src(%dma_wait3A_224 : memref<160xi32, #tpu.memory_space<hbm>>) dst(%arg10 : memref<160xi32, #tpu.memory_space<vmem>>)
        } else {
        }
        %add3A_209 = arith.constant 4 : i32
        %add3A_210 = arith.addi %mul3A_78, %add3A_209 : i32
        %eq3A_211 = arith.constant 0 : i32
        %eq3A_212 = arith.cmpi eq, %arg0, %eq3A_211 : i32
        %convert_element_type3A_213 = arith.extui %eq3A_212 : i1 to i32
        %cond3A_214 = arith.constant 0 : i32
        %cond3A_215 = arith.cmpi ne, %convert_element_type3A_213, %cond3A_214 : i32
        scf.if %cond3A_215 {
          %mul3A_221 = arith.constant 160 : i32
          %mul3A_222 = arith.muli %add3A_210, %mul3A_221 : i32
          %add3A_223 = arith.addi %mul3A_4, %mul3A_222 : i32
          %dma_start3A_224 = arith.constant 0 : i32
          %dma_start3A_225 = tpu.memref_slice %arg2[%add3A_223, %dma_start3A_224] : memref<320000x128xf32, #tpu.memory_space<hbm>> -> memref<160x128xf32, #tpu.memory_space<hbm>>
          %dma_start3A_226 = arith.constant 0 : i32
          %dma_start3A_227 = tpu.memref_slice %arg2[%add3A_223, %dma_start3A_226] : memref<320000x128xf32, #tpu.memory_space<hbm>> -> memref<160x128xf32, #tpu.memory_space<hbm>>
          tpu.enqueue_dma source(%dma_start3A_227 : memref<160x128xf32, #tpu.memory_space<hbm>>) target(%arg18 : memref<160x128xf32, #tpu.memory_space<vmem>>) target_semaphore(%arg24 : memref<!tpu.dma_semaphore, #tpu.memory_space<semaphore_mem>>)
        } else {
        }
        %eq3A_216 = arith.constant 1 : i32
        %eq3A_217 = arith.cmpi eq, %arg0, %eq3A_216 : i32
        %convert_element_type3A_218 = arith.extui %eq3A_217 : i1 to i32
        %cond3A_219 = arith.constant 0 : i32
        %cond3A_220 = arith.cmpi ne, %convert_element_type3A_218, %cond3A_219 : i32
        scf.if %cond3A_220 {
          %dma_start3A_221 = arith.constant 0 : i32
          %dma_start3A_222 = arith.constant 0 : i32
          %dma_start3A_223 = tpu.memref_slice %arg3[%dma_start3A_221, %dma_start3A_222] : memref<10000x128xf32, #tpu.memory_space<hbm>> -> memref<10000x128xf32, #tpu.memory_space<hbm>>
          tpu.enqueue_indirect_dma source(%dma_start3A_223 : memref<10000x128xf32, #tpu.memory_space<hbm>>) target(%arg18 : memref<160x128xf32, #tpu.memory_space<vmem>>) offsets(%arg10 : memref<160xi32, #tpu.memory_space<vmem>>) semaphore(%arg24 : memref<!tpu.dma_semaphore, #tpu.memory_space<semaphore_mem>>)
        } else {
        }
      } else {
      }
      %dma_wait3A_187 = arith.constant 0 : i32
      %dma_wait3A_188 = arith.constant 0 : i32
      %dma_wait3A_189 = tpu.memref_slice %arg2[%dma_wait3A_187, %dma_wait3A_188] : memref<320000x128xf32, #tpu.memory_space<hbm>> -> memref<160x128xf32, #tpu.memory_space<hbm>>
      %dma_wait3A_190 = arith.constant 0 : i32
      %dma_wait3A_191 = arith.constant 0 : i32
      %dma_wait3A_192 = tpu.memref_slice %arg2[%dma_wait3A_190, %dma_wait3A_191] : memref<320000x128xf32, #tpu.memory_space<hbm>> -> memref<160x128xf32, #tpu.memory_space<hbm>>
      tpu.wait_dma2 semaphore(%arg25 : memref<!tpu.dma_semaphore, #tpu.memory_space<semaphore_mem>>) src(%dma_wait3A_192 : memref<160x128xf32, #tpu.memory_space<hbm>>) dst(%arg19 : memref<160x128xf32, #tpu.memory_space<vmem>>)
      "tpu.region"() ({
        %run_scoped3A = tpu.sem_alloc : memref<!tpu.dma_semaphore, #tpu.memory_space<semaphore_mem>>
        %dma_start3A_200 = arith.constant 0 : i32
        %dma_start3A_201 = arith.constant 0 : i32
        %dma_start3A_202 = tpu.memref_slice %arg9[%dma_start3A_200, %dma_start3A_201] : memref<10240x128xf32, #tpu.memory_space<vmem_shared>> -> memref<10240x128xf32, #tpu.memory_space<vmem_shared>>
        tpu.enqueue_indirect_dma source(%arg19 : memref<160x128xf32, #tpu.memory_space<vmem>>) target(%dma_start3A_202 : memref<10240x128xf32, #tpu.memory_space<vmem_shared>>) offsets(%arg17 : memref<160xi32, #tpu.memory_space<vmem>>) semaphore(%run_scoped3A : memref<!tpu.dma_semaphore, #tpu.memory_space<semaphore_mem>>) {add = true}
        %dma_wait3A_203 = arith.constant 0 : i32
        %dma_wait3A_204 = arith.constant 0 : i32
        %dma_wait3A_205 = tpu.memref_slice %arg9[%dma_wait3A_203, %dma_wait3A_204] : memref<10240x128xf32, #tpu.memory_space<vmem_shared>> -> memref<10240x128xf32, #tpu.memory_space<vmem_shared>>
        tpu.wait_indirect_dma semaphore(%run_scoped3A : memref<!tpu.dma_semaphore, #tpu.memory_space<semaphore_mem>>) src(%arg19 : memref<160x128xf32, #tpu.memory_space<vmem>>) dst(%dma_wait3A_205 : memref<10240x128xf32, #tpu.memory_space<vmem_shared>>)
        tpu.yield
      }) : () -> ()
      %add3A_193 = arith.constant 7 : i32
      %add3A_194 = arith.addi %mul3A_78, %add3A_193 : i32
      %lt3A_195 = arith.constant 125 : i32
      %lt3A_196 = arith.cmpi slt, %add3A_194, %lt3A_195 : i32
      %convert_element_type3A_197 = arith.extui %lt3A_196 : i1 to i32
      %cond3A_198 = arith.constant 0 : i32
      %cond3A_199 = arith.cmpi ne, %convert_element_type3A_197, %cond3A_198 : i32
      scf.if %cond3A_199 {
        %add3A_200 = arith.constant 7 : i32
        %add3A_201 = arith.addi %mul3A_78, %add3A_200 : i32
        %mul3A_202 = arith.constant 160 : i32
        %mul3A_203 = arith.muli %add3A_201, %mul3A_202 : i32
        %add3A_204 = arith.addi %mul3A_4, %mul3A_203 : i32
        %dma_start3A_205 = tpu.memref_slice %arg5[%add3A_204] : memref<320000xi32, #tpu.memory_space<hbm>> -> memref<160xi32, #tpu.memory_space<hbm>>
        %dma_start3A_206 = tpu.memref_slice %arg5[%add3A_204] : memref<320000xi32, #tpu.memory_space<hbm>> -> memref<160xi32, #tpu.memory_space<hbm>>
        tpu.enqueue_dma source(%dma_start3A_206 : memref<160xi32, #tpu.memory_space<hbm>>) target(%arg17 : memref<160xi32, #tpu.memory_space<vmem>>) target_semaphore(%arg23 : memref<!tpu.dma_semaphore, #tpu.memory_space<semaphore_mem>>)
        %eq3A_207 = arith.constant 1 : i32
        %eq3A_208 = arith.cmpi eq, %arg0, %eq3A_207 : i32
        %convert_element_type3A_209 = arith.extui %eq3A_208 : i1 to i32
        %cond3A_210 = arith.constant 0 : i32
        %cond3A_211 = arith.cmpi ne, %convert_element_type3A_209, %cond3A_210 : i32
        scf.if %cond3A_211 {
          %dma_start3A_212 = tpu.memref_slice %arg4[%add3A_204] : memref<320000xi32, #tpu.memory_space<hbm>> -> memref<160xi32, #tpu.memory_space<hbm>>
          %dma_start3A_213 = tpu.memref_slice %arg4[%add3A_204] : memref<320000xi32, #tpu.memory_space<hbm>> -> memref<160xi32, #tpu.memory_space<hbm>>
          tpu.enqueue_dma source(%dma_start3A_213 : memref<160xi32, #tpu.memory_space<hbm>>) target(%arg13 : memref<160xi32, #tpu.memory_space<vmem>>) target_semaphore(%arg23 : memref<!tpu.dma_semaphore, #tpu.memory_space<semaphore_mem>>)
        } else {
        }
      } else {
      }
    }
    %scan3A_58 = arith.constant 31 : i32
    %dma_wait3A_59 = arith.constant 0 : i32
    %dma_wait3A_60 = arith.constant 0 : i32
    %dma_wait3A_61 = tpu.memref_slice %arg2[%dma_wait3A_59, %dma_wait3A_60] : memref<320000x128xf32, #tpu.memory_space<hbm>> -> memref<160x128xf32, #tpu.memory_space<hbm>>
    %dma_wait3A_62 = arith.constant 0 : i32
    %dma_wait3A_63 = arith.constant 0 : i32
    %dma_wait3A_64 = tpu.memref_slice %arg2[%dma_wait3A_62, %dma_wait3A_63] : memref<320000x128xf32, #tpu.memory_space<hbm>> -> memref<160x128xf32, #tpu.memory_space<hbm>>
    tpu.wait_dma2 semaphore(%arg24 : memref<!tpu.dma_semaphore, #tpu.memory_space<semaphore_mem>>) src(%dma_wait3A_64 : memref<160x128xf32, #tpu.memory_space<hbm>>) dst(%arg18 : memref<160x128xf32, #tpu.memory_space<vmem>>)
    "tpu.region"() ({
      %run_scoped3A = tpu.sem_alloc : memref<!tpu.dma_semaphore, #tpu.memory_space<semaphore_mem>>
      %dma_start3A_76 = arith.constant 0 : i32
      %dma_start3A_77 = arith.constant 0 : i32
      %dma_start3A_78 = tpu.memref_slice %arg9[%dma_start3A_76, %dma_start3A_77] : memref<10240x128xf32, #tpu.memory_space<vmem_shared>> -> memref<10240x128xf32, #tpu.memory_space<vmem_shared>>
      tpu.enqueue_indirect_dma source(%arg18 : memref<160x128xf32, #tpu.memory_space<vmem>>) target(%dma_start3A_78 : memref<10240x128xf32, #tpu.memory_space<vmem_shared>>) offsets(%arg14 : memref<160xi32, #tpu.memory_space<vmem>>) semaphore(%run_scoped3A : memref<!tpu.dma_semaphore, #tpu.memory_space<semaphore_mem>>) {add = true}
      %dma_wait3A_79 = arith.constant 0 : i32
      %dma_wait3A_80 = arith.constant 0 : i32
      %dma_wait3A_81 = tpu.memref_slice %arg9[%dma_wait3A_79, %dma_wait3A_80] : memref<10240x128xf32, #tpu.memory_space<vmem_shared>> -> memref<10240x128xf32, #tpu.memory_space<vmem_shared>>
      tpu.wait_indirect_dma semaphore(%run_scoped3A : memref<!tpu.dma_semaphore, #tpu.memory_space<semaphore_mem>>) src(%arg18 : memref<160x128xf32, #tpu.memory_space<vmem>>) dst(%dma_wait3A_81 : memref<10240x128xf32, #tpu.memory_space<vmem_shared>>)
      tpu.yield
    }) : () -> ()
    %barrier3A_65 = arith.constant 0 : index
    tpu.barrier barrier_id(%barrier3A_65)
    %eq3A_66 = arith.constant 0 : i32
    %eq3A_67 = arith.cmpi eq, %arg0, %eq3A_66 : i32
    %convert_element_type3A_68 = arith.extui %eq3A_67 : i1 to i32
    %cond3A_69 = arith.constant 0 : i32
    %cond3A_70 = arith.cmpi ne, %convert_element_type3A_68, %cond3A_69 : i32
    scf.if %cond3A_70 {
      %mul3A_76 = arith.constant 640 : i32
      %mul3A_77 = arith.muli %arg1, %mul3A_76 : i32
      %mul3A_78 = arith.constant 640 : i32
      %mul3A_79 = arith.muli %arg1, %mul3A_78 : i32
      "tpu.region"() ({
        %run_scoped3A = tpu.sem_alloc : memref<!tpu.dma_semaphore, #tpu.memory_space<semaphore_mem>>
        %dma_start3A_80 = arith.constant 0 : i32
        %dma_start3A_81 = tpu.memref_slice %arg7[%mul3A_79, %dma_start3A_80] : memref<10240x128xf32, #tpu.memory_space<hbm>> -> memref<640x128xf32, #tpu.memory_space<hbm>>
        %dma_start3A_82 = arith.constant 0 : i32
        %dma_start3A_83 = tpu.memref_slice %arg9[%mul3A_77, %dma_start3A_82] : memref<10240x128xf32, #tpu.memory_space<vmem_shared>> -> memref<640x128xf32, #tpu.memory_space<vmem_shared>>
        tpu.enqueue_dma source(%dma_start3A_83 : memref<640x128xf32, #tpu.memory_space<vmem_shared>>) target(%dma_start3A_81 : memref<640x128xf32, #tpu.memory_space<hbm>>) target_semaphore(%run_scoped3A : memref<!tpu.dma_semaphore, #tpu.memory_space<semaphore_mem>>)
        %dma_wait3A_84 = arith.constant 0 : i32
        %dma_wait3A_85 = tpu.memref_slice %arg7[%mul3A_79, %dma_wait3A_84] : memref<10240x128xf32, #tpu.memory_space<hbm>> -> memref<640x128xf32, #tpu.memory_space<hbm>>
        %dma_wait3A_86 = arith.constant 0 : i32
        %dma_wait3A_87 = tpu.memref_slice %arg9[%mul3A_77, %dma_wait3A_86] : memref<10240x128xf32, #tpu.memory_space<vmem_shared>> -> memref<640x128xf32, #tpu.memory_space<vmem_shared>>
        tpu.wait_dma2 semaphore(%run_scoped3A : memref<!tpu.dma_semaphore, #tpu.memory_space<semaphore_mem>>) src(%dma_wait3A_87 : memref<640x128xf32, #tpu.memory_space<vmem_shared>>) dst(%dma_wait3A_85 : memref<640x128xf32, #tpu.memory_space<hbm>>)
        tpu.yield
      }) : () -> ()
    } else {
    }
    %eq3A_71 = arith.constant 1 : i32
    %eq3A_72 = arith.cmpi eq, %arg0, %eq3A_71 : i32
    %convert_element_type3A_73 = arith.extui %eq3A_72 : i1 to i32
    %cond3A_74 = arith.constant 0 : i32
    %cond3A_75 = arith.cmpi ne, %convert_element_type3A_73, %cond3A_74 : i32
    scf.if %cond3A_75 {
      %mul3A_76 = arith.constant 640 : i32
      %mul3A_77 = arith.muli %arg1, %mul3A_76 : i32
      %mul3A_78 = arith.constant 640 : i32
      %mul3A_79 = arith.muli %arg1, %mul3A_78 : i32
      "tpu.region"() ({
        %run_scoped3A = tpu.sem_alloc : memref<!tpu.dma_semaphore, #tpu.memory_space<semaphore_mem>>
        %dma_start3A_80 = arith.constant 0 : i32
        %dma_start3A_81 = tpu.memref_slice %arg8[%mul3A_79, %dma_start3A_80] : memref<10240x128xf32, #tpu.memory_space<hbm>> -> memref<640x128xf32, #tpu.memory_space<hbm>>
        %dma_start3A_82 = arith.constant 0 : i32
        %dma_start3A_83 = tpu.memref_slice %arg9[%mul3A_77, %dma_start3A_82] : memref<10240x128xf32, #tpu.memory_space<vmem_shared>> -> memref<640x128xf32, #tpu.memory_space<vmem_shared>>
        tpu.enqueue_dma source(%dma_start3A_83 : memref<640x128xf32, #tpu.memory_space<vmem_shared>>) target(%dma_start3A_81 : memref<640x128xf32, #tpu.memory_space<hbm>>) target_semaphore(%run_scoped3A : memref<!tpu.dma_semaphore, #tpu.memory_space<semaphore_mem>>)
        %dma_wait3A_84 = arith.constant 0 : i32
        %dma_wait3A_85 = tpu.memref_slice %arg8[%mul3A_79, %dma_wait3A_84] : memref<10240x128xf32, #tpu.memory_space<hbm>> -> memref<640x128xf32, #tpu.memory_space<hbm>>
        %dma_wait3A_86 = arith.constant 0 : i32
        %dma_wait3A_87 = tpu.memref_slice %arg9[%mul3A_77, %dma_wait3A_86] : memref<10240x128xf32, #tpu.memory_space<vmem_shared>> -> memref<640x128xf32, #tpu.memory_space<vmem_shared>>
        tpu.wait_dma2 semaphore(%run_scoped3A : memref<!tpu.dma_semaphore, #tpu.memory_space<semaphore_mem>>) src(%dma_wait3A_87 : memref<640x128xf32, #tpu.memory_space<vmem_shared>>) dst(%dma_wait3A_85 : memref<640x128xf32, #tpu.memory_space<hbm>>)
        tpu.yield
      }) : () -> ()
    } else {
    }
    return
  }
}

#map = affine_map<(d0, d1) -> (0)>
#map1 = affine_map<(d0, d1) -> (0, 0)>
module attributes {stable_mosaic.version = 14 : i64} {
  func.func @_count_body(%arg0: i32, %arg1: i32, %arg2: memref<320000xi32, #tpu.memory_space<hbm>>, %arg3: memref<200x16xf32, #tpu.memory_space<hbm>>, %arg4: memref<10240x16xf32, #tpu.memory_space<hbm>>, %arg5: memref<10240x16xf32, #tpu.memory_space<hbm>>, %arg6: memref<10240x16xf32, #tpu.memory_space<hbm>>, %arg7: memref<10240x16xf32, #tpu.memory_space<vmem_shared>>, %arg8: memref<200xi32, #tpu.memory_space<vmem>>, %arg9: memref<200x16xf32, #tpu.memory_space<vmem>>) attributes {dimension_semantics = [#tpu.dimension_semantics<core_parallel>, #tpu.dimension_semantics<subcore_parallel>], iteration_bounds = array<i64: 2, 16>, scalar_prefetch = 0 : i64, scratch_operands = 3 : i64, tpu.core_type = #tpu.core_type<sc_vector_subcore>, window_params = [{transform_indices = #map}, {transform_indices = #map1}, {transform_indices = #map1}, {transform_indices = #map1}, {transform_indices = #map1}]} {
    %mul3A = arith.constant 640 : i32
    %mul3A_0 = arith.muli %arg1, %mul3A : i32
    %mul3A_1 = arith.constant 640 : i32
    %mul3A_2 = arith.muli %arg1, %mul3A_1 : i32
    "tpu.region"() ({
      %run_scoped3A = tpu.sem_alloc : memref<!tpu.dma_semaphore, #tpu.memory_space<semaphore_mem>>
      %dma_start3A = arith.constant 0 : i32
      %dma_start3A_20 = tpu.memref_slice %arg7[%mul3A_2, %dma_start3A] : memref<10240x16xf32, #tpu.memory_space<vmem_shared>> -> memref<640x16xf32, #tpu.memory_space<vmem_shared>>
      %dma_start3A_21 = arith.constant 0 : i32
      %dma_start3A_22 = tpu.memref_slice %arg4[%mul3A_0, %dma_start3A_21] : memref<10240x16xf32, #tpu.memory_space<hbm>> -> memref<640x16xf32, #tpu.memory_space<hbm>>
      tpu.enqueue_dma source(%dma_start3A_22 : memref<640x16xf32, #tpu.memory_space<hbm>>) target(%dma_start3A_20 : memref<640x16xf32, #tpu.memory_space<vmem_shared>>) target_semaphore(%run_scoped3A : memref<!tpu.dma_semaphore, #tpu.memory_space<semaphore_mem>>)
      %dma_wait3A = arith.constant 0 : i32
      %dma_wait3A_23 = tpu.memref_slice %arg7[%mul3A_2, %dma_wait3A] : memref<10240x16xf32, #tpu.memory_space<vmem_shared>> -> memref<640x16xf32, #tpu.memory_space<vmem_shared>>
      %dma_wait3A_24 = arith.constant 0 : i32
      %dma_wait3A_25 = tpu.memref_slice %arg4[%mul3A_0, %dma_wait3A_24] : memref<10240x16xf32, #tpu.memory_space<hbm>> -> memref<640x16xf32, #tpu.memory_space<hbm>>
      tpu.wait_dma2 semaphore(%run_scoped3A : memref<!tpu.dma_semaphore, #tpu.memory_space<semaphore_mem>>) src(%dma_wait3A_25 : memref<640x16xf32, #tpu.memory_space<hbm>>) dst(%dma_wait3A_23 : memref<640x16xf32, #tpu.memory_space<vmem_shared>>)
      tpu.yield
    }) : () -> ()
    "tpu.region"() ({
      %run_scoped3A = tpu.sem_alloc : memref<!tpu.dma_semaphore, #tpu.memory_space<semaphore_mem>>
      tpu.enqueue_dma source(%arg3 : memref<200x16xf32, #tpu.memory_space<hbm>>) target(%arg9 : memref<200x16xf32, #tpu.memory_space<vmem>>) target_semaphore(%run_scoped3A : memref<!tpu.dma_semaphore, #tpu.memory_space<semaphore_mem>>)
      tpu.wait_dma2 semaphore(%run_scoped3A : memref<!tpu.dma_semaphore, #tpu.memory_space<semaphore_mem>>) src(%arg3 : memref<200x16xf32, #tpu.memory_space<hbm>>) dst(%arg9 : memref<200x16xf32, #tpu.memory_space<vmem>>)
      tpu.yield
    }) : () -> ()
    %barrier3A = arith.constant 0 : index
    tpu.barrier barrier_id(%barrier3A)
    %mul3A_3 = arith.constant 16 : i32
    %mul3A_4 = arith.muli %arg0, %mul3A_3 : i32
    %add3A = arith.addi %mul3A_4, %arg1 : i32
    %mul3A_5 = arith.constant 10000 : i32
    %mul3A_6 = arith.muli %add3A, %mul3A_5 : i32
    %scan3A = arith.constant 0 : i32
    %scan3A_7 = arith.constant 0 : i32
    %scan3A_8 = arith.constant 50 : i32
    %scan3A_9 = arith.addi %scan3A_7, %scan3A_8 : i32
    %scan3A_10 = arith.constant 1 : i32
    scf.for %scan3A_20 = %scan3A_7 to %scan3A_9 step %scan3A_10  : i32 {
      %mul3A_21 = arith.constant 200 : i32
      %mul3A_22 = arith.muli %scan3A_20, %mul3A_21 : i32
      %add3A_23 = arith.addi %mul3A_6, %mul3A_22 : i32
      "tpu.region"() ({
        %run_scoped3A = tpu.sem_alloc : memref<!tpu.dma_semaphore, #tpu.memory_space<semaphore_mem>>
        %dma_start3A = tpu.memref_slice %arg2[%add3A_23] : memref<320000xi32, #tpu.memory_space<hbm>> -> memref<200xi32, #tpu.memory_space<hbm>>
        %dma_start3A_24 = tpu.memref_slice %arg2[%add3A_23] : memref<320000xi32, #tpu.memory_space<hbm>> -> memref<200xi32, #tpu.memory_space<hbm>>
        tpu.enqueue_dma source(%dma_start3A_24 : memref<200xi32, #tpu.memory_space<hbm>>) target(%arg8 : memref<200xi32, #tpu.memory_space<vmem>>) target_semaphore(%run_scoped3A : memref<!tpu.dma_semaphore, #tpu.memory_space<semaphore_mem>>)
        %dma_wait3A = tpu.memref_slice %arg2[%add3A_23] : memref<320000xi32, #tpu.memory_space<hbm>> -> memref<200xi32, #tpu.memory_space<hbm>>
        %dma_wait3A_25 = tpu.memref_slice %arg2[%add3A_23] : memref<320000xi32, #tpu.memory_space<hbm>> -> memref<200xi32, #tpu.memory_space<hbm>>
        tpu.wait_dma2 semaphore(%run_scoped3A : memref<!tpu.dma_semaphore, #tpu.memory_space<semaphore_mem>>) src(%dma_wait3A_25 : memref<200xi32, #tpu.memory_space<hbm>>) dst(%arg8 : memref<200xi32, #tpu.memory_space<vmem>>)
        tpu.yield
      }) : () -> ()
      "tpu.region"() ({
        %run_scoped3A = tpu.sem_alloc : memref<!tpu.dma_semaphore, #tpu.memory_space<semaphore_mem>>
        %dma_start3A = arith.constant 0 : i32
        %dma_start3A_24 = arith.constant 0 : i32
        %dma_start3A_25 = tpu.memref_slice %arg7[%dma_start3A, %dma_start3A_24] : memref<10240x16xf32, #tpu.memory_space<vmem_shared>> -> memref<10240x16xf32, #tpu.memory_space<vmem_shared>>
        tpu.enqueue_indirect_dma source(%arg9 : memref<200x16xf32, #tpu.memory_space<vmem>>) target(%dma_start3A_25 : memref<10240x16xf32, #tpu.memory_space<vmem_shared>>) offsets(%arg8 : memref<200xi32, #tpu.memory_space<vmem>>) semaphore(%run_scoped3A : memref<!tpu.dma_semaphore, #tpu.memory_space<semaphore_mem>>) {add = true}
        %dma_wait3A = arith.constant 0 : i32
        %dma_wait3A_26 = arith.constant 0 : i32
        %dma_wait3A_27 = tpu.memref_slice %arg7[%dma_wait3A, %dma_wait3A_26] : memref<10240x16xf32, #tpu.memory_space<vmem_shared>> -> memref<10240x16xf32, #tpu.memory_space<vmem_shared>>
        tpu.wait_indirect_dma semaphore(%run_scoped3A : memref<!tpu.dma_semaphore, #tpu.memory_space<semaphore_mem>>) src(%arg9 : memref<200x16xf32, #tpu.memory_space<vmem>>) dst(%dma_wait3A_27 : memref<10240x16xf32, #tpu.memory_space<vmem_shared>>)
        tpu.yield
      }) : () -> ()
    }
    %scan3A_11 = arith.constant 50 : i32
    %barrier3A_12 = arith.constant 0 : index
    tpu.barrier barrier_id(%barrier3A_12)
    %eq3A = arith.constant 0 : i32
    %eq3A_13 = arith.cmpi eq, %arg0, %eq3A : i32
    %convert_element_type3A = arith.extui %eq3A_13 : i1 to i32
    %cond3A = arith.constant 0 : i32
    %cond3A_14 = arith.cmpi ne, %convert_element_type3A, %cond3A : i32
    scf.if %cond3A_14 {
      %mul3A_20 = arith.constant 640 : i32
      %mul3A_21 = arith.muli %arg1, %mul3A_20 : i32
      %mul3A_22 = arith.constant 640 : i32
      %mul3A_23 = arith.muli %arg1, %mul3A_22 : i32
      "tpu.region"() ({
        %run_scoped3A = tpu.sem_alloc : memref<!tpu.dma_semaphore, #tpu.memory_space<semaphore_mem>>
        %dma_start3A = arith.constant 0 : i32
        %dma_start3A_24 = tpu.memref_slice %arg5[%mul3A_23, %dma_start3A] : memref<10240x16xf32, #tpu.memory_space<hbm>> -> memref<640x16xf32, #tpu.memory_space<hbm>>
        %dma_start3A_25 = arith.constant 0 : i32
        %dma_start3A_26 = tpu.memref_slice %arg7[%mul3A_21, %dma_start3A_25] : memref<10240x16xf32, #tpu.memory_space<vmem_shared>> -> memref<640x16xf32, #tpu.memory_space<vmem_shared>>
        tpu.enqueue_dma source(%dma_start3A_26 : memref<640x16xf32, #tpu.memory_space<vmem_shared>>) target(%dma_start3A_24 : memref<640x16xf32, #tpu.memory_space<hbm>>) target_semaphore(%run_scoped3A : memref<!tpu.dma_semaphore, #tpu.memory_space<semaphore_mem>>)
        %dma_wait3A = arith.constant 0 : i32
        %dma_wait3A_27 = tpu.memref_slice %arg5[%mul3A_23, %dma_wait3A] : memref<10240x16xf32, #tpu.memory_space<hbm>> -> memref<640x16xf32, #tpu.memory_space<hbm>>
        %dma_wait3A_28 = arith.constant 0 : i32
        %dma_wait3A_29 = tpu.memref_slice %arg7[%mul3A_21, %dma_wait3A_28] : memref<10240x16xf32, #tpu.memory_space<vmem_shared>> -> memref<640x16xf32, #tpu.memory_space<vmem_shared>>
        tpu.wait_dma2 semaphore(%run_scoped3A : memref<!tpu.dma_semaphore, #tpu.memory_space<semaphore_mem>>) src(%dma_wait3A_29 : memref<640x16xf32, #tpu.memory_space<vmem_shared>>) dst(%dma_wait3A_27 : memref<640x16xf32, #tpu.memory_space<hbm>>)
        tpu.yield
      }) : () -> ()
    } else {
    }
    %eq3A_15 = arith.constant 1 : i32
    %eq3A_16 = arith.cmpi eq, %arg0, %eq3A_15 : i32
    %convert_element_type3A_17 = arith.extui %eq3A_16 : i1 to i32
    %cond3A_18 = arith.constant 0 : i32
    %cond3A_19 = arith.cmpi ne, %convert_element_type3A_17, %cond3A_18 : i32
    scf.if %cond3A_19 {
      %mul3A_20 = arith.constant 640 : i32
      %mul3A_21 = arith.muli %arg1, %mul3A_20 : i32
      %mul3A_22 = arith.constant 640 : i32
      %mul3A_23 = arith.muli %arg1, %mul3A_22 : i32
      "tpu.region"() ({
        %run_scoped3A = tpu.sem_alloc : memref<!tpu.dma_semaphore, #tpu.memory_space<semaphore_mem>>
        %dma_start3A = arith.constant 0 : i32
        %dma_start3A_24 = tpu.memref_slice %arg6[%mul3A_23, %dma_start3A] : memref<10240x16xf32, #tpu.memory_space<hbm>> -> memref<640x16xf32, #tpu.memory_space<hbm>>
        %dma_start3A_25 = arith.constant 0 : i32
        %dma_start3A_26 = tpu.memref_slice %arg7[%mul3A_21, %dma_start3A_25] : memref<10240x16xf32, #tpu.memory_space<vmem_shared>> -> memref<640x16xf32, #tpu.memory_space<vmem_shared>>
        tpu.enqueue_dma source(%dma_start3A_26 : memref<640x16xf32, #tpu.memory_space<vmem_shared>>) target(%dma_start3A_24 : memref<640x16xf32, #tpu.memory_space<hbm>>) target_semaphore(%run_scoped3A : memref<!tpu.dma_semaphore, #tpu.memory_space<semaphore_mem>>)
        %dma_wait3A = arith.constant 0 : i32
        %dma_wait3A_27 = tpu.memref_slice %arg6[%mul3A_23, %dma_wait3A] : memref<10240x16xf32, #tpu.memory_space<hbm>> -> memref<640x16xf32, #tpu.memory_space<hbm>>
        %dma_wait3A_28 = arith.constant 0 : i32
        %dma_wait3A_29 = tpu.memref_slice %arg7[%mul3A_21, %dma_wait3A_28] : memref<10240x16xf32, #tpu.memory_space<vmem_shared>> -> memref<640x16xf32, #tpu.memory_space<vmem_shared>>
        tpu.wait_dma2 semaphore(%run_scoped3A : memref<!tpu.dma_semaphore, #tpu.memory_space<semaphore_mem>>) src(%dma_wait3A_29 : memref<640x16xf32, #tpu.memory_space<vmem_shared>>) dst(%dma_wait3A_27 : memref<640x16xf32, #tpu.memory_space<hbm>>)
        tpu.yield
      }) : () -> ()
    } else {
    }
    return
  }
}

#map = affine_map<(d0, d1) -> (0, 0)>
#map1 = affine_map<(d0, d1) -> (0)>
module attributes {stable_mosaic.version = 14 : i64} {
  func.func @_edge_body(%arg0: i32, %arg1: i32, %arg2: memref<320000x128xf32, #tpu.memory_space<hbm>>, %arg3: memref<10000x128xf32, #tpu.memory_space<hbm>>, %arg4: memref<320000xi32, #tpu.memory_space<hbm>>, %arg5: memref<320000xi32, #tpu.memory_space<hbm>>, %arg6: memref<10240x128xf32, #tpu.memory_space<hbm>>, %arg7: memref<10240x128xf32, #tpu.memory_space<hbm>>, %arg8: memref<10240x128xf32, #tpu.memory_space<hbm>>, %arg9: memref<10240x128xf32, #tpu.memory_space<vmem_shared>>, %arg10: memref<160xi32, #tpu.memory_space<vmem>>, %arg11: memref<160xi32, #tpu.memory_space<vmem>>, %arg12: memref<160xi32, #tpu.memory_space<vmem>>, %arg13: memref<160xi32, #tpu.memory_space<vmem>>, %arg14: memref<160xi32, #tpu.memory_space<vmem>>, %arg15: memref<160xi32, #tpu.memory_space<vmem>>, %arg16: memref<160xi32, #tpu.memory_space<vmem>>, %arg17: memref<160xi32, #tpu.memory_space<vmem>>, %arg18: memref<160x128xf32, #tpu.memory_space<vmem>>, %arg19: memref<160x128xf32, #tpu.memory_space<vmem>>, %arg20: memref<!tpu.dma_semaphore, #tpu.memory_space<semaphore_mem>>, %arg21: memref<!tpu.dma_semaphore, #tpu.memory_space<semaphore_mem>>, %arg22: memref<!tpu.dma_semaphore, #tpu.memory_space<semaphore_mem>>, %arg23: memref<!tpu.dma_semaphore, #tpu.memory_space<semaphore_mem>>, %arg24: memref<!tpu.dma_semaphore, #tpu.memory_space<semaphore_mem>>, %arg25: memref<!tpu.dma_semaphore, #tpu.memory_space<semaphore_mem>>) attributes {dimension_semantics = [#tpu.dimension_semantics<core_parallel>, #tpu.dimension_semantics<subcore_parallel>], iteration_bounds = array<i64: 2, 16>, scalar_prefetch = 0 : i64, scratch_operands = 17 : i64, tpu.core_type = #tpu.core_type<sc_vector_subcore>, window_params = [{transform_indices = #map}, {transform_indices = #map}, {transform_indices = #map1}, {transform_indices = #map1}, {transform_indices = #map}, {transform_indices = #map}, {transform_indices = #map}]} {
    %mul3A = arith.constant 640 : i32
    %mul3A_0 = arith.muli %arg1, %mul3A : i32
    %mul3A_1 = arith.constant 640 : i32
    %mul3A_2 = arith.muli %arg1, %mul3A_1 : i32
    "tpu.region"() ({
      %run_scoped3A = tpu.sem_alloc : memref<!tpu.dma_semaphore, #tpu.memory_space<semaphore_mem>>
      %dma_start3A_76 = arith.constant 0 : i32
      %dma_start3A_77 = tpu.memref_slice %arg9[%mul3A_2, %dma_start3A_76] : memref<10240x128xf32, #tpu.memory_space<vmem_shared>> -> memref<640x128xf32, #tpu.memory_space<vmem_shared>>
      %dma_start3A_78 = arith.constant 0 : i32
      %dma_start3A_79 = tpu.memref_slice %arg6[%mul3A_0, %dma_start3A_78] : memref<10240x128xf32, #tpu.memory_space<hbm>> -> memref<640x128xf32, #tpu.memory_space<hbm>>
      tpu.enqueue_dma source(%dma_start3A_79 : memref<640x128xf32, #tpu.memory_space<hbm>>) target(%dma_start3A_77 : memref<640x128xf32, #tpu.memory_space<vmem_shared>>) target_semaphore(%run_scoped3A : memref<!tpu.dma_semaphore, #tpu.memory_space<semaphore_mem>>)
      %dma_wait3A_80 = arith.constant 0 : i32
      %dma_wait3A_81 = tpu.memref_slice %arg9[%mul3A_2, %dma_wait3A_80] : memref<10240x128xf32, #tpu.memory_space<vmem_shared>> -> memref<640x128xf32, #tpu.memory_space<vmem_shared>>
      %dma_wait3A_82 = arith.constant 0 : i32
      %dma_wait3A_83 = tpu.memref_slice %arg6[%mul3A_0, %dma_wait3A_82] : memref<10240x128xf32, #tpu.memory_space<hbm>> -> memref<640x128xf32, #tpu.memory_space<hbm>>
      tpu.wait_dma2 semaphore(%run_scoped3A : memref<!tpu.dma_semaphore, #tpu.memory_space<semaphore_mem>>) src(%dma_wait3A_83 : memref<640x128xf32, #tpu.memory_space<hbm>>) dst(%dma_wait3A_81 : memref<640x128xf32, #tpu.memory_space<vmem_shared>>)
      tpu.yield
    }) : () -> ()
    %barrier3A = arith.constant 0 : index
    tpu.barrier barrier_id(%barrier3A)
    %mul3A_3 = arith.constant 20000 : i32
    %mul3A_4 = arith.muli %arg1, %mul3A_3 : i32
    %add3A = arith.constant 0 : i32
    %add3A_5 = arith.addi %mul3A_4, %add3A : i32
    %dma_start3A = tpu.memref_slice %arg5[%add3A_5] : memref<320000xi32, #tpu.memory_space<hbm>> -> memref<160xi32, #tpu.memory_space<hbm>>
    %dma_start3A_6 = tpu.memref_slice %arg5[%add3A_5] : memref<320000xi32, #tpu.memory_space<hbm>> -> memref<160xi32, #tpu.memory_space<hbm>>
    tpu.enqueue_dma source(%dma_start3A_6 : memref<160xi32, #tpu.memory_space<hbm>>) target(%arg14 : memref<160xi32, #tpu.memory_space<vmem>>) target_semaphore(%arg20 : memref<!tpu.dma_semaphore, #tpu.memory_space<semaphore_mem>>)
    %eq3A = arith.constant 1 : i32
    %eq3A_7 = arith.cmpi eq, %arg0, %eq3A : i32
    %convert_element_type3A = arith.extui %eq3A_7 : i1 to i32
    %cond3A = arith.constant 0 : i32
    %cond3A_8 = arith.cmpi ne, %convert_element_type3A, %cond3A : i32
    scf.if %cond3A_8 {
      %dma_start3A_76 = tpu.memref_slice %arg4[%add3A_5] : memref<320000xi32, #tpu.memory_space<hbm>> -> memref<160xi32, #tpu.memory_space<hbm>>
      %dma_start3A_77 = tpu.memref_slice %arg4[%add3A_5] : memref<320000xi32, #tpu.memory_space<hbm>> -> memref<160xi32, #tpu.memory_space<hbm>>
      tpu.enqueue_dma source(%dma_start3A_77 : memref<160xi32, #tpu.memory_space<hbm>>) target(%arg10 : memref<160xi32, #tpu.memory_space<vmem>>) target_semaphore(%arg20 : memref<!tpu.dma_semaphore, #tpu.memory_space<semaphore_mem>>)
    } else {
    }
    %add3A_9 = arith.constant 160 : i32
    %add3A_10 = arith.addi %mul3A_4, %add3A_9 : i32
    %dma_start3A_11 = tpu.memref_slice %arg5[%add3A_10] : memref<320000xi32, #tpu.memory_space<hbm>> -> memref<160xi32, #tpu.memory_space<hbm>>
    %dma_start3A_12 = tpu.memref_slice %arg5[%add3A_10] : memref<320000xi32, #tpu.memory_space<hbm>> -> memref<160xi32, #tpu.memory_space<hbm>>
    tpu.enqueue_dma source(%dma_start3A_12 : memref<160xi32, #tpu.memory_space<hbm>>) target(%arg15 : memref<160xi32, #tpu.memory_space<vmem>>) target_semaphore(%arg21 : memref<!tpu.dma_semaphore, #tpu.memory_space<semaphore_mem>>)
    %eq3A_13 = arith.constant 1 : i32
    %eq3A_14 = arith.cmpi eq, %arg0, %eq3A_13 : i32
    %convert_element_type3A_15 = arith.extui %eq3A_14 : i1 to i32
    %cond3A_16 = arith.constant 0 : i32
    %cond3A_17 = arith.cmpi ne, %convert_element_type3A_15, %cond3A_16 : i32
    scf.if %cond3A_17 {
      %dma_start3A_76 = tpu.memref_slice %arg4[%add3A_10] : memref<320000xi32, #tpu.memory_space<hbm>> -> memref<160xi32, #tpu.memory_space<hbm>>
      %dma_start3A_77 = tpu.memref_slice %arg4[%add3A_10] : memref<320000xi32, #tpu.memory_space<hbm>> -> memref<160xi32, #tpu.memory_space<hbm>>
      tpu.enqueue_dma source(%dma_start3A_77 : memref<160xi32, #tpu.memory_space<hbm>>) target(%arg11 : memref<160xi32, #tpu.memory_space<vmem>>) target_semaphore(%arg21 : memref<!tpu.dma_semaphore, #tpu.memory_space<semaphore_mem>>)
    } else {
    }
    %add3A_18 = arith.constant 320 : i32
    %add3A_19 = arith.addi %mul3A_4, %add3A_18 : i32
    %dma_start3A_20 = tpu.memref_slice %arg5[%add3A_19] : memref<320000xi32, #tpu.memory_space<hbm>> -> memref<160xi32, #tpu.memory_space<hbm>>
    %dma_start3A_21 = tpu.memref_slice %arg5[%add3A_19] : memref<320000xi32, #tpu.memory_space<hbm>> -> memref<160xi32, #tpu.memory_space<hbm>>
    tpu.enqueue_dma source(%dma_start3A_21 : memref<160xi32, #tpu.memory_space<hbm>>) target(%arg16 : memref<160xi32, #tpu.memory_space<vmem>>) target_semaphore(%arg22 : memref<!tpu.dma_semaphore, #tpu.memory_space<semaphore_mem>>)
    %eq3A_22 = arith.constant 1 : i32
    %eq3A_23 = arith.cmpi eq, %arg0, %eq3A_22 : i32
    %convert_element_type3A_24 = arith.extui %eq3A_23 : i1 to i32
    %cond3A_25 = arith.constant 0 : i32
    %cond3A_26 = arith.cmpi ne, %convert_element_type3A_24, %cond3A_25 : i32
    scf.if %cond3A_26 {
      %dma_start3A_76 = tpu.memref_slice %arg4[%add3A_19] : memref<320000xi32, #tpu.memory_space<hbm>> -> memref<160xi32, #tpu.memory_space<hbm>>
      %dma_start3A_77 = tpu.memref_slice %arg4[%add3A_19] : memref<320000xi32, #tpu.memory_space<hbm>> -> memref<160xi32, #tpu.memory_space<hbm>>
      tpu.enqueue_dma source(%dma_start3A_77 : memref<160xi32, #tpu.memory_space<hbm>>) target(%arg12 : memref<160xi32, #tpu.memory_space<vmem>>) target_semaphore(%arg22 : memref<!tpu.dma_semaphore, #tpu.memory_space<semaphore_mem>>)
    } else {
    }
    %add3A_27 = arith.constant 480 : i32
    %add3A_28 = arith.addi %mul3A_4, %add3A_27 : i32
    %dma_start3A_29 = tpu.memref_slice %arg5[%add3A_28] : memref<320000xi32, #tpu.memory_space<hbm>> -> memref<160xi32, #tpu.memory_space<hbm>>
    %dma_start3A_30 = tpu.memref_slice %arg5[%add3A_28] : memref<320000xi32, #tpu.memory_space<hbm>> -> memref<160xi32, #tpu.memory_space<hbm>>
    tpu.enqueue_dma source(%dma_start3A_30 : memref<160xi32, #tpu.memory_space<hbm>>) target(%arg17 : memref<160xi32, #tpu.memory_space<vmem>>) target_semaphore(%arg23 : memref<!tpu.dma_semaphore, #tpu.memory_space<semaphore_mem>>)
    %eq3A_31 = arith.constant 1 : i32
    %eq3A_32 = arith.cmpi eq, %arg0, %eq3A_31 : i32
    %convert_element_type3A_33 = arith.extui %eq3A_32 : i1 to i32
    %cond3A_34 = arith.constant 0 : i32
    %cond3A_35 = arith.cmpi ne, %convert_element_type3A_33, %cond3A_34 : i32
    scf.if %cond3A_35 {
      %dma_start3A_76 = tpu.memref_slice %arg4[%add3A_28] : memref<320000xi32, #tpu.memory_space<hbm>> -> memref<160xi32, #tpu.memory_space<hbm>>
      %dma_start3A_77 = tpu.memref_slice %arg4[%add3A_28] : memref<320000xi32, #tpu.memory_space<hbm>> -> memref<160xi32, #tpu.memory_space<hbm>>
      tpu.enqueue_dma source(%dma_start3A_77 : memref<160xi32, #tpu.memory_space<hbm>>) target(%arg13 : memref<160xi32, #tpu.memory_space<vmem>>) target_semaphore(%arg23 : memref<!tpu.dma_semaphore, #tpu.memory_space<semaphore_mem>>)
    } else {
    }
    %dma_wait3A = arith.constant 0 : i32
    %dma_wait3A_36 = tpu.memref_slice %arg5[%dma_wait3A] : memref<320000xi32, #tpu.memory_space<hbm>> -> memref<160xi32, #tpu.memory_space<hbm>>
    %dma_wait3A_37 = arith.constant 0 : i32
    %dma_wait3A_38 = tpu.memref_slice %arg5[%dma_wait3A_37] : memref<320000xi32, #tpu.memory_space<hbm>> -> memref<160xi32, #tpu.memory_space<hbm>>
    tpu.wait_dma2 semaphore(%arg20 : memref<!tpu.dma_semaphore, #tpu.memory_space<semaphore_mem>>) src(%dma_wait3A_38 : memref<160xi32, #tpu.memory_space<hbm>>) dst(%arg14 : memref<160xi32, #tpu.memory_space<vmem>>)
    %eq3A_39 = arith.constant 1 : i32
    %eq3A_40 = arith.cmpi eq, %arg0, %eq3A_39 : i32
    %convert_element_type3A_41 = arith.extui %eq3A_40 : i1 to i32
    %cond3A_42 = arith.constant 0 : i32
    %cond3A_43 = arith.cmpi ne, %convert_element_type3A_41, %cond3A_42 : i32
    scf.if %cond3A_43 {
      %dma_wait3A_76 = arith.constant 0 : i32
      %dma_wait3A_77 = tpu.memref_slice %arg4[%dma_wait3A_76] : memref<320000xi32, #tpu.memory_space<hbm>> -> memref<160xi32, #tpu.memory_space<hbm>>
      %dma_wait3A_78 = arith.constant 0 : i32
      %dma_wait3A_79 = tpu.memref_slice %arg4[%dma_wait3A_78] : memref<320000xi32, #tpu.memory_space<hbm>> -> memref<160xi32, #tpu.memory_space<hbm>>
      tpu.wait_dma2 semaphore(%arg20 : memref<!tpu.dma_semaphore, #tpu.memory_space<semaphore_mem>>) src(%dma_wait3A_79 : memref<160xi32, #tpu.memory_space<hbm>>) dst(%arg10 : memref<160xi32, #tpu.memory_space<vmem>>)
    } else {
    }
    %eq3A_44 = arith.constant 0 : i32
    %eq3A_45 = arith.cmpi eq, %arg0, %eq3A_44 : i32
    %convert_element_type3A_46 = arith.extui %eq3A_45 : i1 to i32
    %cond3A_47 = arith.constant 0 : i32
    %cond3A_48 = arith.cmpi ne, %convert_element_type3A_46, %cond3A_47 : i32
    scf.if %cond3A_48 {
      %add3A_76 = arith.constant 0 : i32
      %add3A_77 = arith.addi %mul3A_4, %add3A_76 : i32
      %dma_start3A_78 = arith.constant 0 : i32
      %dma_start3A_79 = tpu.memref_slice %arg2[%add3A_77, %dma_start3A_78] : memref<320000x128xf32, #tpu.memory_space<hbm>> -> memref<160x128xf32, #tpu.memory_space<hbm>>
      %dma_start3A_80 = arith.constant 0 : i32
      %dma_start3A_81 = tpu.memref_slice %arg2[%add3A_77, %dma_start3A_80] : memref<320000x128xf32, #tpu.memory_space<hbm>> -> memref<160x128xf32, #tpu.memory_space<hbm>>
      tpu.enqueue_dma source(%dma_start3A_81 : memref<160x128xf32, #tpu.memory_space<hbm>>) target(%arg18 : memref<160x128xf32, #tpu.memory_space<vmem>>) target_semaphore(%arg24 : memref<!tpu.dma_semaphore, #tpu.memory_space<semaphore_mem>>)
    } else {
    }
    %eq3A_49 = arith.constant 1 : i32
    %eq3A_50 = arith.cmpi eq, %arg0, %eq3A_49 : i32
    %convert_element_type3A_51 = arith.extui %eq3A_50 : i1 to i32
    %cond3A_52 = arith.constant 0 : i32
    %cond3A_53 = arith.cmpi ne, %convert_element_type3A_51, %cond3A_52 : i32
    scf.if %cond3A_53 {
      %dma_start3A_76 = arith.constant 0 : i32
      %dma_start3A_77 = arith.constant 0 : i32
      %dma_start3A_78 = tpu.memref_slice %arg3[%dma_start3A_76, %dma_start3A_77] : memref<10000x128xf32, #tpu.memory_space<hbm>> -> memref<10000x128xf32, #tpu.memory_space<hbm>>
      tpu.enqueue_indirect_dma source(%dma_start3A_78 : memref<10000x128xf32, #tpu.memory_space<hbm>>) target(%arg18 : memref<160x128xf32, #tpu.memory_space<vmem>>) offsets(%arg10 : memref<160xi32, #tpu.memory_space<vmem>>) semaphore(%arg24 : memref<!tpu.dma_semaphore, #tpu.memory_space<semaphore_mem>>)
    } else {
    }
    %scan3A = arith.constant 0 : i32
    %scan3A_54 = arith.constant 0 : i32
    %scan3A_55 = arith.constant 31 : i32
    %scan3A_56 = arith.addi %scan3A_54, %scan3A_55 : i32
    %scan3A_57 = arith.constant 1 : i32
    scf.for %scan3A_76 = %scan3A_54 to %scan3A_56 step %scan3A_57  : i32 {
      %mul3A_77 = arith.constant 4 : i32
      %mul3A_78 = arith.muli %mul3A_77, %scan3A_76 : i32
      %dma_wait3A_79 = arith.constant 0 : i32
      %dma_wait3A_80 = tpu.memref_slice %arg5[%dma_wait3A_79] : memref<320000xi32, #tpu.memory_space<hbm>> -> memref<160xi32, #tpu.memory_space<hbm>>
      %dma_wait3A_81 = arith.constant 0 : i32
      %dma_wait3A_82 = tpu.memref_slice %arg5[%dma_wait3A_81] : memref<320000xi32, #tpu.memory_space<hbm>> -> memref<160xi32, #tpu.memory_space<hbm>>
      tpu.wait_dma2 semaphore(%arg21 : memref<!tpu.dma_semaphore, #tpu.memory_space<semaphore_mem>>) src(%dma_wait3A_82 : memref<160xi32, #tpu.memory_space<hbm>>) dst(%arg15 : memref<160xi32, #tpu.memory_space<vmem>>)
      %eq3A_83 = arith.constant 1 : i32
      %eq3A_84 = arith.cmpi eq, %arg0, %eq3A_83 : i32
      %convert_element_type3A_85 = arith.extui %eq3A_84 : i1 to i32
      %cond3A_86 = arith.constant 0 : i32
      %cond3A_87 = arith.cmpi ne, %convert_element_type3A_85, %cond3A_86 : i32
      scf.if %cond3A_87 {
        %dma_wait3A_200 = arith.constant 0 : i32
        %dma_wait3A_201 = tpu.memref_slice %arg4[%dma_wait3A_200] : memref<320000xi32, #tpu.memory_space<hbm>> -> memref<160xi32, #tpu.memory_space<hbm>>
        %dma_wait3A_202 = arith.constant 0 : i32
        %dma_wait3A_203 = tpu.memref_slice %arg4[%dma_wait3A_202] : memref<320000xi32, #tpu.memory_space<hbm>> -> memref<160xi32, #tpu.memory_space<hbm>>
        tpu.wait_dma2 semaphore(%arg21 : memref<!tpu.dma_semaphore, #tpu.memory_space<semaphore_mem>>) src(%dma_wait3A_203 : memref<160xi32, #tpu.memory_space<hbm>>) dst(%arg11 : memref<160xi32, #tpu.memory_space<vmem>>)
      } else {
      }
      %add3A_88 = arith.constant 1 : i32
      %add3A_89 = arith.addi %mul3A_78, %add3A_88 : i32
      %eq3A_90 = arith.constant 0 : i32
      %eq3A_91 = arith.cmpi eq, %arg0, %eq3A_90 : i32
      %convert_element_type3A_92 = arith.extui %eq3A_91 : i1 to i32
      %cond3A_93 = arith.constant 0 : i32
      %cond3A_94 = arith.cmpi ne, %convert_element_type3A_92, %cond3A_93 : i32
      scf.if %cond3A_94 {
        %mul3A_200 = arith.constant 160 : i32
        %mul3A_201 = arith.muli %add3A_89, %mul3A_200 : i32
        %add3A_202 = arith.addi %mul3A_4, %mul3A_201 : i32
        %dma_start3A_203 = arith.constant 0 : i32
        %dma_start3A_204 = tpu.memref_slice %arg2[%add3A_202, %dma_start3A_203] : memref<320000x128xf32, #tpu.memory_space<hbm>> -> memref<160x128xf32, #tpu.memory_space<hbm>>
        %dma_start3A_205 = arith.constant 0 : i32
        %dma_start3A_206 = tpu.memref_slice %arg2[%add3A_202, %dma_start3A_205] : memref<320000x128xf32, #tpu.memory_space<hbm>> -> memref<160x128xf32, #tpu.memory_space<hbm>>
        tpu.enqueue_dma source(%dma_start3A_206 : memref<160x128xf32, #tpu.memory_space<hbm>>) target(%arg19 : memref<160x128xf32, #tpu.memory_space<vmem>>) target_semaphore(%arg25 : memref<!tpu.dma_semaphore, #tpu.memory_space<semaphore_mem>>)
      } else {
      }
      %eq3A_95 = arith.constant 1 : i32
      %eq3A_96 = arith.cmpi eq, %arg0, %eq3A_95 : i32
      %convert_element_type3A_97 = arith.extui %eq3A_96 : i1 to i32
      %cond3A_98 = arith.constant 0 : i32
      %cond3A_99 = arith.cmpi ne, %convert_element_type3A_97, %cond3A_98 : i32
      scf.if %cond3A_99 {
        %dma_start3A_200 = arith.constant 0 : i32
        %dma_start3A_201 = arith.constant 0 : i32
        %dma_start3A_202 = tpu.memref_slice %arg3[%dma_start3A_200, %dma_start3A_201] : memref<10000x128xf32, #tpu.memory_space<hbm>> -> memref<10000x128xf32, #tpu.memory_space<hbm>>
        tpu.enqueue_indirect_dma source(%dma_start3A_202 : memref<10000x128xf32, #tpu.memory_space<hbm>>) target(%arg19 : memref<160x128xf32, #tpu.memory_space<vmem>>) offsets(%arg11 : memref<160xi32, #tpu.memory_space<vmem>>) semaphore(%arg25 : memref<!tpu.dma_semaphore, #tpu.memory_space<semaphore_mem>>)
      } else {
      }
      %dma_wait3A_100 = arith.constant 0 : i32
      %dma_wait3A_101 = arith.constant 0 : i32
      %dma_wait3A_102 = tpu.memref_slice %arg2[%dma_wait3A_100, %dma_wait3A_101] : memref<320000x128xf32, #tpu.memory_space<hbm>> -> memref<160x128xf32, #tpu.memory_space<hbm>>
      %dma_wait3A_103 = arith.constant 0 : i32
      %dma_wait3A_104 = arith.constant 0 : i32
      %dma_wait3A_105 = tpu.memref_slice %arg2[%dma_wait3A_103, %dma_wait3A_104] : memref<320000x128xf32, #tpu.memory_space<hbm>> -> memref<160x128xf32, #tpu.memory_space<hbm>>
      tpu.wait_dma2 semaphore(%arg24 : memref<!tpu.dma_semaphore, #tpu.memory_space<semaphore_mem>>) src(%dma_wait3A_105 : memref<160x128xf32, #tpu.memory_space<hbm>>) dst(%arg18 : memref<160x128xf32, #tpu.memory_space<vmem>>)
      "tpu.region"() ({
        %run_scoped3A = tpu.sem_alloc : memref<!tpu.dma_semaphore, #tpu.memory_space<semaphore_mem>>
        %dma_start3A_200 = arith.constant 0 : i32
        %dma_start3A_201 = arith.constant 0 : i32
        %dma_start3A_202 = tpu.memref_slice %arg9[%dma_start3A_200, %dma_start3A_201] : memref<10240x128xf32, #tpu.memory_space<vmem_shared>> -> memref<10240x128xf32, #tpu.memory_space<vmem_shared>>
        tpu.enqueue_indirect_dma source(%arg18 : memref<160x128xf32, #tpu.memory_space<vmem>>) target(%dma_start3A_202 : memref<10240x128xf32, #tpu.memory_space<vmem_shared>>) offsets(%arg14 : memref<160xi32, #tpu.memory_space<vmem>>) semaphore(%run_scoped3A : memref<!tpu.dma_semaphore, #tpu.memory_space<semaphore_mem>>) {add = true}
        %dma_wait3A_203 = arith.constant 0 : i32
        %dma_wait3A_204 = arith.constant 0 : i32
        %dma_wait3A_205 = tpu.memref_slice %arg9[%dma_wait3A_203, %dma_wait3A_204] : memref<10240x128xf32, #tpu.memory_space<vmem_shared>> -> memref<10240x128xf32, #tpu.memory_space<vmem_shared>>
        tpu.wait_indirect_dma semaphore(%run_scoped3A : memref<!tpu.dma_semaphore, #tpu.memory_space<semaphore_mem>>) src(%arg18 : memref<160x128xf32, #tpu.memory_space<vmem>>) dst(%dma_wait3A_205 : memref<10240x128xf32, #tpu.memory_space<vmem_shared>>)
        tpu.yield
      }) : () -> ()
      %add3A_106 = arith.constant 4 : i32
      %add3A_107 = arith.addi %mul3A_78, %add3A_106 : i32
      %lt3A = arith.constant 125 : i32
      %lt3A_108 = arith.cmpi slt, %add3A_107, %lt3A : i32
      %convert_element_type3A_109 = arith.extui %lt3A_108 : i1 to i32
      %cond3A_110 = arith.constant 0 : i32
      %cond3A_111 = arith.cmpi ne, %convert_element_type3A_109, %cond3A_110 : i32
      scf.if %cond3A_111 {
        %add3A_200 = arith.constant 4 : i32
        %add3A_201 = arith.addi %mul3A_78, %add3A_200 : i32
        %mul3A_202 = arith.constant 160 : i32
        %mul3A_203 = arith.muli %add3A_201, %mul3A_202 : i32
        %add3A_204 = arith.addi %mul3A_4, %mul3A_203 : i32
        %dma_start3A_205 = tpu.memref_slice %arg5[%add3A_204] : memref<320000xi32, #tpu.memory_space<hbm>> -> memref<160xi32, #tpu.memory_space<hbm>>
        %dma_start3A_206 = tpu.memref_slice %arg5[%add3A_204] : memref<320000xi32, #tpu.memory_space<hbm>> -> memref<160xi32, #tpu.memory_space<hbm>>
        tpu.enqueue_dma source(%dma_start3A_206 : memref<160xi32, #tpu.memory_space<hbm>>) target(%arg14 : memref<160xi32, #tpu.memory_space<vmem>>) target_semaphore(%arg20 : memref<!tpu.dma_semaphore, #tpu.memory_space<semaphore_mem>>)
        %eq3A_207 = arith.constant 1 : i32
        %eq3A_208 = arith.cmpi eq, %arg0, %eq3A_207 : i32
        %convert_element_type3A_209 = arith.extui %eq3A_208 : i1 to i32
        %cond3A_210 = arith.constant 0 : i32
        %cond3A_211 = arith.cmpi ne, %convert_element_type3A_209, %cond3A_210 : i32
        scf.if %cond3A_211 {
          %dma_start3A_212 = tpu.memref_slice %arg4[%add3A_204] : memref<320000xi32, #tpu.memory_space<hbm>> -> memref<160xi32, #tpu.memory_space<hbm>>
          %dma_start3A_213 = tpu.memref_slice %arg4[%add3A_204] : memref<320000xi32, #tpu.memory_space<hbm>> -> memref<160xi32, #tpu.memory_space<hbm>>
          tpu.enqueue_dma source(%dma_start3A_213 : memref<160xi32, #tpu.memory_space<hbm>>) target(%arg10 : memref<160xi32, #tpu.memory_space<vmem>>) target_semaphore(%arg20 : memref<!tpu.dma_semaphore, #tpu.memory_space<semaphore_mem>>)
        } else {
        }
      } else {
      }
      %dma_wait3A_112 = arith.constant 0 : i32
      %dma_wait3A_113 = tpu.memref_slice %arg5[%dma_wait3A_112] : memref<320000xi32, #tpu.memory_space<hbm>> -> memref<160xi32, #tpu.memory_space<hbm>>
      %dma_wait3A_114 = arith.constant 0 : i32
      %dma_wait3A_115 = tpu.memref_slice %arg5[%dma_wait3A_114] : memref<320000xi32, #tpu.memory_space<hbm>> -> memref<160xi32, #tpu.memory_space<hbm>>
      tpu.wait_dma2 semaphore(%arg22 : memref<!tpu.dma_semaphore, #tpu.memory_space<semaphore_mem>>) src(%dma_wait3A_115 : memref<160xi32, #tpu.memory_space<hbm>>) dst(%arg16 : memref<160xi32, #tpu.memory_space<vmem>>)
      %eq3A_116 = arith.constant 1 : i32
      %eq3A_117 = arith.cmpi eq, %arg0, %eq3A_116 : i32
      %convert_element_type3A_118 = arith.extui %eq3A_117 : i1 to i32
      %cond3A_119 = arith.constant 0 : i32
      %cond3A_120 = arith.cmpi ne, %convert_element_type3A_118, %cond3A_119 : i32
      scf.if %cond3A_120 {
        %dma_wait3A_200 = arith.constant 0 : i32
        %dma_wait3A_201 = tpu.memref_slice %arg4[%dma_wait3A_200] : memref<320000xi32, #tpu.memory_space<hbm>> -> memref<160xi32, #tpu.memory_space<hbm>>
        %dma_wait3A_202 = arith.constant 0 : i32
        %dma_wait3A_203 = tpu.memref_slice %arg4[%dma_wait3A_202] : memref<320000xi32, #tpu.memory_space<hbm>> -> memref<160xi32, #tpu.memory_space<hbm>>
        tpu.wait_dma2 semaphore(%arg22 : memref<!tpu.dma_semaphore, #tpu.memory_space<semaphore_mem>>) src(%dma_wait3A_203 : memref<160xi32, #tpu.memory_space<hbm>>) dst(%arg12 : memref<160xi32, #tpu.memory_space<vmem>>)
      } else {
      }
      %add3A_121 = arith.constant 2 : i32
      %add3A_122 = arith.addi %mul3A_78, %add3A_121 : i32
      %eq3A_123 = arith.constant 0 : i32
      %eq3A_124 = arith.cmpi eq, %arg0, %eq3A_123 : i32
      %convert_element_type3A_125 = arith.extui %eq3A_124 : i1 to i32
      %cond3A_126 = arith.constant 0 : i32
      %cond3A_127 = arith.cmpi ne, %convert_element_type3A_125, %cond3A_126 : i32
      scf.if %cond3A_127 {
        %mul3A_200 = arith.constant 160 : i32
        %mul3A_201 = arith.muli %add3A_122, %mul3A_200 : i32
        %add3A_202 = arith.addi %mul3A_4, %mul3A_201 : i32
        %dma_start3A_203 = arith.constant 0 : i32
        %dma_start3A_204 = tpu.memref_slice %arg2[%add3A_202, %dma_start3A_203] : memref<320000x128xf32, #tpu.memory_space<hbm>> -> memref<160x128xf32, #tpu.memory_space<hbm>>
        %dma_start3A_205 = arith.constant 0 : i32
        %dma_start3A_206 = tpu.memref_slice %arg2[%add3A_202, %dma_start3A_205] : memref<320000x128xf32, #tpu.memory_space<hbm>> -> memref<160x128xf32, #tpu.memory_space<hbm>>
        tpu.enqueue_dma source(%dma_start3A_206 : memref<160x128xf32, #tpu.memory_space<hbm>>) target(%arg18 : memref<160x128xf32, #tpu.memory_space<vmem>>) target_semaphore(%arg24 : memref<!tpu.dma_semaphore, #tpu.memory_space<semaphore_mem>>)
      } else {
      }
      %eq3A_128 = arith.constant 1 : i32
      %eq3A_129 = arith.cmpi eq, %arg0, %eq3A_128 : i32
      %convert_element_type3A_130 = arith.extui %eq3A_129 : i1 to i32
      %cond3A_131 = arith.constant 0 : i32
      %cond3A_132 = arith.cmpi ne, %convert_element_type3A_130, %cond3A_131 : i32
      scf.if %cond3A_132 {
        %dma_start3A_200 = arith.constant 0 : i32
        %dma_start3A_201 = arith.constant 0 : i32
        %dma_start3A_202 = tpu.memref_slice %arg3[%dma_start3A_200, %dma_start3A_201] : memref<10000x128xf32, #tpu.memory_space<hbm>> -> memref<10000x128xf32, #tpu.memory_space<hbm>>
        tpu.enqueue_indirect_dma source(%dma_start3A_202 : memref<10000x128xf32, #tpu.memory_space<hbm>>) target(%arg18 : memref<160x128xf32, #tpu.memory_space<vmem>>) offsets(%arg12 : memref<160xi32, #tpu.memory_space<vmem>>) semaphore(%arg24 : memref<!tpu.dma_semaphore, #tpu.memory_space<semaphore_mem>>)
      } else {
      }
      %dma_wait3A_133 = arith.constant 0 : i32
      %dma_wait3A_134 = arith.constant 0 : i32
      %dma_wait3A_135 = tpu.memref_slice %arg2[%dma_wait3A_133, %dma_wait3A_134] : memref<320000x128xf32, #tpu.memory_space<hbm>> -> memref<160x128xf32, #tpu.memory_space<hbm>>
      %dma_wait3A_136 = arith.constant 0 : i32
      %dma_wait3A_137 = arith.constant 0 : i32
      %dma_wait3A_138 = tpu.memref_slice %arg2[%dma_wait3A_136, %dma_wait3A_137] : memref<320000x128xf32, #tpu.memory_space<hbm>> -> memref<160x128xf32, #tpu.memory_space<hbm>>
      tpu.wait_dma2 semaphore(%arg25 : memref<!tpu.dma_semaphore, #tpu.memory_space<semaphore_mem>>) src(%dma_wait3A_138 : memref<160x128xf32, #tpu.memory_space<hbm>>) dst(%arg19 : memref<160x128xf32, #tpu.memory_space<vmem>>)
      "tpu.region"() ({
        %run_scoped3A = tpu.sem_alloc : memref<!tpu.dma_semaphore, #tpu.memory_space<semaphore_mem>>
        %dma_start3A_200 = arith.constant 0 : i32
        %dma_start3A_201 = arith.constant 0 : i32
        %dma_start3A_202 = tpu.memref_slice %arg9[%dma_start3A_200, %dma_start3A_201] : memref<10240x128xf32, #tpu.memory_space<vmem_shared>> -> memref<10240x128xf32, #tpu.memory_space<vmem_shared>>
        tpu.enqueue_indirect_dma source(%arg19 : memref<160x128xf32, #tpu.memory_space<vmem>>) target(%dma_start3A_202 : memref<10240x128xf32, #tpu.memory_space<vmem_shared>>) offsets(%arg15 : memref<160xi32, #tpu.memory_space<vmem>>) semaphore(%run_scoped3A : memref<!tpu.dma_semaphore, #tpu.memory_space<semaphore_mem>>) {add = true}
        %dma_wait3A_203 = arith.constant 0 : i32
        %dma_wait3A_204 = arith.constant 0 : i32
        %dma_wait3A_205 = tpu.memref_slice %arg9[%dma_wait3A_203, %dma_wait3A_204] : memref<10240x128xf32, #tpu.memory_space<vmem_shared>> -> memref<10240x128xf32, #tpu.memory_space<vmem_shared>>
        tpu.wait_indirect_dma semaphore(%run_scoped3A : memref<!tpu.dma_semaphore, #tpu.memory_space<semaphore_mem>>) src(%arg19 : memref<160x128xf32, #tpu.memory_space<vmem>>) dst(%dma_wait3A_205 : memref<10240x128xf32, #tpu.memory_space<vmem_shared>>)
        tpu.yield
      }) : () -> ()
      %add3A_139 = arith.constant 5 : i32
      %add3A_140 = arith.addi %mul3A_78, %add3A_139 : i32
      %lt3A_141 = arith.constant 125 : i32
      %lt3A_142 = arith.cmpi slt, %add3A_140, %lt3A_141 : i32
      %convert_element_type3A_143 = arith.extui %lt3A_142 : i1 to i32
      %cond3A_144 = arith.constant 0 : i32
      %cond3A_145 = arith.cmpi ne, %convert_element_type3A_143, %cond3A_144 : i32
      scf.if %cond3A_145 {
        %add3A_200 = arith.constant 5 : i32
        %add3A_201 = arith.addi %mul3A_78, %add3A_200 : i32
        %mul3A_202 = arith.constant 160 : i32
        %mul3A_203 = arith.muli %add3A_201, %mul3A_202 : i32
        %add3A_204 = arith.addi %mul3A_4, %mul3A_203 : i32
        %dma_start3A_205 = tpu.memref_slice %arg5[%add3A_204] : memref<320000xi32, #tpu.memory_space<hbm>> -> memref<160xi32, #tpu.memory_space<hbm>>
        %dma_start3A_206 = tpu.memref_slice %arg5[%add3A_204] : memref<320000xi32, #tpu.memory_space<hbm>> -> memref<160xi32, #tpu.memory_space<hbm>>
        tpu.enqueue_dma source(%dma_start3A_206 : memref<160xi32, #tpu.memory_space<hbm>>) target(%arg15 : memref<160xi32, #tpu.memory_space<vmem>>) target_semaphore(%arg21 : memref<!tpu.dma_semaphore, #tpu.memory_space<semaphore_mem>>)
        %eq3A_207 = arith.constant 1 : i32
        %eq3A_208 = arith.cmpi eq, %arg0, %eq3A_207 : i32
        %convert_element_type3A_209 = arith.extui %eq3A_208 : i1 to i32
        %cond3A_210 = arith.constant 0 : i32
        %cond3A_211 = arith.cmpi ne, %convert_element_type3A_209, %cond3A_210 : i32
        scf.if %cond3A_211 {
          %dma_start3A_212 = tpu.memref_slice %arg4[%add3A_204] : memref<320000xi32, #tpu.memory_space<hbm>> -> memref<160xi32, #tpu.memory_space<hbm>>
          %dma_start3A_213 = tpu.memref_slice %arg4[%add3A_204] : memref<320000xi32, #tpu.memory_space<hbm>> -> memref<160xi32, #tpu.memory_space<hbm>>
          tpu.enqueue_dma source(%dma_start3A_213 : memref<160xi32, #tpu.memory_space<hbm>>) target(%arg11 : memref<160xi32, #tpu.memory_space<vmem>>) target_semaphore(%arg21 : memref<!tpu.dma_semaphore, #tpu.memory_space<semaphore_mem>>)
        } else {
        }
      } else {
      }
      %dma_wait3A_146 = arith.constant 0 : i32
      %dma_wait3A_147 = tpu.memref_slice %arg5[%dma_wait3A_146] : memref<320000xi32, #tpu.memory_space<hbm>> -> memref<160xi32, #tpu.memory_space<hbm>>
      %dma_wait3A_148 = arith.constant 0 : i32
      %dma_wait3A_149 = tpu.memref_slice %arg5[%dma_wait3A_148] : memref<320000xi32, #tpu.memory_space<hbm>> -> memref<160xi32, #tpu.memory_space<hbm>>
      tpu.wait_dma2 semaphore(%arg23 : memref<!tpu.dma_semaphore, #tpu.memory_space<semaphore_mem>>) src(%dma_wait3A_149 : memref<160xi32, #tpu.memory_space<hbm>>) dst(%arg17 : memref<160xi32, #tpu.memory_space<vmem>>)
      %eq3A_150 = arith.constant 1 : i32
      %eq3A_151 = arith.cmpi eq, %arg0, %eq3A_150 : i32
      %convert_element_type3A_152 = arith.extui %eq3A_151 : i1 to i32
      %cond3A_153 = arith.constant 0 : i32
      %cond3A_154 = arith.cmpi ne, %convert_element_type3A_152, %cond3A_153 : i32
      scf.if %cond3A_154 {
        %dma_wait3A_200 = arith.constant 0 : i32
        %dma_wait3A_201 = tpu.memref_slice %arg4[%dma_wait3A_200] : memref<320000xi32, #tpu.memory_space<hbm>> -> memref<160xi32, #tpu.memory_space<hbm>>
        %dma_wait3A_202 = arith.constant 0 : i32
        %dma_wait3A_203 = tpu.memref_slice %arg4[%dma_wait3A_202] : memref<320000xi32, #tpu.memory_space<hbm>> -> memref<160xi32, #tpu.memory_space<hbm>>
        tpu.wait_dma2 semaphore(%arg23 : memref<!tpu.dma_semaphore, #tpu.memory_space<semaphore_mem>>) src(%dma_wait3A_203 : memref<160xi32, #tpu.memory_space<hbm>>) dst(%arg13 : memref<160xi32, #tpu.memory_space<vmem>>)
      } else {
      }
      %add3A_155 = arith.constant 3 : i32
      %add3A_156 = arith.addi %mul3A_78, %add3A_155 : i32
      %eq3A_157 = arith.constant 0 : i32
      %eq3A_158 = arith.cmpi eq, %arg0, %eq3A_157 : i32
      %convert_element_type3A_159 = arith.extui %eq3A_158 : i1 to i32
      %cond3A_160 = arith.constant 0 : i32
      %cond3A_161 = arith.cmpi ne, %convert_element_type3A_159, %cond3A_160 : i32
      scf.if %cond3A_161 {
        %mul3A_200 = arith.constant 160 : i32
        %mul3A_201 = arith.muli %add3A_156, %mul3A_200 : i32
        %add3A_202 = arith.addi %mul3A_4, %mul3A_201 : i32
        %dma_start3A_203 = arith.constant 0 : i32
        %dma_start3A_204 = tpu.memref_slice %arg2[%add3A_202, %dma_start3A_203] : memref<320000x128xf32, #tpu.memory_space<hbm>> -> memref<160x128xf32, #tpu.memory_space<hbm>>
        %dma_start3A_205 = arith.constant 0 : i32
        %dma_start3A_206 = tpu.memref_slice %arg2[%add3A_202, %dma_start3A_205] : memref<320000x128xf32, #tpu.memory_space<hbm>> -> memref<160x128xf32, #tpu.memory_space<hbm>>
        tpu.enqueue_dma source(%dma_start3A_206 : memref<160x128xf32, #tpu.memory_space<hbm>>) target(%arg19 : memref<160x128xf32, #tpu.memory_space<vmem>>) target_semaphore(%arg25 : memref<!tpu.dma_semaphore, #tpu.memory_space<semaphore_mem>>)
      } else {
      }
      %eq3A_162 = arith.constant 1 : i32
      %eq3A_163 = arith.cmpi eq, %arg0, %eq3A_162 : i32
      %convert_element_type3A_164 = arith.extui %eq3A_163 : i1 to i32
      %cond3A_165 = arith.constant 0 : i32
      %cond3A_166 = arith.cmpi ne, %convert_element_type3A_164, %cond3A_165 : i32
      scf.if %cond3A_166 {
        %dma_start3A_200 = arith.constant 0 : i32
        %dma_start3A_201 = arith.constant 0 : i32
        %dma_start3A_202 = tpu.memref_slice %arg3[%dma_start3A_200, %dma_start3A_201] : memref<10000x128xf32, #tpu.memory_space<hbm>> -> memref<10000x128xf32, #tpu.memory_space<hbm>>
        tpu.enqueue_indirect_dma source(%dma_start3A_202 : memref<10000x128xf32, #tpu.memory_space<hbm>>) target(%arg19 : memref<160x128xf32, #tpu.memory_space<vmem>>) offsets(%arg13 : memref<160xi32, #tpu.memory_space<vmem>>) semaphore(%arg25 : memref<!tpu.dma_semaphore, #tpu.memory_space<semaphore_mem>>)
      } else {
      }
      %dma_wait3A_167 = arith.constant 0 : i32
      %dma_wait3A_168 = arith.constant 0 : i32
      %dma_wait3A_169 = tpu.memref_slice %arg2[%dma_wait3A_167, %dma_wait3A_168] : memref<320000x128xf32, #tpu.memory_space<hbm>> -> memref<160x128xf32, #tpu.memory_space<hbm>>
      %dma_wait3A_170 = arith.constant 0 : i32
      %dma_wait3A_171 = arith.constant 0 : i32
      %dma_wait3A_172 = tpu.memref_slice %arg2[%dma_wait3A_170, %dma_wait3A_171] : memref<320000x128xf32, #tpu.memory_space<hbm>> -> memref<160x128xf32, #tpu.memory_space<hbm>>
      tpu.wait_dma2 semaphore(%arg24 : memref<!tpu.dma_semaphore, #tpu.memory_space<semaphore_mem>>) src(%dma_wait3A_172 : memref<160x128xf32, #tpu.memory_space<hbm>>) dst(%arg18 : memref<160x128xf32, #tpu.memory_space<vmem>>)
      "tpu.region"() ({
        %run_scoped3A = tpu.sem_alloc : memref<!tpu.dma_semaphore, #tpu.memory_space<semaphore_mem>>
        %dma_start3A_200 = arith.constant 0 : i32
        %dma_start3A_201 = arith.constant 0 : i32
        %dma_start3A_202 = tpu.memref_slice %arg9[%dma_start3A_200, %dma_start3A_201] : memref<10240x128xf32, #tpu.memory_space<vmem_shared>> -> memref<10240x128xf32, #tpu.memory_space<vmem_shared>>
        tpu.enqueue_indirect_dma source(%arg18 : memref<160x128xf32, #tpu.memory_space<vmem>>) target(%dma_start3A_202 : memref<10240x128xf32, #tpu.memory_space<vmem_shared>>) offsets(%arg16 : memref<160xi32, #tpu.memory_space<vmem>>) semaphore(%run_scoped3A : memref<!tpu.dma_semaphore, #tpu.memory_space<semaphore_mem>>) {add = true}
        %dma_wait3A_203 = arith.constant 0 : i32
        %dma_wait3A_204 = arith.constant 0 : i32
        %dma_wait3A_205 = tpu.memref_slice %arg9[%dma_wait3A_203, %dma_wait3A_204] : memref<10240x128xf32, #tpu.memory_space<vmem_shared>> -> memref<10240x128xf32, #tpu.memory_space<vmem_shared>>
        tpu.wait_indirect_dma semaphore(%run_scoped3A : memref<!tpu.dma_semaphore, #tpu.memory_space<semaphore_mem>>) src(%arg18 : memref<160x128xf32, #tpu.memory_space<vmem>>) dst(%dma_wait3A_205 : memref<10240x128xf32, #tpu.memory_space<vmem_shared>>)
        tpu.yield
      }) : () -> ()
      %add3A_173 = arith.constant 6 : i32
      %add3A_174 = arith.addi %mul3A_78, %add3A_173 : i32
      %lt3A_175 = arith.constant 125 : i32
      %lt3A_176 = arith.cmpi slt, %add3A_174, %lt3A_175 : i32
      %convert_element_type3A_177 = arith.extui %lt3A_176 : i1 to i32
      %cond3A_178 = arith.constant 0 : i32
      %cond3A_179 = arith.cmpi ne, %convert_element_type3A_177, %cond3A_178 : i32
      scf.if %cond3A_179 {
        %add3A_200 = arith.constant 6 : i32
        %add3A_201 = arith.addi %mul3A_78, %add3A_200 : i32
        %mul3A_202 = arith.constant 160 : i32
        %mul3A_203 = arith.muli %add3A_201, %mul3A_202 : i32
        %add3A_204 = arith.addi %mul3A_4, %mul3A_203 : i32
        %dma_start3A_205 = tpu.memref_slice %arg5[%add3A_204] : memref<320000xi32, #tpu.memory_space<hbm>> -> memref<160xi32, #tpu.memory_space<hbm>>
        %dma_start3A_206 = tpu.memref_slice %arg5[%add3A_204] : memref<320000xi32, #tpu.memory_space<hbm>> -> memref<160xi32, #tpu.memory_space<hbm>>
        tpu.enqueue_dma source(%dma_start3A_206 : memref<160xi32, #tpu.memory_space<hbm>>) target(%arg16 : memref<160xi32, #tpu.memory_space<vmem>>) target_semaphore(%arg22 : memref<!tpu.dma_semaphore, #tpu.memory_space<semaphore_mem>>)
        %eq3A_207 = arith.constant 1 : i32
        %eq3A_208 = arith.cmpi eq, %arg0, %eq3A_207 : i32
        %convert_element_type3A_209 = arith.extui %eq3A_208 : i1 to i32
        %cond3A_210 = arith.constant 0 : i32
        %cond3A_211 = arith.cmpi ne, %convert_element_type3A_209, %cond3A_210 : i32
        scf.if %cond3A_211 {
          %dma_start3A_212 = tpu.memref_slice %arg4[%add3A_204] : memref<320000xi32, #tpu.memory_space<hbm>> -> memref<160xi32, #tpu.memory_space<hbm>>
          %dma_start3A_213 = tpu.memref_slice %arg4[%add3A_204] : memref<320000xi32, #tpu.memory_space<hbm>> -> memref<160xi32, #tpu.memory_space<hbm>>
          tpu.enqueue_dma source(%dma_start3A_213 : memref<160xi32, #tpu.memory_space<hbm>>) target(%arg12 : memref<160xi32, #tpu.memory_space<vmem>>) target_semaphore(%arg22 : memref<!tpu.dma_semaphore, #tpu.memory_space<semaphore_mem>>)
        } else {
        }
      } else {
      }
      %add3A_180 = arith.constant 4 : i32
      %add3A_181 = arith.addi %mul3A_78, %add3A_180 : i32
      %lt3A_182 = arith.constant 125 : i32
      %lt3A_183 = arith.cmpi slt, %add3A_181, %lt3A_182 : i32
      %convert_element_type3A_184 = arith.extui %lt3A_183 : i1 to i32
      %cond3A_185 = arith.constant 0 : i32
      %cond3A_186 = arith.cmpi ne, %convert_element_type3A_184, %cond3A_185 : i32
      scf.if %cond3A_186 {
        %dma_wait3A_200 = arith.constant 0 : i32
        %dma_wait3A_201 = tpu.memref_slice %arg5[%dma_wait3A_200] : memref<320000xi32, #tpu.memory_space<hbm>> -> memref<160xi32, #tpu.memory_space<hbm>>
        %dma_wait3A_202 = arith.constant 0 : i32
        %dma_wait3A_203 = tpu.memref_slice %arg5[%dma_wait3A_202] : memref<320000xi32, #tpu.memory_space<hbm>> -> memref<160xi32, #tpu.memory_space<hbm>>
        tpu.wait_dma2 semaphore(%arg20 : memref<!tpu.dma_semaphore, #tpu.memory_space<semaphore_mem>>) src(%dma_wait3A_203 : memref<160xi32, #tpu.memory_space<hbm>>) dst(%arg14 : memref<160xi32, #tpu.memory_space<vmem>>)
        %eq3A_204 = arith.constant 1 : i32
        %eq3A_205 = arith.cmpi eq, %arg0, %eq3A_204 : i32
        %convert_element_type3A_206 = arith.extui %eq3A_205 : i1 to i32
        %cond3A_207 = arith.constant 0 : i32
        %cond3A_208 = arith.cmpi ne, %convert_element_type3A_206, %cond3A_207 : i32
        scf.if %cond3A_208 {
          %dma_wait3A_221 = arith.constant 0 : i32
          %dma_wait3A_222 = tpu.memref_slice %arg4[%dma_wait3A_221] : memref<320000xi32, #tpu.memory_space<hbm>> -> memref<160xi32, #tpu.memory_space<hbm>>
          %dma_wait3A_223 = arith.constant 0 : i32
          %dma_wait3A_224 = tpu.memref_slice %arg4[%dma_wait3A_223] : memref<320000xi32, #tpu.memory_space<hbm>> -> memref<160xi32, #tpu.memory_space<hbm>>
          tpu.wait_dma2 semaphore(%arg20 : memref<!tpu.dma_semaphore, #tpu.memory_space<semaphore_mem>>) src(%dma_wait3A_224 : memref<160xi32, #tpu.memory_space<hbm>>) dst(%arg10 : memref<160xi32, #tpu.memory_space<vmem>>)
        } else {
        }
        %add3A_209 = arith.constant 4 : i32
        %add3A_210 = arith.addi %mul3A_78, %add3A_209 : i32
        %eq3A_211 = arith.constant 0 : i32
        %eq3A_212 = arith.cmpi eq, %arg0, %eq3A_211 : i32
        %convert_element_type3A_213 = arith.extui %eq3A_212 : i1 to i32
        %cond3A_214 = arith.constant 0 : i32
        %cond3A_215 = arith.cmpi ne, %convert_element_type3A_213, %cond3A_214 : i32
        scf.if %cond3A_215 {
          %mul3A_221 = arith.constant 160 : i32
          %mul3A_222 = arith.muli %add3A_210, %mul3A_221 : i32
          %add3A_223 = arith.addi %mul3A_4, %mul3A_222 : i32
          %dma_start3A_224 = arith.constant 0 : i32
          %dma_start3A_225 = tpu.memref_slice %arg2[%add3A_223, %dma_start3A_224] : memref<320000x128xf32, #tpu.memory_space<hbm>> -> memref<160x128xf32, #tpu.memory_space<hbm>>
          %dma_start3A_226 = arith.constant 0 : i32
          %dma_start3A_227 = tpu.memref_slice %arg2[%add3A_223, %dma_start3A_226] : memref<320000x128xf32, #tpu.memory_space<hbm>> -> memref<160x128xf32, #tpu.memory_space<hbm>>
          tpu.enqueue_dma source(%dma_start3A_227 : memref<160x128xf32, #tpu.memory_space<hbm>>) target(%arg18 : memref<160x128xf32, #tpu.memory_space<vmem>>) target_semaphore(%arg24 : memref<!tpu.dma_semaphore, #tpu.memory_space<semaphore_mem>>)
        } else {
        }
        %eq3A_216 = arith.constant 1 : i32
        %eq3A_217 = arith.cmpi eq, %arg0, %eq3A_216 : i32
        %convert_element_type3A_218 = arith.extui %eq3A_217 : i1 to i32
        %cond3A_219 = arith.constant 0 : i32
        %cond3A_220 = arith.cmpi ne, %convert_element_type3A_218, %cond3A_219 : i32
        scf.if %cond3A_220 {
          %dma_start3A_221 = arith.constant 0 : i32
          %dma_start3A_222 = arith.constant 0 : i32
          %dma_start3A_223 = tpu.memref_slice %arg3[%dma_start3A_221, %dma_start3A_222] : memref<10000x128xf32, #tpu.memory_space<hbm>> -> memref<10000x128xf32, #tpu.memory_space<hbm>>
          tpu.enqueue_indirect_dma source(%dma_start3A_223 : memref<10000x128xf32, #tpu.memory_space<hbm>>) target(%arg18 : memref<160x128xf32, #tpu.memory_space<vmem>>) offsets(%arg10 : memref<160xi32, #tpu.memory_space<vmem>>) semaphore(%arg24 : memref<!tpu.dma_semaphore, #tpu.memory_space<semaphore_mem>>)
        } else {
        }
      } else {
      }
      %dma_wait3A_187 = arith.constant 0 : i32
      %dma_wait3A_188 = arith.constant 0 : i32
      %dma_wait3A_189 = tpu.memref_slice %arg2[%dma_wait3A_187, %dma_wait3A_188] : memref<320000x128xf32, #tpu.memory_space<hbm>> -> memref<160x128xf32, #tpu.memory_space<hbm>>
      %dma_wait3A_190 = arith.constant 0 : i32
      %dma_wait3A_191 = arith.constant 0 : i32
      %dma_wait3A_192 = tpu.memref_slice %arg2[%dma_wait3A_190, %dma_wait3A_191] : memref<320000x128xf32, #tpu.memory_space<hbm>> -> memref<160x128xf32, #tpu.memory_space<hbm>>
      tpu.wait_dma2 semaphore(%arg25 : memref<!tpu.dma_semaphore, #tpu.memory_space<semaphore_mem>>) src(%dma_wait3A_192 : memref<160x128xf32, #tpu.memory_space<hbm>>) dst(%arg19 : memref<160x128xf32, #tpu.memory_space<vmem>>)
      "tpu.region"() ({
        %run_scoped3A = tpu.sem_alloc : memref<!tpu.dma_semaphore, #tpu.memory_space<semaphore_mem>>
        %dma_start3A_200 = arith.constant 0 : i32
        %dma_start3A_201 = arith.constant 0 : i32
        %dma_start3A_202 = tpu.memref_slice %arg9[%dma_start3A_200, %dma_start3A_201] : memref<10240x128xf32, #tpu.memory_space<vmem_shared>> -> memref<10240x128xf32, #tpu.memory_space<vmem_shared>>
        tpu.enqueue_indirect_dma source(%arg19 : memref<160x128xf32, #tpu.memory_space<vmem>>) target(%dma_start3A_202 : memref<10240x128xf32, #tpu.memory_space<vmem_shared>>) offsets(%arg17 : memref<160xi32, #tpu.memory_space<vmem>>) semaphore(%run_scoped3A : memref<!tpu.dma_semaphore, #tpu.memory_space<semaphore_mem>>) {add = true}
        %dma_wait3A_203 = arith.constant 0 : i32
        %dma_wait3A_204 = arith.constant 0 : i32
        %dma_wait3A_205 = tpu.memref_slice %arg9[%dma_wait3A_203, %dma_wait3A_204] : memref<10240x128xf32, #tpu.memory_space<vmem_shared>> -> memref<10240x128xf32, #tpu.memory_space<vmem_shared>>
        tpu.wait_indirect_dma semaphore(%run_scoped3A : memref<!tpu.dma_semaphore, #tpu.memory_space<semaphore_mem>>) src(%arg19 : memref<160x128xf32, #tpu.memory_space<vmem>>) dst(%dma_wait3A_205 : memref<10240x128xf32, #tpu.memory_space<vmem_shared>>)
        tpu.yield
      }) : () -> ()
      %add3A_193 = arith.constant 7 : i32
      %add3A_194 = arith.addi %mul3A_78, %add3A_193 : i32
      %lt3A_195 = arith.constant 125 : i32
      %lt3A_196 = arith.cmpi slt, %add3A_194, %lt3A_195 : i32
      %convert_element_type3A_197 = arith.extui %lt3A_196 : i1 to i32
      %cond3A_198 = arith.constant 0 : i32
      %cond3A_199 = arith.cmpi ne, %convert_element_type3A_197, %cond3A_198 : i32
      scf.if %cond3A_199 {
        %add3A_200 = arith.constant 7 : i32
        %add3A_201 = arith.addi %mul3A_78, %add3A_200 : i32
        %mul3A_202 = arith.constant 160 : i32
        %mul3A_203 = arith.muli %add3A_201, %mul3A_202 : i32
        %add3A_204 = arith.addi %mul3A_4, %mul3A_203 : i32
        %dma_start3A_205 = tpu.memref_slice %arg5[%add3A_204] : memref<320000xi32, #tpu.memory_space<hbm>> -> memref<160xi32, #tpu.memory_space<hbm>>
        %dma_start3A_206 = tpu.memref_slice %arg5[%add3A_204] : memref<320000xi32, #tpu.memory_space<hbm>> -> memref<160xi32, #tpu.memory_space<hbm>>
        tpu.enqueue_dma source(%dma_start3A_206 : memref<160xi32, #tpu.memory_space<hbm>>) target(%arg17 : memref<160xi32, #tpu.memory_space<vmem>>) target_semaphore(%arg23 : memref<!tpu.dma_semaphore, #tpu.memory_space<semaphore_mem>>)
        %eq3A_207 = arith.constant 1 : i32
        %eq3A_208 = arith.cmpi eq, %arg0, %eq3A_207 : i32
        %convert_element_type3A_209 = arith.extui %eq3A_208 : i1 to i32
        %cond3A_210 = arith.constant 0 : i32
        %cond3A_211 = arith.cmpi ne, %convert_element_type3A_209, %cond3A_210 : i32
        scf.if %cond3A_211 {
          %dma_start3A_212 = tpu.memref_slice %arg4[%add3A_204] : memref<320000xi32, #tpu.memory_space<hbm>> -> memref<160xi32, #tpu.memory_space<hbm>>
          %dma_start3A_213 = tpu.memref_slice %arg4[%add3A_204] : memref<320000xi32, #tpu.memory_space<hbm>> -> memref<160xi32, #tpu.memory_space<hbm>>
          tpu.enqueue_dma source(%dma_start3A_213 : memref<160xi32, #tpu.memory_space<hbm>>) target(%arg13 : memref<160xi32, #tpu.memory_space<vmem>>) target_semaphore(%arg23 : memref<!tpu.dma_semaphore, #tpu.memory_space<semaphore_mem>>)
        } else {
        }
      } else {
      }
    }
    %scan3A_58 = arith.constant 31 : i32
    %dma_wait3A_59 = arith.constant 0 : i32
    %dma_wait3A_60 = arith.constant 0 : i32
    %dma_wait3A_61 = tpu.memref_slice %arg2[%dma_wait3A_59, %dma_wait3A_60] : memref<320000x128xf32, #tpu.memory_space<hbm>> -> memref<160x128xf32, #tpu.memory_space<hbm>>
    %dma_wait3A_62 = arith.constant 0 : i32
    %dma_wait3A_63 = arith.constant 0 : i32
    %dma_wait3A_64 = tpu.memref_slice %arg2[%dma_wait3A_62, %dma_wait3A_63] : memref<320000x128xf32, #tpu.memory_space<hbm>> -> memref<160x128xf32, #tpu.memory_space<hbm>>
    tpu.wait_dma2 semaphore(%arg24 : memref<!tpu.dma_semaphore, #tpu.memory_space<semaphore_mem>>) src(%dma_wait3A_64 : memref<160x128xf32, #tpu.memory_space<hbm>>) dst(%arg18 : memref<160x128xf32, #tpu.memory_space<vmem>>)
    "tpu.region"() ({
      %run_scoped3A = tpu.sem_alloc : memref<!tpu.dma_semaphore, #tpu.memory_space<semaphore_mem>>
      %dma_start3A_76 = arith.constant 0 : i32
      %dma_start3A_77 = arith.constant 0 : i32
      %dma_start3A_78 = tpu.memref_slice %arg9[%dma_start3A_76, %dma_start3A_77] : memref<10240x128xf32, #tpu.memory_space<vmem_shared>> -> memref<10240x128xf32, #tpu.memory_space<vmem_shared>>
      tpu.enqueue_indirect_dma source(%arg18 : memref<160x128xf32, #tpu.memory_space<vmem>>) target(%dma_start3A_78 : memref<10240x128xf32, #tpu.memory_space<vmem_shared>>) offsets(%arg14 : memref<160xi32, #tpu.memory_space<vmem>>) semaphore(%run_scoped3A : memref<!tpu.dma_semaphore, #tpu.memory_space<semaphore_mem>>) {add = true}
      %dma_wait3A_79 = arith.constant 0 : i32
      %dma_wait3A_80 = arith.constant 0 : i32
      %dma_wait3A_81 = tpu.memref_slice %arg9[%dma_wait3A_79, %dma_wait3A_80] : memref<10240x128xf32, #tpu.memory_space<vmem_shared>> -> memref<10240x128xf32, #tpu.memory_space<vmem_shared>>
      tpu.wait_indirect_dma semaphore(%run_scoped3A : memref<!tpu.dma_semaphore, #tpu.memory_space<semaphore_mem>>) src(%arg18 : memref<160x128xf32, #tpu.memory_space<vmem>>) dst(%dma_wait3A_81 : memref<10240x128xf32, #tpu.memory_space<vmem_shared>>)
      tpu.yield
    }) : () -> ()
    %barrier3A_65 = arith.constant 0 : index
    tpu.barrier barrier_id(%barrier3A_65)
    %eq3A_66 = arith.constant 0 : i32
    %eq3A_67 = arith.cmpi eq, %arg0, %eq3A_66 : i32
    %convert_element_type3A_68 = arith.extui %eq3A_67 : i1 to i32
    %cond3A_69 = arith.constant 0 : i32
    %cond3A_70 = arith.cmpi ne, %convert_element_type3A_68, %cond3A_69 : i32
    scf.if %cond3A_70 {
      %mul3A_76 = arith.constant 640 : i32
      %mul3A_77 = arith.muli %arg1, %mul3A_76 : i32
      %mul3A_78 = arith.constant 640 : i32
      %mul3A_79 = arith.muli %arg1, %mul3A_78 : i32
      "tpu.region"() ({
        %run_scoped3A = tpu.sem_alloc : memref<!tpu.dma_semaphore, #tpu.memory_space<semaphore_mem>>
        %dma_start3A_80 = arith.constant 0 : i32
        %dma_start3A_81 = tpu.memref_slice %arg7[%mul3A_79, %dma_start3A_80] : memref<10240x128xf32, #tpu.memory_space<hbm>> -> memref<640x128xf32, #tpu.memory_space<hbm>>
        %dma_start3A_82 = arith.constant 0 : i32
        %dma_start3A_83 = tpu.memref_slice %arg9[%mul3A_77, %dma_start3A_82] : memref<10240x128xf32, #tpu.memory_space<vmem_shared>> -> memref<640x128xf32, #tpu.memory_space<vmem_shared>>
        tpu.enqueue_dma source(%dma_start3A_83 : memref<640x128xf32, #tpu.memory_space<vmem_shared>>) target(%dma_start3A_81 : memref<640x128xf32, #tpu.memory_space<hbm>>) target_semaphore(%run_scoped3A : memref<!tpu.dma_semaphore, #tpu.memory_space<semaphore_mem>>)
        %dma_wait3A_84 = arith.constant 0 : i32
        %dma_wait3A_85 = tpu.memref_slice %arg7[%mul3A_79, %dma_wait3A_84] : memref<10240x128xf32, #tpu.memory_space<hbm>> -> memref<640x128xf32, #tpu.memory_space<hbm>>
        %dma_wait3A_86 = arith.constant 0 : i32
        %dma_wait3A_87 = tpu.memref_slice %arg9[%mul3A_77, %dma_wait3A_86] : memref<10240x128xf32, #tpu.memory_space<vmem_shared>> -> memref<640x128xf32, #tpu.memory_space<vmem_shared>>
        tpu.wait_dma2 semaphore(%run_scoped3A : memref<!tpu.dma_semaphore, #tpu.memory_space<semaphore_mem>>) src(%dma_wait3A_87 : memref<640x128xf32, #tpu.memory_space<vmem_shared>>) dst(%dma_wait3A_85 : memref<640x128xf32, #tpu.memory_space<hbm>>)
        tpu.yield
      }) : () -> ()
    } else {
    }
    %eq3A_71 = arith.constant 1 : i32
    %eq3A_72 = arith.cmpi eq, %arg0, %eq3A_71 : i32
    %convert_element_type3A_73 = arith.extui %eq3A_72 : i1 to i32
    %cond3A_74 = arith.constant 0 : i32
    %cond3A_75 = arith.cmpi ne, %convert_element_type3A_73, %cond3A_74 : i32
    scf.if %cond3A_75 {
      %mul3A_76 = arith.constant 640 : i32
      %mul3A_77 = arith.muli %arg1, %mul3A_76 : i32
      %mul3A_78 = arith.constant 640 : i32
      %mul3A_79 = arith.muli %arg1, %mul3A_78 : i32
      "tpu.region"() ({
        %run_scoped3A = tpu.sem_alloc : memref<!tpu.dma_semaphore, #tpu.memory_space<semaphore_mem>>
        %dma_start3A_80 = arith.constant 0 : i32
        %dma_start3A_81 = tpu.memref_slice %arg8[%mul3A_79, %dma_start3A_80] : memref<10240x128xf32, #tpu.memory_space<hbm>> -> memref<640x128xf32, #tpu.memory_space<hbm>>
        %dma_start3A_82 = arith.constant 0 : i32
        %dma_start3A_83 = tpu.memref_slice %arg9[%mul3A_77, %dma_start3A_82] : memref<10240x128xf32, #tpu.memory_space<vmem_shared>> -> memref<640x128xf32, #tpu.memory_space<vmem_shared>>
        tpu.enqueue_dma source(%dma_start3A_83 : memref<640x128xf32, #tpu.memory_space<vmem_shared>>) target(%dma_start3A_81 : memref<640x128xf32, #tpu.memory_space<hbm>>) target_semaphore(%run_scoped3A : memref<!tpu.dma_semaphore, #tpu.memory_space<semaphore_mem>>)
        %dma_wait3A_84 = arith.constant 0 : i32
        %dma_wait3A_85 = tpu.memref_slice %arg8[%mul3A_79, %dma_wait3A_84] : memref<10240x128xf32, #tpu.memory_space<hbm>> -> memref<640x128xf32, #tpu.memory_space<hbm>>
        %dma_wait3A_86 = arith.constant 0 : i32
        %dma_wait3A_87 = tpu.memref_slice %arg9[%mul3A_77, %dma_wait3A_86] : memref<10240x128xf32, #tpu.memory_space<vmem_shared>> -> memref<640x128xf32, #tpu.memory_space<vmem_shared>>
        tpu.wait_dma2 semaphore(%run_scoped3A : memref<!tpu.dma_semaphore, #tpu.memory_space<semaphore_mem>>) src(%dma_wait3A_87 : memref<640x128xf32, #tpu.memory_space<vmem_shared>>) dst(%dma_wait3A_85 : memref<640x128xf32, #tpu.memory_space<hbm>>)
        tpu.yield
      }) : () -> ()
    } else {
    }
    return
  }
}

#map = affine_map<(d0, d1) -> (0, 0)>
#map1 = affine_map<(d0, d1) -> (0)>
module attributes {stable_mosaic.version = 14 : i64} {
  func.func @_edge_body(%arg0: i32, %arg1: i32, %arg2: memref<320000x128xf32, #tpu.memory_space<hbm>>, %arg3: memref<10000x128xf32, #tpu.memory_space<hbm>>, %arg4: memref<320000xi32, #tpu.memory_space<hbm>>, %arg5: memref<320000xi32, #tpu.memory_space<hbm>>, %arg6: memref<10240x128xf32, #tpu.memory_space<hbm>>, %arg7: memref<10240x128xf32, #tpu.memory_space<hbm>>, %arg8: memref<10240x128xf32, #tpu.memory_space<hbm>>, %arg9: memref<10240x128xf32, #tpu.memory_space<vmem_shared>>, %arg10: memref<160xi32, #tpu.memory_space<vmem>>, %arg11: memref<160xi32, #tpu.memory_space<vmem>>, %arg12: memref<160xi32, #tpu.memory_space<vmem>>, %arg13: memref<160xi32, #tpu.memory_space<vmem>>, %arg14: memref<160xi32, #tpu.memory_space<vmem>>, %arg15: memref<160xi32, #tpu.memory_space<vmem>>, %arg16: memref<160xi32, #tpu.memory_space<vmem>>, %arg17: memref<160xi32, #tpu.memory_space<vmem>>, %arg18: memref<160x128xf32, #tpu.memory_space<vmem>>, %arg19: memref<160x128xf32, #tpu.memory_space<vmem>>, %arg20: memref<!tpu.dma_semaphore, #tpu.memory_space<semaphore_mem>>, %arg21: memref<!tpu.dma_semaphore, #tpu.memory_space<semaphore_mem>>, %arg22: memref<!tpu.dma_semaphore, #tpu.memory_space<semaphore_mem>>, %arg23: memref<!tpu.dma_semaphore, #tpu.memory_space<semaphore_mem>>, %arg24: memref<!tpu.dma_semaphore, #tpu.memory_space<semaphore_mem>>, %arg25: memref<!tpu.dma_semaphore, #tpu.memory_space<semaphore_mem>>) attributes {dimension_semantics = [#tpu.dimension_semantics<core_parallel>, #tpu.dimension_semantics<subcore_parallel>], iteration_bounds = array<i64: 2, 16>, scalar_prefetch = 0 : i64, scratch_operands = 17 : i64, tpu.core_type = #tpu.core_type<sc_vector_subcore>, window_params = [{transform_indices = #map}, {transform_indices = #map}, {transform_indices = #map1}, {transform_indices = #map1}, {transform_indices = #map}, {transform_indices = #map}, {transform_indices = #map}]} {
    %mul3A = arith.constant 640 : i32
    %mul3A_0 = arith.muli %arg1, %mul3A : i32
    %mul3A_1 = arith.constant 640 : i32
    %mul3A_2 = arith.muli %arg1, %mul3A_1 : i32
    "tpu.region"() ({
      %run_scoped3A = tpu.sem_alloc : memref<!tpu.dma_semaphore, #tpu.memory_space<semaphore_mem>>
      %dma_start3A_76 = arith.constant 0 : i32
      %dma_start3A_77 = tpu.memref_slice %arg9[%mul3A_2, %dma_start3A_76] : memref<10240x128xf32, #tpu.memory_space<vmem_shared>> -> memref<640x128xf32, #tpu.memory_space<vmem_shared>>
      %dma_start3A_78 = arith.constant 0 : i32
      %dma_start3A_79 = tpu.memref_slice %arg6[%mul3A_0, %dma_start3A_78] : memref<10240x128xf32, #tpu.memory_space<hbm>> -> memref<640x128xf32, #tpu.memory_space<hbm>>
      tpu.enqueue_dma source(%dma_start3A_79 : memref<640x128xf32, #tpu.memory_space<hbm>>) target(%dma_start3A_77 : memref<640x128xf32, #tpu.memory_space<vmem_shared>>) target_semaphore(%run_scoped3A : memref<!tpu.dma_semaphore, #tpu.memory_space<semaphore_mem>>)
      %dma_wait3A_80 = arith.constant 0 : i32
      %dma_wait3A_81 = tpu.memref_slice %arg9[%mul3A_2, %dma_wait3A_80] : memref<10240x128xf32, #tpu.memory_space<vmem_shared>> -> memref<640x128xf32, #tpu.memory_space<vmem_shared>>
      %dma_wait3A_82 = arith.constant 0 : i32
      %dma_wait3A_83 = tpu.memref_slice %arg6[%mul3A_0, %dma_wait3A_82] : memref<10240x128xf32, #tpu.memory_space<hbm>> -> memref<640x128xf32, #tpu.memory_space<hbm>>
      tpu.wait_dma2 semaphore(%run_scoped3A : memref<!tpu.dma_semaphore, #tpu.memory_space<semaphore_mem>>) src(%dma_wait3A_83 : memref<640x128xf32, #tpu.memory_space<hbm>>) dst(%dma_wait3A_81 : memref<640x128xf32, #tpu.memory_space<vmem_shared>>)
      tpu.yield
    }) : () -> ()
    %barrier3A = arith.constant 0 : index
    tpu.barrier barrier_id(%barrier3A)
    %mul3A_3 = arith.constant 20000 : i32
    %mul3A_4 = arith.muli %arg1, %mul3A_3 : i32
    %add3A = arith.constant 0 : i32
    %add3A_5 = arith.addi %mul3A_4, %add3A : i32
    %dma_start3A = tpu.memref_slice %arg5[%add3A_5] : memref<320000xi32, #tpu.memory_space<hbm>> -> memref<160xi32, #tpu.memory_space<hbm>>
    %dma_start3A_6 = tpu.memref_slice %arg5[%add3A_5] : memref<320000xi32, #tpu.memory_space<hbm>> -> memref<160xi32, #tpu.memory_space<hbm>>
    tpu.enqueue_dma source(%dma_start3A_6 : memref<160xi32, #tpu.memory_space<hbm>>) target(%arg14 : memref<160xi32, #tpu.memory_space<vmem>>) target_semaphore(%arg20 : memref<!tpu.dma_semaphore, #tpu.memory_space<semaphore_mem>>)
    %eq3A = arith.constant 1 : i32
    %eq3A_7 = arith.cmpi eq, %arg0, %eq3A : i32
    %convert_element_type3A = arith.extui %eq3A_7 : i1 to i32
    %cond3A = arith.constant 0 : i32
    %cond3A_8 = arith.cmpi ne, %convert_element_type3A, %cond3A : i32
    scf.if %cond3A_8 {
      %dma_start3A_76 = tpu.memref_slice %arg4[%add3A_5] : memref<320000xi32, #tpu.memory_space<hbm>> -> memref<160xi32, #tpu.memory_space<hbm>>
      %dma_start3A_77 = tpu.memref_slice %arg4[%add3A_5] : memref<320000xi32, #tpu.memory_space<hbm>> -> memref<160xi32, #tpu.memory_space<hbm>>
      tpu.enqueue_dma source(%dma_start3A_77 : memref<160xi32, #tpu.memory_space<hbm>>) target(%arg10 : memref<160xi32, #tpu.memory_space<vmem>>) target_semaphore(%arg20 : memref<!tpu.dma_semaphore, #tpu.memory_space<semaphore_mem>>)
    } else {
    }
    %add3A_9 = arith.constant 160 : i32
    %add3A_10 = arith.addi %mul3A_4, %add3A_9 : i32
    %dma_start3A_11 = tpu.memref_slice %arg5[%add3A_10] : memref<320000xi32, #tpu.memory_space<hbm>> -> memref<160xi32, #tpu.memory_space<hbm>>
    %dma_start3A_12 = tpu.memref_slice %arg5[%add3A_10] : memref<320000xi32, #tpu.memory_space<hbm>> -> memref<160xi32, #tpu.memory_space<hbm>>
    tpu.enqueue_dma source(%dma_start3A_12 : memref<160xi32, #tpu.memory_space<hbm>>) target(%arg15 : memref<160xi32, #tpu.memory_space<vmem>>) target_semaphore(%arg21 : memref<!tpu.dma_semaphore, #tpu.memory_space<semaphore_mem>>)
    %eq3A_13 = arith.constant 1 : i32
    %eq3A_14 = arith.cmpi eq, %arg0, %eq3A_13 : i32
    %convert_element_type3A_15 = arith.extui %eq3A_14 : i1 to i32
    %cond3A_16 = arith.constant 0 : i32
    %cond3A_17 = arith.cmpi ne, %convert_element_type3A_15, %cond3A_16 : i32
    scf.if %cond3A_17 {
      %dma_start3A_76 = tpu.memref_slice %arg4[%add3A_10] : memref<320000xi32, #tpu.memory_space<hbm>> -> memref<160xi32, #tpu.memory_space<hbm>>
      %dma_start3A_77 = tpu.memref_slice %arg4[%add3A_10] : memref<320000xi32, #tpu.memory_space<hbm>> -> memref<160xi32, #tpu.memory_space<hbm>>
      tpu.enqueue_dma source(%dma_start3A_77 : memref<160xi32, #tpu.memory_space<hbm>>) target(%arg11 : memref<160xi32, #tpu.memory_space<vmem>>) target_semaphore(%arg21 : memref<!tpu.dma_semaphore, #tpu.memory_space<semaphore_mem>>)
    } else {
    }
    %add3A_18 = arith.constant 320 : i32
    %add3A_19 = arith.addi %mul3A_4, %add3A_18 : i32
    %dma_start3A_20 = tpu.memref_slice %arg5[%add3A_19] : memref<320000xi32, #tpu.memory_space<hbm>> -> memref<160xi32, #tpu.memory_space<hbm>>
    %dma_start3A_21 = tpu.memref_slice %arg5[%add3A_19] : memref<320000xi32, #tpu.memory_space<hbm>> -> memref<160xi32, #tpu.memory_space<hbm>>
    tpu.enqueue_dma source(%dma_start3A_21 : memref<160xi32, #tpu.memory_space<hbm>>) target(%arg16 : memref<160xi32, #tpu.memory_space<vmem>>) target_semaphore(%arg22 : memref<!tpu.dma_semaphore, #tpu.memory_space<semaphore_mem>>)
    %eq3A_22 = arith.constant 1 : i32
    %eq3A_23 = arith.cmpi eq, %arg0, %eq3A_22 : i32
    %convert_element_type3A_24 = arith.extui %eq3A_23 : i1 to i32
    %cond3A_25 = arith.constant 0 : i32
    %cond3A_26 = arith.cmpi ne, %convert_element_type3A_24, %cond3A_25 : i32
    scf.if %cond3A_26 {
      %dma_start3A_76 = tpu.memref_slice %arg4[%add3A_19] : memref<320000xi32, #tpu.memory_space<hbm>> -> memref<160xi32, #tpu.memory_space<hbm>>
      %dma_start3A_77 = tpu.memref_slice %arg4[%add3A_19] : memref<320000xi32, #tpu.memory_space<hbm>> -> memref<160xi32, #tpu.memory_space<hbm>>
      tpu.enqueue_dma source(%dma_start3A_77 : memref<160xi32, #tpu.memory_space<hbm>>) target(%arg12 : memref<160xi32, #tpu.memory_space<vmem>>) target_semaphore(%arg22 : memref<!tpu.dma_semaphore, #tpu.memory_space<semaphore_mem>>)
    } else {
    }
    %add3A_27 = arith.constant 480 : i32
    %add3A_28 = arith.addi %mul3A_4, %add3A_27 : i32
    %dma_start3A_29 = tpu.memref_slice %arg5[%add3A_28] : memref<320000xi32, #tpu.memory_space<hbm>> -> memref<160xi32, #tpu.memory_space<hbm>>
    %dma_start3A_30 = tpu.memref_slice %arg5[%add3A_28] : memref<320000xi32, #tpu.memory_space<hbm>> -> memref<160xi32, #tpu.memory_space<hbm>>
    tpu.enqueue_dma source(%dma_start3A_30 : memref<160xi32, #tpu.memory_space<hbm>>) target(%arg17 : memref<160xi32, #tpu.memory_space<vmem>>) target_semaphore(%arg23 : memref<!tpu.dma_semaphore, #tpu.memory_space<semaphore_mem>>)
    %eq3A_31 = arith.constant 1 : i32
    %eq3A_32 = arith.cmpi eq, %arg0, %eq3A_31 : i32
    %convert_element_type3A_33 = arith.extui %eq3A_32 : i1 to i32
    %cond3A_34 = arith.constant 0 : i32
    %cond3A_35 = arith.cmpi ne, %convert_element_type3A_33, %cond3A_34 : i32
    scf.if %cond3A_35 {
      %dma_start3A_76 = tpu.memref_slice %arg4[%add3A_28] : memref<320000xi32, #tpu.memory_space<hbm>> -> memref<160xi32, #tpu.memory_space<hbm>>
      %dma_start3A_77 = tpu.memref_slice %arg4[%add3A_28] : memref<320000xi32, #tpu.memory_space<hbm>> -> memref<160xi32, #tpu.memory_space<hbm>>
      tpu.enqueue_dma source(%dma_start3A_77 : memref<160xi32, #tpu.memory_space<hbm>>) target(%arg13 : memref<160xi32, #tpu.memory_space<vmem>>) target_semaphore(%arg23 : memref<!tpu.dma_semaphore, #tpu.memory_space<semaphore_mem>>)
    } else {
    }
    %dma_wait3A = arith.constant 0 : i32
    %dma_wait3A_36 = tpu.memref_slice %arg5[%dma_wait3A] : memref<320000xi32, #tpu.memory_space<hbm>> -> memref<160xi32, #tpu.memory_space<hbm>>
    %dma_wait3A_37 = arith.constant 0 : i32
    %dma_wait3A_38 = tpu.memref_slice %arg5[%dma_wait3A_37] : memref<320000xi32, #tpu.memory_space<hbm>> -> memref<160xi32, #tpu.memory_space<hbm>>
    tpu.wait_dma2 semaphore(%arg20 : memref<!tpu.dma_semaphore, #tpu.memory_space<semaphore_mem>>) src(%dma_wait3A_38 : memref<160xi32, #tpu.memory_space<hbm>>) dst(%arg14 : memref<160xi32, #tpu.memory_space<vmem>>)
    %eq3A_39 = arith.constant 1 : i32
    %eq3A_40 = arith.cmpi eq, %arg0, %eq3A_39 : i32
    %convert_element_type3A_41 = arith.extui %eq3A_40 : i1 to i32
    %cond3A_42 = arith.constant 0 : i32
    %cond3A_43 = arith.cmpi ne, %convert_element_type3A_41, %cond3A_42 : i32
    scf.if %cond3A_43 {
      %dma_wait3A_76 = arith.constant 0 : i32
      %dma_wait3A_77 = tpu.memref_slice %arg4[%dma_wait3A_76] : memref<320000xi32, #tpu.memory_space<hbm>> -> memref<160xi32, #tpu.memory_space<hbm>>
      %dma_wait3A_78 = arith.constant 0 : i32
      %dma_wait3A_79 = tpu.memref_slice %arg4[%dma_wait3A_78] : memref<320000xi32, #tpu.memory_space<hbm>> -> memref<160xi32, #tpu.memory_space<hbm>>
      tpu.wait_dma2 semaphore(%arg20 : memref<!tpu.dma_semaphore, #tpu.memory_space<semaphore_mem>>) src(%dma_wait3A_79 : memref<160xi32, #tpu.memory_space<hbm>>) dst(%arg10 : memref<160xi32, #tpu.memory_space<vmem>>)
    } else {
    }
    %eq3A_44 = arith.constant 0 : i32
    %eq3A_45 = arith.cmpi eq, %arg0, %eq3A_44 : i32
    %convert_element_type3A_46 = arith.extui %eq3A_45 : i1 to i32
    %cond3A_47 = arith.constant 0 : i32
    %cond3A_48 = arith.cmpi ne, %convert_element_type3A_46, %cond3A_47 : i32
    scf.if %cond3A_48 {
      %add3A_76 = arith.constant 0 : i32
      %add3A_77 = arith.addi %mul3A_4, %add3A_76 : i32
      %dma_start3A_78 = arith.constant 0 : i32
      %dma_start3A_79 = tpu.memref_slice %arg2[%add3A_77, %dma_start3A_78] : memref<320000x128xf32, #tpu.memory_space<hbm>> -> memref<160x128xf32, #tpu.memory_space<hbm>>
      %dma_start3A_80 = arith.constant 0 : i32
      %dma_start3A_81 = tpu.memref_slice %arg2[%add3A_77, %dma_start3A_80] : memref<320000x128xf32, #tpu.memory_space<hbm>> -> memref<160x128xf32, #tpu.memory_space<hbm>>
      tpu.enqueue_dma source(%dma_start3A_81 : memref<160x128xf32, #tpu.memory_space<hbm>>) target(%arg18 : memref<160x128xf32, #tpu.memory_space<vmem>>) target_semaphore(%arg24 : memref<!tpu.dma_semaphore, #tpu.memory_space<semaphore_mem>>)
    } else {
    }
    %eq3A_49 = arith.constant 1 : i32
    %eq3A_50 = arith.cmpi eq, %arg0, %eq3A_49 : i32
    %convert_element_type3A_51 = arith.extui %eq3A_50 : i1 to i32
    %cond3A_52 = arith.constant 0 : i32
    %cond3A_53 = arith.cmpi ne, %convert_element_type3A_51, %cond3A_52 : i32
    scf.if %cond3A_53 {
      %dma_start3A_76 = arith.constant 0 : i32
      %dma_start3A_77 = arith.constant 0 : i32
      %dma_start3A_78 = tpu.memref_slice %arg3[%dma_start3A_76, %dma_start3A_77] : memref<10000x128xf32, #tpu.memory_space<hbm>> -> memref<10000x128xf32, #tpu.memory_space<hbm>>
      tpu.enqueue_indirect_dma source(%dma_start3A_78 : memref<10000x128xf32, #tpu.memory_space<hbm>>) target(%arg18 : memref<160x128xf32, #tpu.memory_space<vmem>>) offsets(%arg10 : memref<160xi32, #tpu.memory_space<vmem>>) semaphore(%arg24 : memref<!tpu.dma_semaphore, #tpu.memory_space<semaphore_mem>>)
    } else {
    }
    %scan3A = arith.constant 0 : i32
    %scan3A_54 = arith.constant 0 : i32
    %scan3A_55 = arith.constant 31 : i32
    %scan3A_56 = arith.addi %scan3A_54, %scan3A_55 : i32
    %scan3A_57 = arith.constant 1 : i32
    scf.for %scan3A_76 = %scan3A_54 to %scan3A_56 step %scan3A_57  : i32 {
      %mul3A_77 = arith.constant 4 : i32
      %mul3A_78 = arith.muli %mul3A_77, %scan3A_76 : i32
      %dma_wait3A_79 = arith.constant 0 : i32
      %dma_wait3A_80 = tpu.memref_slice %arg5[%dma_wait3A_79] : memref<320000xi32, #tpu.memory_space<hbm>> -> memref<160xi32, #tpu.memory_space<hbm>>
      %dma_wait3A_81 = arith.constant 0 : i32
      %dma_wait3A_82 = tpu.memref_slice %arg5[%dma_wait3A_81] : memref<320000xi32, #tpu.memory_space<hbm>> -> memref<160xi32, #tpu.memory_space<hbm>>
      tpu.wait_dma2 semaphore(%arg21 : memref<!tpu.dma_semaphore, #tpu.memory_space<semaphore_mem>>) src(%dma_wait3A_82 : memref<160xi32, #tpu.memory_space<hbm>>) dst(%arg15 : memref<160xi32, #tpu.memory_space<vmem>>)
      %eq3A_83 = arith.constant 1 : i32
      %eq3A_84 = arith.cmpi eq, %arg0, %eq3A_83 : i32
      %convert_element_type3A_85 = arith.extui %eq3A_84 : i1 to i32
      %cond3A_86 = arith.constant 0 : i32
      %cond3A_87 = arith.cmpi ne, %convert_element_type3A_85, %cond3A_86 : i32
      scf.if %cond3A_87 {
        %dma_wait3A_200 = arith.constant 0 : i32
        %dma_wait3A_201 = tpu.memref_slice %arg4[%dma_wait3A_200] : memref<320000xi32, #tpu.memory_space<hbm>> -> memref<160xi32, #tpu.memory_space<hbm>>
        %dma_wait3A_202 = arith.constant 0 : i32
        %dma_wait3A_203 = tpu.memref_slice %arg4[%dma_wait3A_202] : memref<320000xi32, #tpu.memory_space<hbm>> -> memref<160xi32, #tpu.memory_space<hbm>>
        tpu.wait_dma2 semaphore(%arg21 : memref<!tpu.dma_semaphore, #tpu.memory_space<semaphore_mem>>) src(%dma_wait3A_203 : memref<160xi32, #tpu.memory_space<hbm>>) dst(%arg11 : memref<160xi32, #tpu.memory_space<vmem>>)
      } else {
      }
      %add3A_88 = arith.constant 1 : i32
      %add3A_89 = arith.addi %mul3A_78, %add3A_88 : i32
      %eq3A_90 = arith.constant 0 : i32
      %eq3A_91 = arith.cmpi eq, %arg0, %eq3A_90 : i32
      %convert_element_type3A_92 = arith.extui %eq3A_91 : i1 to i32
      %cond3A_93 = arith.constant 0 : i32
      %cond3A_94 = arith.cmpi ne, %convert_element_type3A_92, %cond3A_93 : i32
      scf.if %cond3A_94 {
        %mul3A_200 = arith.constant 160 : i32
        %mul3A_201 = arith.muli %add3A_89, %mul3A_200 : i32
        %add3A_202 = arith.addi %mul3A_4, %mul3A_201 : i32
        %dma_start3A_203 = arith.constant 0 : i32
        %dma_start3A_204 = tpu.memref_slice %arg2[%add3A_202, %dma_start3A_203] : memref<320000x128xf32, #tpu.memory_space<hbm>> -> memref<160x128xf32, #tpu.memory_space<hbm>>
        %dma_start3A_205 = arith.constant 0 : i32
        %dma_start3A_206 = tpu.memref_slice %arg2[%add3A_202, %dma_start3A_205] : memref<320000x128xf32, #tpu.memory_space<hbm>> -> memref<160x128xf32, #tpu.memory_space<hbm>>
        tpu.enqueue_dma source(%dma_start3A_206 : memref<160x128xf32, #tpu.memory_space<hbm>>) target(%arg19 : memref<160x128xf32, #tpu.memory_space<vmem>>) target_semaphore(%arg25 : memref<!tpu.dma_semaphore, #tpu.memory_space<semaphore_mem>>)
      } else {
      }
      %eq3A_95 = arith.constant 1 : i32
      %eq3A_96 = arith.cmpi eq, %arg0, %eq3A_95 : i32
      %convert_element_type3A_97 = arith.extui %eq3A_96 : i1 to i32
      %cond3A_98 = arith.constant 0 : i32
      %cond3A_99 = arith.cmpi ne, %convert_element_type3A_97, %cond3A_98 : i32
      scf.if %cond3A_99 {
        %dma_start3A_200 = arith.constant 0 : i32
        %dma_start3A_201 = arith.constant 0 : i32
        %dma_start3A_202 = tpu.memref_slice %arg3[%dma_start3A_200, %dma_start3A_201] : memref<10000x128xf32, #tpu.memory_space<hbm>> -> memref<10000x128xf32, #tpu.memory_space<hbm>>
        tpu.enqueue_indirect_dma source(%dma_start3A_202 : memref<10000x128xf32, #tpu.memory_space<hbm>>) target(%arg19 : memref<160x128xf32, #tpu.memory_space<vmem>>) offsets(%arg11 : memref<160xi32, #tpu.memory_space<vmem>>) semaphore(%arg25 : memref<!tpu.dma_semaphore, #tpu.memory_space<semaphore_mem>>)
      } else {
      }
      %dma_wait3A_100 = arith.constant 0 : i32
      %dma_wait3A_101 = arith.constant 0 : i32
      %dma_wait3A_102 = tpu.memref_slice %arg2[%dma_wait3A_100, %dma_wait3A_101] : memref<320000x128xf32, #tpu.memory_space<hbm>> -> memref<160x128xf32, #tpu.memory_space<hbm>>
      %dma_wait3A_103 = arith.constant 0 : i32
      %dma_wait3A_104 = arith.constant 0 : i32
      %dma_wait3A_105 = tpu.memref_slice %arg2[%dma_wait3A_103, %dma_wait3A_104] : memref<320000x128xf32, #tpu.memory_space<hbm>> -> memref<160x128xf32, #tpu.memory_space<hbm>>
      tpu.wait_dma2 semaphore(%arg24 : memref<!tpu.dma_semaphore, #tpu.memory_space<semaphore_mem>>) src(%dma_wait3A_105 : memref<160x128xf32, #tpu.memory_space<hbm>>) dst(%arg18 : memref<160x128xf32, #tpu.memory_space<vmem>>)
      "tpu.region"() ({
        %run_scoped3A = tpu.sem_alloc : memref<!tpu.dma_semaphore, #tpu.memory_space<semaphore_mem>>
        %dma_start3A_200 = arith.constant 0 : i32
        %dma_start3A_201 = arith.constant 0 : i32
        %dma_start3A_202 = tpu.memref_slice %arg9[%dma_start3A_200, %dma_start3A_201] : memref<10240x128xf32, #tpu.memory_space<vmem_shared>> -> memref<10240x128xf32, #tpu.memory_space<vmem_shared>>
        tpu.enqueue_indirect_dma source(%arg18 : memref<160x128xf32, #tpu.memory_space<vmem>>) target(%dma_start3A_202 : memref<10240x128xf32, #tpu.memory_space<vmem_shared>>) offsets(%arg14 : memref<160xi32, #tpu.memory_space<vmem>>) semaphore(%run_scoped3A : memref<!tpu.dma_semaphore, #tpu.memory_space<semaphore_mem>>) {add = true}
        %dma_wait3A_203 = arith.constant 0 : i32
        %dma_wait3A_204 = arith.constant 0 : i32
        %dma_wait3A_205 = tpu.memref_slice %arg9[%dma_wait3A_203, %dma_wait3A_204] : memref<10240x128xf32, #tpu.memory_space<vmem_shared>> -> memref<10240x128xf32, #tpu.memory_space<vmem_shared>>
        tpu.wait_indirect_dma semaphore(%run_scoped3A : memref<!tpu.dma_semaphore, #tpu.memory_space<semaphore_mem>>) src(%arg18 : memref<160x128xf32, #tpu.memory_space<vmem>>) dst(%dma_wait3A_205 : memref<10240x128xf32, #tpu.memory_space<vmem_shared>>)
        tpu.yield
      }) : () -> ()
      %add3A_106 = arith.constant 4 : i32
      %add3A_107 = arith.addi %mul3A_78, %add3A_106 : i32
      %lt3A = arith.constant 125 : i32
      %lt3A_108 = arith.cmpi slt, %add3A_107, %lt3A : i32
      %convert_element_type3A_109 = arith.extui %lt3A_108 : i1 to i32
      %cond3A_110 = arith.constant 0 : i32
      %cond3A_111 = arith.cmpi ne, %convert_element_type3A_109, %cond3A_110 : i32
      scf.if %cond3A_111 {
        %add3A_200 = arith.constant 4 : i32
        %add3A_201 = arith.addi %mul3A_78, %add3A_200 : i32
        %mul3A_202 = arith.constant 160 : i32
        %mul3A_203 = arith.muli %add3A_201, %mul3A_202 : i32
        %add3A_204 = arith.addi %mul3A_4, %mul3A_203 : i32
        %dma_start3A_205 = tpu.memref_slice %arg5[%add3A_204] : memref<320000xi32, #tpu.memory_space<hbm>> -> memref<160xi32, #tpu.memory_space<hbm>>
        %dma_start3A_206 = tpu.memref_slice %arg5[%add3A_204] : memref<320000xi32, #tpu.memory_space<hbm>> -> memref<160xi32, #tpu.memory_space<hbm>>
        tpu.enqueue_dma source(%dma_start3A_206 : memref<160xi32, #tpu.memory_space<hbm>>) target(%arg14 : memref<160xi32, #tpu.memory_space<vmem>>) target_semaphore(%arg20 : memref<!tpu.dma_semaphore, #tpu.memory_space<semaphore_mem>>)
        %eq3A_207 = arith.constant 1 : i32
        %eq3A_208 = arith.cmpi eq, %arg0, %eq3A_207 : i32
        %convert_element_type3A_209 = arith.extui %eq3A_208 : i1 to i32
        %cond3A_210 = arith.constant 0 : i32
        %cond3A_211 = arith.cmpi ne, %convert_element_type3A_209, %cond3A_210 : i32
        scf.if %cond3A_211 {
          %dma_start3A_212 = tpu.memref_slice %arg4[%add3A_204] : memref<320000xi32, #tpu.memory_space<hbm>> -> memref<160xi32, #tpu.memory_space<hbm>>
          %dma_start3A_213 = tpu.memref_slice %arg4[%add3A_204] : memref<320000xi32, #tpu.memory_space<hbm>> -> memref<160xi32, #tpu.memory_space<hbm>>
          tpu.enqueue_dma source(%dma_start3A_213 : memref<160xi32, #tpu.memory_space<hbm>>) target(%arg10 : memref<160xi32, #tpu.memory_space<vmem>>) target_semaphore(%arg20 : memref<!tpu.dma_semaphore, #tpu.memory_space<semaphore_mem>>)
        } else {
        }
      } else {
      }
      %dma_wait3A_112 = arith.constant 0 : i32
      %dma_wait3A_113 = tpu.memref_slice %arg5[%dma_wait3A_112] : memref<320000xi32, #tpu.memory_space<hbm>> -> memref<160xi32, #tpu.memory_space<hbm>>
      %dma_wait3A_114 = arith.constant 0 : i32
      %dma_wait3A_115 = tpu.memref_slice %arg5[%dma_wait3A_114] : memref<320000xi32, #tpu.memory_space<hbm>> -> memref<160xi32, #tpu.memory_space<hbm>>
      tpu.wait_dma2 semaphore(%arg22 : memref<!tpu.dma_semaphore, #tpu.memory_space<semaphore_mem>>) src(%dma_wait3A_115 : memref<160xi32, #tpu.memory_space<hbm>>) dst(%arg16 : memref<160xi32, #tpu.memory_space<vmem>>)
      %eq3A_116 = arith.constant 1 : i32
      %eq3A_117 = arith.cmpi eq, %arg0, %eq3A_116 : i32
      %convert_element_type3A_118 = arith.extui %eq3A_117 : i1 to i32
      %cond3A_119 = arith.constant 0 : i32
      %cond3A_120 = arith.cmpi ne, %convert_element_type3A_118, %cond3A_119 : i32
      scf.if %cond3A_120 {
        %dma_wait3A_200 = arith.constant 0 : i32
        %dma_wait3A_201 = tpu.memref_slice %arg4[%dma_wait3A_200] : memref<320000xi32, #tpu.memory_space<hbm>> -> memref<160xi32, #tpu.memory_space<hbm>>
        %dma_wait3A_202 = arith.constant 0 : i32
        %dma_wait3A_203 = tpu.memref_slice %arg4[%dma_wait3A_202] : memref<320000xi32, #tpu.memory_space<hbm>> -> memref<160xi32, #tpu.memory_space<hbm>>
        tpu.wait_dma2 semaphore(%arg22 : memref<!tpu.dma_semaphore, #tpu.memory_space<semaphore_mem>>) src(%dma_wait3A_203 : memref<160xi32, #tpu.memory_space<hbm>>) dst(%arg12 : memref<160xi32, #tpu.memory_space<vmem>>)
      } else {
      }
      %add3A_121 = arith.constant 2 : i32
      %add3A_122 = arith.addi %mul3A_78, %add3A_121 : i32
      %eq3A_123 = arith.constant 0 : i32
      %eq3A_124 = arith.cmpi eq, %arg0, %eq3A_123 : i32
      %convert_element_type3A_125 = arith.extui %eq3A_124 : i1 to i32
      %cond3A_126 = arith.constant 0 : i32
      %cond3A_127 = arith.cmpi ne, %convert_element_type3A_125, %cond3A_126 : i32
      scf.if %cond3A_127 {
        %mul3A_200 = arith.constant 160 : i32
        %mul3A_201 = arith.muli %add3A_122, %mul3A_200 : i32
        %add3A_202 = arith.addi %mul3A_4, %mul3A_201 : i32
        %dma_start3A_203 = arith.constant 0 : i32
        %dma_start3A_204 = tpu.memref_slice %arg2[%add3A_202, %dma_start3A_203] : memref<320000x128xf32, #tpu.memory_space<hbm>> -> memref<160x128xf32, #tpu.memory_space<hbm>>
        %dma_start3A_205 = arith.constant 0 : i32
        %dma_start3A_206 = tpu.memref_slice %arg2[%add3A_202, %dma_start3A_205] : memref<320000x128xf32, #tpu.memory_space<hbm>> -> memref<160x128xf32, #tpu.memory_space<hbm>>
        tpu.enqueue_dma source(%dma_start3A_206 : memref<160x128xf32, #tpu.memory_space<hbm>>) target(%arg18 : memref<160x128xf32, #tpu.memory_space<vmem>>) target_semaphore(%arg24 : memref<!tpu.dma_semaphore, #tpu.memory_space<semaphore_mem>>)
      } else {
      }
      %eq3A_128 = arith.constant 1 : i32
      %eq3A_129 = arith.cmpi eq, %arg0, %eq3A_128 : i32
      %convert_element_type3A_130 = arith.extui %eq3A_129 : i1 to i32
      %cond3A_131 = arith.constant 0 : i32
      %cond3A_132 = arith.cmpi ne, %convert_element_type3A_130, %cond3A_131 : i32
      scf.if %cond3A_132 {
        %dma_start3A_200 = arith.constant 0 : i32
        %dma_start3A_201 = arith.constant 0 : i32
        %dma_start3A_202 = tpu.memref_slice %arg3[%dma_start3A_200, %dma_start3A_201] : memref<10000x128xf32, #tpu.memory_space<hbm>> -> memref<10000x128xf32, #tpu.memory_space<hbm>>
        tpu.enqueue_indirect_dma source(%dma_start3A_202 : memref<10000x128xf32, #tpu.memory_space<hbm>>) target(%arg18 : memref<160x128xf32, #tpu.memory_space<vmem>>) offsets(%arg12 : memref<160xi32, #tpu.memory_space<vmem>>) semaphore(%arg24 : memref<!tpu.dma_semaphore, #tpu.memory_space<semaphore_mem>>)
      } else {
      }
      %dma_wait3A_133 = arith.constant 0 : i32
      %dma_wait3A_134 = arith.constant 0 : i32
      %dma_wait3A_135 = tpu.memref_slice %arg2[%dma_wait3A_133, %dma_wait3A_134] : memref<320000x128xf32, #tpu.memory_space<hbm>> -> memref<160x128xf32, #tpu.memory_space<hbm>>
      %dma_wait3A_136 = arith.constant 0 : i32
      %dma_wait3A_137 = arith.constant 0 : i32
      %dma_wait3A_138 = tpu.memref_slice %arg2[%dma_wait3A_136, %dma_wait3A_137] : memref<320000x128xf32, #tpu.memory_space<hbm>> -> memref<160x128xf32, #tpu.memory_space<hbm>>
      tpu.wait_dma2 semaphore(%arg25 : memref<!tpu.dma_semaphore, #tpu.memory_space<semaphore_mem>>) src(%dma_wait3A_138 : memref<160x128xf32, #tpu.memory_space<hbm>>) dst(%arg19 : memref<160x128xf32, #tpu.memory_space<vmem>>)
      "tpu.region"() ({
        %run_scoped3A = tpu.sem_alloc : memref<!tpu.dma_semaphore, #tpu.memory_space<semaphore_mem>>
        %dma_start3A_200 = arith.constant 0 : i32
        %dma_start3A_201 = arith.constant 0 : i32
        %dma_start3A_202 = tpu.memref_slice %arg9[%dma_start3A_200, %dma_start3A_201] : memref<10240x128xf32, #tpu.memory_space<vmem_shared>> -> memref<10240x128xf32, #tpu.memory_space<vmem_shared>>
        tpu.enqueue_indirect_dma source(%arg19 : memref<160x128xf32, #tpu.memory_space<vmem>>) target(%dma_start3A_202 : memref<10240x128xf32, #tpu.memory_space<vmem_shared>>) offsets(%arg15 : memref<160xi32, #tpu.memory_space<vmem>>) semaphore(%run_scoped3A : memref<!tpu.dma_semaphore, #tpu.memory_space<semaphore_mem>>) {add = true}
        %dma_wait3A_203 = arith.constant 0 : i32
        %dma_wait3A_204 = arith.constant 0 : i32
        %dma_wait3A_205 = tpu.memref_slice %arg9[%dma_wait3A_203, %dma_wait3A_204] : memref<10240x128xf32, #tpu.memory_space<vmem_shared>> -> memref<10240x128xf32, #tpu.memory_space<vmem_shared>>
        tpu.wait_indirect_dma semaphore(%run_scoped3A : memref<!tpu.dma_semaphore, #tpu.memory_space<semaphore_mem>>) src(%arg19 : memref<160x128xf32, #tpu.memory_space<vmem>>) dst(%dma_wait3A_205 : memref<10240x128xf32, #tpu.memory_space<vmem_shared>>)
        tpu.yield
      }) : () -> ()
      %add3A_139 = arith.constant 5 : i32
      %add3A_140 = arith.addi %mul3A_78, %add3A_139 : i32
      %lt3A_141 = arith.constant 125 : i32
      %lt3A_142 = arith.cmpi slt, %add3A_140, %lt3A_141 : i32
      %convert_element_type3A_143 = arith.extui %lt3A_142 : i1 to i32
      %cond3A_144 = arith.constant 0 : i32
      %cond3A_145 = arith.cmpi ne, %convert_element_type3A_143, %cond3A_144 : i32
      scf.if %cond3A_145 {
        %add3A_200 = arith.constant 5 : i32
        %add3A_201 = arith.addi %mul3A_78, %add3A_200 : i32
        %mul3A_202 = arith.constant 160 : i32
        %mul3A_203 = arith.muli %add3A_201, %mul3A_202 : i32
        %add3A_204 = arith.addi %mul3A_4, %mul3A_203 : i32
        %dma_start3A_205 = tpu.memref_slice %arg5[%add3A_204] : memref<320000xi32, #tpu.memory_space<hbm>> -> memref<160xi32, #tpu.memory_space<hbm>>
        %dma_start3A_206 = tpu.memref_slice %arg5[%add3A_204] : memref<320000xi32, #tpu.memory_space<hbm>> -> memref<160xi32, #tpu.memory_space<hbm>>
        tpu.enqueue_dma source(%dma_start3A_206 : memref<160xi32, #tpu.memory_space<hbm>>) target(%arg15 : memref<160xi32, #tpu.memory_space<vmem>>) target_semaphore(%arg21 : memref<!tpu.dma_semaphore, #tpu.memory_space<semaphore_mem>>)
        %eq3A_207 = arith.constant 1 : i32
        %eq3A_208 = arith.cmpi eq, %arg0, %eq3A_207 : i32
        %convert_element_type3A_209 = arith.extui %eq3A_208 : i1 to i32
        %cond3A_210 = arith.constant 0 : i32
        %cond3A_211 = arith.cmpi ne, %convert_element_type3A_209, %cond3A_210 : i32
        scf.if %cond3A_211 {
          %dma_start3A_212 = tpu.memref_slice %arg4[%add3A_204] : memref<320000xi32, #tpu.memory_space<hbm>> -> memref<160xi32, #tpu.memory_space<hbm>>
          %dma_start3A_213 = tpu.memref_slice %arg4[%add3A_204] : memref<320000xi32, #tpu.memory_space<hbm>> -> memref<160xi32, #tpu.memory_space<hbm>>
          tpu.enqueue_dma source(%dma_start3A_213 : memref<160xi32, #tpu.memory_space<hbm>>) target(%arg11 : memref<160xi32, #tpu.memory_space<vmem>>) target_semaphore(%arg21 : memref<!tpu.dma_semaphore, #tpu.memory_space<semaphore_mem>>)
        } else {
        }
      } else {
      }
      %dma_wait3A_146 = arith.constant 0 : i32
      %dma_wait3A_147 = tpu.memref_slice %arg5[%dma_wait3A_146] : memref<320000xi32, #tpu.memory_space<hbm>> -> memref<160xi32, #tpu.memory_space<hbm>>
      %dma_wait3A_148 = arith.constant 0 : i32
      %dma_wait3A_149 = tpu.memref_slice %arg5[%dma_wait3A_148] : memref<320000xi32, #tpu.memory_space<hbm>> -> memref<160xi32, #tpu.memory_space<hbm>>
      tpu.wait_dma2 semaphore(%arg23 : memref<!tpu.dma_semaphore, #tpu.memory_space<semaphore_mem>>) src(%dma_wait3A_149 : memref<160xi32, #tpu.memory_space<hbm>>) dst(%arg17 : memref<160xi32, #tpu.memory_space<vmem>>)
      %eq3A_150 = arith.constant 1 : i32
      %eq3A_151 = arith.cmpi eq, %arg0, %eq3A_150 : i32
      %convert_element_type3A_152 = arith.extui %eq3A_151 : i1 to i32
      %cond3A_153 = arith.constant 0 : i32
      %cond3A_154 = arith.cmpi ne, %convert_element_type3A_152, %cond3A_153 : i32
      scf.if %cond3A_154 {
        %dma_wait3A_200 = arith.constant 0 : i32
        %dma_wait3A_201 = tpu.memref_slice %arg4[%dma_wait3A_200] : memref<320000xi32, #tpu.memory_space<hbm>> -> memref<160xi32, #tpu.memory_space<hbm>>
        %dma_wait3A_202 = arith.constant 0 : i32
        %dma_wait3A_203 = tpu.memref_slice %arg4[%dma_wait3A_202] : memref<320000xi32, #tpu.memory_space<hbm>> -> memref<160xi32, #tpu.memory_space<hbm>>
        tpu.wait_dma2 semaphore(%arg23 : memref<!tpu.dma_semaphore, #tpu.memory_space<semaphore_mem>>) src(%dma_wait3A_203 : memref<160xi32, #tpu.memory_space<hbm>>) dst(%arg13 : memref<160xi32, #tpu.memory_space<vmem>>)
      } else {
      }
      %add3A_155 = arith.constant 3 : i32
      %add3A_156 = arith.addi %mul3A_78, %add3A_155 : i32
      %eq3A_157 = arith.constant 0 : i32
      %eq3A_158 = arith.cmpi eq, %arg0, %eq3A_157 : i32
      %convert_element_type3A_159 = arith.extui %eq3A_158 : i1 to i32
      %cond3A_160 = arith.constant 0 : i32
      %cond3A_161 = arith.cmpi ne, %convert_element_type3A_159, %cond3A_160 : i32
      scf.if %cond3A_161 {
        %mul3A_200 = arith.constant 160 : i32
        %mul3A_201 = arith.muli %add3A_156, %mul3A_200 : i32
        %add3A_202 = arith.addi %mul3A_4, %mul3A_201 : i32
        %dma_start3A_203 = arith.constant 0 : i32
        %dma_start3A_204 = tpu.memref_slice %arg2[%add3A_202, %dma_start3A_203] : memref<320000x128xf32, #tpu.memory_space<hbm>> -> memref<160x128xf32, #tpu.memory_space<hbm>>
        %dma_start3A_205 = arith.constant 0 : i32
        %dma_start3A_206 = tpu.memref_slice %arg2[%add3A_202, %dma_start3A_205] : memref<320000x128xf32, #tpu.memory_space<hbm>> -> memref<160x128xf32, #tpu.memory_space<hbm>>
        tpu.enqueue_dma source(%dma_start3A_206 : memref<160x128xf32, #tpu.memory_space<hbm>>) target(%arg19 : memref<160x128xf32, #tpu.memory_space<vmem>>) target_semaphore(%arg25 : memref<!tpu.dma_semaphore, #tpu.memory_space<semaphore_mem>>)
      } else {
      }
      %eq3A_162 = arith.constant 1 : i32
      %eq3A_163 = arith.cmpi eq, %arg0, %eq3A_162 : i32
      %convert_element_type3A_164 = arith.extui %eq3A_163 : i1 to i32
      %cond3A_165 = arith.constant 0 : i32
      %cond3A_166 = arith.cmpi ne, %convert_element_type3A_164, %cond3A_165 : i32
      scf.if %cond3A_166 {
        %dma_start3A_200 = arith.constant 0 : i32
        %dma_start3A_201 = arith.constant 0 : i32
        %dma_start3A_202 = tpu.memref_slice %arg3[%dma_start3A_200, %dma_start3A_201] : memref<10000x128xf32, #tpu.memory_space<hbm>> -> memref<10000x128xf32, #tpu.memory_space<hbm>>
        tpu.enqueue_indirect_dma source(%dma_start3A_202 : memref<10000x128xf32, #tpu.memory_space<hbm>>) target(%arg19 : memref<160x128xf32, #tpu.memory_space<vmem>>) offsets(%arg13 : memref<160xi32, #tpu.memory_space<vmem>>) semaphore(%arg25 : memref<!tpu.dma_semaphore, #tpu.memory_space<semaphore_mem>>)
      } else {
      }
      %dma_wait3A_167 = arith.constant 0 : i32
      %dma_wait3A_168 = arith.constant 0 : i32
      %dma_wait3A_169 = tpu.memref_slice %arg2[%dma_wait3A_167, %dma_wait3A_168] : memref<320000x128xf32, #tpu.memory_space<hbm>> -> memref<160x128xf32, #tpu.memory_space<hbm>>
      %dma_wait3A_170 = arith.constant 0 : i32
      %dma_wait3A_171 = arith.constant 0 : i32
      %dma_wait3A_172 = tpu.memref_slice %arg2[%dma_wait3A_170, %dma_wait3A_171] : memref<320000x128xf32, #tpu.memory_space<hbm>> -> memref<160x128xf32, #tpu.memory_space<hbm>>
      tpu.wait_dma2 semaphore(%arg24 : memref<!tpu.dma_semaphore, #tpu.memory_space<semaphore_mem>>) src(%dma_wait3A_172 : memref<160x128xf32, #tpu.memory_space<hbm>>) dst(%arg18 : memref<160x128xf32, #tpu.memory_space<vmem>>)
      "tpu.region"() ({
        %run_scoped3A = tpu.sem_alloc : memref<!tpu.dma_semaphore, #tpu.memory_space<semaphore_mem>>
        %dma_start3A_200 = arith.constant 0 : i32
        %dma_start3A_201 = arith.constant 0 : i32
        %dma_start3A_202 = tpu.memref_slice %arg9[%dma_start3A_200, %dma_start3A_201] : memref<10240x128xf32, #tpu.memory_space<vmem_shared>> -> memref<10240x128xf32, #tpu.memory_space<vmem_shared>>
        tpu.enqueue_indirect_dma source(%arg18 : memref<160x128xf32, #tpu.memory_space<vmem>>) target(%dma_start3A_202 : memref<10240x128xf32, #tpu.memory_space<vmem_shared>>) offsets(%arg16 : memref<160xi32, #tpu.memory_space<vmem>>) semaphore(%run_scoped3A : memref<!tpu.dma_semaphore, #tpu.memory_space<semaphore_mem>>) {add = true}
        %dma_wait3A_203 = arith.constant 0 : i32
        %dma_wait3A_204 = arith.constant 0 : i32
        %dma_wait3A_205 = tpu.memref_slice %arg9[%dma_wait3A_203, %dma_wait3A_204] : memref<10240x128xf32, #tpu.memory_space<vmem_shared>> -> memref<10240x128xf32, #tpu.memory_space<vmem_shared>>
        tpu.wait_indirect_dma semaphore(%run_scoped3A : memref<!tpu.dma_semaphore, #tpu.memory_space<semaphore_mem>>) src(%arg18 : memref<160x128xf32, #tpu.memory_space<vmem>>) dst(%dma_wait3A_205 : memref<10240x128xf32, #tpu.memory_space<vmem_shared>>)
        tpu.yield
      }) : () -> ()
      %add3A_173 = arith.constant 6 : i32
      %add3A_174 = arith.addi %mul3A_78, %add3A_173 : i32
      %lt3A_175 = arith.constant 125 : i32
      %lt3A_176 = arith.cmpi slt, %add3A_174, %lt3A_175 : i32
      %convert_element_type3A_177 = arith.extui %lt3A_176 : i1 to i32
      %cond3A_178 = arith.constant 0 : i32
      %cond3A_179 = arith.cmpi ne, %convert_element_type3A_177, %cond3A_178 : i32
      scf.if %cond3A_179 {
        %add3A_200 = arith.constant 6 : i32
        %add3A_201 = arith.addi %mul3A_78, %add3A_200 : i32
        %mul3A_202 = arith.constant 160 : i32
        %mul3A_203 = arith.muli %add3A_201, %mul3A_202 : i32
        %add3A_204 = arith.addi %mul3A_4, %mul3A_203 : i32
        %dma_start3A_205 = tpu.memref_slice %arg5[%add3A_204] : memref<320000xi32, #tpu.memory_space<hbm>> -> memref<160xi32, #tpu.memory_space<hbm>>
        %dma_start3A_206 = tpu.memref_slice %arg5[%add3A_204] : memref<320000xi32, #tpu.memory_space<hbm>> -> memref<160xi32, #tpu.memory_space<hbm>>
        tpu.enqueue_dma source(%dma_start3A_206 : memref<160xi32, #tpu.memory_space<hbm>>) target(%arg16 : memref<160xi32, #tpu.memory_space<vmem>>) target_semaphore(%arg22 : memref<!tpu.dma_semaphore, #tpu.memory_space<semaphore_mem>>)
        %eq3A_207 = arith.constant 1 : i32
        %eq3A_208 = arith.cmpi eq, %arg0, %eq3A_207 : i32
        %convert_element_type3A_209 = arith.extui %eq3A_208 : i1 to i32
        %cond3A_210 = arith.constant 0 : i32
        %cond3A_211 = arith.cmpi ne, %convert_element_type3A_209, %cond3A_210 : i32
        scf.if %cond3A_211 {
          %dma_start3A_212 = tpu.memref_slice %arg4[%add3A_204] : memref<320000xi32, #tpu.memory_space<hbm>> -> memref<160xi32, #tpu.memory_space<hbm>>
          %dma_start3A_213 = tpu.memref_slice %arg4[%add3A_204] : memref<320000xi32, #tpu.memory_space<hbm>> -> memref<160xi32, #tpu.memory_space<hbm>>
          tpu.enqueue_dma source(%dma_start3A_213 : memref<160xi32, #tpu.memory_space<hbm>>) target(%arg12 : memref<160xi32, #tpu.memory_space<vmem>>) target_semaphore(%arg22 : memref<!tpu.dma_semaphore, #tpu.memory_space<semaphore_mem>>)
        } else {
        }
      } else {
      }
      %add3A_180 = arith.constant 4 : i32
      %add3A_181 = arith.addi %mul3A_78, %add3A_180 : i32
      %lt3A_182 = arith.constant 125 : i32
      %lt3A_183 = arith.cmpi slt, %add3A_181, %lt3A_182 : i32
      %convert_element_type3A_184 = arith.extui %lt3A_183 : i1 to i32
      %cond3A_185 = arith.constant 0 : i32
      %cond3A_186 = arith.cmpi ne, %convert_element_type3A_184, %cond3A_185 : i32
      scf.if %cond3A_186 {
        %dma_wait3A_200 = arith.constant 0 : i32
        %dma_wait3A_201 = tpu.memref_slice %arg5[%dma_wait3A_200] : memref<320000xi32, #tpu.memory_space<hbm>> -> memref<160xi32, #tpu.memory_space<hbm>>
        %dma_wait3A_202 = arith.constant 0 : i32
        %dma_wait3A_203 = tpu.memref_slice %arg5[%dma_wait3A_202] : memref<320000xi32, #tpu.memory_space<hbm>> -> memref<160xi32, #tpu.memory_space<hbm>>
        tpu.wait_dma2 semaphore(%arg20 : memref<!tpu.dma_semaphore, #tpu.memory_space<semaphore_mem>>) src(%dma_wait3A_203 : memref<160xi32, #tpu.memory_space<hbm>>) dst(%arg14 : memref<160xi32, #tpu.memory_space<vmem>>)
        %eq3A_204 = arith.constant 1 : i32
        %eq3A_205 = arith.cmpi eq, %arg0, %eq3A_204 : i32
        %convert_element_type3A_206 = arith.extui %eq3A_205 : i1 to i32
        %cond3A_207 = arith.constant 0 : i32
        %cond3A_208 = arith.cmpi ne, %convert_element_type3A_206, %cond3A_207 : i32
        scf.if %cond3A_208 {
          %dma_wait3A_221 = arith.constant 0 : i32
          %dma_wait3A_222 = tpu.memref_slice %arg4[%dma_wait3A_221] : memref<320000xi32, #tpu.memory_space<hbm>> -> memref<160xi32, #tpu.memory_space<hbm>>
          %dma_wait3A_223 = arith.constant 0 : i32
          %dma_wait3A_224 = tpu.memref_slice %arg4[%dma_wait3A_223] : memref<320000xi32, #tpu.memory_space<hbm>> -> memref<160xi32, #tpu.memory_space<hbm>>
          tpu.wait_dma2 semaphore(%arg20 : memref<!tpu.dma_semaphore, #tpu.memory_space<semaphore_mem>>) src(%dma_wait3A_224 : memref<160xi32, #tpu.memory_space<hbm>>) dst(%arg10 : memref<160xi32, #tpu.memory_space<vmem>>)
        } else {
        }
        %add3A_209 = arith.constant 4 : i32
        %add3A_210 = arith.addi %mul3A_78, %add3A_209 : i32
        %eq3A_211 = arith.constant 0 : i32
        %eq3A_212 = arith.cmpi eq, %arg0, %eq3A_211 : i32
        %convert_element_type3A_213 = arith.extui %eq3A_212 : i1 to i32
        %cond3A_214 = arith.constant 0 : i32
        %cond3A_215 = arith.cmpi ne, %convert_element_type3A_213, %cond3A_214 : i32
        scf.if %cond3A_215 {
          %mul3A_221 = arith.constant 160 : i32
          %mul3A_222 = arith.muli %add3A_210, %mul3A_221 : i32
          %add3A_223 = arith.addi %mul3A_4, %mul3A_222 : i32
          %dma_start3A_224 = arith.constant 0 : i32
          %dma_start3A_225 = tpu.memref_slice %arg2[%add3A_223, %dma_start3A_224] : memref<320000x128xf32, #tpu.memory_space<hbm>> -> memref<160x128xf32, #tpu.memory_space<hbm>>
          %dma_start3A_226 = arith.constant 0 : i32
          %dma_start3A_227 = tpu.memref_slice %arg2[%add3A_223, %dma_start3A_226] : memref<320000x128xf32, #tpu.memory_space<hbm>> -> memref<160x128xf32, #tpu.memory_space<hbm>>
          tpu.enqueue_dma source(%dma_start3A_227 : memref<160x128xf32, #tpu.memory_space<hbm>>) target(%arg18 : memref<160x128xf32, #tpu.memory_space<vmem>>) target_semaphore(%arg24 : memref<!tpu.dma_semaphore, #tpu.memory_space<semaphore_mem>>)
        } else {
        }
        %eq3A_216 = arith.constant 1 : i32
        %eq3A_217 = arith.cmpi eq, %arg0, %eq3A_216 : i32
        %convert_element_type3A_218 = arith.extui %eq3A_217 : i1 to i32
        %cond3A_219 = arith.constant 0 : i32
        %cond3A_220 = arith.cmpi ne, %convert_element_type3A_218, %cond3A_219 : i32
        scf.if %cond3A_220 {
          %dma_start3A_221 = arith.constant 0 : i32
          %dma_start3A_222 = arith.constant 0 : i32
          %dma_start3A_223 = tpu.memref_slice %arg3[%dma_start3A_221, %dma_start3A_222] : memref<10000x128xf32, #tpu.memory_space<hbm>> -> memref<10000x128xf32, #tpu.memory_space<hbm>>
          tpu.enqueue_indirect_dma source(%dma_start3A_223 : memref<10000x128xf32, #tpu.memory_space<hbm>>) target(%arg18 : memref<160x128xf32, #tpu.memory_space<vmem>>) offsets(%arg10 : memref<160xi32, #tpu.memory_space<vmem>>) semaphore(%arg24 : memref<!tpu.dma_semaphore, #tpu.memory_space<semaphore_mem>>)
        } else {
        }
      } else {
      }
      %dma_wait3A_187 = arith.constant 0 : i32
      %dma_wait3A_188 = arith.constant 0 : i32
      %dma_wait3A_189 = tpu.memref_slice %arg2[%dma_wait3A_187, %dma_wait3A_188] : memref<320000x128xf32, #tpu.memory_space<hbm>> -> memref<160x128xf32, #tpu.memory_space<hbm>>
      %dma_wait3A_190 = arith.constant 0 : i32
      %dma_wait3A_191 = arith.constant 0 : i32
      %dma_wait3A_192 = tpu.memref_slice %arg2[%dma_wait3A_190, %dma_wait3A_191] : memref<320000x128xf32, #tpu.memory_space<hbm>> -> memref<160x128xf32, #tpu.memory_space<hbm>>
      tpu.wait_dma2 semaphore(%arg25 : memref<!tpu.dma_semaphore, #tpu.memory_space<semaphore_mem>>) src(%dma_wait3A_192 : memref<160x128xf32, #tpu.memory_space<hbm>>) dst(%arg19 : memref<160x128xf32, #tpu.memory_space<vmem>>)
      "tpu.region"() ({
        %run_scoped3A = tpu.sem_alloc : memref<!tpu.dma_semaphore, #tpu.memory_space<semaphore_mem>>
        %dma_start3A_200 = arith.constant 0 : i32
        %dma_start3A_201 = arith.constant 0 : i32
        %dma_start3A_202 = tpu.memref_slice %arg9[%dma_start3A_200, %dma_start3A_201] : memref<10240x128xf32, #tpu.memory_space<vmem_shared>> -> memref<10240x128xf32, #tpu.memory_space<vmem_shared>>
        tpu.enqueue_indirect_dma source(%arg19 : memref<160x128xf32, #tpu.memory_space<vmem>>) target(%dma_start3A_202 : memref<10240x128xf32, #tpu.memory_space<vmem_shared>>) offsets(%arg17 : memref<160xi32, #tpu.memory_space<vmem>>) semaphore(%run_scoped3A : memref<!tpu.dma_semaphore, #tpu.memory_space<semaphore_mem>>) {add = true}
        %dma_wait3A_203 = arith.constant 0 : i32
        %dma_wait3A_204 = arith.constant 0 : i32
        %dma_wait3A_205 = tpu.memref_slice %arg9[%dma_wait3A_203, %dma_wait3A_204] : memref<10240x128xf32, #tpu.memory_space<vmem_shared>> -> memref<10240x128xf32, #tpu.memory_space<vmem_shared>>
        tpu.wait_indirect_dma semaphore(%run_scoped3A : memref<!tpu.dma_semaphore, #tpu.memory_space<semaphore_mem>>) src(%arg19 : memref<160x128xf32, #tpu.memory_space<vmem>>) dst(%dma_wait3A_205 : memref<10240x128xf32, #tpu.memory_space<vmem_shared>>)
        tpu.yield
      }) : () -> ()
      %add3A_193 = arith.constant 7 : i32
      %add3A_194 = arith.addi %mul3A_78, %add3A_193 : i32
      %lt3A_195 = arith.constant 125 : i32
      %lt3A_196 = arith.cmpi slt, %add3A_194, %lt3A_195 : i32
      %convert_element_type3A_197 = arith.extui %lt3A_196 : i1 to i32
      %cond3A_198 = arith.constant 0 : i32
      %cond3A_199 = arith.cmpi ne, %convert_element_type3A_197, %cond3A_198 : i32
      scf.if %cond3A_199 {
        %add3A_200 = arith.constant 7 : i32
        %add3A_201 = arith.addi %mul3A_78, %add3A_200 : i32
        %mul3A_202 = arith.constant 160 : i32
        %mul3A_203 = arith.muli %add3A_201, %mul3A_202 : i32
        %add3A_204 = arith.addi %mul3A_4, %mul3A_203 : i32
        %dma_start3A_205 = tpu.memref_slice %arg5[%add3A_204] : memref<320000xi32, #tpu.memory_space<hbm>> -> memref<160xi32, #tpu.memory_space<hbm>>
        %dma_start3A_206 = tpu.memref_slice %arg5[%add3A_204] : memref<320000xi32, #tpu.memory_space<hbm>> -> memref<160xi32, #tpu.memory_space<hbm>>
        tpu.enqueue_dma source(%dma_start3A_206 : memref<160xi32, #tpu.memory_space<hbm>>) target(%arg17 : memref<160xi32, #tpu.memory_space<vmem>>) target_semaphore(%arg23 : memref<!tpu.dma_semaphore, #tpu.memory_space<semaphore_mem>>)
        %eq3A_207 = arith.constant 1 : i32
        %eq3A_208 = arith.cmpi eq, %arg0, %eq3A_207 : i32
        %convert_element_type3A_209 = arith.extui %eq3A_208 : i1 to i32
        %cond3A_210 = arith.constant 0 : i32
        %cond3A_211 = arith.cmpi ne, %convert_element_type3A_209, %cond3A_210 : i32
        scf.if %cond3A_211 {
          %dma_start3A_212 = tpu.memref_slice %arg4[%add3A_204] : memref<320000xi32, #tpu.memory_space<hbm>> -> memref<160xi32, #tpu.memory_space<hbm>>
          %dma_start3A_213 = tpu.memref_slice %arg4[%add3A_204] : memref<320000xi32, #tpu.memory_space<hbm>> -> memref<160xi32, #tpu.memory_space<hbm>>
          tpu.enqueue_dma source(%dma_start3A_213 : memref<160xi32, #tpu.memory_space<hbm>>) target(%arg13 : memref<160xi32, #tpu.memory_space<vmem>>) target_semaphore(%arg23 : memref<!tpu.dma_semaphore, #tpu.memory_space<semaphore_mem>>)
        } else {
        }
      } else {
      }
    }
    %scan3A_58 = arith.constant 31 : i32
    %dma_wait3A_59 = arith.constant 0 : i32
    %dma_wait3A_60 = arith.constant 0 : i32
    %dma_wait3A_61 = tpu.memref_slice %arg2[%dma_wait3A_59, %dma_wait3A_60] : memref<320000x128xf32, #tpu.memory_space<hbm>> -> memref<160x128xf32, #tpu.memory_space<hbm>>
    %dma_wait3A_62 = arith.constant 0 : i32
    %dma_wait3A_63 = arith.constant 0 : i32
    %dma_wait3A_64 = tpu.memref_slice %arg2[%dma_wait3A_62, %dma_wait3A_63] : memref<320000x128xf32, #tpu.memory_space<hbm>> -> memref<160x128xf32, #tpu.memory_space<hbm>>
    tpu.wait_dma2 semaphore(%arg24 : memref<!tpu.dma_semaphore, #tpu.memory_space<semaphore_mem>>) src(%dma_wait3A_64 : memref<160x128xf32, #tpu.memory_space<hbm>>) dst(%arg18 : memref<160x128xf32, #tpu.memory_space<vmem>>)
    "tpu.region"() ({
      %run_scoped3A = tpu.sem_alloc : memref<!tpu.dma_semaphore, #tpu.memory_space<semaphore_mem>>
      %dma_start3A_76 = arith.constant 0 : i32
      %dma_start3A_77 = arith.constant 0 : i32
      %dma_start3A_78 = tpu.memref_slice %arg9[%dma_start3A_76, %dma_start3A_77] : memref<10240x128xf32, #tpu.memory_space<vmem_shared>> -> memref<10240x128xf32, #tpu.memory_space<vmem_shared>>
      tpu.enqueue_indirect_dma source(%arg18 : memref<160x128xf32, #tpu.memory_space<vmem>>) target(%dma_start3A_78 : memref<10240x128xf32, #tpu.memory_space<vmem_shared>>) offsets(%arg14 : memref<160xi32, #tpu.memory_space<vmem>>) semaphore(%run_scoped3A : memref<!tpu.dma_semaphore, #tpu.memory_space<semaphore_mem>>) {add = true}
      %dma_wait3A_79 = arith.constant 0 : i32
      %dma_wait3A_80 = arith.constant 0 : i32
      %dma_wait3A_81 = tpu.memref_slice %arg9[%dma_wait3A_79, %dma_wait3A_80] : memref<10240x128xf32, #tpu.memory_space<vmem_shared>> -> memref<10240x128xf32, #tpu.memory_space<vmem_shared>>
      tpu.wait_indirect_dma semaphore(%run_scoped3A : memref<!tpu.dma_semaphore, #tpu.memory_space<semaphore_mem>>) src(%arg18 : memref<160x128xf32, #tpu.memory_space<vmem>>) dst(%dma_wait3A_81 : memref<10240x128xf32, #tpu.memory_space<vmem_shared>>)
      tpu.yield
    }) : () -> ()
    %barrier3A_65 = arith.constant 0 : index
    tpu.barrier barrier_id(%barrier3A_65)
    %eq3A_66 = arith.constant 0 : i32
    %eq3A_67 = arith.cmpi eq, %arg0, %eq3A_66 : i32
    %convert_element_type3A_68 = arith.extui %eq3A_67 : i1 to i32
    %cond3A_69 = arith.constant 0 : i32
    %cond3A_70 = arith.cmpi ne, %convert_element_type3A_68, %cond3A_69 : i32
    scf.if %cond3A_70 {
      %mul3A_76 = arith.constant 640 : i32
      %mul3A_77 = arith.muli %arg1, %mul3A_76 : i32
      %mul3A_78 = arith.constant 640 : i32
      %mul3A_79 = arith.muli %arg1, %mul3A_78 : i32
      "tpu.region"() ({
        %run_scoped3A = tpu.sem_alloc : memref<!tpu.dma_semaphore, #tpu.memory_space<semaphore_mem>>
        %dma_start3A_80 = arith.constant 0 : i32
        %dma_start3A_81 = tpu.memref_slice %arg7[%mul3A_79, %dma_start3A_80] : memref<10240x128xf32, #tpu.memory_space<hbm>> -> memref<640x128xf32, #tpu.memory_space<hbm>>
        %dma_start3A_82 = arith.constant 0 : i32
        %dma_start3A_83 = tpu.memref_slice %arg9[%mul3A_77, %dma_start3A_82] : memref<10240x128xf32, #tpu.memory_space<vmem_shared>> -> memref<640x128xf32, #tpu.memory_space<vmem_shared>>
        tpu.enqueue_dma source(%dma_start3A_83 : memref<640x128xf32, #tpu.memory_space<vmem_shared>>) target(%dma_start3A_81 : memref<640x128xf32, #tpu.memory_space<hbm>>) target_semaphore(%run_scoped3A : memref<!tpu.dma_semaphore, #tpu.memory_space<semaphore_mem>>)
        %dma_wait3A_84 = arith.constant 0 : i32
        %dma_wait3A_85 = tpu.memref_slice %arg7[%mul3A_79, %dma_wait3A_84] : memref<10240x128xf32, #tpu.memory_space<hbm>> -> memref<640x128xf32, #tpu.memory_space<hbm>>
        %dma_wait3A_86 = arith.constant 0 : i32
        %dma_wait3A_87 = tpu.memref_slice %arg9[%mul3A_77, %dma_wait3A_86] : memref<10240x128xf32, #tpu.memory_space<vmem_shared>> -> memref<640x128xf32, #tpu.memory_space<vmem_shared>>
        tpu.wait_dma2 semaphore(%run_scoped3A : memref<!tpu.dma_semaphore, #tpu.memory_space<semaphore_mem>>) src(%dma_wait3A_87 : memref<640x128xf32, #tpu.memory_space<vmem_shared>>) dst(%dma_wait3A_85 : memref<640x128xf32, #tpu.memory_space<hbm>>)
        tpu.yield
      }) : () -> ()
    } else {
    }
    %eq3A_71 = arith.constant 1 : i32
    %eq3A_72 = arith.cmpi eq, %arg0, %eq3A_71 : i32
    %convert_element_type3A_73 = arith.extui %eq3A_72 : i1 to i32
    %cond3A_74 = arith.constant 0 : i32
    %cond3A_75 = arith.cmpi ne, %convert_element_type3A_73, %cond3A_74 : i32
    scf.if %cond3A_75 {
      %mul3A_76 = arith.constant 640 : i32
      %mul3A_77 = arith.muli %arg1, %mul3A_76 : i32
      %mul3A_78 = arith.constant 640 : i32
      %mul3A_79 = arith.muli %arg1, %mul3A_78 : i32
      "tpu.region"() ({
        %run_scoped3A = tpu.sem_alloc : memref<!tpu.dma_semaphore, #tpu.memory_space<semaphore_mem>>
        %dma_start3A_80 = arith.constant 0 : i32
        %dma_start3A_81 = tpu.memref_slice %arg8[%mul3A_79, %dma_start3A_80] : memref<10240x128xf32, #tpu.memory_space<hbm>> -> memref<640x128xf32, #tpu.memory_space<hbm>>
        %dma_start3A_82 = arith.constant 0 : i32
        %dma_start3A_83 = tpu.memref_slice %arg9[%mul3A_77, %dma_start3A_82] : memref<10240x128xf32, #tpu.memory_space<vmem_shared>> -> memref<640x128xf32, #tpu.memory_space<vmem_shared>>
        tpu.enqueue_dma source(%dma_start3A_83 : memref<640x128xf32, #tpu.memory_space<vmem_shared>>) target(%dma_start3A_81 : memref<640x128xf32, #tpu.memory_space<hbm>>) target_semaphore(%run_scoped3A : memref<!tpu.dma_semaphore, #tpu.memory_space<semaphore_mem>>)
        %dma_wait3A_84 = arith.constant 0 : i32
        %dma_wait3A_85 = tpu.memref_slice %arg8[%mul3A_79, %dma_wait3A_84] : memref<10240x128xf32, #tpu.memory_space<hbm>> -> memref<640x128xf32, #tpu.memory_space<hbm>>
        %dma_wait3A_86 = arith.constant 0 : i32
        %dma_wait3A_87 = tpu.memref_slice %arg9[%mul3A_77, %dma_wait3A_86] : memref<10240x128xf32, #tpu.memory_space<vmem_shared>> -> memref<640x128xf32, #tpu.memory_space<vmem_shared>>
        tpu.wait_dma2 semaphore(%run_scoped3A : memref<!tpu.dma_semaphore, #tpu.memory_space<semaphore_mem>>) src(%dma_wait3A_87 : memref<640x128xf32, #tpu.memory_space<vmem_shared>>) dst(%dma_wait3A_85 : memref<640x128xf32, #tpu.memory_space<hbm>>)
        tpu.yield
      }) : () -> ()
    } else {
    }
    return
  }
}

#map = affine_map<(d0, d1) -> (0, 0)>
#map1 = affine_map<(d0, d1) -> (0)>
module attributes {stable_mosaic.version = 14 : i64} {
  func.func @_edge_body(%arg0: i32, %arg1: i32, %arg2: memref<320000x128xf32, #tpu.memory_space<hbm>>, %arg3: memref<10000x128xf32, #tpu.memory_space<hbm>>, %arg4: memref<320000xi32, #tpu.memory_space<hbm>>, %arg5: memref<320000xi32, #tpu.memory_space<hbm>>, %arg6: memref<10240x128xf32, #tpu.memory_space<hbm>>, %arg7: memref<10240x128xf32, #tpu.memory_space<hbm>>, %arg8: memref<10240x128xf32, #tpu.memory_space<hbm>>, %arg9: memref<10240x128xf32, #tpu.memory_space<vmem_shared>>, %arg10: memref<160xi32, #tpu.memory_space<vmem>>, %arg11: memref<160xi32, #tpu.memory_space<vmem>>, %arg12: memref<160xi32, #tpu.memory_space<vmem>>, %arg13: memref<160xi32, #tpu.memory_space<vmem>>, %arg14: memref<160xi32, #tpu.memory_space<vmem>>, %arg15: memref<160xi32, #tpu.memory_space<vmem>>, %arg16: memref<160xi32, #tpu.memory_space<vmem>>, %arg17: memref<160xi32, #tpu.memory_space<vmem>>, %arg18: memref<160x128xf32, #tpu.memory_space<vmem>>, %arg19: memref<160x128xf32, #tpu.memory_space<vmem>>, %arg20: memref<!tpu.dma_semaphore, #tpu.memory_space<semaphore_mem>>, %arg21: memref<!tpu.dma_semaphore, #tpu.memory_space<semaphore_mem>>, %arg22: memref<!tpu.dma_semaphore, #tpu.memory_space<semaphore_mem>>, %arg23: memref<!tpu.dma_semaphore, #tpu.memory_space<semaphore_mem>>, %arg24: memref<!tpu.dma_semaphore, #tpu.memory_space<semaphore_mem>>, %arg25: memref<!tpu.dma_semaphore, #tpu.memory_space<semaphore_mem>>) attributes {dimension_semantics = [#tpu.dimension_semantics<core_parallel>, #tpu.dimension_semantics<subcore_parallel>], iteration_bounds = array<i64: 2, 16>, scalar_prefetch = 0 : i64, scratch_operands = 17 : i64, tpu.core_type = #tpu.core_type<sc_vector_subcore>, window_params = [{transform_indices = #map}, {transform_indices = #map}, {transform_indices = #map1}, {transform_indices = #map1}, {transform_indices = #map}, {transform_indices = #map}, {transform_indices = #map}]} {
    %mul3A = arith.constant 640 : i32
    %mul3A_0 = arith.muli %arg1, %mul3A : i32
    %mul3A_1 = arith.constant 640 : i32
    %mul3A_2 = arith.muli %arg1, %mul3A_1 : i32
    "tpu.region"() ({
      %run_scoped3A = tpu.sem_alloc : memref<!tpu.dma_semaphore, #tpu.memory_space<semaphore_mem>>
      %dma_start3A_76 = arith.constant 0 : i32
      %dma_start3A_77 = tpu.memref_slice %arg9[%mul3A_2, %dma_start3A_76] : memref<10240x128xf32, #tpu.memory_space<vmem_shared>> -> memref<640x128xf32, #tpu.memory_space<vmem_shared>>
      %dma_start3A_78 = arith.constant 0 : i32
      %dma_start3A_79 = tpu.memref_slice %arg6[%mul3A_0, %dma_start3A_78] : memref<10240x128xf32, #tpu.memory_space<hbm>> -> memref<640x128xf32, #tpu.memory_space<hbm>>
      tpu.enqueue_dma source(%dma_start3A_79 : memref<640x128xf32, #tpu.memory_space<hbm>>) target(%dma_start3A_77 : memref<640x128xf32, #tpu.memory_space<vmem_shared>>) target_semaphore(%run_scoped3A : memref<!tpu.dma_semaphore, #tpu.memory_space<semaphore_mem>>)
      %dma_wait3A_80 = arith.constant 0 : i32
      %dma_wait3A_81 = tpu.memref_slice %arg9[%mul3A_2, %dma_wait3A_80] : memref<10240x128xf32, #tpu.memory_space<vmem_shared>> -> memref<640x128xf32, #tpu.memory_space<vmem_shared>>
      %dma_wait3A_82 = arith.constant 0 : i32
      %dma_wait3A_83 = tpu.memref_slice %arg6[%mul3A_0, %dma_wait3A_82] : memref<10240x128xf32, #tpu.memory_space<hbm>> -> memref<640x128xf32, #tpu.memory_space<hbm>>
      tpu.wait_dma2 semaphore(%run_scoped3A : memref<!tpu.dma_semaphore, #tpu.memory_space<semaphore_mem>>) src(%dma_wait3A_83 : memref<640x128xf32, #tpu.memory_space<hbm>>) dst(%dma_wait3A_81 : memref<640x128xf32, #tpu.memory_space<vmem_shared>>)
      tpu.yield
    }) : () -> ()
    %barrier3A = arith.constant 0 : index
    tpu.barrier barrier_id(%barrier3A)
    %mul3A_3 = arith.constant 20000 : i32
    %mul3A_4 = arith.muli %arg1, %mul3A_3 : i32
    %add3A = arith.constant 0 : i32
    %add3A_5 = arith.addi %mul3A_4, %add3A : i32
    %dma_start3A = tpu.memref_slice %arg5[%add3A_5] : memref<320000xi32, #tpu.memory_space<hbm>> -> memref<160xi32, #tpu.memory_space<hbm>>
    %dma_start3A_6 = tpu.memref_slice %arg5[%add3A_5] : memref<320000xi32, #tpu.memory_space<hbm>> -> memref<160xi32, #tpu.memory_space<hbm>>
    tpu.enqueue_dma source(%dma_start3A_6 : memref<160xi32, #tpu.memory_space<hbm>>) target(%arg14 : memref<160xi32, #tpu.memory_space<vmem>>) target_semaphore(%arg20 : memref<!tpu.dma_semaphore, #tpu.memory_space<semaphore_mem>>)
    %eq3A = arith.constant 1 : i32
    %eq3A_7 = arith.cmpi eq, %arg0, %eq3A : i32
    %convert_element_type3A = arith.extui %eq3A_7 : i1 to i32
    %cond3A = arith.constant 0 : i32
    %cond3A_8 = arith.cmpi ne, %convert_element_type3A, %cond3A : i32
    scf.if %cond3A_8 {
      %dma_start3A_76 = tpu.memref_slice %arg4[%add3A_5] : memref<320000xi32, #tpu.memory_space<hbm>> -> memref<160xi32, #tpu.memory_space<hbm>>
      %dma_start3A_77 = tpu.memref_slice %arg4[%add3A_5] : memref<320000xi32, #tpu.memory_space<hbm>> -> memref<160xi32, #tpu.memory_space<hbm>>
      tpu.enqueue_dma source(%dma_start3A_77 : memref<160xi32, #tpu.memory_space<hbm>>) target(%arg10 : memref<160xi32, #tpu.memory_space<vmem>>) target_semaphore(%arg20 : memref<!tpu.dma_semaphore, #tpu.memory_space<semaphore_mem>>)
    } else {
    }
    %add3A_9 = arith.constant 160 : i32
    %add3A_10 = arith.addi %mul3A_4, %add3A_9 : i32
    %dma_start3A_11 = tpu.memref_slice %arg5[%add3A_10] : memref<320000xi32, #tpu.memory_space<hbm>> -> memref<160xi32, #tpu.memory_space<hbm>>
    %dma_start3A_12 = tpu.memref_slice %arg5[%add3A_10] : memref<320000xi32, #tpu.memory_space<hbm>> -> memref<160xi32, #tpu.memory_space<hbm>>
    tpu.enqueue_dma source(%dma_start3A_12 : memref<160xi32, #tpu.memory_space<hbm>>) target(%arg15 : memref<160xi32, #tpu.memory_space<vmem>>) target_semaphore(%arg21 : memref<!tpu.dma_semaphore, #tpu.memory_space<semaphore_mem>>)
    %eq3A_13 = arith.constant 1 : i32
    %eq3A_14 = arith.cmpi eq, %arg0, %eq3A_13 : i32
    %convert_element_type3A_15 = arith.extui %eq3A_14 : i1 to i32
    %cond3A_16 = arith.constant 0 : i32
    %cond3A_17 = arith.cmpi ne, %convert_element_type3A_15, %cond3A_16 : i32
    scf.if %cond3A_17 {
      %dma_start3A_76 = tpu.memref_slice %arg4[%add3A_10] : memref<320000xi32, #tpu.memory_space<hbm>> -> memref<160xi32, #tpu.memory_space<hbm>>
      %dma_start3A_77 = tpu.memref_slice %arg4[%add3A_10] : memref<320000xi32, #tpu.memory_space<hbm>> -> memref<160xi32, #tpu.memory_space<hbm>>
      tpu.enqueue_dma source(%dma_start3A_77 : memref<160xi32, #tpu.memory_space<hbm>>) target(%arg11 : memref<160xi32, #tpu.memory_space<vmem>>) target_semaphore(%arg21 : memref<!tpu.dma_semaphore, #tpu.memory_space<semaphore_mem>>)
    } else {
    }
    %add3A_18 = arith.constant 320 : i32
    %add3A_19 = arith.addi %mul3A_4, %add3A_18 : i32
    %dma_start3A_20 = tpu.memref_slice %arg5[%add3A_19] : memref<320000xi32, #tpu.memory_space<hbm>> -> memref<160xi32, #tpu.memory_space<hbm>>
    %dma_start3A_21 = tpu.memref_slice %arg5[%add3A_19] : memref<320000xi32, #tpu.memory_space<hbm>> -> memref<160xi32, #tpu.memory_space<hbm>>
    tpu.enqueue_dma source(%dma_start3A_21 : memref<160xi32, #tpu.memory_space<hbm>>) target(%arg16 : memref<160xi32, #tpu.memory_space<vmem>>) target_semaphore(%arg22 : memref<!tpu.dma_semaphore, #tpu.memory_space<semaphore_mem>>)
    %eq3A_22 = arith.constant 1 : i32
    %eq3A_23 = arith.cmpi eq, %arg0, %eq3A_22 : i32
    %convert_element_type3A_24 = arith.extui %eq3A_23 : i1 to i32
    %cond3A_25 = arith.constant 0 : i32
    %cond3A_26 = arith.cmpi ne, %convert_element_type3A_24, %cond3A_25 : i32
    scf.if %cond3A_26 {
      %dma_start3A_76 = tpu.memref_slice %arg4[%add3A_19] : memref<320000xi32, #tpu.memory_space<hbm>> -> memref<160xi32, #tpu.memory_space<hbm>>
      %dma_start3A_77 = tpu.memref_slice %arg4[%add3A_19] : memref<320000xi32, #tpu.memory_space<hbm>> -> memref<160xi32, #tpu.memory_space<hbm>>
      tpu.enqueue_dma source(%dma_start3A_77 : memref<160xi32, #tpu.memory_space<hbm>>) target(%arg12 : memref<160xi32, #tpu.memory_space<vmem>>) target_semaphore(%arg22 : memref<!tpu.dma_semaphore, #tpu.memory_space<semaphore_mem>>)
    } else {
    }
    %add3A_27 = arith.constant 480 : i32
    %add3A_28 = arith.addi %mul3A_4, %add3A_27 : i32
    %dma_start3A_29 = tpu.memref_slice %arg5[%add3A_28] : memref<320000xi32, #tpu.memory_space<hbm>> -> memref<160xi32, #tpu.memory_space<hbm>>
    %dma_start3A_30 = tpu.memref_slice %arg5[%add3A_28] : memref<320000xi32, #tpu.memory_space<hbm>> -> memref<160xi32, #tpu.memory_space<hbm>>
    tpu.enqueue_dma source(%dma_start3A_30 : memref<160xi32, #tpu.memory_space<hbm>>) target(%arg17 : memref<160xi32, #tpu.memory_space<vmem>>) target_semaphore(%arg23 : memref<!tpu.dma_semaphore, #tpu.memory_space<semaphore_mem>>)
    %eq3A_31 = arith.constant 1 : i32
    %eq3A_32 = arith.cmpi eq, %arg0, %eq3A_31 : i32
    %convert_element_type3A_33 = arith.extui %eq3A_32 : i1 to i32
    %cond3A_34 = arith.constant 0 : i32
    %cond3A_35 = arith.cmpi ne, %convert_element_type3A_33, %cond3A_34 : i32
    scf.if %cond3A_35 {
      %dma_start3A_76 = tpu.memref_slice %arg4[%add3A_28] : memref<320000xi32, #tpu.memory_space<hbm>> -> memref<160xi32, #tpu.memory_space<hbm>>
      %dma_start3A_77 = tpu.memref_slice %arg4[%add3A_28] : memref<320000xi32, #tpu.memory_space<hbm>> -> memref<160xi32, #tpu.memory_space<hbm>>
      tpu.enqueue_dma source(%dma_start3A_77 : memref<160xi32, #tpu.memory_space<hbm>>) target(%arg13 : memref<160xi32, #tpu.memory_space<vmem>>) target_semaphore(%arg23 : memref<!tpu.dma_semaphore, #tpu.memory_space<semaphore_mem>>)
    } else {
    }
    %dma_wait3A = arith.constant 0 : i32
    %dma_wait3A_36 = tpu.memref_slice %arg5[%dma_wait3A] : memref<320000xi32, #tpu.memory_space<hbm>> -> memref<160xi32, #tpu.memory_space<hbm>>
    %dma_wait3A_37 = arith.constant 0 : i32
    %dma_wait3A_38 = tpu.memref_slice %arg5[%dma_wait3A_37] : memref<320000xi32, #tpu.memory_space<hbm>> -> memref<160xi32, #tpu.memory_space<hbm>>
    tpu.wait_dma2 semaphore(%arg20 : memref<!tpu.dma_semaphore, #tpu.memory_space<semaphore_mem>>) src(%dma_wait3A_38 : memref<160xi32, #tpu.memory_space<hbm>>) dst(%arg14 : memref<160xi32, #tpu.memory_space<vmem>>)
    %eq3A_39 = arith.constant 1 : i32
    %eq3A_40 = arith.cmpi eq, %arg0, %eq3A_39 : i32
    %convert_element_type3A_41 = arith.extui %eq3A_40 : i1 to i32
    %cond3A_42 = arith.constant 0 : i32
    %cond3A_43 = arith.cmpi ne, %convert_element_type3A_41, %cond3A_42 : i32
    scf.if %cond3A_43 {
      %dma_wait3A_76 = arith.constant 0 : i32
      %dma_wait3A_77 = tpu.memref_slice %arg4[%dma_wait3A_76] : memref<320000xi32, #tpu.memory_space<hbm>> -> memref<160xi32, #tpu.memory_space<hbm>>
      %dma_wait3A_78 = arith.constant 0 : i32
      %dma_wait3A_79 = tpu.memref_slice %arg4[%dma_wait3A_78] : memref<320000xi32, #tpu.memory_space<hbm>> -> memref<160xi32, #tpu.memory_space<hbm>>
      tpu.wait_dma2 semaphore(%arg20 : memref<!tpu.dma_semaphore, #tpu.memory_space<semaphore_mem>>) src(%dma_wait3A_79 : memref<160xi32, #tpu.memory_space<hbm>>) dst(%arg10 : memref<160xi32, #tpu.memory_space<vmem>>)
    } else {
    }
    %eq3A_44 = arith.constant 0 : i32
    %eq3A_45 = arith.cmpi eq, %arg0, %eq3A_44 : i32
    %convert_element_type3A_46 = arith.extui %eq3A_45 : i1 to i32
    %cond3A_47 = arith.constant 0 : i32
    %cond3A_48 = arith.cmpi ne, %convert_element_type3A_46, %cond3A_47 : i32
    scf.if %cond3A_48 {
      %add3A_76 = arith.constant 0 : i32
      %add3A_77 = arith.addi %mul3A_4, %add3A_76 : i32
      %dma_start3A_78 = arith.constant 0 : i32
      %dma_start3A_79 = tpu.memref_slice %arg2[%add3A_77, %dma_start3A_78] : memref<320000x128xf32, #tpu.memory_space<hbm>> -> memref<160x128xf32, #tpu.memory_space<hbm>>
      %dma_start3A_80 = arith.constant 0 : i32
      %dma_start3A_81 = tpu.memref_slice %arg2[%add3A_77, %dma_start3A_80] : memref<320000x128xf32, #tpu.memory_space<hbm>> -> memref<160x128xf32, #tpu.memory_space<hbm>>
      tpu.enqueue_dma source(%dma_start3A_81 : memref<160x128xf32, #tpu.memory_space<hbm>>) target(%arg18 : memref<160x128xf32, #tpu.memory_space<vmem>>) target_semaphore(%arg24 : memref<!tpu.dma_semaphore, #tpu.memory_space<semaphore_mem>>)
    } else {
    }
    %eq3A_49 = arith.constant 1 : i32
    %eq3A_50 = arith.cmpi eq, %arg0, %eq3A_49 : i32
    %convert_element_type3A_51 = arith.extui %eq3A_50 : i1 to i32
    %cond3A_52 = arith.constant 0 : i32
    %cond3A_53 = arith.cmpi ne, %convert_element_type3A_51, %cond3A_52 : i32
    scf.if %cond3A_53 {
      %dma_start3A_76 = arith.constant 0 : i32
      %dma_start3A_77 = arith.constant 0 : i32
      %dma_start3A_78 = tpu.memref_slice %arg3[%dma_start3A_76, %dma_start3A_77] : memref<10000x128xf32, #tpu.memory_space<hbm>> -> memref<10000x128xf32, #tpu.memory_space<hbm>>
      tpu.enqueue_indirect_dma source(%dma_start3A_78 : memref<10000x128xf32, #tpu.memory_space<hbm>>) target(%arg18 : memref<160x128xf32, #tpu.memory_space<vmem>>) offsets(%arg10 : memref<160xi32, #tpu.memory_space<vmem>>) semaphore(%arg24 : memref<!tpu.dma_semaphore, #tpu.memory_space<semaphore_mem>>)
    } else {
    }
    %scan3A = arith.constant 0 : i32
    %scan3A_54 = arith.constant 0 : i32
    %scan3A_55 = arith.constant 31 : i32
    %scan3A_56 = arith.addi %scan3A_54, %scan3A_55 : i32
    %scan3A_57 = arith.constant 1 : i32
    scf.for %scan3A_76 = %scan3A_54 to %scan3A_56 step %scan3A_57  : i32 {
      %mul3A_77 = arith.constant 4 : i32
      %mul3A_78 = arith.muli %mul3A_77, %scan3A_76 : i32
      %dma_wait3A_79 = arith.constant 0 : i32
      %dma_wait3A_80 = tpu.memref_slice %arg5[%dma_wait3A_79] : memref<320000xi32, #tpu.memory_space<hbm>> -> memref<160xi32, #tpu.memory_space<hbm>>
      %dma_wait3A_81 = arith.constant 0 : i32
      %dma_wait3A_82 = tpu.memref_slice %arg5[%dma_wait3A_81] : memref<320000xi32, #tpu.memory_space<hbm>> -> memref<160xi32, #tpu.memory_space<hbm>>
      tpu.wait_dma2 semaphore(%arg21 : memref<!tpu.dma_semaphore, #tpu.memory_space<semaphore_mem>>) src(%dma_wait3A_82 : memref<160xi32, #tpu.memory_space<hbm>>) dst(%arg15 : memref<160xi32, #tpu.memory_space<vmem>>)
      %eq3A_83 = arith.constant 1 : i32
      %eq3A_84 = arith.cmpi eq, %arg0, %eq3A_83 : i32
      %convert_element_type3A_85 = arith.extui %eq3A_84 : i1 to i32
      %cond3A_86 = arith.constant 0 : i32
      %cond3A_87 = arith.cmpi ne, %convert_element_type3A_85, %cond3A_86 : i32
      scf.if %cond3A_87 {
        %dma_wait3A_200 = arith.constant 0 : i32
        %dma_wait3A_201 = tpu.memref_slice %arg4[%dma_wait3A_200] : memref<320000xi32, #tpu.memory_space<hbm>> -> memref<160xi32, #tpu.memory_space<hbm>>
        %dma_wait3A_202 = arith.constant 0 : i32
        %dma_wait3A_203 = tpu.memref_slice %arg4[%dma_wait3A_202] : memref<320000xi32, #tpu.memory_space<hbm>> -> memref<160xi32, #tpu.memory_space<hbm>>
        tpu.wait_dma2 semaphore(%arg21 : memref<!tpu.dma_semaphore, #tpu.memory_space<semaphore_mem>>) src(%dma_wait3A_203 : memref<160xi32, #tpu.memory_space<hbm>>) dst(%arg11 : memref<160xi32, #tpu.memory_space<vmem>>)
      } else {
      }
      %add3A_88 = arith.constant 1 : i32
      %add3A_89 = arith.addi %mul3A_78, %add3A_88 : i32
      %eq3A_90 = arith.constant 0 : i32
      %eq3A_91 = arith.cmpi eq, %arg0, %eq3A_90 : i32
      %convert_element_type3A_92 = arith.extui %eq3A_91 : i1 to i32
      %cond3A_93 = arith.constant 0 : i32
      %cond3A_94 = arith.cmpi ne, %convert_element_type3A_92, %cond3A_93 : i32
      scf.if %cond3A_94 {
        %mul3A_200 = arith.constant 160 : i32
        %mul3A_201 = arith.muli %add3A_89, %mul3A_200 : i32
        %add3A_202 = arith.addi %mul3A_4, %mul3A_201 : i32
        %dma_start3A_203 = arith.constant 0 : i32
        %dma_start3A_204 = tpu.memref_slice %arg2[%add3A_202, %dma_start3A_203] : memref<320000x128xf32, #tpu.memory_space<hbm>> -> memref<160x128xf32, #tpu.memory_space<hbm>>
        %dma_start3A_205 = arith.constant 0 : i32
        %dma_start3A_206 = tpu.memref_slice %arg2[%add3A_202, %dma_start3A_205] : memref<320000x128xf32, #tpu.memory_space<hbm>> -> memref<160x128xf32, #tpu.memory_space<hbm>>
        tpu.enqueue_dma source(%dma_start3A_206 : memref<160x128xf32, #tpu.memory_space<hbm>>) target(%arg19 : memref<160x128xf32, #tpu.memory_space<vmem>>) target_semaphore(%arg25 : memref<!tpu.dma_semaphore, #tpu.memory_space<semaphore_mem>>)
      } else {
      }
      %eq3A_95 = arith.constant 1 : i32
      %eq3A_96 = arith.cmpi eq, %arg0, %eq3A_95 : i32
      %convert_element_type3A_97 = arith.extui %eq3A_96 : i1 to i32
      %cond3A_98 = arith.constant 0 : i32
      %cond3A_99 = arith.cmpi ne, %convert_element_type3A_97, %cond3A_98 : i32
      scf.if %cond3A_99 {
        %dma_start3A_200 = arith.constant 0 : i32
        %dma_start3A_201 = arith.constant 0 : i32
        %dma_start3A_202 = tpu.memref_slice %arg3[%dma_start3A_200, %dma_start3A_201] : memref<10000x128xf32, #tpu.memory_space<hbm>> -> memref<10000x128xf32, #tpu.memory_space<hbm>>
        tpu.enqueue_indirect_dma source(%dma_start3A_202 : memref<10000x128xf32, #tpu.memory_space<hbm>>) target(%arg19 : memref<160x128xf32, #tpu.memory_space<vmem>>) offsets(%arg11 : memref<160xi32, #tpu.memory_space<vmem>>) semaphore(%arg25 : memref<!tpu.dma_semaphore, #tpu.memory_space<semaphore_mem>>)
      } else {
      }
      %dma_wait3A_100 = arith.constant 0 : i32
      %dma_wait3A_101 = arith.constant 0 : i32
      %dma_wait3A_102 = tpu.memref_slice %arg2[%dma_wait3A_100, %dma_wait3A_101] : memref<320000x128xf32, #tpu.memory_space<hbm>> -> memref<160x128xf32, #tpu.memory_space<hbm>>
      %dma_wait3A_103 = arith.constant 0 : i32
      %dma_wait3A_104 = arith.constant 0 : i32
      %dma_wait3A_105 = tpu.memref_slice %arg2[%dma_wait3A_103, %dma_wait3A_104] : memref<320000x128xf32, #tpu.memory_space<hbm>> -> memref<160x128xf32, #tpu.memory_space<hbm>>
      tpu.wait_dma2 semaphore(%arg24 : memref<!tpu.dma_semaphore, #tpu.memory_space<semaphore_mem>>) src(%dma_wait3A_105 : memref<160x128xf32, #tpu.memory_space<hbm>>) dst(%arg18 : memref<160x128xf32, #tpu.memory_space<vmem>>)
      "tpu.region"() ({
        %run_scoped3A = tpu.sem_alloc : memref<!tpu.dma_semaphore, #tpu.memory_space<semaphore_mem>>
        %dma_start3A_200 = arith.constant 0 : i32
        %dma_start3A_201 = arith.constant 0 : i32
        %dma_start3A_202 = tpu.memref_slice %arg9[%dma_start3A_200, %dma_start3A_201] : memref<10240x128xf32, #tpu.memory_space<vmem_shared>> -> memref<10240x128xf32, #tpu.memory_space<vmem_shared>>
        tpu.enqueue_indirect_dma source(%arg18 : memref<160x128xf32, #tpu.memory_space<vmem>>) target(%dma_start3A_202 : memref<10240x128xf32, #tpu.memory_space<vmem_shared>>) offsets(%arg14 : memref<160xi32, #tpu.memory_space<vmem>>) semaphore(%run_scoped3A : memref<!tpu.dma_semaphore, #tpu.memory_space<semaphore_mem>>) {add = true}
        %dma_wait3A_203 = arith.constant 0 : i32
        %dma_wait3A_204 = arith.constant 0 : i32
        %dma_wait3A_205 = tpu.memref_slice %arg9[%dma_wait3A_203, %dma_wait3A_204] : memref<10240x128xf32, #tpu.memory_space<vmem_shared>> -> memref<10240x128xf32, #tpu.memory_space<vmem_shared>>
        tpu.wait_indirect_dma semaphore(%run_scoped3A : memref<!tpu.dma_semaphore, #tpu.memory_space<semaphore_mem>>) src(%arg18 : memref<160x128xf32, #tpu.memory_space<vmem>>) dst(%dma_wait3A_205 : memref<10240x128xf32, #tpu.memory_space<vmem_shared>>)
        tpu.yield
      }) : () -> ()
      %add3A_106 = arith.constant 4 : i32
      %add3A_107 = arith.addi %mul3A_78, %add3A_106 : i32
      %lt3A = arith.constant 125 : i32
      %lt3A_108 = arith.cmpi slt, %add3A_107, %lt3A : i32
      %convert_element_type3A_109 = arith.extui %lt3A_108 : i1 to i32
      %cond3A_110 = arith.constant 0 : i32
      %cond3A_111 = arith.cmpi ne, %convert_element_type3A_109, %cond3A_110 : i32
      scf.if %cond3A_111 {
        %add3A_200 = arith.constant 4 : i32
        %add3A_201 = arith.addi %mul3A_78, %add3A_200 : i32
        %mul3A_202 = arith.constant 160 : i32
        %mul3A_203 = arith.muli %add3A_201, %mul3A_202 : i32
        %add3A_204 = arith.addi %mul3A_4, %mul3A_203 : i32
        %dma_start3A_205 = tpu.memref_slice %arg5[%add3A_204] : memref<320000xi32, #tpu.memory_space<hbm>> -> memref<160xi32, #tpu.memory_space<hbm>>
        %dma_start3A_206 = tpu.memref_slice %arg5[%add3A_204] : memref<320000xi32, #tpu.memory_space<hbm>> -> memref<160xi32, #tpu.memory_space<hbm>>
        tpu.enqueue_dma source(%dma_start3A_206 : memref<160xi32, #tpu.memory_space<hbm>>) target(%arg14 : memref<160xi32, #tpu.memory_space<vmem>>) target_semaphore(%arg20 : memref<!tpu.dma_semaphore, #tpu.memory_space<semaphore_mem>>)
        %eq3A_207 = arith.constant 1 : i32
        %eq3A_208 = arith.cmpi eq, %arg0, %eq3A_207 : i32
        %convert_element_type3A_209 = arith.extui %eq3A_208 : i1 to i32
        %cond3A_210 = arith.constant 0 : i32
        %cond3A_211 = arith.cmpi ne, %convert_element_type3A_209, %cond3A_210 : i32
        scf.if %cond3A_211 {
          %dma_start3A_212 = tpu.memref_slice %arg4[%add3A_204] : memref<320000xi32, #tpu.memory_space<hbm>> -> memref<160xi32, #tpu.memory_space<hbm>>
          %dma_start3A_213 = tpu.memref_slice %arg4[%add3A_204] : memref<320000xi32, #tpu.memory_space<hbm>> -> memref<160xi32, #tpu.memory_space<hbm>>
          tpu.enqueue_dma source(%dma_start3A_213 : memref<160xi32, #tpu.memory_space<hbm>>) target(%arg10 : memref<160xi32, #tpu.memory_space<vmem>>) target_semaphore(%arg20 : memref<!tpu.dma_semaphore, #tpu.memory_space<semaphore_mem>>)
        } else {
        }
      } else {
      }
      %dma_wait3A_112 = arith.constant 0 : i32
      %dma_wait3A_113 = tpu.memref_slice %arg5[%dma_wait3A_112] : memref<320000xi32, #tpu.memory_space<hbm>> -> memref<160xi32, #tpu.memory_space<hbm>>
      %dma_wait3A_114 = arith.constant 0 : i32
      %dma_wait3A_115 = tpu.memref_slice %arg5[%dma_wait3A_114] : memref<320000xi32, #tpu.memory_space<hbm>> -> memref<160xi32, #tpu.memory_space<hbm>>
      tpu.wait_dma2 semaphore(%arg22 : memref<!tpu.dma_semaphore, #tpu.memory_space<semaphore_mem>>) src(%dma_wait3A_115 : memref<160xi32, #tpu.memory_space<hbm>>) dst(%arg16 : memref<160xi32, #tpu.memory_space<vmem>>)
      %eq3A_116 = arith.constant 1 : i32
      %eq3A_117 = arith.cmpi eq, %arg0, %eq3A_116 : i32
      %convert_element_type3A_118 = arith.extui %eq3A_117 : i1 to i32
      %cond3A_119 = arith.constant 0 : i32
      %cond3A_120 = arith.cmpi ne, %convert_element_type3A_118, %cond3A_119 : i32
      scf.if %cond3A_120 {
        %dma_wait3A_200 = arith.constant 0 : i32
        %dma_wait3A_201 = tpu.memref_slice %arg4[%dma_wait3A_200] : memref<320000xi32, #tpu.memory_space<hbm>> -> memref<160xi32, #tpu.memory_space<hbm>>
        %dma_wait3A_202 = arith.constant 0 : i32
        %dma_wait3A_203 = tpu.memref_slice %arg4[%dma_wait3A_202] : memref<320000xi32, #tpu.memory_space<hbm>> -> memref<160xi32, #tpu.memory_space<hbm>>
        tpu.wait_dma2 semaphore(%arg22 : memref<!tpu.dma_semaphore, #tpu.memory_space<semaphore_mem>>) src(%dma_wait3A_203 : memref<160xi32, #tpu.memory_space<hbm>>) dst(%arg12 : memref<160xi32, #tpu.memory_space<vmem>>)
      } else {
      }
      %add3A_121 = arith.constant 2 : i32
      %add3A_122 = arith.addi %mul3A_78, %add3A_121 : i32
      %eq3A_123 = arith.constant 0 : i32
      %eq3A_124 = arith.cmpi eq, %arg0, %eq3A_123 : i32
      %convert_element_type3A_125 = arith.extui %eq3A_124 : i1 to i32
      %cond3A_126 = arith.constant 0 : i32
      %cond3A_127 = arith.cmpi ne, %convert_element_type3A_125, %cond3A_126 : i32
      scf.if %cond3A_127 {
        %mul3A_200 = arith.constant 160 : i32
        %mul3A_201 = arith.muli %add3A_122, %mul3A_200 : i32
        %add3A_202 = arith.addi %mul3A_4, %mul3A_201 : i32
        %dma_start3A_203 = arith.constant 0 : i32
        %dma_start3A_204 = tpu.memref_slice %arg2[%add3A_202, %dma_start3A_203] : memref<320000x128xf32, #tpu.memory_space<hbm>> -> memref<160x128xf32, #tpu.memory_space<hbm>>
        %dma_start3A_205 = arith.constant 0 : i32
        %dma_start3A_206 = tpu.memref_slice %arg2[%add3A_202, %dma_start3A_205] : memref<320000x128xf32, #tpu.memory_space<hbm>> -> memref<160x128xf32, #tpu.memory_space<hbm>>
        tpu.enqueue_dma source(%dma_start3A_206 : memref<160x128xf32, #tpu.memory_space<hbm>>) target(%arg18 : memref<160x128xf32, #tpu.memory_space<vmem>>) target_semaphore(%arg24 : memref<!tpu.dma_semaphore, #tpu.memory_space<semaphore_mem>>)
      } else {
      }
      %eq3A_128 = arith.constant 1 : i32
      %eq3A_129 = arith.cmpi eq, %arg0, %eq3A_128 : i32
      %convert_element_type3A_130 = arith.extui %eq3A_129 : i1 to i32
      %cond3A_131 = arith.constant 0 : i32
      %cond3A_132 = arith.cmpi ne, %convert_element_type3A_130, %cond3A_131 : i32
      scf.if %cond3A_132 {
        %dma_start3A_200 = arith.constant 0 : i32
        %dma_start3A_201 = arith.constant 0 : i32
        %dma_start3A_202 = tpu.memref_slice %arg3[%dma_start3A_200, %dma_start3A_201] : memref<10000x128xf32, #tpu.memory_space<hbm>> -> memref<10000x128xf32, #tpu.memory_space<hbm>>
        tpu.enqueue_indirect_dma source(%dma_start3A_202 : memref<10000x128xf32, #tpu.memory_space<hbm>>) target(%arg18 : memref<160x128xf32, #tpu.memory_space<vmem>>) offsets(%arg12 : memref<160xi32, #tpu.memory_space<vmem>>) semaphore(%arg24 : memref<!tpu.dma_semaphore, #tpu.memory_space<semaphore_mem>>)
      } else {
      }
      %dma_wait3A_133 = arith.constant 0 : i32
      %dma_wait3A_134 = arith.constant 0 : i32
      %dma_wait3A_135 = tpu.memref_slice %arg2[%dma_wait3A_133, %dma_wait3A_134] : memref<320000x128xf32, #tpu.memory_space<hbm>> -> memref<160x128xf32, #tpu.memory_space<hbm>>
      %dma_wait3A_136 = arith.constant 0 : i32
      %dma_wait3A_137 = arith.constant 0 : i32
      %dma_wait3A_138 = tpu.memref_slice %arg2[%dma_wait3A_136, %dma_wait3A_137] : memref<320000x128xf32, #tpu.memory_space<hbm>> -> memref<160x128xf32, #tpu.memory_space<hbm>>
      tpu.wait_dma2 semaphore(%arg25 : memref<!tpu.dma_semaphore, #tpu.memory_space<semaphore_mem>>) src(%dma_wait3A_138 : memref<160x128xf32, #tpu.memory_space<hbm>>) dst(%arg19 : memref<160x128xf32, #tpu.memory_space<vmem>>)
      "tpu.region"() ({
        %run_scoped3A = tpu.sem_alloc : memref<!tpu.dma_semaphore, #tpu.memory_space<semaphore_mem>>
        %dma_start3A_200 = arith.constant 0 : i32
        %dma_start3A_201 = arith.constant 0 : i32
        %dma_start3A_202 = tpu.memref_slice %arg9[%dma_start3A_200, %dma_start3A_201] : memref<10240x128xf32, #tpu.memory_space<vmem_shared>> -> memref<10240x128xf32, #tpu.memory_space<vmem_shared>>
        tpu.enqueue_indirect_dma source(%arg19 : memref<160x128xf32, #tpu.memory_space<vmem>>) target(%dma_start3A_202 : memref<10240x128xf32, #tpu.memory_space<vmem_shared>>) offsets(%arg15 : memref<160xi32, #tpu.memory_space<vmem>>) semaphore(%run_scoped3A : memref<!tpu.dma_semaphore, #tpu.memory_space<semaphore_mem>>) {add = true}
        %dma_wait3A_203 = arith.constant 0 : i32
        %dma_wait3A_204 = arith.constant 0 : i32
        %dma_wait3A_205 = tpu.memref_slice %arg9[%dma_wait3A_203, %dma_wait3A_204] : memref<10240x128xf32, #tpu.memory_space<vmem_shared>> -> memref<10240x128xf32, #tpu.memory_space<vmem_shared>>
        tpu.wait_indirect_dma semaphore(%run_scoped3A : memref<!tpu.dma_semaphore, #tpu.memory_space<semaphore_mem>>) src(%arg19 : memref<160x128xf32, #tpu.memory_space<vmem>>) dst(%dma_wait3A_205 : memref<10240x128xf32, #tpu.memory_space<vmem_shared>>)
        tpu.yield
      }) : () -> ()
      %add3A_139 = arith.constant 5 : i32
      %add3A_140 = arith.addi %mul3A_78, %add3A_139 : i32
      %lt3A_141 = arith.constant 125 : i32
      %lt3A_142 = arith.cmpi slt, %add3A_140, %lt3A_141 : i32
      %convert_element_type3A_143 = arith.extui %lt3A_142 : i1 to i32
      %cond3A_144 = arith.constant 0 : i32
      %cond3A_145 = arith.cmpi ne, %convert_element_type3A_143, %cond3A_144 : i32
      scf.if %cond3A_145 {
        %add3A_200 = arith.constant 5 : i32
        %add3A_201 = arith.addi %mul3A_78, %add3A_200 : i32
        %mul3A_202 = arith.constant 160 : i32
        %mul3A_203 = arith.muli %add3A_201, %mul3A_202 : i32
        %add3A_204 = arith.addi %mul3A_4, %mul3A_203 : i32
        %dma_start3A_205 = tpu.memref_slice %arg5[%add3A_204] : memref<320000xi32, #tpu.memory_space<hbm>> -> memref<160xi32, #tpu.memory_space<hbm>>
        %dma_start3A_206 = tpu.memref_slice %arg5[%add3A_204] : memref<320000xi32, #tpu.memory_space<hbm>> -> memref<160xi32, #tpu.memory_space<hbm>>
        tpu.enqueue_dma source(%dma_start3A_206 : memref<160xi32, #tpu.memory_space<hbm>>) target(%arg15 : memref<160xi32, #tpu.memory_space<vmem>>) target_semaphore(%arg21 : memref<!tpu.dma_semaphore, #tpu.memory_space<semaphore_mem>>)
        %eq3A_207 = arith.constant 1 : i32
        %eq3A_208 = arith.cmpi eq, %arg0, %eq3A_207 : i32
        %convert_element_type3A_209 = arith.extui %eq3A_208 : i1 to i32
        %cond3A_210 = arith.constant 0 : i32
        %cond3A_211 = arith.cmpi ne, %convert_element_type3A_209, %cond3A_210 : i32
        scf.if %cond3A_211 {
          %dma_start3A_212 = tpu.memref_slice %arg4[%add3A_204] : memref<320000xi32, #tpu.memory_space<hbm>> -> memref<160xi32, #tpu.memory_space<hbm>>
          %dma_start3A_213 = tpu.memref_slice %arg4[%add3A_204] : memref<320000xi32, #tpu.memory_space<hbm>> -> memref<160xi32, #tpu.memory_space<hbm>>
          tpu.enqueue_dma source(%dma_start3A_213 : memref<160xi32, #tpu.memory_space<hbm>>) target(%arg11 : memref<160xi32, #tpu.memory_space<vmem>>) target_semaphore(%arg21 : memref<!tpu.dma_semaphore, #tpu.memory_space<semaphore_mem>>)
        } else {
        }
      } else {
      }
      %dma_wait3A_146 = arith.constant 0 : i32
      %dma_wait3A_147 = tpu.memref_slice %arg5[%dma_wait3A_146] : memref<320000xi32, #tpu.memory_space<hbm>> -> memref<160xi32, #tpu.memory_space<hbm>>
      %dma_wait3A_148 = arith.constant 0 : i32
      %dma_wait3A_149 = tpu.memref_slice %arg5[%dma_wait3A_148] : memref<320000xi32, #tpu.memory_space<hbm>> -> memref<160xi32, #tpu.memory_space<hbm>>
      tpu.wait_dma2 semaphore(%arg23 : memref<!tpu.dma_semaphore, #tpu.memory_space<semaphore_mem>>) src(%dma_wait3A_149 : memref<160xi32, #tpu.memory_space<hbm>>) dst(%arg17 : memref<160xi32, #tpu.memory_space<vmem>>)
      %eq3A_150 = arith.constant 1 : i32
      %eq3A_151 = arith.cmpi eq, %arg0, %eq3A_150 : i32
      %convert_element_type3A_152 = arith.extui %eq3A_151 : i1 to i32
      %cond3A_153 = arith.constant 0 : i32
      %cond3A_154 = arith.cmpi ne, %convert_element_type3A_152, %cond3A_153 : i32
      scf.if %cond3A_154 {
        %dma_wait3A_200 = arith.constant 0 : i32
        %dma_wait3A_201 = tpu.memref_slice %arg4[%dma_wait3A_200] : memref<320000xi32, #tpu.memory_space<hbm>> -> memref<160xi32, #tpu.memory_space<hbm>>
        %dma_wait3A_202 = arith.constant 0 : i32
        %dma_wait3A_203 = tpu.memref_slice %arg4[%dma_wait3A_202] : memref<320000xi32, #tpu.memory_space<hbm>> -> memref<160xi32, #tpu.memory_space<hbm>>
        tpu.wait_dma2 semaphore(%arg23 : memref<!tpu.dma_semaphore, #tpu.memory_space<semaphore_mem>>) src(%dma_wait3A_203 : memref<160xi32, #tpu.memory_space<hbm>>) dst(%arg13 : memref<160xi32, #tpu.memory_space<vmem>>)
      } else {
      }
      %add3A_155 = arith.constant 3 : i32
      %add3A_156 = arith.addi %mul3A_78, %add3A_155 : i32
      %eq3A_157 = arith.constant 0 : i32
      %eq3A_158 = arith.cmpi eq, %arg0, %eq3A_157 : i32
      %convert_element_type3A_159 = arith.extui %eq3A_158 : i1 to i32
      %cond3A_160 = arith.constant 0 : i32
      %cond3A_161 = arith.cmpi ne, %convert_element_type3A_159, %cond3A_160 : i32
      scf.if %cond3A_161 {
        %mul3A_200 = arith.constant 160 : i32
        %mul3A_201 = arith.muli %add3A_156, %mul3A_200 : i32
        %add3A_202 = arith.addi %mul3A_4, %mul3A_201 : i32
        %dma_start3A_203 = arith.constant 0 : i32
        %dma_start3A_204 = tpu.memref_slice %arg2[%add3A_202, %dma_start3A_203] : memref<320000x128xf32, #tpu.memory_space<hbm>> -> memref<160x128xf32, #tpu.memory_space<hbm>>
        %dma_start3A_205 = arith.constant 0 : i32
        %dma_start3A_206 = tpu.memref_slice %arg2[%add3A_202, %dma_start3A_205] : memref<320000x128xf32, #tpu.memory_space<hbm>> -> memref<160x128xf32, #tpu.memory_space<hbm>>
        tpu.enqueue_dma source(%dma_start3A_206 : memref<160x128xf32, #tpu.memory_space<hbm>>) target(%arg19 : memref<160x128xf32, #tpu.memory_space<vmem>>) target_semaphore(%arg25 : memref<!tpu.dma_semaphore, #tpu.memory_space<semaphore_mem>>)
      } else {
      }
      %eq3A_162 = arith.constant 1 : i32
      %eq3A_163 = arith.cmpi eq, %arg0, %eq3A_162 : i32
      %convert_element_type3A_164 = arith.extui %eq3A_163 : i1 to i32
      %cond3A_165 = arith.constant 0 : i32
      %cond3A_166 = arith.cmpi ne, %convert_element_type3A_164, %cond3A_165 : i32
      scf.if %cond3A_166 {
        %dma_start3A_200 = arith.constant 0 : i32
        %dma_start3A_201 = arith.constant 0 : i32
        %dma_start3A_202 = tpu.memref_slice %arg3[%dma_start3A_200, %dma_start3A_201] : memref<10000x128xf32, #tpu.memory_space<hbm>> -> memref<10000x128xf32, #tpu.memory_space<hbm>>
        tpu.enqueue_indirect_dma source(%dma_start3A_202 : memref<10000x128xf32, #tpu.memory_space<hbm>>) target(%arg19 : memref<160x128xf32, #tpu.memory_space<vmem>>) offsets(%arg13 : memref<160xi32, #tpu.memory_space<vmem>>) semaphore(%arg25 : memref<!tpu.dma_semaphore, #tpu.memory_space<semaphore_mem>>)
      } else {
      }
      %dma_wait3A_167 = arith.constant 0 : i32
      %dma_wait3A_168 = arith.constant 0 : i32
      %dma_wait3A_169 = tpu.memref_slice %arg2[%dma_wait3A_167, %dma_wait3A_168] : memref<320000x128xf32, #tpu.memory_space<hbm>> -> memref<160x128xf32, #tpu.memory_space<hbm>>
      %dma_wait3A_170 = arith.constant 0 : i32
      %dma_wait3A_171 = arith.constant 0 : i32
      %dma_wait3A_172 = tpu.memref_slice %arg2[%dma_wait3A_170, %dma_wait3A_171] : memref<320000x128xf32, #tpu.memory_space<hbm>> -> memref<160x128xf32, #tpu.memory_space<hbm>>
      tpu.wait_dma2 semaphore(%arg24 : memref<!tpu.dma_semaphore, #tpu.memory_space<semaphore_mem>>) src(%dma_wait3A_172 : memref<160x128xf32, #tpu.memory_space<hbm>>) dst(%arg18 : memref<160x128xf32, #tpu.memory_space<vmem>>)
      "tpu.region"() ({
        %run_scoped3A = tpu.sem_alloc : memref<!tpu.dma_semaphore, #tpu.memory_space<semaphore_mem>>
        %dma_start3A_200 = arith.constant 0 : i32
        %dma_start3A_201 = arith.constant 0 : i32
        %dma_start3A_202 = tpu.memref_slice %arg9[%dma_start3A_200, %dma_start3A_201] : memref<10240x128xf32, #tpu.memory_space<vmem_shared>> -> memref<10240x128xf32, #tpu.memory_space<vmem_shared>>
        tpu.enqueue_indirect_dma source(%arg18 : memref<160x128xf32, #tpu.memory_space<vmem>>) target(%dma_start3A_202 : memref<10240x128xf32, #tpu.memory_space<vmem_shared>>) offsets(%arg16 : memref<160xi32, #tpu.memory_space<vmem>>) semaphore(%run_scoped3A : memref<!tpu.dma_semaphore, #tpu.memory_space<semaphore_mem>>) {add = true}
        %dma_wait3A_203 = arith.constant 0 : i32
        %dma_wait3A_204 = arith.constant 0 : i32
        %dma_wait3A_205 = tpu.memref_slice %arg9[%dma_wait3A_203, %dma_wait3A_204] : memref<10240x128xf32, #tpu.memory_space<vmem_shared>> -> memref<10240x128xf32, #tpu.memory_space<vmem_shared>>
        tpu.wait_indirect_dma semaphore(%run_scoped3A : memref<!tpu.dma_semaphore, #tpu.memory_space<semaphore_mem>>) src(%arg18 : memref<160x128xf32, #tpu.memory_space<vmem>>) dst(%dma_wait3A_205 : memref<10240x128xf32, #tpu.memory_space<vmem_shared>>)
        tpu.yield
      }) : () -> ()
      %add3A_173 = arith.constant 6 : i32
      %add3A_174 = arith.addi %mul3A_78, %add3A_173 : i32
      %lt3A_175 = arith.constant 125 : i32
      %lt3A_176 = arith.cmpi slt, %add3A_174, %lt3A_175 : i32
      %convert_element_type3A_177 = arith.extui %lt3A_176 : i1 to i32
      %cond3A_178 = arith.constant 0 : i32
      %cond3A_179 = arith.cmpi ne, %convert_element_type3A_177, %cond3A_178 : i32
      scf.if %cond3A_179 {
        %add3A_200 = arith.constant 6 : i32
        %add3A_201 = arith.addi %mul3A_78, %add3A_200 : i32
        %mul3A_202 = arith.constant 160 : i32
        %mul3A_203 = arith.muli %add3A_201, %mul3A_202 : i32
        %add3A_204 = arith.addi %mul3A_4, %mul3A_203 : i32
        %dma_start3A_205 = tpu.memref_slice %arg5[%add3A_204] : memref<320000xi32, #tpu.memory_space<hbm>> -> memref<160xi32, #tpu.memory_space<hbm>>
        %dma_start3A_206 = tpu.memref_slice %arg5[%add3A_204] : memref<320000xi32, #tpu.memory_space<hbm>> -> memref<160xi32, #tpu.memory_space<hbm>>
        tpu.enqueue_dma source(%dma_start3A_206 : memref<160xi32, #tpu.memory_space<hbm>>) target(%arg16 : memref<160xi32, #tpu.memory_space<vmem>>) target_semaphore(%arg22 : memref<!tpu.dma_semaphore, #tpu.memory_space<semaphore_mem>>)
        %eq3A_207 = arith.constant 1 : i32
        %eq3A_208 = arith.cmpi eq, %arg0, %eq3A_207 : i32
        %convert_element_type3A_209 = arith.extui %eq3A_208 : i1 to i32
        %cond3A_210 = arith.constant 0 : i32
        %cond3A_211 = arith.cmpi ne, %convert_element_type3A_209, %cond3A_210 : i32
        scf.if %cond3A_211 {
          %dma_start3A_212 = tpu.memref_slice %arg4[%add3A_204] : memref<320000xi32, #tpu.memory_space<hbm>> -> memref<160xi32, #tpu.memory_space<hbm>>
          %dma_start3A_213 = tpu.memref_slice %arg4[%add3A_204] : memref<320000xi32, #tpu.memory_space<hbm>> -> memref<160xi32, #tpu.memory_space<hbm>>
          tpu.enqueue_dma source(%dma_start3A_213 : memref<160xi32, #tpu.memory_space<hbm>>) target(%arg12 : memref<160xi32, #tpu.memory_space<vmem>>) target_semaphore(%arg22 : memref<!tpu.dma_semaphore, #tpu.memory_space<semaphore_mem>>)
        } else {
        }
      } else {
      }
      %add3A_180 = arith.constant 4 : i32
      %add3A_181 = arith.addi %mul3A_78, %add3A_180 : i32
      %lt3A_182 = arith.constant 125 : i32
      %lt3A_183 = arith.cmpi slt, %add3A_181, %lt3A_182 : i32
      %convert_element_type3A_184 = arith.extui %lt3A_183 : i1 to i32
      %cond3A_185 = arith.constant 0 : i32
      %cond3A_186 = arith.cmpi ne, %convert_element_type3A_184, %cond3A_185 : i32
      scf.if %cond3A_186 {
        %dma_wait3A_200 = arith.constant 0 : i32
        %dma_wait3A_201 = tpu.memref_slice %arg5[%dma_wait3A_200] : memref<320000xi32, #tpu.memory_space<hbm>> -> memref<160xi32, #tpu.memory_space<hbm>>
        %dma_wait3A_202 = arith.constant 0 : i32
        %dma_wait3A_203 = tpu.memref_slice %arg5[%dma_wait3A_202] : memref<320000xi32, #tpu.memory_space<hbm>> -> memref<160xi32, #tpu.memory_space<hbm>>
        tpu.wait_dma2 semaphore(%arg20 : memref<!tpu.dma_semaphore, #tpu.memory_space<semaphore_mem>>) src(%dma_wait3A_203 : memref<160xi32, #tpu.memory_space<hbm>>) dst(%arg14 : memref<160xi32, #tpu.memory_space<vmem>>)
        %eq3A_204 = arith.constant 1 : i32
        %eq3A_205 = arith.cmpi eq, %arg0, %eq3A_204 : i32
        %convert_element_type3A_206 = arith.extui %eq3A_205 : i1 to i32
        %cond3A_207 = arith.constant 0 : i32
        %cond3A_208 = arith.cmpi ne, %convert_element_type3A_206, %cond3A_207 : i32
        scf.if %cond3A_208 {
          %dma_wait3A_221 = arith.constant 0 : i32
          %dma_wait3A_222 = tpu.memref_slice %arg4[%dma_wait3A_221] : memref<320000xi32, #tpu.memory_space<hbm>> -> memref<160xi32, #tpu.memory_space<hbm>>
          %dma_wait3A_223 = arith.constant 0 : i32
          %dma_wait3A_224 = tpu.memref_slice %arg4[%dma_wait3A_223] : memref<320000xi32, #tpu.memory_space<hbm>> -> memref<160xi32, #tpu.memory_space<hbm>>
          tpu.wait_dma2 semaphore(%arg20 : memref<!tpu.dma_semaphore, #tpu.memory_space<semaphore_mem>>) src(%dma_wait3A_224 : memref<160xi32, #tpu.memory_space<hbm>>) dst(%arg10 : memref<160xi32, #tpu.memory_space<vmem>>)
        } else {
        }
        %add3A_209 = arith.constant 4 : i32
        %add3A_210 = arith.addi %mul3A_78, %add3A_209 : i32
        %eq3A_211 = arith.constant 0 : i32
        %eq3A_212 = arith.cmpi eq, %arg0, %eq3A_211 : i32
        %convert_element_type3A_213 = arith.extui %eq3A_212 : i1 to i32
        %cond3A_214 = arith.constant 0 : i32
        %cond3A_215 = arith.cmpi ne, %convert_element_type3A_213, %cond3A_214 : i32
        scf.if %cond3A_215 {
          %mul3A_221 = arith.constant 160 : i32
          %mul3A_222 = arith.muli %add3A_210, %mul3A_221 : i32
          %add3A_223 = arith.addi %mul3A_4, %mul3A_222 : i32
          %dma_start3A_224 = arith.constant 0 : i32
          %dma_start3A_225 = tpu.memref_slice %arg2[%add3A_223, %dma_start3A_224] : memref<320000x128xf32, #tpu.memory_space<hbm>> -> memref<160x128xf32, #tpu.memory_space<hbm>>
          %dma_start3A_226 = arith.constant 0 : i32
          %dma_start3A_227 = tpu.memref_slice %arg2[%add3A_223, %dma_start3A_226] : memref<320000x128xf32, #tpu.memory_space<hbm>> -> memref<160x128xf32, #tpu.memory_space<hbm>>
          tpu.enqueue_dma source(%dma_start3A_227 : memref<160x128xf32, #tpu.memory_space<hbm>>) target(%arg18 : memref<160x128xf32, #tpu.memory_space<vmem>>) target_semaphore(%arg24 : memref<!tpu.dma_semaphore, #tpu.memory_space<semaphore_mem>>)
        } else {
        }
        %eq3A_216 = arith.constant 1 : i32
        %eq3A_217 = arith.cmpi eq, %arg0, %eq3A_216 : i32
        %convert_element_type3A_218 = arith.extui %eq3A_217 : i1 to i32
        %cond3A_219 = arith.constant 0 : i32
        %cond3A_220 = arith.cmpi ne, %convert_element_type3A_218, %cond3A_219 : i32
        scf.if %cond3A_220 {
          %dma_start3A_221 = arith.constant 0 : i32
          %dma_start3A_222 = arith.constant 0 : i32
          %dma_start3A_223 = tpu.memref_slice %arg3[%dma_start3A_221, %dma_start3A_222] : memref<10000x128xf32, #tpu.memory_space<hbm>> -> memref<10000x128xf32, #tpu.memory_space<hbm>>
          tpu.enqueue_indirect_dma source(%dma_start3A_223 : memref<10000x128xf32, #tpu.memory_space<hbm>>) target(%arg18 : memref<160x128xf32, #tpu.memory_space<vmem>>) offsets(%arg10 : memref<160xi32, #tpu.memory_space<vmem>>) semaphore(%arg24 : memref<!tpu.dma_semaphore, #tpu.memory_space<semaphore_mem>>)
        } else {
        }
      } else {
      }
      %dma_wait3A_187 = arith.constant 0 : i32
      %dma_wait3A_188 = arith.constant 0 : i32
      %dma_wait3A_189 = tpu.memref_slice %arg2[%dma_wait3A_187, %dma_wait3A_188] : memref<320000x128xf32, #tpu.memory_space<hbm>> -> memref<160x128xf32, #tpu.memory_space<hbm>>
      %dma_wait3A_190 = arith.constant 0 : i32
      %dma_wait3A_191 = arith.constant 0 : i32
      %dma_wait3A_192 = tpu.memref_slice %arg2[%dma_wait3A_190, %dma_wait3A_191] : memref<320000x128xf32, #tpu.memory_space<hbm>> -> memref<160x128xf32, #tpu.memory_space<hbm>>
      tpu.wait_dma2 semaphore(%arg25 : memref<!tpu.dma_semaphore, #tpu.memory_space<semaphore_mem>>) src(%dma_wait3A_192 : memref<160x128xf32, #tpu.memory_space<hbm>>) dst(%arg19 : memref<160x128xf32, #tpu.memory_space<vmem>>)
      "tpu.region"() ({
        %run_scoped3A = tpu.sem_alloc : memref<!tpu.dma_semaphore, #tpu.memory_space<semaphore_mem>>
        %dma_start3A_200 = arith.constant 0 : i32
        %dma_start3A_201 = arith.constant 0 : i32
        %dma_start3A_202 = tpu.memref_slice %arg9[%dma_start3A_200, %dma_start3A_201] : memref<10240x128xf32, #tpu.memory_space<vmem_shared>> -> memref<10240x128xf32, #tpu.memory_space<vmem_shared>>
        tpu.enqueue_indirect_dma source(%arg19 : memref<160x128xf32, #tpu.memory_space<vmem>>) target(%dma_start3A_202 : memref<10240x128xf32, #tpu.memory_space<vmem_shared>>) offsets(%arg17 : memref<160xi32, #tpu.memory_space<vmem>>) semaphore(%run_scoped3A : memref<!tpu.dma_semaphore, #tpu.memory_space<semaphore_mem>>) {add = true}
        %dma_wait3A_203 = arith.constant 0 : i32
        %dma_wait3A_204 = arith.constant 0 : i32
        %dma_wait3A_205 = tpu.memref_slice %arg9[%dma_wait3A_203, %dma_wait3A_204] : memref<10240x128xf32, #tpu.memory_space<vmem_shared>> -> memref<10240x128xf32, #tpu.memory_space<vmem_shared>>
        tpu.wait_indirect_dma semaphore(%run_scoped3A : memref<!tpu.dma_semaphore, #tpu.memory_space<semaphore_mem>>) src(%arg19 : memref<160x128xf32, #tpu.memory_space<vmem>>) dst(%dma_wait3A_205 : memref<10240x128xf32, #tpu.memory_space<vmem_shared>>)
        tpu.yield
      }) : () -> ()
      %add3A_193 = arith.constant 7 : i32
      %add3A_194 = arith.addi %mul3A_78, %add3A_193 : i32
      %lt3A_195 = arith.constant 125 : i32
      %lt3A_196 = arith.cmpi slt, %add3A_194, %lt3A_195 : i32
      %convert_element_type3A_197 = arith.extui %lt3A_196 : i1 to i32
      %cond3A_198 = arith.constant 0 : i32
      %cond3A_199 = arith.cmpi ne, %convert_element_type3A_197, %cond3A_198 : i32
      scf.if %cond3A_199 {
        %add3A_200 = arith.constant 7 : i32
        %add3A_201 = arith.addi %mul3A_78, %add3A_200 : i32
        %mul3A_202 = arith.constant 160 : i32
        %mul3A_203 = arith.muli %add3A_201, %mul3A_202 : i32
        %add3A_204 = arith.addi %mul3A_4, %mul3A_203 : i32
        %dma_start3A_205 = tpu.memref_slice %arg5[%add3A_204] : memref<320000xi32, #tpu.memory_space<hbm>> -> memref<160xi32, #tpu.memory_space<hbm>>
        %dma_start3A_206 = tpu.memref_slice %arg5[%add3A_204] : memref<320000xi32, #tpu.memory_space<hbm>> -> memref<160xi32, #tpu.memory_space<hbm>>
        tpu.enqueue_dma source(%dma_start3A_206 : memref<160xi32, #tpu.memory_space<hbm>>) target(%arg17 : memref<160xi32, #tpu.memory_space<vmem>>) target_semaphore(%arg23 : memref<!tpu.dma_semaphore, #tpu.memory_space<semaphore_mem>>)
        %eq3A_207 = arith.constant 1 : i32
        %eq3A_208 = arith.cmpi eq, %arg0, %eq3A_207 : i32
        %convert_element_type3A_209 = arith.extui %eq3A_208 : i1 to i32
        %cond3A_210 = arith.constant 0 : i32
        %cond3A_211 = arith.cmpi ne, %convert_element_type3A_209, %cond3A_210 : i32
        scf.if %cond3A_211 {
          %dma_start3A_212 = tpu.memref_slice %arg4[%add3A_204] : memref<320000xi32, #tpu.memory_space<hbm>> -> memref<160xi32, #tpu.memory_space<hbm>>
          %dma_start3A_213 = tpu.memref_slice %arg4[%add3A_204] : memref<320000xi32, #tpu.memory_space<hbm>> -> memref<160xi32, #tpu.memory_space<hbm>>
          tpu.enqueue_dma source(%dma_start3A_213 : memref<160xi32, #tpu.memory_space<hbm>>) target(%arg13 : memref<160xi32, #tpu.memory_space<vmem>>) target_semaphore(%arg23 : memref<!tpu.dma_semaphore, #tpu.memory_space<semaphore_mem>>)
        } else {
        }
      } else {
      }
    }
    %scan3A_58 = arith.constant 31 : i32
    %dma_wait3A_59 = arith.constant 0 : i32
    %dma_wait3A_60 = arith.constant 0 : i32
    %dma_wait3A_61 = tpu.memref_slice %arg2[%dma_wait3A_59, %dma_wait3A_60] : memref<320000x128xf32, #tpu.memory_space<hbm>> -> memref<160x128xf32, #tpu.memory_space<hbm>>
    %dma_wait3A_62 = arith.constant 0 : i32
    %dma_wait3A_63 = arith.constant 0 : i32
    %dma_wait3A_64 = tpu.memref_slice %arg2[%dma_wait3A_62, %dma_wait3A_63] : memref<320000x128xf32, #tpu.memory_space<hbm>> -> memref<160x128xf32, #tpu.memory_space<hbm>>
    tpu.wait_dma2 semaphore(%arg24 : memref<!tpu.dma_semaphore, #tpu.memory_space<semaphore_mem>>) src(%dma_wait3A_64 : memref<160x128xf32, #tpu.memory_space<hbm>>) dst(%arg18 : memref<160x128xf32, #tpu.memory_space<vmem>>)
    "tpu.region"() ({
      %run_scoped3A = tpu.sem_alloc : memref<!tpu.dma_semaphore, #tpu.memory_space<semaphore_mem>>
      %dma_start3A_76 = arith.constant 0 : i32
      %dma_start3A_77 = arith.constant 0 : i32
      %dma_start3A_78 = tpu.memref_slice %arg9[%dma_start3A_76, %dma_start3A_77] : memref<10240x128xf32, #tpu.memory_space<vmem_shared>> -> memref<10240x128xf32, #tpu.memory_space<vmem_shared>>
      tpu.enqueue_indirect_dma source(%arg18 : memref<160x128xf32, #tpu.memory_space<vmem>>) target(%dma_start3A_78 : memref<10240x128xf32, #tpu.memory_space<vmem_shared>>) offsets(%arg14 : memref<160xi32, #tpu.memory_space<vmem>>) semaphore(%run_scoped3A : memref<!tpu.dma_semaphore, #tpu.memory_space<semaphore_mem>>) {add = true}
      %dma_wait3A_79 = arith.constant 0 : i32
      %dma_wait3A_80 = arith.constant 0 : i32
      %dma_wait3A_81 = tpu.memref_slice %arg9[%dma_wait3A_79, %dma_wait3A_80] : memref<10240x128xf32, #tpu.memory_space<vmem_shared>> -> memref<10240x128xf32, #tpu.memory_space<vmem_shared>>
      tpu.wait_indirect_dma semaphore(%run_scoped3A : memref<!tpu.dma_semaphore, #tpu.memory_space<semaphore_mem>>) src(%arg18 : memref<160x128xf32, #tpu.memory_space<vmem>>) dst(%dma_wait3A_81 : memref<10240x128xf32, #tpu.memory_space<vmem_shared>>)
      tpu.yield
    }) : () -> ()
    %barrier3A_65 = arith.constant 0 : index
    tpu.barrier barrier_id(%barrier3A_65)
    %eq3A_66 = arith.constant 0 : i32
    %eq3A_67 = arith.cmpi eq, %arg0, %eq3A_66 : i32
    %convert_element_type3A_68 = arith.extui %eq3A_67 : i1 to i32
    %cond3A_69 = arith.constant 0 : i32
    %cond3A_70 = arith.cmpi ne, %convert_element_type3A_68, %cond3A_69 : i32
    scf.if %cond3A_70 {
      %mul3A_76 = arith.constant 640 : i32
      %mul3A_77 = arith.muli %arg1, %mul3A_76 : i32
      %mul3A_78 = arith.constant 640 : i32
      %mul3A_79 = arith.muli %arg1, %mul3A_78 : i32
      "tpu.region"() ({
        %run_scoped3A = tpu.sem_alloc : memref<!tpu.dma_semaphore, #tpu.memory_space<semaphore_mem>>
        %dma_start3A_80 = arith.constant 0 : i32
        %dma_start3A_81 = tpu.memref_slice %arg7[%mul3A_79, %dma_start3A_80] : memref<10240x128xf32, #tpu.memory_space<hbm>> -> memref<640x128xf32, #tpu.memory_space<hbm>>
        %dma_start3A_82 = arith.constant 0 : i32
        %dma_start3A_83 = tpu.memref_slice %arg9[%mul3A_77, %dma_start3A_82] : memref<10240x128xf32, #tpu.memory_space<vmem_shared>> -> memref<640x128xf32, #tpu.memory_space<vmem_shared>>
        tpu.enqueue_dma source(%dma_start3A_83 : memref<640x128xf32, #tpu.memory_space<vmem_shared>>) target(%dma_start3A_81 : memref<640x128xf32, #tpu.memory_space<hbm>>) target_semaphore(%run_scoped3A : memref<!tpu.dma_semaphore, #tpu.memory_space<semaphore_mem>>)
        %dma_wait3A_84 = arith.constant 0 : i32
        %dma_wait3A_85 = tpu.memref_slice %arg7[%mul3A_79, %dma_wait3A_84] : memref<10240x128xf32, #tpu.memory_space<hbm>> -> memref<640x128xf32, #tpu.memory_space<hbm>>
        %dma_wait3A_86 = arith.constant 0 : i32
        %dma_wait3A_87 = tpu.memref_slice %arg9[%mul3A_77, %dma_wait3A_86] : memref<10240x128xf32, #tpu.memory_space<vmem_shared>> -> memref<640x128xf32, #tpu.memory_space<vmem_shared>>
        tpu.wait_dma2 semaphore(%run_scoped3A : memref<!tpu.dma_semaphore, #tpu.memory_space<semaphore_mem>>) src(%dma_wait3A_87 : memref<640x128xf32, #tpu.memory_space<vmem_shared>>) dst(%dma_wait3A_85 : memref<640x128xf32, #tpu.memory_space<hbm>>)
        tpu.yield
      }) : () -> ()
    } else {
    }
    %eq3A_71 = arith.constant 1 : i32
    %eq3A_72 = arith.cmpi eq, %arg0, %eq3A_71 : i32
    %convert_element_type3A_73 = arith.extui %eq3A_72 : i1 to i32
    %cond3A_74 = arith.constant 0 : i32
    %cond3A_75 = arith.cmpi ne, %convert_element_type3A_73, %cond3A_74 : i32
    scf.if %cond3A_75 {
      %mul3A_76 = arith.constant 640 : i32
      %mul3A_77 = arith.muli %arg1, %mul3A_76 : i32
      %mul3A_78 = arith.constant 640 : i32
      %mul3A_79 = arith.muli %arg1, %mul3A_78 : i32
      "tpu.region"() ({
        %run_scoped3A = tpu.sem_alloc : memref<!tpu.dma_semaphore, #tpu.memory_space<semaphore_mem>>
        %dma_start3A_80 = arith.constant 0 : i32
        %dma_start3A_81 = tpu.memref_slice %arg8[%mul3A_79, %dma_start3A_80] : memref<10240x128xf32, #tpu.memory_space<hbm>> -> memref<640x128xf32, #tpu.memory_space<hbm>>
        %dma_start3A_82 = arith.constant 0 : i32
        %dma_start3A_83 = tpu.memref_slice %arg9[%mul3A_77, %dma_start3A_82] : memref<10240x128xf32, #tpu.memory_space<vmem_shared>> -> memref<640x128xf32, #tpu.memory_space<vmem_shared>>
        tpu.enqueue_dma source(%dma_start3A_83 : memref<640x128xf32, #tpu.memory_space<vmem_shared>>) target(%dma_start3A_81 : memref<640x128xf32, #tpu.memory_space<hbm>>) target_semaphore(%run_scoped3A : memref<!tpu.dma_semaphore, #tpu.memory_space<semaphore_mem>>)
        %dma_wait3A_84 = arith.constant 0 : i32
        %dma_wait3A_85 = tpu.memref_slice %arg8[%mul3A_79, %dma_wait3A_84] : memref<10240x128xf32, #tpu.memory_space<hbm>> -> memref<640x128xf32, #tpu.memory_space<hbm>>
        %dma_wait3A_86 = arith.constant 0 : i32
        %dma_wait3A_87 = tpu.memref_slice %arg9[%mul3A_77, %dma_wait3A_86] : memref<10240x128xf32, #tpu.memory_space<vmem_shared>> -> memref<640x128xf32, #tpu.memory_space<vmem_shared>>
        tpu.wait_dma2 semaphore(%run_scoped3A : memref<!tpu.dma_semaphore, #tpu.memory_space<semaphore_mem>>) src(%dma_wait3A_87 : memref<640x128xf32, #tpu.memory_space<vmem_shared>>) dst(%dma_wait3A_85 : memref<640x128xf32, #tpu.memory_space<hbm>>)
        tpu.yield
      }) : () -> ()
    } else {
    }
    return
  }
}

module attributes {stable_mosaic.version = 14 : i64} {
  func.func @_prep_body(%arg0: memref<10000x128xf32, #tpu.memory_space<vmem>>, %arg1: memref<128x128xf32, #tpu.memory_space<vmem>>, %arg2: memref<1x128xf32, #tpu.memory_space<vmem>>, %arg3: memref<10000x128xf32, #tpu.memory_space<vmem>>) attributes {dimension_semantics = [], scalar_prefetch = 0 : i64, scratch_operands = 0 : i64, tpu.core_type = #tpu.core_type<tc>} {
    %get3A = arith.constant 0 : index
    %get3A_0 = arith.constant 0 : index
    %get3A_1 = vector.load %arg0[%get3A, %get3A_0] : memref<10000x128xf32, #tpu.memory_space<vmem>>, vector<10000x128xf32>
    %get3A_2 = arith.constant 0 : index
    %get3A_3 = arith.constant 0 : index
    %get3A_4 = vector.load %arg1[%get3A_2, %get3A_3] : memref<128x128xf32, #tpu.memory_space<vmem>>, vector<128x128xf32>
    %dot_general3A = arith.constant dense<0.000000e+00> : vector<10000x128xf32>
    %dot_general3A_5 = tpu.matmul %get3A_1, %get3A_4, %dot_general3A {dimension_numbers = #tpu.dot_dimension_numbers<[1], [0], [0], [1], [0, 0, 1, 1], [], []>, transpose_lhs_hint = false} : vector<10000x128xf32>, vector<128x128xf32>, vector<10000x128xf32> -> vector<10000x128xf32>
    %get3A_6 = arith.constant 0 : index
    %get3A_7 = arith.constant 0 : index
    %get3A_8 = vector.load %arg2[%get3A_6, %get3A_7] : memref<1x128xf32, #tpu.memory_space<vmem>>, vector<1x128xf32>
    %add3A = vector.broadcast %get3A_8 : vector<1x128xf32> to vector<10000x128xf32>
    %add3A_9 = arith.addf %dot_general3A_5, %add3A : vector<10000x128xf32>
    %swap3A = arith.constant 0 : index
    %swap3A_10 = arith.constant 0 : index
    %swap3A_11 = vector.load %arg3[%swap3A, %swap3A_10] : memref<10000x128xf32, #tpu.memory_space<vmem>>, vector<10000x128xf32>
    tpu.vector_store %arg3[%swap3A, %swap3A_10], %add3A_9 {strides = array<i32>} : memref<10000x128xf32, #tpu.memory_space<vmem>>, vector<10000x128xf32>,
    return
  }
}

module attributes {stable_mosaic.version = 14 : i64} {
  func.func @_u_body(%arg0: i32, %arg1: memref<8000x2xf32, #tpu.memory_space<vmem>>, %arg2: memref<2x128xf32, #tpu.memory_space<vmem>>, %arg3: memref<8000x128xf32, #tpu.memory_space<vmem>>) attributes {dimension_semantics = [#tpu.dimension_semantics<arbitrary>], iteration_bounds = array<i64: 40>, scalar_prefetch = 0 : i64, scratch_operands = 0 : i64, tpu.core_type = #tpu.core_type<tc>, window_params = [{transform_indices = @transform_0, window_bounds = array<i64: 8000, 2>}, {pipeline_mode = #tpu.pipeline_mode<synchronous>, transform_indices = @transform_1, window_bounds = array<i64: 2, 128>}, {transform_indices = @transform_2, window_bounds = array<i64: 8000, 128>}]} {
    %get3A = arith.constant 0 : index
    %get3A_0 = arith.constant 0 : index
    %get3A_1 = vector.load %arg1[%get3A, %get3A_0] : memref<8000x2xf32, #tpu.memory_space<vmem>>, vector<8000x2xf32>
    %get3A_2 = arith.constant 0 : index
    %get3A_3 = arith.constant 0 : index
    %get3A_4 = vector.load %arg2[%get3A_2, %get3A_3] : memref<2x128xf32, #tpu.memory_space<vmem>>, vector<2x128xf32>
    %dot_general3A = arith.constant dense<0.000000e+00> : vector<8000x128xf32>
    %dot_general3A_5 = tpu.matmul %get3A_1, %get3A_4, %dot_general3A {dimension_numbers = #tpu.dot_dimension_numbers<[1], [0], [0], [1], [0, 0, 1, 1], [], []>, transpose_lhs_hint = false} : vector<8000x2xf32>, vector<2x128xf32>, vector<8000x128xf32> -> vector<8000x128xf32>
    %max3A = arith.constant 0.000000e+00 : f32
    %max3A_6 = vector.broadcast %max3A : f32 to vector<8000x128xf32>
    %max3A_7 = arith.maximumf %dot_general3A_5, %max3A_6 : vector<8000x128xf32>
    %swap3A = arith.constant 0 : index
    %swap3A_8 = arith.constant 0 : index
    %swap3A_9 = vector.load %arg3[%swap3A, %swap3A_8] : memref<8000x128xf32, #tpu.memory_space<vmem>>, vector<8000x128xf32>
    tpu.vector_store %arg3[%swap3A, %swap3A_8], %max3A_7 {strides = array<i32>} : memref<8000x128xf32, #tpu.memory_space<vmem>>, vector<8000x128xf32>,
    return
  }
  func.func @transform_0(%arg0: i32) -> (i32, i32) {
    %c0_i32 = arith.constant 0 : i32
    %c0_i32_0 = arith.constant 0 : i32
    return %arg0, %c0_i32 : i32, i32
  }
  func.func @transform_1(%arg0: i32) -> (i32, i32) {
    %c0_i32 = arith.constant 0 : i32
    %c0_i32_0 = arith.constant 0 : i32
    %c0_i32_1 = arith.constant 0 : i32
    return %c0_i32, %c0_i32_0 : i32, i32
  }
  func.func @transform_2(%arg0: i32) -> (i32, i32) {
    %c0_i32 = arith.constant 0 : i32
    %c0_i32_0 = arith.constant 0 : i32
    return %arg0, %c0_i32 : i32, i32
  }
}

module attributes {stable_mosaic.version = 14 : i64} {
  func.func @_layer_body(%arg0: memref<10240x128xf32, #tpu.memory_space<vmem>>, %arg1: memref<10240x128xf32, #tpu.memory_space<vmem>>, %arg2: memref<10240x16xf32, #tpu.memory_space<vmem>>, %arg3: memref<10240x16xf32, #tpu.memory_space<vmem>>, %arg4: memref<128x128xf32, #tpu.memory_space<vmem>>, %arg5: memref<128x128xf32, #tpu.memory_space<vmem>>, %arg6: memref<128x128xf32, #tpu.memory_space<vmem>>, %arg7: memref<1x128xf32, #tpu.memory_space<vmem>>, %arg8: memref<1x128xf32, #tpu.memory_space<vmem>>, %arg9: memref<1x128xf32, #tpu.memory_space<vmem>>, %arg10: memref<10000x128xf32, #tpu.memory_space<vmem>>) attributes {dimension_semantics = [], scalar_prefetch = 0 : i64, scratch_operands = 0 : i64, tpu.core_type = #tpu.core_type<tc>} {
    %get3A = arith.constant 0 : index
    %get3A_0 = arith.constant 0 : index
    %get3A_1 = vector.load %arg0[%get3A, %get3A_0] : memref<10240x128xf32, #tpu.memory_space<vmem>>, vector<10000x128xf32>
    %get3A_2 = arith.constant 0 : index
    %get3A_3 = arith.constant 0 : index
    %get3A_4 = vector.load %arg1[%get3A_2, %get3A_3] : memref<10240x128xf32, #tpu.memory_space<vmem>>, vector<10000x128xf32>
    %get3A_5 = arith.constant 0 : index
    %get3A_6 = arith.constant 0 : index
    %get3A_7 = vector.load %arg2[%get3A_5, %get3A_6] : memref<10240x16xf32, #tpu.memory_space<vmem>>, vector<10000x1xf32>
    %get3A_8 = arith.constant 0 : index
    %get3A_9 = arith.constant 0 : index
    %get3A_10 = vector.load %arg3[%get3A_8, %get3A_9] : memref<10240x16xf32, #tpu.memory_space<vmem>>, vector<10000x1xf32>
    %add3A = arith.addf %get3A_7, %get3A_10 : vector<10000x1xf32>
    %get3A_11 = arith.constant 0 : index
    %get3A_12 = arith.constant 0 : index
    %get3A_13 = vector.load %arg4[%get3A_11, %get3A_12] : memref<128x128xf32, #tpu.memory_space<vmem>>, vector<128x128xf32>
    %dot_general3A = arith.constant dense<0.000000e+00> : vector<10000x128xf32>
    %dot_general3A_14 = tpu.matmul %get3A_1, %get3A_13, %dot_general3A {dimension_numbers = #tpu.dot_dimension_numbers<[1], [0], [0], [1], [0, 0, 1, 1], [], []>, transpose_lhs_hint = false} : vector<10000x128xf32>, vector<128x128xf32>, vector<10000x128xf32> -> vector<10000x128xf32>
    %add3A_15 = arith.addf %dot_general3A_14, %get3A_4 : vector<10000x128xf32>
    %get3A_16 = arith.constant 0 : index
    %get3A_17 = arith.constant 0 : index
    %get3A_18 = vector.load %arg5[%get3A_16, %get3A_17] : memref<128x128xf32, #tpu.memory_space<vmem>>, vector<128x128xf32>
    %dot_general3A_19 = arith.constant dense<0.000000e+00> : vector<10000x128xf32>
    %dot_general3A_20 = tpu.matmul %add3A_15, %get3A_18, %dot_general3A_19 {dimension_numbers = #tpu.dot_dimension_numbers<[1], [0], [0], [1], [0, 0, 1, 1], [], []>, transpose_lhs_hint = false} : vector<10000x128xf32>, vector<128x128xf32>, vector<10000x128xf32> -> vector<10000x128xf32>
    %max3A = arith.constant 1.000000e+00 : f32
    %max3A_21 = vector.broadcast %max3A : f32 to vector<10000x1xf32>
    %max3A_22 = arith.maximumf %add3A, %max3A_21 : vector<10000x1xf32>
    %div3A = vector.broadcast %max3A_22 : vector<10000x1xf32> to vector<10000x128xf32>
    %div3A_23 = arith.divf %dot_general3A_20, %div3A : vector<10000x128xf32>
    %get3A_24 = arith.constant 0 : index
    %get3A_25 = arith.constant 0 : index
    %get3A_26 = vector.load %arg6[%get3A_24, %get3A_25] : memref<128x128xf32, #tpu.memory_space<vmem>>, vector<128x128xf32>
    %dot_general3A_27 = arith.constant dense<0.000000e+00> : vector<10000x128xf32>
    %dot_general3A_28 = tpu.matmul %div3A_23, %get3A_26, %dot_general3A_27 {dimension_numbers = #tpu.dot_dimension_numbers<[1], [0], [0], [1], [0, 0, 1, 1], [], []>, transpose_lhs_hint = false} : vector<10000x128xf32>, vector<128x128xf32>, vector<10000x128xf32> -> vector<10000x128xf32>
    %get3A_29 = arith.constant 0 : index
    %get3A_30 = arith.constant 0 : index
    %get3A_31 = vector.load %arg7[%get3A_29, %get3A_30] : memref<1x128xf32, #tpu.memory_space<vmem>>, vector<1x128xf32>
    %add3A_32 = vector.broadcast %get3A_31 : vector<1x128xf32> to vector<10000x128xf32>
    %add3A_33 = arith.addf %dot_general3A_28, %add3A_32 : vector<10000x128xf32>
    %reduce_sum3A = arith.constant dense<0.000000e+00> : vector<128xf32>
    %reduce_sum3A_34 = vector.multi_reduction <add>, %add3A_33, %reduce_sum3A [0] : vector<10000x128xf32> to vector<128xf32>
    %broadcast_in_dim3A = vector.shape_cast %reduce_sum3A_34 : vector<128xf32> to vector<1x128xf32>
    %div3A_35 = arith.constant 1.000000e+04 : f32
    %div3A_36 = vector.broadcast %div3A_35 : f32 to vector<1x128xf32>
    %div3A_37 = arith.divf %broadcast_in_dim3A, %div3A_36 : vector<1x128xf32>
    %sub3A = vector.broadcast %div3A_37 : vector<1x128xf32> to vector<10000x128xf32>
    %sub3A_38 = arith.subf %add3A_33, %sub3A : vector<10000x128xf32>
    %sub3A_39 = vector.broadcast %div3A_37 : vector<1x128xf32> to vector<10000x128xf32>
    %sub3A_40 = arith.subf %add3A_33, %sub3A_39 : vector<10000x128xf32>
    %mul3A = arith.mulf %sub3A_38, %sub3A_40 : vector<10000x128xf32>
    %reduce_sum3A_41 = arith.constant dense<0.000000e+00> : vector<128xf32>
    %reduce_sum3A_42 = vector.multi_reduction <add>, %mul3A, %reduce_sum3A_41 [0] : vector<10000x128xf32> to vector<128xf32>
    %broadcast_in_dim3A_43 = vector.shape_cast %reduce_sum3A_42 : vector<128xf32> to vector<1x128xf32>
    %div3A_44 = arith.constant 1.000000e+04 : f32
    %div3A_45 = vector.broadcast %div3A_44 : f32 to vector<1x128xf32>
    %div3A_46 = arith.divf %broadcast_in_dim3A_43, %div3A_45 : vector<1x128xf32>
    %sub3A_47 = vector.broadcast %div3A_37 : vector<1x128xf32> to vector<10000x128xf32>
    %sub3A_48 = arith.subf %add3A_33, %sub3A_47 : vector<10000x128xf32>
    %add3A_49 = arith.constant 9.99999974E-6 : f32
    %add3A_50 = vector.broadcast %add3A_49 : f32 to vector<1x128xf32>
    %add3A_51 = arith.addf %div3A_46, %add3A_50 : vector<1x128xf32>
    %rsqrt3A = math.rsqrt %add3A_51 : vector<1x128xf32>
    %mul3A_52 = vector.broadcast %rsqrt3A : vector<1x128xf32> to vector<10000x128xf32>
    %mul3A_53 = arith.mulf %sub3A_48, %mul3A_52 : vector<10000x128xf32>
    %get3A_54 = arith.constant 0 : index
    %get3A_55 = arith.constant 0 : index
    %get3A_56 = vector.load %arg8[%get3A_54, %get3A_55] : memref<1x128xf32, #tpu.memory_space<vmem>>, vector<1x128xf32>
    %mul3A_57 = vector.broadcast %get3A_56 : vector<1x128xf32> to vector<10000x128xf32>
    %mul3A_58 = arith.mulf %mul3A_53, %mul3A_57 : vector<10000x128xf32>
    %get3A_59 = arith.constant 0 : index
    %get3A_60 = arith.constant 0 : index
    %get3A_61 = vector.load %arg9[%get3A_59, %get3A_60] : memref<1x128xf32, #tpu.memory_space<vmem>>, vector<1x128xf32>
    %add3A_62 = vector.broadcast %get3A_61 : vector<1x128xf32> to vector<10000x128xf32>
    %add3A_63 = arith.addf %mul3A_58, %add3A_62 : vector<10000x128xf32>
    %max3A_64 = arith.constant 0.000000e+00 : f32
    %max3A_65 = vector.broadcast %max3A_64 : f32 to vector<10000x128xf32>
    %max3A_66 = arith.maximumf %add3A_63, %max3A_65 : vector<10000x128xf32>
    %swap3A = arith.constant 0 : index
    %swap3A_67 = arith.constant 0 : index
    %swap3A_68 = vector.load %arg10[%swap3A, %swap3A_67] : memref<10000x128xf32, #tpu.memory_space<vmem>>, vector<10000x128xf32>
    tpu.vector_store %arg10[%swap3A, %swap3A_67], %max3A_66 {strides = array<i32>} : memref<10000x128xf32, #tpu.memory_space<vmem>>, vector<10000x128xf32>,
    return
  }
}

module attributes {stable_mosaic.version = 14 : i64} {
  func.func @_final_body(%arg0: memref<10240x128xf32, #tpu.memory_space<vmem>>, %arg1: memref<10240x128xf32, #tpu.memory_space<vmem>>, %arg2: memref<10240x16xf32, #tpu.memory_space<vmem>>, %arg3: memref<10240x16xf32, #tpu.memory_space<vmem>>, %arg4: memref<128x128xf32, #tpu.memory_space<vmem>>, %arg5: memref<128x128xf32, #tpu.memory_space<vmem>>, %arg6: memref<128x128xf32, #tpu.memory_space<vmem>>, %arg7: memref<1x128xf32, #tpu.memory_space<vmem>>, %arg8: memref<1x128xf32, #tpu.memory_space<vmem>>, %arg9: memref<1x128xf32, #tpu.memory_space<vmem>>, %arg10: memref<1x10000xi32, #tpu.memory_space<vmem>>, %arg11: memref<16x128xf32, #tpu.memory_space<vmem>>) attributes {dimension_semantics = [], scalar_prefetch = 0 : i64, scratch_operands = 0 : i64, tpu.core_type = #tpu.core_type<tc>} {
    %get3A = arith.constant 0 : index
    %get3A_0 = arith.constant 0 : index
    %get3A_1 = vector.load %arg0[%get3A, %get3A_0] : memref<10240x128xf32, #tpu.memory_space<vmem>>, vector<10000x128xf32>
    %get3A_2 = arith.constant 0 : index
    %get3A_3 = arith.constant 0 : index
    %get3A_4 = vector.load %arg1[%get3A_2, %get3A_3] : memref<10240x128xf32, #tpu.memory_space<vmem>>, vector<10000x128xf32>
    %get3A_5 = arith.constant 0 : index
    %get3A_6 = arith.constant 0 : index
    %get3A_7 = vector.load %arg2[%get3A_5, %get3A_6] : memref<10240x16xf32, #tpu.memory_space<vmem>>, vector<10000x1xf32>
    %get3A_8 = arith.constant 0 : index
    %get3A_9 = arith.constant 0 : index
    %get3A_10 = vector.load %arg3[%get3A_8, %get3A_9] : memref<10240x16xf32, #tpu.memory_space<vmem>>, vector<10000x1xf32>
    %add3A = arith.addf %get3A_7, %get3A_10 : vector<10000x1xf32>
    %get3A_11 = arith.constant 0 : index
    %get3A_12 = arith.constant 0 : index
    %get3A_13 = vector.load %arg4[%get3A_11, %get3A_12] : memref<128x128xf32, #tpu.memory_space<vmem>>, vector<128x128xf32>
    %dot_general3A = arith.constant dense<0.000000e+00> : vector<10000x128xf32>
    %dot_general3A_14 = tpu.matmul %get3A_1, %get3A_13, %dot_general3A {dimension_numbers = #tpu.dot_dimension_numbers<[1], [0], [0], [1], [0, 0, 1, 1], [], []>, transpose_lhs_hint = false} : vector<10000x128xf32>, vector<128x128xf32>, vector<10000x128xf32> -> vector<10000x128xf32>
    %add3A_15 = arith.addf %dot_general3A_14, %get3A_4 : vector<10000x128xf32>
    %get3A_16 = arith.constant 0 : index
    %get3A_17 = arith.constant 0 : index
    %get3A_18 = vector.load %arg5[%get3A_16, %get3A_17] : memref<128x128xf32, #tpu.memory_space<vmem>>, vector<128x128xf32>
    %dot_general3A_19 = arith.constant dense<0.000000e+00> : vector<10000x128xf32>
    %dot_general3A_20 = tpu.matmul %add3A_15, %get3A_18, %dot_general3A_19 {dimension_numbers = #tpu.dot_dimension_numbers<[1], [0], [0], [1], [0, 0, 1, 1], [], []>, transpose_lhs_hint = false} : vector<10000x128xf32>, vector<128x128xf32>, vector<10000x128xf32> -> vector<10000x128xf32>
    %max3A = arith.constant 1.000000e+00 : f32
    %max3A_21 = vector.broadcast %max3A : f32 to vector<10000x1xf32>
    %max3A_22 = arith.maximumf %add3A, %max3A_21 : vector<10000x1xf32>
    %div3A = vector.broadcast %max3A_22 : vector<10000x1xf32> to vector<10000x128xf32>
    %div3A_23 = arith.divf %dot_general3A_20, %div3A : vector<10000x128xf32>
    %get3A_24 = arith.constant 0 : index
    %get3A_25 = arith.constant 0 : index
    %get3A_26 = vector.load %arg6[%get3A_24, %get3A_25] : memref<128x128xf32, #tpu.memory_space<vmem>>, vector<128x128xf32>
    %dot_general3A_27 = arith.constant dense<0.000000e+00> : vector<10000x128xf32>
    %dot_general3A_28 = tpu.matmul %div3A_23, %get3A_26, %dot_general3A_27 {dimension_numbers = #tpu.dot_dimension_numbers<[1], [0], [0], [1], [0, 0, 1, 1], [], []>, transpose_lhs_hint = false} : vector<10000x128xf32>, vector<128x128xf32>, vector<10000x128xf32> -> vector<10000x128xf32>
    %get3A_29 = arith.constant 0 : index
    %get3A_30 = arith.constant 0 : index
    %get3A_31 = vector.load %arg7[%get3A_29, %get3A_30] : memref<1x128xf32, #tpu.memory_space<vmem>>, vector<1x128xf32>
    %add3A_32 = vector.broadcast %get3A_31 : vector<1x128xf32> to vector<10000x128xf32>
    %add3A_33 = arith.addf %dot_general3A_28, %add3A_32 : vector<10000x128xf32>
    %reduce_sum3A = arith.constant dense<0.000000e+00> : vector<128xf32>
    %reduce_sum3A_34 = vector.multi_reduction <add>, %add3A_33, %reduce_sum3A [0] : vector<10000x128xf32> to vector<128xf32>
    %broadcast_in_dim3A = vector.shape_cast %reduce_sum3A_34 : vector<128xf32> to vector<1x128xf32>
    %div3A_35 = arith.constant 1.000000e+04 : f32
    %div3A_36 = vector.broadcast %div3A_35 : f32 to vector<1x128xf32>
    %div3A_37 = arith.divf %broadcast_in_dim3A, %div3A_36 : vector<1x128xf32>
    %sub3A = vector.broadcast %div3A_37 : vector<1x128xf32> to vector<10000x128xf32>
    %sub3A_38 = arith.subf %add3A_33, %sub3A : vector<10000x128xf32>
    %sub3A_39 = vector.broadcast %div3A_37 : vector<1x128xf32> to vector<10000x128xf32>
    %sub3A_40 = arith.subf %add3A_33, %sub3A_39 : vector<10000x128xf32>
    %mul3A = arith.mulf %sub3A_38, %sub3A_40 : vector<10000x128xf32>
    %reduce_sum3A_41 = arith.constant dense<0.000000e+00> : vector<128xf32>
    %reduce_sum3A_42 = vector.multi_reduction <add>, %mul3A, %reduce_sum3A_41 [0] : vector<10000x128xf32> to vector<128xf32>
    %broadcast_in_dim3A_43 = vector.shape_cast %reduce_sum3A_42 : vector<128xf32> to vector<1x128xf32>
    %div3A_44 = arith.constant 1.000000e+04 : f32
    %div3A_45 = vector.broadcast %div3A_44 : f32 to vector<1x128xf32>
    %div3A_46 = arith.divf %broadcast_in_dim3A_43, %div3A_45 : vector<1x128xf32>
    %sub3A_47 = vector.broadcast %div3A_37 : vector<1x128xf32> to vector<10000x128xf32>
    %sub3A_48 = arith.subf %add3A_33, %sub3A_47 : vector<10000x128xf32>
    %add3A_49 = arith.constant 9.99999974E-6 : f32
    %add3A_50 = vector.broadcast %add3A_49 : f32 to vector<1x128xf32>
    %add3A_51 = arith.addf %div3A_46, %add3A_50 : vector<1x128xf32>
    %rsqrt3A = math.rsqrt %add3A_51 : vector<1x128xf32>
    %mul3A_52 = vector.broadcast %rsqrt3A : vector<1x128xf32> to vector<10000x128xf32>
    %mul3A_53 = arith.mulf %sub3A_48, %mul3A_52 : vector<10000x128xf32>
    %get3A_54 = arith.constant 0 : index
    %get3A_55 = arith.constant 0 : index
    %get3A_56 = vector.load %arg8[%get3A_54, %get3A_55] : memref<1x128xf32, #tpu.memory_space<vmem>>, vector<1x128xf32>
    %mul3A_57 = vector.broadcast %get3A_56 : vector<1x128xf32> to vector<10000x128xf32>
    %mul3A_58 = arith.mulf %mul3A_53, %mul3A_57 : vector<10000x128xf32>
    %get3A_59 = arith.constant 0 : index
    %get3A_60 = arith.constant 0 : index
    %get3A_61 = vector.load %arg9[%get3A_59, %get3A_60] : memref<1x128xf32, #tpu.memory_space<vmem>>, vector<1x128xf32>
    %add3A_62 = vector.broadcast %get3A_61 : vector<1x128xf32> to vector<10000x128xf32>
    %add3A_63 = arith.addf %mul3A_58, %add3A_62 : vector<10000x128xf32>
    %max3A_64 = arith.constant 0.000000e+00 : f32
    %max3A_65 = vector.broadcast %max3A_64 : f32 to vector<10000x128xf32>
    %max3A_66 = arith.maximumf %add3A_63, %max3A_65 : vector<10000x128xf32>
    %get3A_67 = arith.constant 0 : index
    %get3A_68 = arith.constant 0 : index
    %get3A_69 = vector.load %arg10[%get3A_67, %get3A_68] : memref<1x10000xi32, #tpu.memory_space<vmem>>, vector<1x10000xi32>
    %broadcast_in_dim3A_70 = vector.shape_cast %get3A_69 : vector<1x10000xi32> to vector<1x10000xi32>
    %broadcast_in_dim3A_71 = vector.broadcast %broadcast_in_dim3A_70 : vector<1x10000xi32> to vector<16x10000xi32>
    %iota3A = tpu.iota {dimensions = array<i32: 0>} : vector<16x10000xi32>
    %eq3A = arith.cmpi eq, %iota3A, %broadcast_in_dim3A_71 : vector<16x10000xi32>
    %convert_element_type3A = arith.extui %eq3A : vector<16x10000xi1> to vector<16x10000xi32>
    %convert_element_type3A_72 = arith.sitofp %convert_element_type3A : vector<16x10000xi32> to vector<16x10000xf32>
    %dot_general3A_73 = arith.constant dense<0.000000e+00> : vector<16x128xf32>
    %dot_general3A_74 = tpu.matmul %convert_element_type3A_72, %max3A_66, %dot_general3A_73 {dimension_numbers = #tpu.dot_dimension_numbers<[1], [0], [0], [1], [0, 0, 1, 1], [], []>, transpose_lhs_hint = false} : vector<16x10000xf32>, vector<10000x128xf32>, vector<16x128xf32> -> vector<16x128xf32>
    %reduce_sum3A_75 = arith.constant dense<0.000000e+00> : vector<16xf32>
    %reduce_sum3A_76 = vector.multi_reduction <add>, %convert_element_type3A_72, %reduce_sum3A_75 [1] : vector<16x10000xf32> to vector<16xf32>
    %broadcast_in_dim3A_77 = vector.shape_cast %reduce_sum3A_76 : vector<16xf32> to vector<16x1xf32>
    %max3A_78 = arith.constant 1.000000e+00 : f32
    %max3A_79 = vector.broadcast %max3A_78 : f32 to vector<16x1xf32>
    %max3A_80 = arith.maximumf %broadcast_in_dim3A_77, %max3A_79 : vector<16x1xf32>
    %div3A_81 = vector.broadcast %max3A_80 : vector<16x1xf32> to vector<16x128xf32>
    %div3A_82 = arith.divf %dot_general3A_74, %div3A_81 : vector<16x128xf32>
    %swap3A = arith.constant 0 : index
    %swap3A_83 = arith.constant 0 : index
    %swap3A_84 = vector.load %arg11[%swap3A, %swap3A_83] : memref<16x128xf32, #tpu.memory_space<vmem>>, vector<16x128xf32>
    tpu.vector_store %arg11[%swap3A, %swap3A_83], %div3A_82 {strides = array<i32>} : memref<16x128xf32, #tpu.memory_space<vmem>>, vector<16x128xf32>,
    return
  }
}

</mosaic_0001>

<sc_bundles>
// kernel: kernel.16.cloned.1.call-start
scs
__scs_entry_jumppad:
0x0: {  	(pc) =	sbr.rel $0x88, $3  }
0x1: {  	(tag) =	ssettag $0x0;
	lr =	simm.s32 $0x1  }
0x2: {  	[smem:$0x3F94] =	sst lr;
	_ =	strace $0xD0000000  }
0x3: {  	_ = 	snop  }
0x4: {  	_ = 	snop  }
0x5: {  	_ = 	snop  }
0x6: {  	_ = 	snop  }
0x7: {  	_ = 	snop  }
__scs_overlays_trampoline_lowered:
0x8: {  	[smem:$0x3FA3] =	sst s0  }
0x9: {  	[smem:$0x3FA4] =	sst s1  }
0xa: {  	[smem:$0x3FA5] =	sst s2  }
0xb: {  	[smem:$0x3FA6] =	sst s3  }
0xc: {  	[smem:$0x3FA7] =	sst s4  }
0xd: {  	[smem:$0x3FA8] =	sst s5  }
0xe: {  	[smem:$0x3FA9] =	sst s6  }
0xf: {  	[smem:$0x3FAA] =	sst s7  }
0x10: {  	[smem:$0x3FAB] =	sst s8  }
0x11: {  	[smem:$0x3FAC] =	sst s9;
	s0 =	simm.s32 @!p0 $0x0  }
0x12: {  	s1 =	sld [smem:$0x3F92];
	s0 =	simm.s32 @p0 $0x1  }
0x13: {  	[smem:$0x3FAD] =	sst s0;
	s0 =	simm.s32 @!p1 $0x0  }
0x14: {  	s2 =	sld [smem:$0x3F91];
	s0 =	simm.s32 @p1 $0x1  }
0x15: {  	[smem:$0x3FAE] =	sst s0;
	s0 =	simm.s32 @!p2 $0x0  }
0x16: {  	s3 =	sld [smem:$0x3FDB];
	s0 =	simm.s32 @p2 $0x1  }
0x17: {  	s4 =	simm.s32 $0x1BF5;
	[smem:$0x3FB0] =	sst s0  }
0x18: {  	s0 =	sld [smem:$0x3F93];
	_ =	swait.ge [sflag:s4], $0x0  }
0x19: {  	s7 =	sld [smem:$0x3F94]  }
0x1a: {  	s8 =	sadd.s32 $0xFFFFE003, lr  }
0x1b: {  	s9 =	sadd.s32 $0xFFFFFEF7, lr;
	s5 =	simm.s32 $0xFFFFFFFF;
	p2 =	slt.u32 s8, $0xFFFFF086  }
0x1c: {  	p1 =	slt.u32 s9, $0xF7A;
	s5 =	simm.s32 @!p2 $0x0  }
0x1d: {  	s5 =	simm.s32 @p1 $0x1;
	p0 =	seq.s32 s7, s2  }
0x1e: {  	s7 =	smul.u32 @!p0 $0xF7A, s2;
	p2 =	seq.s32 @!p0 s5, $0x0  }
0x1f: {  	s9 =	smul.u32 $0xF7A, s1;
	s8 =	simm.s32 @!p0 $0x1BF5;
	p2 =	por !p2, p0  }
0x20: {  	[sflag:s8] =	ssyncset.s32 @!p0 $0xFFFFF086;
	s6 =	sadd.s32 @!p0 s3, s7;
	s7 =	simm.s32 @!p0 $0x108  }
0x21: {  	s3 =	sadd.s32 s3, s9;
	s6 =	sadd.s32 @!p0 $0x88, s6;
	s7 =	simm.s32 @p2 $0x1082  }
0x22: {  	[simem:s7], [sflag:s8] =	dma.local @!p0 [hbm:s6], $0xF7A  }
0x23: {  	s9 =	sor.u32 $0xD0000000, s2;
	s6 =	simm.s32 $0x108;
	_ =	swait.ge @!p0 [sflag:s8], $0x0  }
0x24: {  	s3 =	sadd.s32 $0x88, s3;
	s6 =	simm.s32 @!p1 $0x1082;
	[sflag:s4] =	ssyncset.s32 $0xFFFFF086  }
0x25: {  	[simem:s6], [sflag:s4] =	dma.local [hbm:s3], $0xF7A  }
0x26: {  	[smem:$0x3F94] =	sst s1;
	(tag) =	ssettag s2;
	_ =	strace s9  }
0x27: {  	s1 =	sld [smem:$0x3FA4]  }
0x28: {  	s2 =	sld [smem:$0x3FA5]  }
0x29: {  	s4 =	sld [smem:$0x3FA7]  }
0x2a: {  	p0 =	seq.s32 s5, $0x0;
	s5 =	sld [smem:$0x3FA8]  }
0x2b: {  	s6 =	sld [smem:$0x3FA9]  }
0x2c: {  	s7 =	sld [smem:$0x3FAA]  }
0x2d: {  	s3 =	simm.s32 $0x108;
	s8 =	sld [smem:$0x3FAB]  }
0x2e: {  	s3 =	simm.s32 @!p0 $0x1082;
	s9 =	sld [smem:$0x3FAC]  }
0x2f: {  	lr =	sadd.s32 s0, s3;
	s0 =	sld [smem:$0x3FA3]  }
0x30: {  	s3 =	sld [smem:$0x3FA6]  }
0x31: {  	[smem:$0x3FAF] =	sst s10  }
0x32: {  	s10 =	sld [smem:$0x3FAD];
	_ =	sdelay $0x3  }
0x33: {  	p0 =	seq.s32 s10, $0x1;
	s10 =	sld [smem:$0x3FAF];
	_ =	sdelay $0x3  }
0x34: {  	[smem:$0x3FAF] =	sst s10  }
0x35: {  	s10 =	sld [smem:$0x3FAE];
	_ =	sdelay $0x3  }
0x36: {  	p1 =	seq.s32 s10, $0x1;
	s10 =	sld [smem:$0x3FAF];
	_ =	sdelay $0x3  }
0x37: {  	[smem:$0x3FAF] =	sst s10  }
0x38: {  	s10 =	sld [smem:$0x3FB0]  }
0x39: {  	_ = 	snop;
	(pc) =	sbr.ind lr, $3  }
0x3a: {  	_ = 	snop  }
0x3b: {  	_ = 	snop  }
0x3c: {  	p2 =	seq.s32 s10, $0x1;
	s10 =	sld [smem:$0x3FAF]  }
0x3d: {  	_ =	shalt  }
0x3e: {  	_ =	shalt  }
0x3f: {  	_ =	shalt  }
0x40: {  	_ =	shalt  }
0x41: {  	_ =	shalt  }
0x42: {  	_ =	shalt  }
0x43: {  	_ =	shalt  }
0x44: {  	_ =	shalt  }
0x45: {  	_ =	shalt  }
0x46: {  	_ =	shalt  }
0x47: {  	_ =	shalt  }
0x48: {  	_ =	shalt  }
0x49: {  	_ =	shalt  }
0x4a: {  	_ =	shalt  }
0x4b: {  	_ =	shalt  }
0x4c: {  	_ =	shalt  }
0x4d: {  	_ =	shalt  }
0x4e: {  	_ =	shalt  }
0x4f: {  	_ =	shalt  }
0x50: {  	_ =	shalt  }
0x51: {  	_ =	shalt  }
0x52: {  	_ =	shalt  }
0x53: {  	_ =	shalt  }
0x54: {  	_ =	shalt  }
0x55: {  	_ =	shalt  }
0x56: {  	_ =	shalt  }
0x57: {  	_ =	shalt  }
0x58: {  	_ =	shalt  }
0x59: {  	_ =	shalt  }
0x5a: {  	_ =	shalt  }
0x5b: {  	_ =	shalt  }
0x5c: {  	_ =	shalt  }
0x5d: {  	_ =	shalt  }
0x5e: {  	_ =	shalt  }
0x5f: {  	_ =	shalt  }
0x60: {  	_ =	shalt  }
0x61: {  	_ =	shalt  }
0x62: {  	_ =	shalt  }
0x63: {  	_ =	shalt  }
0x64: {  	_ =	shalt  }
0x65: {  	_ =	shalt  }
0x66: {  	_ =	shalt  }
0x67: {  	_ =	shalt  }
0x68: {  	_ =	shalt  }
0x69: {  	_ =	shalt  }
0x6a: {  	_ =	shalt  }
0x6b: {  	_ =	shalt  }
0x6c: {  	_ =	shalt  }
0x6d: {  	_ =	shalt  }
0x6e: {  	_ =	shalt  }
0x6f: {  	_ =	shalt  }
0x70: {  	_ =	shalt  }
0x71: {  	_ =	shalt  }
0x72: {  	_ =	shalt  }
0x73: {  	_ =	shalt  }
0x74: {  	_ =	shalt  }
0x75: {  	_ =	shalt  }
0x76: {  	_ =	shalt  }
0x77: {  	_ =	shalt  }
0x78: {  	_ =	shalt  }
0x79: {  	_ =	shalt  }
0x7a: {  	_ =	shalt  }
0x7b: {  	_ =	shalt  }
0x7c: {  	_ =	shalt  }
0x7d: {  	_ =	shalt  }
0x7e: {  	_ =	shalt  }
0x7f: {  	_ =	shalt  }
0x80: {  	_ =	shalt  }
0x81: {  	_ =	shalt  }
0x82: {  	_ =	shalt  }
0x83: {  	_ =	shalt  }
0x84: {  	_ =	shalt  }
0x85: {  	_ =	shalt  }
0x86: {  	_ =	shalt  }
0x87: {  	_ =	shalt  }
.Lfunc_end0:
.L_simem_size_0:
called_computation_lowered:
.L_overlay_start_0:
0x88: {  	s2 =	sld [smem:$0x3FD9]  }
0x89: {  	s3 =	sld [smem:$0x3FFE];
	_ =	sdelay $0x1  }
0x8a: {  	s1 =	srdreg.scid  }
0x8b: {  	s0 =	sand.u32 $0x1, s1  }
0x8c: {  	s16 =	sshll.u32 s0, $0xA;
	s2 =	sadd.s32 s3, s2  }
0x8d: {  	s2 =	sadd.s32 s2, s16  }
0x8e: {  	[smem:$0x3FBB] =	sst s2  }
0x8f: {  	_ = 	snop  }
0x90: {  	(tm) =	ssettm $0x1  }
0x91: {  	s17 =	sld [smem:$0x3FFB];
	_ =	sdelay $0x3  }
0x92: {  	_ =	strace s17  }
0x93: {  	s2 =	sld [smem:$0x3FFC];
	_ =	sdelay $0x3  }
0x94: {  	_ =	strace s2  }
0x95: {  	s2 =	sld [smem:$0x3FFD];
	_ =	sdelay $0x3  }
0x96: {  	_ =	strace s2  }
0x97: {  	_ =	strace $0x8FFFFFFF  }
0x98: {  	s18 =	sld [smem:$0x3FDB];
	_ =	sdelay $0x1  }
0x99: {  	s19 =	simm.s32 $_scs_section_size  }
0x9a: {  	s4 =	simm.s32 $_size__tile_overlayer_lowered;
	s5 =	simm.s32 $_tile_overlayer_lowered  }
0x9b: {  	s22 =	simm.s32 $0x1BFF;
	s21 =	sshll.u32 s5, $0x1;
	s2 =	sadd.s32 s19, s18  }
0x9c: {  	s6 =	simm.s32 $0x0;
	s20 =	sshll.u32 s4, $0x1;
	s4 =	sadd.s32 s21, s2  }
0x9d: {  	[timem:s6], [sflag:s22] =	dma.local [hbm:s4], s20  }
0x9e: {  	_ =	swait.ge [sflag:s22], s20  }
0x9f: {  	s3 =	ssub.s32 $0x0, s20;
	[sflag:s22] =	ssyncset.done $0x0  }
0xa0: {  	[sflag:s22] =	ssyncadd.s32 s3;
	_ =	sdelay $0x1  }
0xa1: {  	s23 =	simm.s32 $0x1B8B  }
0xa2: {  	_ =	swait.ge [sflag:s23], $0x1  }
0xa3: {  	[sflag:s23] =	ssyncset.done $0x0  }
0xa4: {  	s25 =	simm.s32 $0x1B8E;
	s24 =	sld [smem:$0x3FFE];
	[sflag:s23] =	ssyncadd.s32 $0xFFFFFFFF  }
0xa5: {  	s26 =	simm.s32 $execute0_lowered;
	[smem:$0x3FD2] =	sst s25  }
0xa6: {  	s4 =	sshll.u32 s26, $0x1;
	_ =	strace $0x80000046;
	[dreg:$0x1] =	wrdreg $0xFFFFFFFF  }
0xa7: {  	s28 =	simm.s32 $_size_execute0_lowered;
	s2 =	sadd.s32 s2, s4;
	[dreg:$0x0] =	wrdreg $0x0  }
0xa8: {  	s4 =	sshll.u32 s28, $0x1;
	[dreg:$0x2] =	wrdreg s2  }
0xa9: {  	[dreg:$0x3] =	wrdreg s4  }
0xaa: {  	[dreg:$0x4] =	wrdreg $0xC0  }
0xab: {  	_ =	task [dreg:s6], $0x5FFFF  }
0xac: {  	[dreg:$0x1] =	wrdreg $0xFFFFFFFF  }
0xad: {  	[dreg:$0x0] =	wrdreg $0x60  }
0xae: {  	[dreg:$0x2] =	wrdreg s24  }
0xaf: {  	[dreg:$0x3] =	wrdreg $0x0  }
0xb0: {  	[dreg:$0x4] =	wrdreg $0x9  }
0xb1: {  	_ =	task.clear_ibuf [dreg:s6], $0x5FFFF;
	_ =	strace $0x90000046  }
0xb2: {  	s29 =	simm.s32 $0x9;
	_ =	strace $0x80000048  }
0xb3: {  	_ =	swait.ge [sflag:s29], $0x1  }
0xb4: {  	[sflag:s29] =	ssyncadd.s32 $0xFFFFFFFF  }
0xb5: {  	_ =	strace $0x90000048  }
0xb6: {  	_ =	sfence  }
0xb7: {  	s30 =	sld [smem:$0x0];
	_ =	sdelay $0x2  }
0xb8: {  	s31 =	sshll.u32 s1, $0xD;
	s1 =	sshrl.u32 s1, $0x2  }
0xb9: {  	s3 =	sand.u32 $0x4000, s31;
	s1 =	sadd.s32 s1, s30  }
0xba: {  	s0 =	sor.u32 s3, s0;
	s1 =	sshll.u32 s1, $0x11  }
0xbb: {  	s0 =	sor.u32 s1, s0  }
0xbc: {  	s0 =	sadd.s32 $0x8F2B, s0  }
0xbd: {  	[sflag:s0] =	ssyncadd.remote.s32 $0x1  }
0xbe: {  	_ =	sfence.sel $0xFFFF  }
0xbf: {  	[dreg:$0x0] =	wrdreg $0xFFFFFFFF;
	(pc) =	sbr.abs _section_cstart, $3  }
0xc0: {  	[dreg:$0x1] =	wrdreg $0xFFFFFFFF  }
0xc1: {  	_ =	task.clear_ibuf [dreg:s6], $0x2FFFF;
	_ =	strace $0x9FFFFFFF  }
0xc2: {  	(tm) =	ssettm $0x7FFFFFFF  }
0xc3: {  	_ =	shalt  }
tec
execute0_lowered:
.L_overlay_start_1:
0x0: {  	(tag) =	ssettag $0x1  }
0x1: {  	s6 =	rddreg [dreg:$0x0]  }
0x2: {  	s2 =	rddreg [dreg:$0x1]  }
0x3: {  	s0 =	srdreg.scid;
	s1 =	rddreg [dreg:$0x2]  }
0x4: {  	s3 =	simm.s32 $0x0;
	s12 =	simm.s32 $0x22200;
	s5 =	sand.u32 $0x1, s0  }
0x5: {  	s13 =	simm.s32 $0x2800;
	s0 =	stileid.u32;
	s4 =	smul.u32 $0x27100, s5  }
0x6: {  	s14 =	simm.s32 $0xC8;
	[smem:$0x7FF] =	sst s3;
	s7 =	smul.u32 $0x2710, s0  }
0x7: {  	s15 =	simm.s32 $0x0;
	s29 =	smul.u32 $0x2800, s0;
	_ =	strace $0x80000047  }
0x8: {  	s8 =	ssub.s32 $0x2, s5;
	s31 =	sshll.u32 s0, $0x6;
	p0 =	seq.s32 s5, $0x1  }
0x9: {  	s11 =	sshrl.u32 s8, $0x1;
	s12 =	simm.s32 @!p0 $0x27200;
	s4 =	sadd.s32 s7, s4  }
0xa: {  	s10 =	sshrl.u32 s29, $0x3;
	s8 =	ssub.s32 s8, s11;
	s30 =	sadd.s32 s29, s2  }
0xb: {  	s11 =	simm.s32 $0x1;
	s4 =	sshrl.u32 s4, $0x3;
	s10 =	sadd.s32 s10, s6  }
0xc: {  	s7 =	smax.u32 s8, $0x1;
	s9 =	sadd.s32 s4, s6;
	s4 =	sadd.s32 $0x22000, s6  }
0xd: {  	s5 =	sadd.s32 $0x1D000, s10;
	s6 =	sor.u32 $0x1C01, s31;
	s8 =	sadd.s32 s12, s10  }
0xe: {  	s10 =	sshrl.u32 s30, $0x3;
	s12 =	simm.s32 $0x28C8;
	s9 =	sadd.s32 $0x9400, s9  }
.LBB2_1:
0xf: {  	[spmem:s10], [sflag:s6] =	dma.local [hbm:s5], $0x500  }
0x10: {  	_ =	swait.ge [sflag:s11], $0x500  }
0x11: {  	[sflag:s11] =	ssyncset.done $0x0  }
0x12: {  	[sflag:s11] =	ssyncadd.s32 $0xFFFFFB00  }
0x13: {  	[tilespmem:s12], [sflag:$0x1] =	stream.linear.gather [hbm4b:s4+s3], $0xC80, $0x38;
	[tilespmem:$0x3548] =	vst v63  }
0x14: {  	_ =	swait.ge [sflag:s11], $0xC80  }
0x15: {  	[sflag:s11] =	ssyncset.done $0x0  }
0x16: {  	[sflag:s11] =	ssyncadd.s32 $0xFFFFF380  }
0x17: {  	s16 =	sadd.s32 $0x0, s9;
	[bflag:$0x0] =	sbarrier.arrive $0xFFFF  }
0x18: {  	[tilespmem:s13], [sflag:$0x1] =	stream.linear.gather [hbm4b:s16+s3], $0xC8, $0x38;
	[tilespmem:$0x3548] =	vst v63  }
0x19: {  	_ =	swait.ge [sflag:s11], $0xC8  }
0x1a: {  	[sflag:s11] =	ssyncset.done $0x0  }
0x1b: {  	[sflag:s11] =	ssyncadd.s32 $0xFFFFFF38  }
0x1c: {  	[spmem:s2] =	stream.indirect.scatter.add.f32 [tilespmem:s12], [sflag:$0x1], $0x10, s13, s14, $0xb8;
	[tilespmem:$0x3548] =	vst v63  }
0x1d: {  	_ =	swait.ge [sflag:s11], $0xC80  }
0x1e: {  	s17 =	simm.s32 $0x32;
	s16 =	simm.s32 $0x19;
	[sflag:s11] =	ssyncset.done $0x0  }
.LBB2_2:
0x1f: {  	s18 =	sadd.s32 s16, s9  }
0x20: {  	[sflag:s11] =	ssyncadd.s32 $0xFFFFF380;
	s16 =	smov.u32 s17;
	s19 =	sadd.s32 $0x19, s17  }
0x21: {  	[tilespmem:s13], [sflag:$0x1] =	stream.linear.gather [hbm4b:s18+s3], $0xC8, $0x38;
	[tilespmem:$0x3548] =	vst v63  }
0x22: {  	p0 =	sne.s32 s17, $0x4C9;
	_ =	swait.ge [sflag:s11], $0xC8  }
.Ltmp0:
0x23: {  	[sflag:s11] =	ssyncset.done $0x0;
	(pc) =	sbr.rel @p0 .LBB2_2-.Ltmp0, $4  }
0x24: {  	[sflag:s11] =	ssyncadd.s32 $0xFFFFFF38  }
0x25: {  	[spmem:s2] =	stream.indirect.scatter.add.f32 [tilespmem:s12], [sflag:$0x1], $0x10, s13, s14, $0xb8;
	[tilespmem:$0x3548] =	vst v63  }
0x26: {  	_ =	swait.ge [sflag:s11], $0xC80  }
0x27: {  	s17 =	smov.u32 s19;
	[sflag:s11] =	ssyncset.done $0x0  }
0x28: {  	s16 =	sadd.s32 s16, s9;
	[sflag:s11] =	ssyncadd.s32 $0xFFFFF380  }
0x29: {  	[tilespmem:s13], [sflag:$0x1] =	stream.linear.gather [hbm4b:s16+s3], $0xC8, $0x38;
	[tilespmem:$0x3548] =	vst v63  }
0x2a: {  	_ =	swait.ge [sflag:s11], $0xC8  }
0x2b: {  	[sflag:s11] =	ssyncset.done $0x0  }
0x2c: {  	[sflag:s11] =	ssyncadd.s32 $0xFFFFFF38  }
0x2d: {  	[spmem:s2] =	stream.indirect.scatter.add.f32 [tilespmem:s12], [sflag:$0x1], $0x10, s13, s14, $0xb8;
	[tilespmem:$0x3548] =	vst v63  }
0x2e: {  	_ =	swait.ge [sflag:s11], $0xC80  }
0x2f: {  	s15 =	sadd.s32 $0x1, s15;
	[sflag:s11] =	ssyncset.done $0x0  }
0x30: {  	p0 =	sne.s32 s15, s7;
	[sflag:s11] =	ssyncadd.s32 $0xFFFFF380  }
.Ltmp1:
0x31: {  	[bflag:$0x0] =	sbarrier.arrive $0xFFFF;
	(pc) =	sbr.rel @p0 .LBB2_1-.Ltmp1, $4  }
0x32: {  	[hbm:s8], [sflag:s6] =	dma.local [spmem:s10], $0x500  }
0x33: {  	_ =	swait.ge [sflag:s11], $0x500  }
0x34: {  	[sflag:s11] =	ssyncset.done $0x0  }
0x35: {  	[sflag:s11] =	ssyncadd.s32 $0xFFFFFB00  }
0x36: {  	_ =	sfence.sel $0x180000  }
0x37: {  	[bflag:$0x0] =	sbarrier.arrive $0xFFFF  }
0x38: {  	p0 =	sne.s32 s0, $0x0;
	_ =	strace $0x90000047  }
0x39: {  	s0 =	sadd.s32 @!p0 $0x100000, s1;
	[bflag:$0x2] =	sbarrier.arrive $0xFFFF  }
0x3a: {  	[sflag:s0] =	ssyncadd.tile.s32 @!p0 $0x1;
	_ =	shalt  }
.Lfunc_end2:
_tile_overlayer_lowered:
.L_overlay_start_2:
0x3b: {  	(tag) =	ssettag $0x2  }
0x3c: {  	s0 =	rddreg [dreg:$0x0];
	s2 =	stileid.u32  }
0x3d: {  	s1 =	rddreg [dreg:$0x1];
	p0 =	sne.s32 s2, $0x0  }
0x3e: {  	s3 =	rddreg [dreg:$0x2];
	[bflag:$0x3] =	sbarrier.arrive $0xFFFF;
	s2 =	simm.s32 @!p0 $0x1C01  }
0x3f: {  	[timem:s3], [sflag:s2] =	dma.local @!p0 [hbm:s0], s1  }
0x40: {  	s0 =	simm.s32 @!p0 $0x1  }
0x41: {  	_ =	swait.ge @!p0 [sflag:s0], s1  }
0x42: {  	s1 =	ssub.s32 @!p0 $0x0, s1;
	[sflag:s0] =	ssyncset.done @!p0 $0x0  }
0x43: {  	[sflag:s0] =	ssyncadd.s32 @!p0 s1  }
0x44: {  	[bflag:$0x3] =	sbarrier.arrive $0xFFFF  }
0x45: {  	_ =	shalt  }

// kernel: kernel.19.cloned.1.call-start
scs
__scs_entry_jumppad:
0x0: {  	(pc) =	sbr.rel $0x88, $3  }
0x1: {  	(tag) =	ssettag $0x0;
	lr =	simm.s32 $0x1  }
0x2: {  	[smem:$0x3F94] =	sst lr;
	_ =	strace $0xD0000000  }
0x3: {  	_ = 	snop  }
0x4: {  	_ = 	snop  }
0x5: {  	_ = 	snop  }
0x6: {  	_ = 	snop  }
0x7: {  	_ = 	snop  }
__scs_overlays_trampoline_lowered:
0x8: {  	[smem:$0x3FA3] =	sst s0  }
0x9: {  	[smem:$0x3FA4] =	sst s1  }
0xa: {  	[smem:$0x3FA5] =	sst s2  }
0xb: {  	[smem:$0x3FA6] =	sst s3  }
0xc: {  	[smem:$0x3FA7] =	sst s4  }
0xd: {  	[smem:$0x3FA8] =	sst s5  }
0xe: {  	[smem:$0x3FA9] =	sst s6  }
0xf: {  	[smem:$0x3FAA] =	sst s7  }
0x10: {  	[smem:$0x3FAB] =	sst s8  }
0x11: {  	[smem:$0x3FAC] =	sst s9;
	s0 =	simm.s32 @!p0 $0x0  }
0x12: {  	s1 =	sld [smem:$0x3F92];
	s0 =	simm.s32 @p0 $0x1  }
0x13: {  	[smem:$0x3FAD] =	sst s0;
	s0 =	simm.s32 @!p1 $0x0  }
0x14: {  	s2 =	sld [smem:$0x3F91];
	s0 =	simm.s32 @p1 $0x1  }
0x15: {  	[smem:$0x3FAE] =	sst s0;
	s0 =	simm.s32 @!p2 $0x0  }
0x16: {  	s3 =	sld [smem:$0x3FDB];
	s0 =	simm.s32 @p2 $0x1  }
0x17: {  	s4 =	simm.s32 $0x1BF5;
	[smem:$0x3FB0] =	sst s0  }
0x18: {  	s0 =	sld [smem:$0x3F93];
	_ =	swait.ge [sflag:s4], $0x0  }
0x19: {  	s7 =	sld [smem:$0x3F94]  }
0x1a: {  	s8 =	sadd.s32 $0xFFFFE003, lr  }
0x1b: {  	s9 =	sadd.s32 $0xFFFFFEF7, lr;
	s5 =	simm.s32 $0xFFFFFFFF;
	p2 =	slt.u32 s8, $0xFFFFF086  }
0x1c: {  	p1 =	slt.u32 s9, $0xF7A;
	s5 =	simm.s32 @!p2 $0x0  }
0x1d: {  	s5 =	simm.s32 @p1 $0x1;
	p0 =	seq.s32 s7, s2  }
0x1e: {  	s7 =	smul.u32 @!p0 $0xF7A, s2;
	p2 =	seq.s32 @!p0 s5, $0x0  }
0x1f: {  	s9 =	smul.u32 $0xF7A, s1;
	s8 =	simm.s32 @!p0 $0x1BF5;
	p2 =	por !p2, p0  }
0x20: {  	[sflag:s8] =	ssyncset.s32 @!p0 $0xFFFFF086;
	s6 =	sadd.s32 @!p0 s3, s7;
	s7 =	simm.s32 @!p0 $0x108  }
0x21: {  	s3 =	sadd.s32 s3, s9;
	s6 =	sadd.s32 @!p0 $0x88, s6;
	s7 =	simm.s32 @p2 $0x1082  }
0x22: {  	[simem:s7], [sflag:s8] =	dma.local @!p0 [hbm:s6], $0xF7A  }
0x23: {  	s9 =	sor.u32 $0xD0000000, s2;
	s6 =	simm.s32 $0x108;
	_ =	swait.ge @!p0 [sflag:s8], $0x0  }
0x24: {  	s3 =	sadd.s32 $0x88, s3;
	s6 =	simm.s32 @!p1 $0x1082;
	[sflag:s4] =	ssyncset.s32 $0xFFFFF086  }
0x25: {  	[simem:s6], [sflag:s4] =	dma.local [hbm:s3], $0xF7A  }
0x26: {  	[smem:$0x3F94] =	sst s1;
	(tag) =	ssettag s2;
	_ =	strace s9  }
0x27: {  	s1 =	sld [smem:$0x3FA4]  }
0x28: {  	s2 =	sld [smem:$0x3FA5]  }
0x29: {  	s4 =	sld [smem:$0x3FA7]  }
0x2a: {  	p0 =	seq.s32 s5, $0x0;
	s5 =	sld [smem:$0x3FA8]  }
0x2b: {  	s6 =	sld [smem:$0x3FA9]  }
0x2c: {  	s7 =	sld [smem:$0x3FAA]  }
0x2d: {  	s3 =	simm.s32 $0x108;
	s8 =	sld [smem:$0x3FAB]  }
0x2e: {  	s3 =	simm.s32 @!p0 $0x1082;
	s9 =	sld [smem:$0x3FAC]  }
0x2f: {  	lr =	sadd.s32 s0, s3;
	s0 =	sld [smem:$0x3FA3]  }
0x30: {  	s3 =	sld [smem:$0x3FA6]  }
0x31: {  	[smem:$0x3FAF] =	sst s10  }
0x32: {  	s10 =	sld [smem:$0x3FAD];
	_ =	sdelay $0x3  }
0x33: {  	p0 =	seq.s32 s10, $0x1;
	s10 =	sld [smem:$0x3FAF];
	_ =	sdelay $0x3  }
0x34: {  	[smem:$0x3FAF] =	sst s10  }
0x35: {  	s10 =	sld [smem:$0x3FAE];
	_ =	sdelay $0x3  }
0x36: {  	p1 =	seq.s32 s10, $0x1;
	s10 =	sld [smem:$0x3FAF];
	_ =	sdelay $0x3  }
0x37: {  	[smem:$0x3FAF] =	sst s10  }
0x38: {  	s10 =	sld [smem:$0x3FB0]  }
0x39: {  	_ = 	snop;
	(pc) =	sbr.ind lr, $3  }
0x3a: {  	_ = 	snop  }
0x3b: {  	_ = 	snop  }
0x3c: {  	p2 =	seq.s32 s10, $0x1;
	s10 =	sld [smem:$0x3FAF]  }
0x3d: {  	_ =	shalt  }
0x3e: {  	_ =	shalt  }
0x3f: {  	_ =	shalt  }
0x40: {  	_ =	shalt  }
0x41: {  	_ =	shalt  }
0x42: {  	_ =	shalt  }
0x43: {  	_ =	shalt  }
0x44: {  	_ =	shalt  }
0x45: {  	_ =	shalt  }
0x46: {  	_ =	shalt  }
0x47: {  	_ =	shalt  }
0x48: {  	_ =	shalt  }
0x49: {  	_ =	shalt  }
0x4a: {  	_ =	shalt  }
0x4b: {  	_ =	shalt  }
0x4c: {  	_ =	shalt  }
0x4d: {  	_ =	shalt  }
0x4e: {  	_ =	shalt  }
0x4f: {  	_ =	shalt  }
0x50: {  	_ =	shalt  }
0x51: {  	_ =	shalt  }
0x52: {  	_ =	shalt  }
0x53: {  	_ =	shalt  }
0x54: {  	_ =	shalt  }
0x55: {  	_ =	shalt  }
0x56: {  	_ =	shalt  }
0x57: {  	_ =	shalt  }
0x58: {  	_ =	shalt  }
0x59: {  	_ =	shalt  }
0x5a: {  	_ =	shalt  }
0x5b: {  	_ =	shalt  }
0x5c: {  	_ =	shalt  }
0x5d: {  	_ =	shalt  }
0x5e: {  	_ =	shalt  }
0x5f: {  	_ =	shalt  }
0x60: {  	_ =	shalt  }
0x61: {  	_ =	shalt  }
0x62: {  	_ =	shalt  }
0x63: {  	_ =	shalt  }
0x64: {  	_ =	shalt  }
0x65: {  	_ =	shalt  }
0x66: {  	_ =	shalt  }
0x67: {  	_ =	shalt  }
0x68: {  	_ =	shalt  }
0x69: {  	_ =	shalt  }
0x6a: {  	_ =	shalt  }
0x6b: {  	_ =	shalt  }
0x6c: {  	_ =	shalt  }
0x6d: {  	_ =	shalt  }
0x6e: {  	_ =	shalt  }
0x6f: {  	_ =	shalt  }
0x70: {  	_ =	shalt  }
0x71: {  	_ =	shalt  }
0x72: {  	_ =	shalt  }
0x73: {  	_ =	shalt  }
0x74: {  	_ =	shalt  }
0x75: {  	_ =	shalt  }
0x76: {  	_ =	shalt  }
0x77: {  	_ =	shalt  }
0x78: {  	_ =	shalt  }
0x79: {  	_ =	shalt  }
0x7a: {  	_ =	shalt  }
0x7b: {  	_ =	shalt  }
0x7c: {  	_ =	shalt  }
0x7d: {  	_ =	shalt  }
0x7e: {  	_ =	shalt  }
0x7f: {  	_ =	shalt  }
0x80: {  	_ =	shalt  }
0x81: {  	_ =	shalt  }
0x82: {  	_ =	shalt  }
0x83: {  	_ =	shalt  }
0x84: {  	_ =	shalt  }
0x85: {  	_ =	shalt  }
0x86: {  	_ =	shalt  }
0x87: {  	_ =	shalt  }
.Lfunc_end0:
.L_simem_size_0:
called_computation.1_lowered:
.L_overlay_start_0:
0x88: {  	s2 =	sld [smem:$0x3FD9]  }
0x89: {  	s3 =	sld [smem:$0x3FFE];
	_ =	sdelay $0x1  }
0x8a: {  	s1 =	srdreg.scid  }
0x8b: {  	s0 =	sand.u32 $0x1, s1  }
0x8c: {  	s17 =	sshll.u32 s0, $0xA;
	s2 =	sadd.s32 s3, s2  }
0x8d: {  	s2 =	sadd.s32 s2, s17  }
0x8e: {  	[smem:$0x3FBB] =	sst s2  }
0x8f: {  	_ = 	snop  }
0x90: {  	(tm) =	ssettm $0x1  }
0x91: {  	s18 =	sld [smem:$0x3FFB];
	_ =	sdelay $0x3  }
0x92: {  	_ =	strace s18  }
0x93: {  	s2 =	sld [smem:$0x3FFC];
	_ =	sdelay $0x3  }
0x94: {  	_ =	strace s2  }
0x95: {  	s2 =	sld [smem:$0x3FFD];
	_ =	sdelay $0x3  }
0x96: {  	_ =	strace s2  }
0x97: {  	_ =	strace $0x8FFFFFFF  }
0x98: {  	s19 =	sld [smem:$0x3FDB];
	_ =	sdelay $0x1  }
0x99: {  	s20 =	simm.s32 $_scs_section_size  }
0x9a: {  	s4 =	simm.s32 $_size__tile_overlayer_lowered;
	s5 =	simm.s32 $_tile_overlayer_lowered  }
0x9b: {  	s6 =	simm.s32 $0x1BFF;
	s21 =	sshll.u32 s5, $0x1;
	s3 =	sadd.s32 s20, s19  }
0x9c: {  	s22 =	simm.s32 $0x0;
	s4 =	sshll.u32 s4, $0x1;
	s5 =	sadd.s32 s21, s3  }
0x9d: {  	[timem:s22], [sflag:s6] =	dma.local [hbm:s5], s4  }
0x9e: {  	_ =	swait.ge [sflag:s6], s4  }
0x9f: {  	s4 =	ssub.s32 $0x0, s4;
	[sflag:s6] =	ssyncset.done $0x0  }
0xa0: {  	[sflag:s6] =	ssyncadd.s32 s4;
	_ =	sdelay $0x1  }
0xa1: {  	s23 =	simm.s32 $0x1B8B  }
0xa2: {  	_ =	swait.ge [sflag:s23], $0x1  }
0xa3: {  	[sflag:s23] =	ssyncset.done $0x0  }
0xa4: {  	[sflag:s23] =	ssyncadd.s32 $0xFFFFFFFF  }
0xa5: {  	s4 =	sld [smem:$0x0]  }
0xa6: {  	s5 =	sand.u32 $0xFFFFFFFE, s1  }
0xa7: {  	p0 =	sne.s32 s1, s5  }
0xa8: {  	s5 =	sshll.u32 @p0 s5, $0xE  }
0xa9: {  	s5 =	sadd.s32 @p0 $0x11B8D, s5;
	s6 =	sshll.u32 @p0 s4, $0x11  }
0xaa: {  	s5 =	sor.u32 @p0 s6, s5  }
0xab: {  	[sflag:s5] =	ssyncadd.remote.s32 @p0 $0x1;
	_ =	sdelay $0x1  }
0xac: {  	s5 =	simm.s32 @p0 $0x1B8D  }
0xad: {  	_ =	swait.eq @p0 [sflag:s5], $0x1  }
0xae: {  	[sflag:s5] =	ssyncadd.s32 @p0 $0xFFFFFFFF  }
0xaf: {  	s6 =	sshll.u32 @!p0 s1, $0xE  }
0xb0: {  	s6 =	sor.u32 @!p0 $0x4000, s6;
	s5 =	simm.s32 @!p0 $0x1B8D  }
0xb1: {  	s4 =	sshll.u32 @!p0 s4, $0x11;
	s6 =	sadd.s32 @!p0 $0x11B8D, s6;
	_ =	swait.eq @!p0 [sflag:s5], $0x1  }
0xb2: {  	s4 =	sor.u32 @!p0 s4, s6;
	[sflag:s5] =	ssyncadd.s32 @!p0 $0xFFFFFFFF  }
0xb3: {  	s25 =	simm.s32 $0x1B8E;
	s24 =	sld [smem:$0x3FFE];
	[sflag:s4] =	ssyncadd.remote.s32 @!p0 $0x1  }
0xb4: {  	s26 =	simm.s32 $execute0_lowered;
	[smem:$0x3FD2] =	sst s25  }
0xb5: {  	s5 =	sshll.u32 s26, $0x1;
	_ =	strace $0x80000049;
	[dreg:$0x1] =	wrdreg $0xFFFFFFFF  }
0xb6: {  	s28 =	simm.s32 $_size_execute0_lowered;
	s3 =	sadd.s32 s3, s5;
	[dreg:$0x0] =	wrdreg $0x0  }
0xb7: {  	s5 =	sshll.u32 s28, $0x1;
	[dreg:$0x2] =	wrdreg s3  }
0xb8: {  	[dreg:$0x3] =	wrdreg s5  }
0xb9: {  	[dreg:$0x4] =	wrdreg $0xC0  }
0xba: {  	_ =	task [dreg:s22], $0x5FFFF  }
0xbb: {  	[dreg:$0x1] =	wrdreg $0xFFFFFFFF  }
0xbc: {  	[dreg:$0x0] =	wrdreg $0x60  }
0xbd: {  	[dreg:$0x2] =	wrdreg s24  }
0xbe: {  	[dreg:$0x3] =	wrdreg $0x0  }
0xbf: {  	[dreg:$0x4] =	wrdreg $0xA  }
0xc0: {  	_ =	task.clear_ibuf [dreg:s22], $0x5FFFF;
	_ =	strace $0x90000049  }
0xc1: {  	s29 =	simm.s32 $0xA;
	_ =	strace $0x8000004B  }
0xc2: {  	_ =	swait.ge [sflag:s29], $0x1  }
0xc3: {  	[sflag:s29] =	ssyncadd.s32 $0xFFFFFFFF  }
0xc4: {  	_ =	strace $0x9000004B  }
0xc5: {  	_ =	sfence  }
0xc6: {  	s30 =	sld [smem:$0x0];
	_ =	sdelay $0x2  }
0xc7: {  	s31 =	sshll.u32 s1, $0xD;
	s1 =	sshrl.u32 s1, $0x2  }
0xc8: {  	s4 =	sand.u32 $0x4000, s31;
	s1 =	sadd.s32 s1, s30  }
0xc9: {  	s0 =	sor.u32 s4, s0;
	s1 =	sshll.u32 s1, $0x11  }
0xca: {  	s0 =	sor.u32 s1, s0  }
0xcb: {  	s0 =	sadd.s32 $0x8F2B, s0  }
0xcc: {  	[sflag:s0] =	ssyncadd.remote.s32 $0x1  }
0xcd: {  	_ =	sfence.sel $0xFFFF  }
0xce: {  	[dreg:$0x0] =	wrdreg $0xFFFFFFFF;
	(pc) =	sbr.abs _section_cstart, $3  }
0xcf: {  	[dreg:$0x1] =	wrdreg $0xFFFFFFFF  }
0xd0: {  	_ =	task.clear_ibuf [dreg:s22], $0x2FFFF;
	_ =	strace $0x9FFFFFFF  }
0xd1: {  	(tm) =	ssettm $0x7FFFFFFF  }
tec
execute0_lowered:
.L_overlay_start_1:
0x0: {  	(tag) =	ssettag $0x1  }
0x1: {  	s0 =	rddreg [dreg:$0x0]  }
0x2: {  	s2 =	rddreg [dreg:$0x1];
	s3 =	simm.s32 $0x0  }
0x3: {  	s12 =	stileid.u32;
	s4 =	srdreg.scid;
	s28 =	simm.s32 $0x14500  }
0x4: {  	s29 =	simm.s32 $0x6;
	s30 =	simm.s32 $0x14320;
	s1 =	smul.u32 $0x4E200, s12  }
0x5: {  	s31 =	simm.s32 $0x19500;
	[smem:$0x7FF] =	sst s3;
	s5 =	smul.u32 $0x14000, s12  }
0x6: {  	s6 =	sand.u32 $0x1, s4;
	s4 =	sadd.s32 $0x9F0600, s0;
	s11 =	smul.u32 $0x4E20, s12  }
0x7: {  	s8 =	sadd.s32 $0x13200, s0;
	s13 =	sadd.s32 $0x9400, s0;
	s24 =	smul.u32 $0x9C4, s12  }
0x8: {  	_ =	strace $0x8000004A;
	s7 =	ssub.s32 $0x2, s6;
	p0 =	seq.s32 s6, $0x0  }
0x9: {  	p1 =	sne.s32 s6, $0x0;
	s6 =	simm.s32 $0x14460;
	s1 =	sadd.s32 s1, s0  }
0xa: {  	s9 =	sshrl.u32 s5, $0x3;
	s10 =	sshrl.u32 s7, $0x1;
	s5 =	sadd.s32 s5, s2  }
0xb: {  	s11 =	sshrl.u32 s11, $0x3;
	s0 =	sadd.s32 s9, s0;
	s26 =	ssub.s32 s7, s10  }
0xc: {  	[dreg:$0x3] =	wrdreg s5;
	s10 =	sshll.u32 s12, $0x6;
	s15 =	sadd.s32 s13, s11  }
0xd: {  	s16 =	sadd.s32 s8, s11;
	s17 =	sadd.s32 $0x14, s11;
	[dreg:$0x6] =	wrdreg s15  }
0xe: {  	s19 =	sadd.s32 $0x28, s11;
	s23 =	sadd.s32 $0x50E600, s1;
	[dreg:$0x7] =	wrdreg s16  }
0xf: {  	s21 =	sadd.s32 $0x3C, s11;
	s14 =	sadd.s32 $0xA17800, s0;
	[dreg:$0xe] =	wrdreg s23  }
0x10: {  	s9 =	simm.s32 $0x14140;
	s18 =	sadd.s32 s13, s17;
	[dreg:$0x4] =	wrdreg s14  }
0x11: {  	s11 =	simm.s32 $0x141E0;
	s5 =	sadd.s32 s8, s17;
	[dreg:$0x8] =	wrdreg s18  }
0x12: {  	s10 =	sor.u32 $0x1C07, s10;
	s20 =	sadd.s32 s13, s19;
	[dreg:$0x9] =	wrdreg s5  }
0x13: {  	s22 =	sadd.s32 s13, s21;
	s25 =	smax.u32 s26, $0x1;
	[dreg:$0xa] =	wrdreg s20  }
0x14: {  	s26 =	sadd.s32 $0x510E00, s1;
	s23 =	simm.s32 $0x14280;
	[dreg:$0xc] =	wrdreg s22  }
0x15: {  	s1 =	simm.s32 $0x143C0;
	s15 =	simm.s32 $0x0;
	[dreg:$0xf] =	wrdreg s25  }
0x16: {  	s5 =	sadd.s32 s8, s19;
	[dreg:$0x11] =	wrdreg s26;
	s20 =	sadd.s32 s24, s8  }
0x17: {  	s22 =	simm.s32 $0x7;
	s25 =	simm.s32 $0x5;
	[dreg:$0x5] =	wrdreg s10  }
.Ltmp0:
0x18: {  	[dreg:$0xb] =	wrdreg s5;
	s5 =	sadd.s32 s8, s21;
	(pc) =	sbr.rel .LBB2_1-.Ltmp0, $4  }
0x19: {  	s26 =	simm.s32 $0xA0;
	[dreg:$0xd] =	wrdreg s5;
	s5 =	simm.s32 $0xA3F800  }
0x1a: {  	s21 =	sadd.s32 s24, s13;
	s24 =	simm.s32 $0x2;
	s5 =	simm.s32 @!p0 $0xA67800  }
0x1b: {  	s8 =	simm.s32 $0x14000;
	s13 =	simm.s32 $0x140A0;
	s0 =	sadd.s32 s5, s0  }
0x1c: {  	s5 =	simm.s32 $0x1;
	[dreg:$0x10] =	wrdreg s0;
	s0 =	simm.s32 $0x4  }
.LBB2_18:
0x1d: {  	_ =	swait.ge [sflag:s25], $0x5000  }
0x1e: {  	[sflag:s25] =	ssyncset.done $0x0  }
0x1f: {  	[sflag:s25] =	ssyncadd.s32 $0xFFFFB000  }
0x20: {  	[spmem:s2] =	stream.indirect.scatter.add.f32 [tilespmem:s28], [sflag:$0x7], $0x80, s23, s26, $0xb8;
	[tilespmem:$0x1E500] =	vst v63  }
0x21: {  	_ =	swait.ge [sflag:s22], $0x5000  }
0x22: {  	[sflag:s22] =	ssyncset.done $0x0  }
0x23: {  	[sflag:s22] =	ssyncadd.s32 $0xFFFFB000  }
0x24: {  	[bflag:$0x0] =	sbarrier.arrive $0xFFFF  }
0x25: {  	s10 =	rddreg [dreg:$0x5]  }
0x26: {  	s7 =	rddreg [dreg:$0x10]  }
0x27: {  	s12 =	rddreg [dreg:$0x12]  }
0x28: {  	[hbm:s7], [sflag:s10] =	dma.local [spmem:s12], $0x2800  }
0x29: {  	_ =	swait.ge [sflag:s22], $0x2800  }
0x2a: {  	s15 =	sadd.s32 $0x1, s15;
	s19 =	rddreg [dreg:$0xf]  }
0x2b: {  	p2 =	sne.s32 s15, s19  }
.Ltmp1:
0x2c: {  	_ = 	snop;
	(pc) =	sbr.rel @!p2 .LBB2_19-.Ltmp1, $3  }
0x2d: {  	_ =	sdelay $0x1  }
0x2e: {  	[sflag:s22] =	ssyncset.done $0x0  }
0x2f: {  	[sflag:s22] =	ssyncadd.s32 $0xFFFFD800  }
.LBB2_1:
0x30: {  	s7 =	rddreg [dreg:$0x3]  }
0x31: {  	s18 =	rddreg [dreg:$0x4];
	s12 =	sshrl.u32 s7, $0x3  }
0x32: {  	[dreg:$0x12] =	wrdreg s12  }
0x33: {  	[spmem:s12], [sflag:s10] =	dma.local [hbm:s18], $0x2800  }
0x34: {  	_ =	swait.ge [sflag:s22], $0x2800  }
0x35: {  	[sflag:s22] =	ssyncset.done $0x0  }
0x36: {  	[sflag:s22] =	ssyncadd.s32 $0xFFFFD800  }
0x37: {  	[bflag:$0x0] =	sbarrier.arrive $0xFFFF  }
0x38: {  	s19 =	rddreg [dreg:$0x6]  }
0x39: {  	[tilespmem:s23], [sflag:$0x1] =	stream.linear.gather [hbm4b:s19+s3], $0xA0, $0x38;
	[tilespmem:$0x1E500] =	vst v63  }
0x3a: {  	s17 =	simm.s32 @p0 $0x0;
	s18 =	simm.s32 @p0 $0x14320;
	s10 =	rddreg [dreg:$0x8]  }
0x3b: {  	[tilespmem:s18], [sflag:$0x2] =	stream.linear.gather @p0 [hbm4b:s10+s17], $0xA0, $0x38;
	[tilespmem:$0x1E500] =	vst v63  }
0x3c: {  	s12 =	rddreg [dreg:$0xa];
	s18 =	simm.s32 @p0 $0x143C0  }
0x3d: {  	[tilespmem:s18], [sflag:$0x3] =	stream.linear.gather @p0 [hbm4b:s12+s17], $0xA0, $0x38;
	[tilespmem:$0x1E500] =	vst v63  }
0x3e: {  	s14 =	rddreg [dreg:$0xc];
	s18 =	simm.s32 @p0 $0x14460  }
0x3f: {  	[tilespmem:s18], [sflag:$0x4] =	stream.linear.gather @p0 [hbm4b:s14+s17], $0xA0, $0x38;
	[tilespmem:$0x1E500] =	vst v63  }
0x40: {  	s18 =	simm.s32 @p0 $0x1  }
0x41: {  	_ =	swait.ge @p0 [sflag:s18], $0xA0  }
0x42: {  	[sflag:s18] =	ssyncset.done @p0 $0x0  }
0x43: {  	s7 =	rddreg [dreg:$0xe];
	[sflag:s18] =	ssyncadd.s32 @p0 $0xFFFFFF60;
	s18 =	simm.s32 @p0 $0x14500  }
0x44: {  	[tilespmem:s18], [sflag:$0x5] =	stream.linear.gather @p0 [hbm4b:s7+s17], $0x5000, $0x38;
	[tilespmem:$0x1E500] =	vst v63  }
0x45: {  	s17 =	simm.s32 @!p0 $0x0;
	s18 =	simm.s32 @!p0 $0x14000;
	s7 =	rddreg [dreg:$0x7]  }
0x46: {  	[tilespmem:s18], [sflag:$0x1] =	stream.linear.gather @!p0 [hbm4b:s7+s17], $0xA0, $0x38;
	[tilespmem:$0x1E500] =	vst v63  }
0x47: {  	s19 =	simm.s32 @!p0 $0x14320  }
0x48: {  	[tilespmem:s19], [sflag:$0x2] =	stream.linear.gather @!p0 [hbm4b:s10+s17], $0xA0, $0x38;
	[tilespmem:$0x1E500] =	vst v63  }
0x49: {  	s7 =	rddreg [dreg:$0x9];
	s19 =	simm.s32 @!p0 $0x140A0  }
0x4a: {  	[tilespmem:s19], [sflag:$0x2] =	stream.linear.gather @!p0 [hbm4b:s7+s17], $0xA0, $0x38;
	[tilespmem:$0x1E500] =	vst v63  }
0x4b: {  	s19 =	simm.s32 @!p0 $0x143C0  }
0x4c: {  	[tilespmem:s19], [sflag:$0x3] =	stream.linear.gather @!p0 [hbm4b:s12+s17], $0xA0, $0x38;
	[tilespmem:$0x1E500] =	vst v63  }
0x4d: {  	s7 =	rddreg [dreg:$0xb];
	s19 =	simm.s32 @!p0 $0x14140  }
0x4e: {  	[tilespmem:s19], [sflag:$0x3] =	stream.linear.gather @!p0 [hbm4b:s7+s17], $0xA0, $0x38;
	[tilespmem:$0x1E500] =	vst v63  }
0x4f: {  	s19 =	simm.s32 @!p0 $0x14460  }
0x50: {  	[tilespmem:s19], [sflag:$0x4] =	stream.linear.gather @!p0 [hbm4b:s14+s17], $0xA0, $0x38;
	[tilespmem:$0x1E500] =	vst v63  }
0x51: {  	s7 =	rddreg [dreg:$0xd];
	s19 =	simm.s32 @!p0 $0x141E0  }
0x52: {  	[tilespmem:s19], [sflag:$0x4] =	stream.linear.gather @!p0 [hbm4b:s7+s17], $0xA0, $0x38;
	[tilespmem:$0x1E500] =	vst v63  }
0x53: {  	s17 =	simm.s32 @!p0 $0x1  }
0x54: {  	_ =	swait.ge @!p0 [sflag:s17], $0xA0  }
0x55: {  	[sflag:s17] =	ssyncset.done @!p0 $0x0  }
0x56: {  	[sflag:s17] =	ssyncadd.s32 @!p0 $0xFFFFFF60  }
0x57: {  	_ =	swait.ge @!p0 [sflag:s17], $0xA0  }
0x58: {  	[sflag:s17] =	ssyncset.done @!p0 $0x0  }
0x59: {  	s19 =	simm.s32 @!p0 $0x14500;
	[sflag:s17] =	ssyncadd.s32 @!p0 $0xFFFFFF60;
	s17 =	simm.s32 @!p0 $0xA0  }
0x5a: {  	[tilespmem:s19], [sflag:$0x5] =	stream.indirect.gather @!p0 [hbm4b:s4+s17], $0x80, s18, s17, $0xb8;
	[tilespmem:$0x1E500] =	vst v63  }
0x5b: {  	s17 =	simm.s32 $0x0;
	s19 =	rddreg [dreg:$0x11]  }
.LBB2_2:
0x5c: {  	_ =	swait.ge [sflag:s24], $0xA0  }
0x5d: {  	[sflag:s24] =	ssyncset.done $0x0  }
0x5e: {  	s18 =	simm.s32 @p1 $0x2;
	[sflag:s24] =	ssyncadd.s32 $0xFFFFFF60  }
0x5f: {  	_ =	swait.ge @p1 [sflag:s18], $0xA0  }
0x60: {  	s7 =	simm.s32 @p1 $0xA0;
	[sflag:s18] =	ssyncset.done @p1 $0x0  }
0x61: {  	s10 =	simm.s32 @p1 $0x19500;
	[sflag:s18] =	ssyncadd.s32 @p1 $0xFFFFFF60;
	s18 =	simm.s32 @p1 $0x140A0  }
0x62: {  	[tilespmem:s10], [sflag:$0x6] =	stream.indirect.gather @p1 [hbm4b:s4+s7], $0x80, s18, s7, $0xb8;
	[tilespmem:$0x1E500] =	vst v63  }
0x63: {  	s12 =	simm.s32 @!p1 $0x0;
	s10 =	sadd.s32 @!p1 $0xFFFFE200, s19;
	s18 =	simm.s32 @!p1 $0x19500  }
0x64: {  	[tilespmem:s18], [sflag:$0x6] =	stream.linear.gather @!p1 [hbm4b:s10+s12], $0x5000, $0x38;
	[tilespmem:$0x1E500] =	vst v63  }
0x65: {  	_ =	swait.ge [sflag:s25], $0x5000  }
0x66: {  	[sflag:s25] =	ssyncset.done $0x0  }
0x67: {  	[sflag:s25] =	ssyncadd.s32 $0xFFFFB000  }
0x68: {  	[spmem:s2] =	stream.indirect.scatter.add.f32 [tilespmem:s28], [sflag:$0x7], $0x80, s23, s26, $0xb8;
	[tilespmem:$0x1E500] =	vst v63  }
0x69: {  	_ =	swait.ge [sflag:s22], $0x5000  }
0x6a: {  	s18 =	sadd.s32 s17, s21;
	[sflag:s22] =	ssyncset.done $0x0  }
0x6b: {  	s10 =	sadd.s32 @p1 s17, s20;
	s16 =	sadd.s32 $0x50, s18;
	[sflag:s22] =	ssyncadd.s32 $0xFFFFB000  }
0x6c: {  	[tilespmem:s23], [sflag:$0x1] =	stream.linear.gather [hbm4b:s16+s3], $0xA0, $0x38;
	[tilespmem:$0x1E500] =	vst v63  }
0x6d: {  	s14 =	simm.s32 @p1 $0x0;
	s10 =	sadd.s32 @p1 $0x50, s10;
	s16 =	simm.s32 @p1 $0x14000  }
0x6e: {  	[tilespmem:s16], [sflag:$0x1] =	stream.linear.gather @p1 [hbm4b:s10+s14], $0xA0, $0x38;
	[tilespmem:$0x1E500] =	vst v63  }
0x6f: {  	s10 =	simm.s32 @p1 $0x3  }
0x70: {  	_ =	swait.ge @p1 [sflag:s10], $0xA0  }
0x71: {  	[sflag:s10] =	ssyncset.done @p1 $0x0  }
0x72: {  	[sflag:s10] =	ssyncadd.s32 @p1 $0xFFFFFF60  }
0x73: {  	_ =	swait.ge @p1 [sflag:s10], $0xA0  }
0x74: {  	[sflag:s10] =	ssyncset.done @p1 $0x0  }
0x75: {  	s14 =	simm.s32 @p1 $0x14500;
	[sflag:s10] =	ssyncadd.s32 @p1 $0xFFFFFF60;
	s10 =	simm.s32 @p1 $0x14140  }
0x76: {  	[tilespmem:s14], [sflag:$0x5] =	stream.indirect.gather @p1 [hbm4b:s4+s7], $0x80, s10, s7, $0xb8;
	[tilespmem:$0x1E500] =	vst v63  }
0x77: {  	s7 =	simm.s32 @!p1 $0x3  }
0x78: {  	_ =	swait.ge @!p1 [sflag:s7], $0xA0  }
0x79: {  	[sflag:s7] =	ssyncset.done @!p1 $0x0  }
0x7a: {  	s10 =	simm.s32 @!p1 $0x14500;
	[sflag:s7] =	ssyncadd.s32 @!p1 $0xFFFFFF60;
	s7 =	sadd.s32 @!p1 $0xFFFFEC00, s19  }
0x7b: {  	[tilespmem:s10], [sflag:$0x5] =	stream.linear.gather @!p1 [hbm4b:s7+s12], $0x5000, $0x38;
	[tilespmem:$0x1E500] =	vst v63  }
0x7c: {  	_ =	swait.ge [sflag:s29], $0x5000  }
0x7d: {  	p2 =	seq.s32 s17, $0x960;
	[sflag:s29] =	ssyncset.done $0x0  }
.Ltmp2:
0x7e: {  	[sflag:s29] =	ssyncadd.s32 $0xFFFFB000;
	(pc) =	sbr.rel @!p2 .LBB2_3-.Ltmp2, $4  }
0x7f: {  	[spmem:s2] =	stream.indirect.scatter.add.f32 [tilespmem:s31], [sflag:$0x7], $0x80, s30, s26, $0xb8;
	[tilespmem:$0x1E500] =	vst v63  }
0x80: {  	_ =	swait.ge [sflag:s22], $0x5000  }
0x81: {  	[sflag:s22] =	ssyncset.done $0x0  }
0x82: {  	[sflag:s22] =	ssyncadd.s32 $0xFFFFB000  }
.Ltmp3:
0x83: {  	(pc) =	sbr.rel @p0 .LBB2_6-.Ltmp3, $4  }
.Ltmp4:
0x84: {  	(pc) =	sbr.rel @!p0 .LBB2_8-.Ltmp4, $4  }
0x85: {  	_ =	swait.ge [sflag:s0], $0xA0  }
0x86: {  	[sflag:s0] =	ssyncset.done $0x0  }
0x87: {  	[sflag:s0] =	ssyncadd.s32 $0xFFFFFF60  }
0x88: {  	_ = 	snop  }
.LBB2_3:
.Ltmp5:
0x89: {  	(pc) =	sbr.rel @!p0 .LBB2_4-.Ltmp5, $3  }
0x8a: {  	_ =	sdelay $0x1  }
0x8b: {  	s7 =	sadd.s32 $0x64, s18  }
0x8c: {  	[tilespmem:s30], [sflag:$0x2] =	stream.linear.gather [hbm4b:s7+s3], $0xA0, $0x38;
	[tilespmem:$0x1E500] =	vst v63  }
0x8d: {  	_ =	swait.ge [sflag:s0], $0xA0  }
0x8e: {  	[sflag:s0] =	ssyncset.done $0x0  }
0x8f: {  	[sflag:s0] =	ssyncadd.s32 $0xFFFFFF60  }
.LBB2_6:
.Ltmp6:
0x90: {  	(pc) =	sbr.rel .LBB2_9-.Ltmp6, $3  }
0x91: {  	_ =	sdelay $0x1  }
0x92: {  	s7 =	sadd.s32 $0xFFFFF600, s19  }
0x93: {  	[tilespmem:s31], [sflag:$0x6] =	stream.linear.gather [hbm4b:s7+s3], $0x5000, $0x38;
	[tilespmem:$0x1E500] =	vst v63  }
.LBB2_4:
0x94: {  	s7 =	sadd.s32 s17, s20  }
0x95: {  	s7 =	sadd.s32 $0x64, s7  }
0x96: {  	[tilespmem:s13], [sflag:$0x2] =	stream.linear.gather [hbm4b:s7+s3], $0xA0, $0x38;
	[tilespmem:$0x1E500] =	vst v63  }
0x97: {  	_ =	swait.ge [sflag:s0], $0xA0  }
0x98: {  	[sflag:s0] =	ssyncset.done $0x0  }
0x99: {  	[sflag:s0] =	ssyncadd.s32 $0xFFFFFF60  }
.LBB2_8:
0x9a: {  	_ =	swait.ge [sflag:s0], $0xA0  }
0x9b: {  	[sflag:s0] =	ssyncset.done $0x0  }
0x9c: {  	[sflag:s0] =	ssyncadd.s32 $0xFFFFFF60  }
0x9d: {  	[tilespmem:s31], [sflag:$0x6] =	stream.indirect.gather [hbm4b:s4+s26], $0x80, s11, s26, $0xb8;
	[tilespmem:$0x1E500] =	vst v63  }
.LBB2_9:
0x9e: {  	_ =	swait.ge [sflag:s25], $0x5000  }
0x9f: {  	[sflag:s25] =	ssyncset.done $0x0  }
.Ltmp7:
0xa0: {  	[sflag:s25] =	ssyncadd.s32 $0xFFFFB000;
	(pc) =	sbr.rel @!p2 .LBB2_10-.Ltmp7, $4  }
0xa1: {  	[spmem:s2] =	stream.indirect.scatter.add.f32 [tilespmem:s28], [sflag:$0x7], $0x80, s1, s26, $0xb8;
	[tilespmem:$0x1E500] =	vst v63  }
0xa2: {  	_ =	swait.ge [sflag:s22], $0x5000  }
0xa3: {  	[sflag:s22] =	ssyncset.done $0x0  }
0xa4: {  	[sflag:s22] =	ssyncadd.s32 $0xFFFFB000  }
.Ltmp8:
0xa5: {  	(pc) =	sbr.rel @p0 .LBB2_13-.Ltmp8, $4  }
.Ltmp9:
0xa6: {  	(pc) =	sbr.rel @!p0 .LBB2_15-.Ltmp9, $4  }
0xa7: {  	_ =	swait.ge [sflag:s5], $0xA0  }
0xa8: {  	[sflag:s5] =	ssyncset.done $0x0  }
0xa9: {  	[sflag:s5] =	ssyncadd.s32 $0xFFFFFF60  }
0xaa: {  	_ = 	snop  }
.LBB2_10:
.Ltmp10:
0xab: {  	(pc) =	sbr.rel @!p0 .LBB2_11-.Ltmp10, $3  }
0xac: {  	_ =	sdelay $0x1  }
0xad: {  	s7 =	sadd.s32 $0x78, s18  }
0xae: {  	[tilespmem:s1], [sflag:$0x3] =	stream.linear.gather [hbm4b:s7+s3], $0xA0, $0x38;
	[tilespmem:$0x1E500] =	vst v63  }
0xaf: {  	_ =	swait.ge [sflag:s5], $0xA0  }
0xb0: {  	[sflag:s5] =	ssyncset.done $0x0  }
0xb1: {  	[sflag:s5] =	ssyncadd.s32 $0xFFFFFF60  }
.LBB2_13:
.Ltmp11:
0xb2: {  	(pc) =	sbr.rel .LBB2_16-.Ltmp11, $2  }
0xb3: {  	_ =	sdelay $0x2  }
0xb4: {  	[tilespmem:s28], [sflag:$0x5] =	stream.linear.gather [hbm4b:s19+s3], $0x5000, $0x38;
	[tilespmem:$0x1E500] =	vst v63  }
.LBB2_11:
0xb5: {  	s7 =	sadd.s32 s17, s20  }
0xb6: {  	s7 =	sadd.s32 $0x78, s7  }
0xb7: {  	[tilespmem:s9], [sflag:$0x3] =	stream.linear.gather [hbm4b:s7+s3], $0xA0, $0x38;
	[tilespmem:$0x1E500] =	vst v63  }
0xb8: {  	_ =	swait.ge [sflag:s5], $0xA0  }
0xb9: {  	[sflag:s5] =	ssyncset.done $0x0  }
0xba: {  	[sflag:s5] =	ssyncadd.s32 $0xFFFFFF60  }
.LBB2_15:
0xbb: {  	_ =	swait.ge [sflag:s5], $0xA0  }
0xbc: {  	[sflag:s5] =	ssyncset.done $0x0  }
0xbd: {  	[sflag:s5] =	ssyncadd.s32 $0xFFFFFF60  }
0xbe: {  	[tilespmem:s28], [sflag:$0x5] =	stream.indirect.gather [hbm4b:s4+s26], $0x80, s8, s26, $0xb8;
	[tilespmem:$0x1E500] =	vst v63  }
.LBB2_16:
0xbf: {  	_ =	swait.ge [sflag:s29], $0x5000  }
0xc0: {  	[sflag:s29] =	ssyncset.done $0x0  }
.Ltmp12:
0xc1: {  	[sflag:s29] =	ssyncadd.s32 $0xFFFFB000;
	(pc) =	sbr.rel @p2 .LBB2_18-.Ltmp12, $4  }
0xc2: {  	[spmem:s2] =	stream.indirect.scatter.add.f32 [tilespmem:s31], [sflag:$0x7], $0x80, s6, s26, $0xb8;
	[tilespmem:$0x1E500] =	vst v63  }
0xc3: {  	_ =	swait.ge [sflag:s22], $0x5000  }
0xc4: {  	[sflag:s22] =	ssyncset.done $0x0  }
0xc5: {  	[sflag:s22] =	ssyncadd.s32 $0xFFFFB000  }
.Ltmp13:
0xc6: {  	s7 =	sadd.s32 $0x8C, s18;
	(pc) =	sbr.rel .LBB2_2-.Ltmp13, $4  }
0xc7: {  	[tilespmem:s6], [sflag:$0x4] =	stream.linear.gather [hbm4b:s7+s3], $0xA0, $0x38;
	[tilespmem:$0x1E500] =	vst v63  }
0xc8: {  	s10 =	simm.s32 @!p0 $0x0;
	s12 =	simm.s32 @!p0 $0x141E0;
	s7 =	sadd.s32 @!p0 s17, s20  }
0xc9: {  	s19 =	sadd.s32 $0x2800, s19;
	s17 =	sadd.s32 $0x50, s17;
	s7 =	sadd.s32 @!p0 $0x8C, s7  }
0xca: {  	[tilespmem:s12], [sflag:$0x4] =	stream.linear.gather @!p0 [hbm4b:s7+s10], $0xA0, $0x38;
	[tilespmem:$0x1E500] =	vst v63  }
.LBB2_19:
0xcb: {  	_ =	sfence.sel $0x180000  }
0xcc: {  	[bflag:$0x0] =	sbarrier.arrive $0xFFFF  }
0xcd: {  	_ =	strace $0x9000004A  }
0xce: {  	s0 =	stileid.u32;
	[bflag:$0x2] =	sbarrier.arrive $0xFFFF  }
0xcf: {  	p0 =	sne.s32 s0, $0x0;
	s0 =	rddreg [dreg:$0x2]  }
0xd0: {  	s0 =	sadd.s32 @!p0 $0x100000, s0  }
0xd1: {  	[sflag:s0] =	ssyncadd.tile.s32 @!p0 $0x1;
	_ =	shalt  }
.Lfunc_end2:
_tile_overlayer_lowered:
.L_overlay_start_2:
0xd2: {  	(tag) =	ssettag $0x2  }
0xd3: {  	s0 =	rddreg [dreg:$0x0];
	s2 =	stileid.u32  }
0xd4: {  	s1 =	rddreg [dreg:$0x1];
	p0 =	sne.s32 s2, $0x0  }
0xd5: {  	s3 =	rddreg [dreg:$0x2];
	[bflag:$0x3] =	sbarrier.arrive $0xFFFF;
	s2 =	simm.s32 @!p0 $0x1C07  }
0xd6: {  	[timem:s3], [sflag:s2] =	dma.local @!p0 [hbm:s0], s1  }
0xd7: {  	s0 =	simm.s32 @!p0 $0x7  }
0xd8: {  	_ =	swait.ge @!p0 [sflag:s0], s1  }
0xd9: {  	s1 =	ssub.s32 @!p0 $0x0, s1;
	[sflag:s0] =	ssyncset.done @!p0 $0x0  }
0xda: {  	[sflag:s0] =	ssyncadd.s32 @!p0 s1  }
0xdb: {  	[bflag:$0x3] =	sbarrier.arrive $0xFFFF  }
0xdc: {  	_ =	shalt  }

// kernel: kernel.22.cloned.1.call-start
scs
__scs_entry_jumppad:
0x0: {  	(pc) =	sbr.rel $0x88, $3  }
0x1: {  	(tag) =	ssettag $0x0;
	lr =	simm.s32 $0x1  }
0x2: {  	[smem:$0x3F94] =	sst lr;
	_ =	strace $0xD0000000  }
0x3: {  	_ = 	snop  }
0x4: {  	_ = 	snop  }
0x5: {  	_ = 	snop  }
0x6: {  	_ = 	snop  }
0x7: {  	_ = 	snop  }
__scs_overlays_trampoline_lowered:
0x8: {  	[smem:$0x3FA3] =	sst s0  }
0x9: {  	[smem:$0x3FA4] =	sst s1  }
0xa: {  	[smem:$0x3FA5] =	sst s2  }
0xb: {  	[smem:$0x3FA6] =	sst s3  }
0xc: {  	[smem:$0x3FA7] =	sst s4  }
0xd: {  	[smem:$0x3FA8] =	sst s5  }
0xe: {  	[smem:$0x3FA9] =	sst s6  }
0xf: {  	[smem:$0x3FAA] =	sst s7  }
0x10: {  	[smem:$0x3FAB] =	sst s8  }
0x11: {  	[smem:$0x3FAC] =	sst s9;
	s0 =	simm.s32 @!p0 $0x0  }
0x12: {  	s1 =	sld [smem:$0x3F92];
	s0 =	simm.s32 @p0 $0x1  }
0x13: {  	[smem:$0x3FAD] =	sst s0;
	s0 =	simm.s32 @!p1 $0x0  }
0x14: {  	s2 =	sld [smem:$0x3F91];
	s0 =	simm.s32 @p1 $0x1  }
0x15: {  	[smem:$0x3FAE] =	sst s0;
	s0 =	simm.s32 @!p2 $0x0  }
0x16: {  	s3 =	sld [smem:$0x3FDB];
	s0 =	simm.s32 @p2 $0x1  }
0x17: {  	s4 =	simm.s32 $0x1BF5;
	[smem:$0x3FB0] =	sst s0  }
0x18: {  	s0 =	sld [smem:$0x3F93];
	_ =	swait.ge [sflag:s4], $0x0  }
0x19: {  	s7 =	sld [smem:$0x3F94]  }
0x1a: {  	s8 =	sadd.s32 $0xFFFFE003, lr  }
0x1b: {  	s9 =	sadd.s32 $0xFFFFFEF7, lr;
	s5 =	simm.s32 $0xFFFFFFFF;
	p2 =	slt.u32 s8, $0xFFFFF086  }
0x1c: {  	p1 =	slt.u32 s9, $0xF7A;
	s5 =	simm.s32 @!p2 $0x0  }
0x1d: {  	s5 =	simm.s32 @p1 $0x1;
	p0 =	seq.s32 s7, s2  }
0x1e: {  	s7 =	smul.u32 @!p0 $0xF7A, s2;
	p2 =	seq.s32 @!p0 s5, $0x0  }
0x1f: {  	s9 =	smul.u32 $0xF7A, s1;
	s8 =	simm.s32 @!p0 $0x1BF5;
	p2 =	por !p2, p0  }
0x20: {  	[sflag:s8] =	ssyncset.s32 @!p0 $0xFFFFF086;
	s6 =	sadd.s32 @!p0 s3, s7;
	s7 =	simm.s32 @!p0 $0x108  }
0x21: {  	s3 =	sadd.s32 s3, s9;
	s6 =	sadd.s32 @!p0 $0x88, s6;
	s7 =	simm.s32 @p2 $0x1082  }
0x22: {  	[simem:s7], [sflag:s8] =	dma.local @!p0 [hbm:s6], $0xF7A  }
0x23: {  	s9 =	sor.u32 $0xD0000000, s2;
	s6 =	simm.s32 $0x108;
	_ =	swait.ge @!p0 [sflag:s8], $0x0  }
0x24: {  	s3 =	sadd.s32 $0x88, s3;
	s6 =	simm.s32 @!p1 $0x1082;
	[sflag:s4] =	ssyncset.s32 $0xFFFFF086  }
0x25: {  	[simem:s6], [sflag:s4] =	dma.local [hbm:s3], $0xF7A  }
0x26: {  	[smem:$0x3F94] =	sst s1;
	(tag) =	ssettag s2;
	_ =	strace s9  }
0x27: {  	s1 =	sld [smem:$0x3FA4]  }
0x28: {  	s2 =	sld [smem:$0x3FA5]  }
0x29: {  	s4 =	sld [smem:$0x3FA7]  }
0x2a: {  	p0 =	seq.s32 s5, $0x0;
	s5 =	sld [smem:$0x3FA8]  }
0x2b: {  	s6 =	sld [smem:$0x3FA9]  }
0x2c: {  	s7 =	sld [smem:$0x3FAA]  }
0x2d: {  	s3 =	simm.s32 $0x108;
	s8 =	sld [smem:$0x3FAB]  }
0x2e: {  	s3 =	simm.s32 @!p0 $0x1082;
	s9 =	sld [smem:$0x3FAC]  }
0x2f: {  	lr =	sadd.s32 s0, s3;
	s0 =	sld [smem:$0x3FA3]  }
0x30: {  	s3 =	sld [smem:$0x3FA6]  }
0x31: {  	[smem:$0x3FAF] =	sst s10  }
0x32: {  	s10 =	sld [smem:$0x3FAD];
	_ =	sdelay $0x3  }
0x33: {  	p0 =	seq.s32 s10, $0x1;
	s10 =	sld [smem:$0x3FAF];
	_ =	sdelay $0x3  }
0x34: {  	[smem:$0x3FAF] =	sst s10  }
0x35: {  	s10 =	sld [smem:$0x3FAE];
	_ =	sdelay $0x3  }
0x36: {  	p1 =	seq.s32 s10, $0x1;
	s10 =	sld [smem:$0x3FAF];
	_ =	sdelay $0x3  }
0x37: {  	[smem:$0x3FAF] =	sst s10  }
0x38: {  	s10 =	sld [smem:$0x3FB0]  }
0x39: {  	_ = 	snop;
	(pc) =	sbr.ind lr, $3  }
0x3a: {  	_ = 	snop  }
0x3b: {  	_ = 	snop  }
0x3c: {  	p2 =	seq.s32 s10, $0x1;
	s10 =	sld [smem:$0x3FAF]  }
0x3d: {  	_ =	shalt  }
0x3e: {  	_ =	shalt  }
0x3f: {  	_ =	shalt  }
0x40: {  	_ =	shalt  }
0x41: {  	_ =	shalt  }
0x42: {  	_ =	shalt  }
0x43: {  	_ =	shalt  }
0x44: {  	_ =	shalt  }
0x45: {  	_ =	shalt  }
0x46: {  	_ =	shalt  }
0x47: {  	_ =	shalt  }
0x48: {  	_ =	shalt  }
0x49: {  	_ =	shalt  }
0x4a: {  	_ =	shalt  }
0x4b: {  	_ =	shalt  }
0x4c: {  	_ =	shalt  }
0x4d: {  	_ =	shalt  }
0x4e: {  	_ =	shalt  }
0x4f: {  	_ =	shalt  }
0x50: {  	_ =	shalt  }
0x51: {  	_ =	shalt  }
0x52: {  	_ =	shalt  }
0x53: {  	_ =	shalt  }
0x54: {  	_ =	shalt  }
0x55: {  	_ =	shalt  }
0x56: {  	_ =	shalt  }
0x57: {  	_ =	shalt  }
0x58: {  	_ =	shalt  }
0x59: {  	_ =	shalt  }
0x5a: {  	_ =	shalt  }
0x5b: {  	_ =	shalt  }
0x5c: {  	_ =	shalt  }
0x5d: {  	_ =	shalt  }
0x5e: {  	_ =	shalt  }
0x5f: {  	_ =	shalt  }
0x60: {  	_ =	shalt  }
0x61: {  	_ =	shalt  }
0x62: {  	_ =	shalt  }
0x63: {  	_ =	shalt  }
0x64: {  	_ =	shalt  }
0x65: {  	_ =	shalt  }
0x66: {  	_ =	shalt  }
0x67: {  	_ =	shalt  }
0x68: {  	_ =	shalt  }
0x69: {  	_ =	shalt  }
0x6a: {  	_ =	shalt  }
0x6b: {  	_ =	shalt  }
0x6c: {  	_ =	shalt  }
0x6d: {  	_ =	shalt  }
0x6e: {  	_ =	shalt  }
0x6f: {  	_ =	shalt  }
0x70: {  	_ =	shalt  }
0x71: {  	_ =	shalt  }
0x72: {  	_ =	shalt  }
0x73: {  	_ =	shalt  }
0x74: {  	_ =	shalt  }
0x75: {  	_ =	shalt  }
0x76: {  	_ =	shalt  }
0x77: {  	_ =	shalt  }
0x78: {  	_ =	shalt  }
0x79: {  	_ =	shalt  }
0x7a: {  	_ =	shalt  }
0x7b: {  	_ =	shalt  }
0x7c: {  	_ =	shalt  }
0x7d: {  	_ =	shalt  }
0x7e: {  	_ =	shalt  }
0x7f: {  	_ =	shalt  }
0x80: {  	_ =	shalt  }
0x81: {  	_ =	shalt  }
0x82: {  	_ =	shalt  }
0x83: {  	_ =	shalt  }
0x84: {  	_ =	shalt  }
0x85: {  	_ =	shalt  }
0x86: {  	_ =	shalt  }
0x87: {  	_ =	shalt  }
.Lfunc_end0:
.L_simem_size_0:
called_computation.2_lowered:
.L_overlay_start_0:
0x88: {  	s2 =	sld [smem:$0x3FD9]  }
0x89: {  	s3 =	sld [smem:$0x3FFE];
	_ =	sdelay $0x1  }
0x8a: {  	s1 =	srdreg.scid  }
0x8b: {  	s0 =	sand.u32 $0x1, s1  }
0x8c: {  	s16 =	sshll.u32 s0, $0xA;
	s2 =	sadd.s32 s3, s2  }
0x8d: {  	s2 =	sadd.s32 s2, s16  }
0x8e: {  	[smem:$0x3FBB] =	sst s2  }
0x8f: {  	_ = 	snop  }
0x90: {  	(tm) =	ssettm $0x1  }
0x91: {  	s17 =	sld [smem:$0x3FFB];
	_ =	sdelay $0x3  }
0x92: {  	_ =	strace s17  }
0x93: {  	s2 =	sld [smem:$0x3FFC];
	_ =	sdelay $0x3  }
0x94: {  	_ =	strace s2  }
0x95: {  	s2 =	sld [smem:$0x3FFD];
	_ =	sdelay $0x3  }
0x96: {  	_ =	strace s2  }
0x97: {  	_ =	strace $0x8FFFFFFF  }
0x98: {  	s18 =	sld [smem:$0x3FDB];
	_ =	sdelay $0x1  }
0x99: {  	s19 =	simm.s32 $_scs_section_size  }
0x9a: {  	s4 =	simm.s32 $_size__tile_overlayer_lowered;
	s5 =	simm.s32 $_tile_overlayer_lowered  }
0x9b: {  	s22 =	simm.s32 $0x1BFF;
	s21 =	sshll.u32 s5, $0x1;
	s2 =	sadd.s32 s19, s18  }
0x9c: {  	s6 =	simm.s32 $0x0;
	s20 =	sshll.u32 s4, $0x1;
	s4 =	sadd.s32 s21, s2  }
0x9d: {  	[timem:s6], [sflag:s22] =	dma.local [hbm:s4], s20  }
0x9e: {  	_ =	swait.ge [sflag:s22], s20  }
0x9f: {  	s3 =	ssub.s32 $0x0, s20;
	[sflag:s22] =	ssyncset.done $0x0  }
0xa0: {  	[sflag:s22] =	ssyncadd.s32 s3;
	_ =	sdelay $0x1  }
0xa1: {  	s23 =	simm.s32 $0x1B8B  }
0xa2: {  	_ =	swait.ge [sflag:s23], $0x1  }
0xa3: {  	[sflag:s23] =	ssyncset.done $0x0  }
0xa4: {  	s25 =	simm.s32 $0x1B8E;
	s24 =	sld [smem:$0x3FFE];
	[sflag:s23] =	ssyncadd.s32 $0xFFFFFFFF  }
0xa5: {  	s26 =	simm.s32 $execute0_lowered;
	[smem:$0x3FD2] =	sst s25  }
0xa6: {  	s4 =	sshll.u32 s26, $0x1;
	_ =	strace $0x8000004C;
	[dreg:$0x1] =	wrdreg $0xFFFFFFFF  }
0xa7: {  	s28 =	simm.s32 $_size_execute0_lowered;
	s2 =	sadd.s32 s2, s4;
	[dreg:$0x0] =	wrdreg $0x0  }
0xa8: {  	s4 =	sshll.u32 s28, $0x1;
	[dreg:$0x2] =	wrdreg s2  }
0xa9: {  	[dreg:$0x3] =	wrdreg s4  }
0xaa: {  	[dreg:$0x4] =	wrdreg $0xC0  }
0xab: {  	_ =	task [dreg:s6], $0x5FFFF  }
0xac: {  	[dreg:$0x1] =	wrdreg $0xFFFFFFFF  }
0xad: {  	[dreg:$0x0] =	wrdreg $0x60  }
0xae: {  	[dreg:$0x2] =	wrdreg s24  }
0xaf: {  	[dreg:$0x3] =	wrdreg $0x0  }
0xb0: {  	[dreg:$0x4] =	wrdreg $0x9  }
0xb1: {  	_ =	task.clear_ibuf [dreg:s6], $0x5FFFF;
	_ =	strace $0x9000004C  }
0xb2: {  	s29 =	simm.s32 $0x9;
	_ =	strace $0x8000004E  }
0xb3: {  	_ =	swait.ge [sflag:s29], $0x1  }
0xb4: {  	[sflag:s29] =	ssyncadd.s32 $0xFFFFFFFF  }
0xb5: {  	_ =	strace $0x9000004E  }
0xb6: {  	_ =	sfence  }
0xb7: {  	s30 =	sld [smem:$0x0];
	_ =	sdelay $0x2  }
0xb8: {  	s31 =	sshll.u32 s1, $0xD;
	s1 =	sshrl.u32 s1, $0x2  }
0xb9: {  	s3 =	sand.u32 $0x4000, s31;
	s1 =	sadd.s32 s1, s30  }
0xba: {  	s0 =	sor.u32 s3, s0;
	s1 =	sshll.u32 s1, $0x11  }
0xbb: {  	s0 =	sor.u32 s1, s0  }
0xbc: {  	s0 =	sadd.s32 $0x8F2B, s0  }
0xbd: {  	[sflag:s0] =	ssyncadd.remote.s32 $0x1  }
0xbe: {  	_ =	sfence.sel $0xFFFF  }
0xbf: {  	[dreg:$0x0] =	wrdreg $0xFFFFFFFF;
	(pc) =	sbr.abs _section_cstart, $3  }
0xc0: {  	[dreg:$0x1] =	wrdreg $0xFFFFFFFF  }
0xc1: {  	_ =	task.clear_ibuf [dreg:s6], $0x2FFFF;
	_ =	strace $0x9FFFFFFF  }
0xc2: {  	(tm) =	ssettm $0x7FFFFFFF  }
0xc3: {  	_ =	shalt  }
tec
execute0_lowered:
.L_overlay_start_1:
0x0: {  	(tag) =	ssettag $0x1  }
0x1: {  	s0 =	rddreg [dreg:$0x0]  }
0x2: {  	s2 =	rddreg [dreg:$0x1];
	s3 =	simm.s32 $0x0  }
0x3: {  	s12 =	stileid.u32;
	s4 =	srdreg.scid;
	s28 =	simm.s32 $0x14500  }
0x4: {  	s29 =	simm.s32 $0x6;
	s30 =	simm.s32 $0x14320;
	s1 =	smul.u32 $0x4E200, s12  }
0x5: {  	s31 =	simm.s32 $0x19500;
	[smem:$0x7FF] =	sst s3;
	s5 =	smul.u32 $0x14000, s12  }
0x6: {  	s6 =	sand.u32 $0x1, s4;
	s4 =	sadd.s32 $0xA3F800, s0;
	s11 =	smul.u32 $0x4E20, s12  }
0x7: {  	s8 =	sadd.s32 $0x13200, s0;
	s13 =	sadd.s32 $0x9400, s0;
	s24 =	smul.u32 $0x9C4, s12  }
0x8: {  	_ =	strace $0x8000004D;
	s7 =	ssub.s32 $0x2, s6;
	p0 =	seq.s32 s6, $0x0  }
0x9: {  	p1 =	sne.s32 s6, $0x0;
	s6 =	simm.s32 $0x14460;
	s1 =	sadd.s32 s1, s0  }
0xa: {  	s9 =	sshrl.u32 s5, $0x3;
	s10 =	sshrl.u32 s7, $0x1;
	s5 =	sadd.s32 s5, s2  }
0xb: {  	s11 =	sshrl.u32 s11, $0x3;
	s0 =	sadd.s32 s9, s0;
	s26 =	ssub.s32 s7, s10  }
0xc: {  	[dreg:$0x3] =	wrdreg s5;
	s10 =	sshll.u32 s12, $0x6;
	s15 =	sadd.s32 s13, s11  }
0xd: {  	s16 =	sadd.s32 s8, s11;
	s17 =	sadd.s32 $0x14, s11;
	[dreg:$0x6] =	wrdreg s15  }
0xe: {  	s19 =	sadd.s32 $0x28, s11;
	s23 =	sadd.s32 $0xA8F800, s1;
	[dreg:$0x7] =	wrdreg s16  }
0xf: {  	s21 =	sadd.s32 $0x3C, s11;
	s14 =	sadd.s32 $0xA17800, s0;
	[dreg:$0xe] =	wrdreg s23  }
0x10: {  	s9 =	simm.s32 $0x14140;
	s18 =	sadd.s32 s13, s17;
	[dreg:$0x4] =	wrdreg s14  }
0x11: {  	s11 =	simm.s32 $0x141E0;
	s5 =	sadd.s32 s8, s17;
	[dreg:$0x8] =	wrdreg s18  }
0x12: {  	s10 =	sor.u32 $0x1C07, s10;
	s20 =	sadd.s32 s13, s19;
	[dreg:$0x9] =	wrdreg s5  }
0x13: {  	s22 =	sadd.s32 s13, s21;
	s25 =	smax.u32 s26, $0x1;
	[dreg:$0xa] =	wrdreg s20  }
0x14: {  	s26 =	sadd.s32 $0xA92000, s1;
	s23 =	simm.s32 $0x14280;
	[dreg:$0xc] =	wrdreg s22  }
0x15: {  	s1 =	simm.s32 $0x143C0;
	s15 =	simm.s32 $0x0;
	[dreg:$0xf] =	wrdreg s25  }
0x16: {  	s5 =	sadd.s32 s8, s19;
	[dreg:$0x11] =	wrdreg s26;
	s20 =	sadd.s32 s24, s8  }
0x17: {  	s22 =	simm.s32 $0x7;
	s25 =	simm.s32 $0x5;
	[dreg:$0x5] =	wrdreg s10  }
.Ltmp0:
0x18: {  	[dreg:$0xb] =	wrdreg s5;
	s5 =	sadd.s32 s8, s21;
	(pc) =	sbr.rel .LBB2_1-.Ltmp0, $4  }
0x19: {  	s26 =	simm.s32 $0xA0;
	[dreg:$0xd] =	wrdreg s5;
	s5 =	simm.s32 $0xA66A00  }
0x1a: {  	s21 =	sadd.s32 s24, s13;
	s24 =	simm.s32 $0x2;
	s5 =	simm.s32 @!p0 $0x50E600  }
0x1b: {  	s8 =	simm.s32 $0x14000;
	s13 =	simm.s32 $0x140A0;
	s0 =	sadd.s32 s5, s0  }
0x1c: {  	s5 =	simm.s32 $0x1;
	[dreg:$0x10] =	wrdreg s0;
	s0 =	simm.s32 $0x4  }
.LBB2_18:
0x1d: {  	_ =	swait.ge [sflag:s25], $0x5000  }
0x1e: {  	[sflag:s25] =	ssyncset.done $0x0  }
0x1f: {  	[sflag:s25] =	ssyncadd.s32 $0xFFFFB000  }
0x20: {  	[spmem:s2] =	stream.indirect.scatter.add.f32 [tilespmem:s28], [sflag:$0x7], $0x80, s23, s26, $0xb8;
	[tilespmem:$0x1E500] =	vst v63  }
0x21: {  	_ =	swait.ge [sflag:s22], $0x5000  }
0x22: {  	[sflag:s22] =	ssyncset.done $0x0  }
0x23: {  	[sflag:s22] =	ssyncadd.s32 $0xFFFFB000  }
0x24: {  	[bflag:$0x0] =	sbarrier.arrive $0xFFFF  }
0x25: {  	s10 =	rddreg [dreg:$0x5]  }
0x26: {  	s7 =	rddreg [dreg:$0x10]  }
0x27: {  	s12 =	rddreg [dreg:$0x12]  }
0x28: {  	[hbm:s7], [sflag:s10] =	dma.local [spmem:s12], $0x2800  }
0x29: {  	_ =	swait.ge [sflag:s22], $0x2800  }
0x2a: {  	s15 =	sadd.s32 $0x1, s15;
	s19 =	rddreg [dreg:$0xf]  }
0x2b: {  	p2 =	sne.s32 s15, s19  }
.Ltmp1:
0x2c: {  	_ = 	snop;
	(pc) =	sbr.rel @!p2 .LBB2_19-.Ltmp1, $3  }
0x2d: {  	_ =	sdelay $0x1  }
0x2e: {  	[sflag:s22] =	ssyncset.done $0x0  }
0x2f: {  	[sflag:s22] =	ssyncadd.s32 $0xFFFFD800  }
.LBB2_1:
0x30: {  	s7 =	rddreg [dreg:$0x3]  }
0x31: {  	s18 =	rddreg [dreg:$0x4];
	s12 =	sshrl.u32 s7, $0x3  }
0x32: {  	[dreg:$0x12] =	wrdreg s12  }
0x33: {  	[spmem:s12], [sflag:s10] =	dma.local [hbm:s18], $0x2800  }
0x34: {  	_ =	swait.ge [sflag:s22], $0x2800  }
0x35: {  	[sflag:s22] =	ssyncset.done $0x0  }
0x36: {  	[sflag:s22] =	ssyncadd.s32 $0xFFFFD800  }
0x37: {  	[bflag:$0x0] =	sbarrier.arrive $0xFFFF  }
0x38: {  	s19 =	rddreg [dreg:$0x6]  }
0x39: {  	[tilespmem:s23], [sflag:$0x1] =	stream.linear.gather [hbm4b:s19+s3], $0xA0, $0x38;
	[tilespmem:$0x1E500] =	vst v63  }
0x3a: {  	s17 =	simm.s32 @p0 $0x0;
	s18 =	simm.s32 @p0 $0x14320;
	s10 =	rddreg [dreg:$0x8]  }
0x3b: {  	[tilespmem:s18], [sflag:$0x2] =	stream.linear.gather @p0 [hbm4b:s10+s17], $0xA0, $0x38;
	[tilespmem:$0x1E500] =	vst v63  }
0x3c: {  	s12 =	rddreg [dreg:$0xa];
	s18 =	simm.s32 @p0 $0x143C0  }
0x3d: {  	[tilespmem:s18], [sflag:$0x3] =	stream.linear.gather @p0 [hbm4b:s12+s17], $0xA0, $0x38;
	[tilespmem:$0x1E500] =	vst v63  }
0x3e: {  	s14 =	rddreg [dreg:$0xc];
	s18 =	simm.s32 @p0 $0x14460  }
0x3f: {  	[tilespmem:s18], [sflag:$0x4] =	stream.linear.gather @p0 [hbm4b:s14+s17], $0xA0, $0x38;
	[tilespmem:$0x1E500] =	vst v63  }
0x40: {  	s18 =	simm.s32 @p0 $0x1  }
0x41: {  	_ =	swait.ge @p0 [sflag:s18], $0xA0  }
0x42: {  	[sflag:s18] =	ssyncset.done @p0 $0x0  }
0x43: {  	s7 =	rddreg [dreg:$0xe];
	[sflag:s18] =	ssyncadd.s32 @p0 $0xFFFFFF60;
	s18 =	simm.s32 @p0 $0x14500  }
0x44: {  	[tilespmem:s18], [sflag:$0x5] =	stream.linear.gather @p0 [hbm4b:s7+s17], $0x5000, $0x38;
	[tilespmem:$0x1E500] =	vst v63  }
0x45: {  	s17 =	simm.s32 @!p0 $0x0;
	s18 =	simm.s32 @!p0 $0x14000;
	s7 =	rddreg [dreg:$0x7]  }
0x46: {  	[tilespmem:s18], [sflag:$0x1] =	stream.linear.gather @!p0 [hbm4b:s7+s17], $0xA0, $0x38;
	[tilespmem:$0x1E500] =	vst v63  }
0x47: {  	s19 =	simm.s32 @!p0 $0x14320  }
0x48: {  	[tilespmem:s19], [sflag:$0x2] =	stream.linear.gather @!p0 [hbm4b:s10+s17], $0xA0, $0x38;
	[tilespmem:$0x1E500] =	vst v63  }
0x49: {  	s7 =	rddreg [dreg:$0x9];
	s19 =	simm.s32 @!p0 $0x140A0  }
0x4a: {  	[tilespmem:s19], [sflag:$0x2] =	stream.linear.gather @!p0 [hbm4b:s7+s17], $0xA0, $0x38;
	[tilespmem:$0x1E500] =	vst v63  }
0x4b: {  	s19 =	simm.s32 @!p0 $0x143C0  }
0x4c: {  	[tilespmem:s19], [sflag:$0x3] =	stream.linear.gather @!p0 [hbm4b:s12+s17], $0xA0, $0x38;
	[tilespmem:$0x1E500] =	vst v63  }
0x4d: {  	s7 =	rddreg [dreg:$0xb];
	s19 =	simm.s32 @!p0 $0x14140  }
0x4e: {  	[tilespmem:s19], [sflag:$0x3] =	stream.linear.gather @!p0 [hbm4b:s7+s17], $0xA0, $0x38;
	[tilespmem:$0x1E500] =	vst v63  }
0x4f: {  	s19 =	simm.s32 @!p0 $0x14460  }
0x50: {  	[tilespmem:s19], [sflag:$0x4] =	stream.linear.gather @!p0 [hbm4b:s14+s17], $0xA0, $0x38;
	[tilespmem:$0x1E500] =	vst v63  }
0x51: {  	s7 =	rddreg [dreg:$0xd];
	s19 =	simm.s32 @!p0 $0x141E0  }
0x52: {  	[tilespmem:s19], [sflag:$0x4] =	stream.linear.gather @!p0 [hbm4b:s7+s17], $0xA0, $0x38;
	[tilespmem:$0x1E500] =	vst v63  }
0x53: {  	s17 =	simm.s32 @!p0 $0x1  }
0x54: {  	_ =	swait.ge @!p0 [sflag:s17], $0xA0  }
0x55: {  	[sflag:s17] =	ssyncset.done @!p0 $0x0  }
0x56: {  	[sflag:s17] =	ssyncadd.s32 @!p0 $0xFFFFFF60  }
0x57: {  	_ =	swait.ge @!p0 [sflag:s17], $0xA0  }
0x58: {  	[sflag:s17] =	ssyncset.done @!p0 $0x0  }
0x59: {  	s19 =	simm.s32 @!p0 $0x14500;
	[sflag:s17] =	ssyncadd.s32 @!p0 $0xFFFFFF60;
	s17 =	simm.s32 @!p0 $0xA0  }
0x5a: {  	[tilespmem:s19], [sflag:$0x5] =	stream.indirect.gather @!p0 [hbm4b:s4+s17], $0x80, s18, s17, $0xb8;
	[tilespmem:$0x1E500] =	vst v63  }
0x5b: {  	s17 =	simm.s32 $0x0;
	s19 =	rddreg [dreg:$0x11]  }
.LBB2_2:
0x5c: {  	_ =	swait.ge [sflag:s24], $0xA0  }
0x5d: {  	[sflag:s24] =	ssyncset.done $0x0  }
0x5e: {  	s18 =	simm.s32 @p1 $0x2;
	[sflag:s24] =	ssyncadd.s32 $0xFFFFFF60  }
0x5f: {  	_ =	swait.ge @p1 [sflag:s18], $0xA0  }
0x60: {  	s7 =	simm.s32 @p1 $0xA0;
	[sflag:s18] =	ssyncset.done @p1 $0x0  }
0x61: {  	s10 =	simm.s32 @p1 $0x19500;
	[sflag:s18] =	ssyncadd.s32 @p1 $0xFFFFFF60;
	s18 =	simm.s32 @p1 $0x140A0  }
0x62: {  	[tilespmem:s10], [sflag:$0x6] =	stream.indirect.gather @p1 [hbm4b:s4+s7], $0x80, s18, s7, $0xb8;
	[tilespmem:$0x1E500] =	vst v63  }
0x63: {  	s12 =	simm.s32 @!p1 $0x0;
	s10 =	sadd.s32 @!p1 $0xFFFFE200, s19;
	s18 =	simm.s32 @!p1 $0x19500  }
0x64: {  	[tilespmem:s18], [sflag:$0x6] =	stream.linear.gather @!p1 [hbm4b:s10+s12], $0x5000, $0x38;
	[tilespmem:$0x1E500] =	vst v63  }
0x65: {  	_ =	swait.ge [sflag:s25], $0x5000  }
0x66: {  	[sflag:s25] =	ssyncset.done $0x0  }
0x67: {  	[sflag:s25] =	ssyncadd.s32 $0xFFFFB000  }
0x68: {  	[spmem:s2] =	stream.indirect.scatter.add.f32 [tilespmem:s28], [sflag:$0x7], $0x80, s23, s26, $0xb8;
	[tilespmem:$0x1E500] =	vst v63  }
0x69: {  	_ =	swait.ge [sflag:s22], $0x5000  }
0x6a: {  	s18 =	sadd.s32 s17, s21;
	[sflag:s22] =	ssyncset.done $0x0  }
0x6b: {  	s10 =	sadd.s32 @p1 s17, s20;
	s16 =	sadd.s32 $0x50, s18;
	[sflag:s22] =	ssyncadd.s32 $0xFFFFB000  }
0x6c: {  	[tilespmem:s23], [sflag:$0x1] =	stream.linear.gather [hbm4b:s16+s3], $0xA0, $0x38;
	[tilespmem:$0x1E500] =	vst v63  }
0x6d: {  	s14 =	simm.s32 @p1 $0x0;
	s10 =	sadd.s32 @p1 $0x50, s10;
	s16 =	simm.s32 @p1 $0x14000  }
0x6e: {  	[tilespmem:s16], [sflag:$0x1] =	stream.linear.gather @p1 [hbm4b:s10+s14], $0xA0, $0x38;
	[tilespmem:$0x1E500] =	vst v63  }
0x6f: {  	s10 =	simm.s32 @p1 $0x3  }
0x70: {  	_ =	swait.ge @p1 [sflag:s10], $0xA0  }
0x71: {  	[sflag:s10] =	ssyncset.done @p1 $0x0  }
0x72: {  	[sflag:s10] =	ssyncadd.s32 @p1 $0xFFFFFF60  }
0x73: {  	_ =	swait.ge @p1 [sflag:s10], $0xA0  }
0x74: {  	[sflag:s10] =	ssyncset.done @p1 $0x0  }
0x75: {  	s14 =	simm.s32 @p1 $0x14500;
	[sflag:s10] =	ssyncadd.s32 @p1 $0xFFFFFF60;
	s10 =	simm.s32 @p1 $0x14140  }
0x76: {  	[tilespmem:s14], [sflag:$0x5] =	stream.indirect.gather @p1 [hbm4b:s4+s7], $0x80, s10, s7, $0xb8;
	[tilespmem:$0x1E500] =	vst v63  }
0x77: {  	s7 =	simm.s32 @!p1 $0x3  }
0x78: {  	_ =	swait.ge @!p1 [sflag:s7], $0xA0  }
0x79: {  	[sflag:s7] =	ssyncset.done @!p1 $0x0  }
0x7a: {  	s10 =	simm.s32 @!p1 $0x14500;
	[sflag:s7] =	ssyncadd.s32 @!p1 $0xFFFFFF60;
	s7 =	sadd.s32 @!p1 $0xFFFFEC00, s19  }
0x7b: {  	[tilespmem:s10], [sflag:$0x5] =	stream.linear.gather @!p1 [hbm4b:s7+s12], $0x5000, $0x38;
	[tilespmem:$0x1E500] =	vst v63  }
0x7c: {  	_ =	swait.ge [sflag:s29], $0x5000  }
0x7d: {  	p2 =	seq.s32 s17, $0x960;
	[sflag:s29] =	ssyncset.done $0x0  }
.Ltmp2:
0x7e: {  	[sflag:s29] =	ssyncadd.s32 $0xFFFFB000;
	(pc) =	sbr.rel @!p2 .LBB2_3-.Ltmp2, $4  }
0x7f: {  	[spmem:s2] =	stream.indirect.scatter.add.f32 [tilespmem:s31], [sflag:$0x7], $0x80, s30, s26, $0xb8;
	[tilespmem:$0x1E500] =	vst v63  }
0x80: {  	_ =	swait.ge [sflag:s22], $0x5000  }
0x81: {  	[sflag:s22] =	ssyncset.done $0x0  }
0x82: {  	[sflag:s22] =	ssyncadd.s32 $0xFFFFB000  }
.Ltmp3:
0x83: {  	(pc) =	sbr.rel @p0 .LBB2_6-.Ltmp3, $4  }
.Ltmp4:
0x84: {  	(pc) =	sbr.rel @!p0 .LBB2_8-.Ltmp4, $4  }
0x85: {  	_ =	swait.ge [sflag:s0], $0xA0  }
0x86: {  	[sflag:s0] =	ssyncset.done $0x0  }
0x87: {  	[sflag:s0] =	ssyncadd.s32 $0xFFFFFF60  }
0x88: {  	_ = 	snop  }
.LBB2_3:
.Ltmp5:
0x89: {  	(pc) =	sbr.rel @!p0 .LBB2_4-.Ltmp5, $3  }
0x8a: {  	_ =	sdelay $0x1  }
0x8b: {  	s7 =	sadd.s32 $0x64, s18  }
0x8c: {  	[tilespmem:s30], [sflag:$0x2] =	stream.linear.gather [hbm4b:s7+s3], $0xA0, $0x38;
	[tilespmem:$0x1E500] =	vst v63  }
0x8d: {  	_ =	swait.ge [sflag:s0], $0xA0  }
0x8e: {  	[sflag:s0] =	ssyncset.done $0x0  }
0x8f: {  	[sflag:s0] =	ssyncadd.s32 $0xFFFFFF60  }
.LBB2_6:
.Ltmp6:
0x90: {  	(pc) =	sbr.rel .LBB2_9-.Ltmp6, $3  }
0x91: {  	_ =	sdelay $0x1  }
0x92: {  	s7 =	sadd.s32 $0xFFFFF600, s19  }
0x93: {  	[tilespmem:s31], [sflag:$0x6] =	stream.linear.gather [hbm4b:s7+s3], $0x5000, $0x38;
	[tilespmem:$0x1E500] =	vst v63  }
.LBB2_4:
0x94: {  	s7 =	sadd.s32 s17, s20  }
0x95: {  	s7 =	sadd.s32 $0x64, s7  }
0x96: {  	[tilespmem:s13], [sflag:$0x2] =	stream.linear.gather [hbm4b:s7+s3], $0xA0, $0x38;
	[tilespmem:$0x1E500] =	vst v63  }
0x97: {  	_ =	swait.ge [sflag:s0], $0xA0  }
0x98: {  	[sflag:s0] =	ssyncset.done $0x0  }
0x99: {  	[sflag:s0] =	ssyncadd.s32 $0xFFFFFF60  }
.LBB2_8:
0x9a: {  	_ =	swait.ge [sflag:s0], $0xA0  }
0x9b: {  	[sflag:s0] =	ssyncset.done $0x0  }
0x9c: {  	[sflag:s0] =	ssyncadd.s32 $0xFFFFFF60  }
0x9d: {  	[tilespmem:s31], [sflag:$0x6] =	stream.indirect.gather [hbm4b:s4+s26], $0x80, s11, s26, $0xb8;
	[tilespmem:$0x1E500] =	vst v63  }
.LBB2_9:
0x9e: {  	_ =	swait.ge [sflag:s25], $0x5000  }
0x9f: {  	[sflag:s25] =	ssyncset.done $0x0  }
.Ltmp7:
0xa0: {  	[sflag:s25] =	ssyncadd.s32 $0xFFFFB000;
	(pc) =	sbr.rel @!p2 .LBB2_10-.Ltmp7, $4  }
0xa1: {  	[spmem:s2] =	stream.indirect.scatter.add.f32 [tilespmem:s28], [sflag:$0x7], $0x80, s1, s26, $0xb8;
	[tilespmem:$0x1E500] =	vst v63  }
0xa2: {  	_ =	swait.ge [sflag:s22], $0x5000  }
0xa3: {  	[sflag:s22] =	ssyncset.done $0x0  }
0xa4: {  	[sflag:s22] =	ssyncadd.s32 $0xFFFFB000  }
.Ltmp8:
0xa5: {  	(pc) =	sbr.rel @p0 .LBB2_13-.Ltmp8, $4  }
.Ltmp9:
0xa6: {  	(pc) =	sbr.rel @!p0 .LBB2_15-.Ltmp9, $4  }
0xa7: {  	_ =	swait.ge [sflag:s5], $0xA0  }
0xa8: {  	[sflag:s5] =	ssyncset.done $0x0  }
0xa9: {  	[sflag:s5] =	ssyncadd.s32 $0xFFFFFF60  }
0xaa: {  	_ = 	snop  }
.LBB2_10:
.Ltmp10:
0xab: {  	(pc) =	sbr.rel @!p0 .LBB2_11-.Ltmp10, $3  }
0xac: {  	_ =	sdelay $0x1  }
0xad: {  	s7 =	sadd.s32 $0x78, s18  }
0xae: {  	[tilespmem:s1], [sflag:$0x3] =	stream.linear.gather [hbm4b:s7+s3], $0xA0, $0x38;
	[tilespmem:$0x1E500] =	vst v63  }
0xaf: {  	_ =	swait.ge [sflag:s5], $0xA0  }
0xb0: {  	[sflag:s5] =	ssyncset.done $0x0  }
0xb1: {  	[sflag:s5] =	ssyncadd.s32 $0xFFFFFF60  }
.LBB2_13:
.Ltmp11:
0xb2: {  	(pc) =	sbr.rel .LBB2_16-.Ltmp11, $2  }
0xb3: {  	_ =	sdelay $0x2  }
0xb4: {  	[tilespmem:s28], [sflag:$0x5] =	stream.linear.gather [hbm4b:s19+s3], $0x5000, $0x38;
	[tilespmem:$0x1E500] =	vst v63  }
.LBB2_11:
0xb5: {  	s7 =	sadd.s32 s17, s20  }
0xb6: {  	s7 =	sadd.s32 $0x78, s7  }
0xb7: {  	[tilespmem:s9], [sflag:$0x3] =	stream.linear.gather [hbm4b:s7+s3], $0xA0, $0x38;
	[tilespmem:$0x1E500] =	vst v63  }
0xb8: {  	_ =	swait.ge [sflag:s5], $0xA0  }
0xb9: {  	[sflag:s5] =	ssyncset.done $0x0  }
0xba: {  	[sflag:s5] =	ssyncadd.s32 $0xFFFFFF60  }
.LBB2_15:
0xbb: {  	_ =	swait.ge [sflag:s5], $0xA0  }
0xbc: {  	[sflag:s5] =	ssyncset.done $0x0  }
0xbd: {  	[sflag:s5] =	ssyncadd.s32 $0xFFFFFF60  }
0xbe: {  	[tilespmem:s28], [sflag:$0x5] =	stream.indirect.gather [hbm4b:s4+s26], $0x80, s8, s26, $0xb8;
	[tilespmem:$0x1E500] =	vst v63  }
.LBB2_16:
0xbf: {  	_ =	swait.ge [sflag:s29], $0x5000  }
0xc0: {  	[sflag:s29] =	ssyncset.done $0x0  }
.Ltmp12:
0xc1: {  	[sflag:s29] =	ssyncadd.s32 $0xFFFFB000;
	(pc) =	sbr.rel @p2 .LBB2_18-.Ltmp12, $4  }
0xc2: {  	[spmem:s2] =	stream.indirect.scatter.add.f32 [tilespmem:s31], [sflag:$0x7], $0x80, s6, s26, $0xb8;
	[tilespmem:$0x1E500] =	vst v63  }
0xc3: {  	_ =	swait.ge [sflag:s22], $0x5000  }
0xc4: {  	[sflag:s22] =	ssyncset.done $0x0  }
0xc5: {  	[sflag:s22] =	ssyncadd.s32 $0xFFFFB000  }
.Ltmp13:
0xc6: {  	s7 =	sadd.s32 $0x8C, s18;
	(pc) =	sbr.rel .LBB2_2-.Ltmp13, $4  }
0xc7: {  	[tilespmem:s6], [sflag:$0x4] =	stream.linear.gather [hbm4b:s7+s3], $0xA0, $0x38;
	[tilespmem:$0x1E500] =	vst v63  }
0xc8: {  	s10 =	simm.s32 @!p0 $0x0;
	s12 =	simm.s32 @!p0 $0x141E0;
	s7 =	sadd.s32 @!p0 s17, s20  }
0xc9: {  	s19 =	sadd.s32 $0x2800, s19;
	s17 =	sadd.s32 $0x50, s17;
	s7 =	sadd.s32 @!p0 $0x8C, s7  }
0xca: {  	[tilespmem:s12], [sflag:$0x4] =	stream.linear.gather @!p0 [hbm4b:s7+s10], $0xA0, $0x38;
	[tilespmem:$0x1E500] =	vst v63  }
.LBB2_19:
0xcb: {  	_ =	sfence.sel $0x180000  }
0xcc: {  	[bflag:$0x0] =	sbarrier.arrive $0xFFFF  }
0xcd: {  	_ =	strace $0x9000004D  }
0xce: {  	s0 =	stileid.u32;
	[bflag:$0x2] =	sbarrier.arrive $0xFFFF  }
0xcf: {  	p0 =	sne.s32 s0, $0x0;
	s0 =	rddreg [dreg:$0x2]  }
0xd0: {  	s0 =	sadd.s32 @!p0 $0x100000, s0  }
0xd1: {  	[sflag:s0] =	ssyncadd.tile.s32 @!p0 $0x1;
	_ =	shalt  }
.Lfunc_end2:
_tile_overlayer_lowered:
.L_overlay_start_2:
0xd2: {  	(tag) =	ssettag $0x2  }
0xd3: {  	s0 =	rddreg [dreg:$0x0];
	s2 =	stileid.u32  }
0xd4: {  	s1 =	rddreg [dreg:$0x1];
	p0 =	sne.s32 s2, $0x0  }
0xd5: {  	s3 =	rddreg [dreg:$0x2];
	[bflag:$0x3] =	sbarrier.arrive $0xFFFF;
	s2 =	simm.s32 @!p0 $0x1C07  }
0xd6: {  	[timem:s3], [sflag:s2] =	dma.local @!p0 [hbm:s0], s1  }
0xd7: {  	s0 =	simm.s32 @!p0 $0x7  }
0xd8: {  	_ =	swait.ge @!p0 [sflag:s0], s1  }
0xd9: {  	s1 =	ssub.s32 @!p0 $0x0, s1;
	[sflag:s0] =	ssyncset.done @!p0 $0x0  }
0xda: {  	[sflag:s0] =	ssyncadd.s32 @!p0 s1  }
0xdb: {  	[bflag:$0x3] =	sbarrier.arrive $0xFFFF  }
0xdc: {  	_ =	shalt  }

// kernel: kernel.25.cloned.1.call-start
scs
__scs_entry_jumppad:
0x0: {  	(pc) =	sbr.rel $0x88, $3  }
0x1: {  	(tag) =	ssettag $0x0;
	lr =	simm.s32 $0x1  }
0x2: {  	[smem:$0x3F94] =	sst lr;
	_ =	strace $0xD0000000  }
0x3: {  	_ = 	snop  }
0x4: {  	_ = 	snop  }
0x5: {  	_ = 	snop  }
0x6: {  	_ = 	snop  }
0x7: {  	_ = 	snop  }
__scs_overlays_trampoline_lowered:
0x8: {  	[smem:$0x3FA3] =	sst s0  }
0x9: {  	[smem:$0x3FA4] =	sst s1  }
0xa: {  	[smem:$0x3FA5] =	sst s2  }
0xb: {  	[smem:$0x3FA6] =	sst s3  }
0xc: {  	[smem:$0x3FA7] =	sst s4  }
0xd: {  	[smem:$0x3FA8] =	sst s5  }
0xe: {  	[smem:$0x3FA9] =	sst s6  }
0xf: {  	[smem:$0x3FAA] =	sst s7  }
0x10: {  	[smem:$0x3FAB] =	sst s8  }
0x11: {  	[smem:$0x3FAC] =	sst s9;
	s0 =	simm.s32 @!p0 $0x0  }
0x12: {  	s1 =	sld [smem:$0x3F92];
	s0 =	simm.s32 @p0 $0x1  }
0x13: {  	[smem:$0x3FAD] =	sst s0;
	s0 =	simm.s32 @!p1 $0x0  }
0x14: {  	s2 =	sld [smem:$0x3F91];
	s0 =	simm.s32 @p1 $0x1  }
0x15: {  	[smem:$0x3FAE] =	sst s0;
	s0 =	simm.s32 @!p2 $0x0  }
0x16: {  	s3 =	sld [smem:$0x3FDB];
	s0 =	simm.s32 @p2 $0x1  }
0x17: {  	s4 =	simm.s32 $0x1BF5;
	[smem:$0x3FB0] =	sst s0  }
0x18: {  	s0 =	sld [smem:$0x3F93];
	_ =	swait.ge [sflag:s4], $0x0  }
0x19: {  	s7 =	sld [smem:$0x3F94]  }
0x1a: {  	s8 =	sadd.s32 $0xFFFFE003, lr  }
0x1b: {  	s9 =	sadd.s32 $0xFFFFFEF7, lr;
	s5 =	simm.s32 $0xFFFFFFFF;
	p2 =	slt.u32 s8, $0xFFFFF086  }
0x1c: {  	p1 =	slt.u32 s9, $0xF7A;
	s5 =	simm.s32 @!p2 $0x0  }
0x1d: {  	s5 =	simm.s32 @p1 $0x1;
	p0 =	seq.s32 s7, s2  }
0x1e: {  	s7 =	smul.u32 @!p0 $0xF7A, s2;
	p2 =	seq.s32 @!p0 s5, $0x0  }
0x1f: {  	s9 =	smul.u32 $0xF7A, s1;
	s8 =	simm.s32 @!p0 $0x1BF5;
	p2 =	por !p2, p0  }
0x20: {  	[sflag:s8] =	ssyncset.s32 @!p0 $0xFFFFF086;
	s6 =	sadd.s32 @!p0 s3, s7;
	s7 =	simm.s32 @!p0 $0x108  }
0x21: {  	s3 =	sadd.s32 s3, s9;
	s6 =	sadd.s32 @!p0 $0x88, s6;
	s7 =	simm.s32 @p2 $0x1082  }
0x22: {  	[simem:s7], [sflag:s8] =	dma.local @!p0 [hbm:s6], $0xF7A  }
0x23: {  	s9 =	sor.u32 $0xD0000000, s2;
	s6 =	simm.s32 $0x108;
	_ =	swait.ge @!p0 [sflag:s8], $0x0  }
0x24: {  	s3 =	sadd.s32 $0x88, s3;
	s6 =	simm.s32 @!p1 $0x1082;
	[sflag:s4] =	ssyncset.s32 $0xFFFFF086  }
0x25: {  	[simem:s6], [sflag:s4] =	dma.local [hbm:s3], $0xF7A  }
0x26: {  	[smem:$0x3F94] =	sst s1;
	(tag) =	ssettag s2;
	_ =	strace s9  }
0x27: {  	s1 =	sld [smem:$0x3FA4]  }
0x28: {  	s2 =	sld [smem:$0x3FA5]  }
0x29: {  	s4 =	sld [smem:$0x3FA7]  }
0x2a: {  	p0 =	seq.s32 s5, $0x0;
	s5 =	sld [smem:$0x3FA8]  }
0x2b: {  	s6 =	sld [smem:$0x3FA9]  }
0x2c: {  	s7 =	sld [smem:$0x3FAA]  }
0x2d: {  	s3 =	simm.s32 $0x108;
	s8 =	sld [smem:$0x3FAB]  }
0x2e: {  	s3 =	simm.s32 @!p0 $0x1082;
	s9 =	sld [smem:$0x3FAC]  }
0x2f: {  	lr =	sadd.s32 s0, s3;
	s0 =	sld [smem:$0x3FA3]  }
0x30: {  	s3 =	sld [smem:$0x3FA6]  }
0x31: {  	[smem:$0x3FAF] =	sst s10  }
0x32: {  	s10 =	sld [smem:$0x3FAD];
	_ =	sdelay $0x3  }
0x33: {  	p0 =	seq.s32 s10, $0x1;
	s10 =	sld [smem:$0x3FAF];
	_ =	sdelay $0x3  }
0x34: {  	[smem:$0x3FAF] =	sst s10  }
0x35: {  	s10 =	sld [smem:$0x3FAE];
	_ =	sdelay $0x3  }
0x36: {  	p1 =	seq.s32 s10, $0x1;
	s10 =	sld [smem:$0x3FAF];
	_ =	sdelay $0x3  }
0x37: {  	[smem:$0x3FAF] =	sst s10  }
0x38: {  	s10 =	sld [smem:$0x3FB0]  }
0x39: {  	_ = 	snop;
	(pc) =	sbr.ind lr, $3  }
0x3a: {  	_ = 	snop  }
0x3b: {  	_ = 	snop  }
0x3c: {  	p2 =	seq.s32 s10, $0x1;
	s10 =	sld [smem:$0x3FAF]  }
0x3d: {  	_ =	shalt  }
0x3e: {  	_ =	shalt  }
0x3f: {  	_ =	shalt  }
0x40: {  	_ =	shalt  }
0x41: {  	_ =	shalt  }
0x42: {  	_ =	shalt  }
0x43: {  	_ =	shalt  }
0x44: {  	_ =	shalt  }
0x45: {  	_ =	shalt  }
0x46: {  	_ =	shalt  }
0x47: {  	_ =	shalt  }
0x48: {  	_ =	shalt  }
0x49: {  	_ =	shalt  }
0x4a: {  	_ =	shalt  }
0x4b: {  	_ =	shalt  }
0x4c: {  	_ =	shalt  }
0x4d: {  	_ =	shalt  }
0x4e: {  	_ =	shalt  }
0x4f: {  	_ =	shalt  }
0x50: {  	_ =	shalt  }
0x51: {  	_ =	shalt  }
0x52: {  	_ =	shalt  }
0x53: {  	_ =	shalt  }
0x54: {  	_ =	shalt  }
0x55: {  	_ =	shalt  }
0x56: {  	_ =	shalt  }
0x57: {  	_ =	shalt  }
0x58: {  	_ =	shalt  }
0x59: {  	_ =	shalt  }
0x5a: {  	_ =	shalt  }
0x5b: {  	_ =	shalt  }
0x5c: {  	_ =	shalt  }
0x5d: {  	_ =	shalt  }
0x5e: {  	_ =	shalt  }
0x5f: {  	_ =	shalt  }
0x60: {  	_ =	shalt  }
0x61: {  	_ =	shalt  }
0x62: {  	_ =	shalt  }
0x63: {  	_ =	shalt  }
0x64: {  	_ =	shalt  }
0x65: {  	_ =	shalt  }
0x66: {  	_ =	shalt  }
0x67: {  	_ =	shalt  }
0x68: {  	_ =	shalt  }
0x69: {  	_ =	shalt  }
0x6a: {  	_ =	shalt  }
0x6b: {  	_ =	shalt  }
0x6c: {  	_ =	shalt  }
0x6d: {  	_ =	shalt  }
0x6e: {  	_ =	shalt  }
0x6f: {  	_ =	shalt  }
0x70: {  	_ =	shalt  }
0x71: {  	_ =	shalt  }
0x72: {  	_ =	shalt  }
0x73: {  	_ =	shalt  }
0x74: {  	_ =	shalt  }
0x75: {  	_ =	shalt  }
0x76: {  	_ =	shalt  }
0x77: {  	_ =	shalt  }
0x78: {  	_ =	shalt  }
0x79: {  	_ =	shalt  }
0x7a: {  	_ =	shalt  }
0x7b: {  	_ =	shalt  }
0x7c: {  	_ =	shalt  }
0x7d: {  	_ =	shalt  }
0x7e: {  	_ =	shalt  }
0x7f: {  	_ =	shalt  }
0x80: {  	_ =	shalt  }
0x81: {  	_ =	shalt  }
0x82: {  	_ =	shalt  }
0x83: {  	_ =	shalt  }
0x84: {  	_ =	shalt  }
0x85: {  	_ =	shalt  }
0x86: {  	_ =	shalt  }
0x87: {  	_ =	shalt  }
.Lfunc_end0:
.L_simem_size_0:
called_computation.3_lowered:
.L_overlay_start_0:
0x88: {  	s2 =	sld [smem:$0x3FD9]  }
0x89: {  	s3 =	sld [smem:$0x3FFE];
	_ =	sdelay $0x1  }
0x8a: {  	s1 =	srdreg.scid  }
0x8b: {  	s0 =	sand.u32 $0x1, s1  }
0x8c: {  	s16 =	sshll.u32 s0, $0xA;
	s2 =	sadd.s32 s3, s2  }
0x8d: {  	s2 =	sadd.s32 s2, s16  }
0x8e: {  	[smem:$0x3FBB] =	sst s2  }
0x8f: {  	_ = 	snop  }
0x90: {  	(tm) =	ssettm $0x1  }
0x91: {  	s17 =	sld [smem:$0x3FFB];
	_ =	sdelay $0x3  }
0x92: {  	_ =	strace s17  }
0x93: {  	s2 =	sld [smem:$0x3FFC];
	_ =	sdelay $0x3  }
0x94: {  	_ =	strace s2  }
0x95: {  	s2 =	sld [smem:$0x3FFD];
	_ =	sdelay $0x3  }
0x96: {  	_ =	strace s2  }
0x97: {  	_ =	strace $0x8FFFFFFF  }
0x98: {  	s18 =	sld [smem:$0x3FDB];
	_ =	sdelay $0x1  }
0x99: {  	s19 =	simm.s32 $_scs_section_size  }
0x9a: {  	s4 =	simm.s32 $_size__tile_overlayer_lowered;
	s5 =	simm.s32 $_tile_overlayer_lowered  }
0x9b: {  	s22 =	simm.s32 $0x1BFF;
	s21 =	sshll.u32 s5, $0x1;
	s2 =	sadd.s32 s19, s18  }
0x9c: {  	s6 =	simm.s32 $0x0;
	s20 =	sshll.u32 s4, $0x1;
	s4 =	sadd.s32 s21, s2  }
0x9d: {  	[timem:s6], [sflag:s22] =	dma.local [hbm:s4], s20  }
0x9e: {  	_ =	swait.ge [sflag:s22], s20  }
0x9f: {  	s3 =	ssub.s32 $0x0, s20;
	[sflag:s22] =	ssyncset.done $0x0  }
0xa0: {  	[sflag:s22] =	ssyncadd.s32 s3;
	_ =	sdelay $0x1  }
0xa1: {  	s23 =	simm.s32 $0x1B8B  }
0xa2: {  	_ =	swait.ge [sflag:s23], $0x1  }
0xa3: {  	[sflag:s23] =	ssyncset.done $0x0  }
0xa4: {  	s25 =	simm.s32 $0x1B8E;
	s24 =	sld [smem:$0x3FFE];
	[sflag:s23] =	ssyncadd.s32 $0xFFFFFFFF  }
0xa5: {  	s26 =	simm.s32 $execute0_lowered;
	[smem:$0x3FD2] =	sst s25  }
0xa6: {  	s4 =	sshll.u32 s26, $0x1;
	_ =	strace $0x8000004F;
	[dreg:$0x1] =	wrdreg $0xFFFFFFFF  }
0xa7: {  	s28 =	simm.s32 $_size_execute0_lowered;
	s2 =	sadd.s32 s2, s4;
	[dreg:$0x0] =	wrdreg $0x0  }
0xa8: {  	s4 =	sshll.u32 s28, $0x1;
	[dreg:$0x2] =	wrdreg s2  }
0xa9: {  	[dreg:$0x3] =	wrdreg s4  }
0xaa: {  	[dreg:$0x4] =	wrdreg $0xC0  }
0xab: {  	_ =	task [dreg:s6], $0x5FFFF  }
0xac: {  	[dreg:$0x1] =	wrdreg $0xFFFFFFFF  }
0xad: {  	[dreg:$0x0] =	wrdreg $0x60  }
0xae: {  	[dreg:$0x2] =	wrdreg s24  }
0xaf: {  	[dreg:$0x3] =	wrdreg $0x0  }
0xb0: {  	[dreg:$0x4] =	wrdreg $0x9  }
0xb1: {  	_ =	task.clear_ibuf [dreg:s6], $0x5FFFF;
	_ =	strace $0x9000004F  }
0xb2: {  	s29 =	simm.s32 $0x9;
	_ =	strace $0x80000051  }
0xb3: {  	_ =	swait.ge [sflag:s29], $0x1  }
0xb4: {  	[sflag:s29] =	ssyncadd.s32 $0xFFFFFFFF  }
0xb5: {  	_ =	strace $0x90000051  }
0xb6: {  	_ =	sfence  }
0xb7: {  	s30 =	sld [smem:$0x0];
	_ =	sdelay $0x2  }
0xb8: {  	s31 =	sshll.u32 s1, $0xD;
	s1 =	sshrl.u32 s1, $0x2  }
0xb9: {  	s3 =	sand.u32 $0x4000, s31;
	s1 =	sadd.s32 s1, s30  }
0xba: {  	s0 =	sor.u32 s3, s0;
	s1 =	sshll.u32 s1, $0x11  }
0xbb: {  	s0 =	sor.u32 s1, s0  }
0xbc: {  	s0 =	sadd.s32 $0x8F2B, s0  }
0xbd: {  	[sflag:s0] =	ssyncadd.remote.s32 $0x1  }
0xbe: {  	_ =	sfence.sel $0xFFFF  }
0xbf: {  	[dreg:$0x0] =	wrdreg $0xFFFFFFFF;
	(pc) =	sbr.abs _section_cstart, $3  }
0xc0: {  	[dreg:$0x1] =	wrdreg $0xFFFFFFFF  }
0xc1: {  	_ =	task.clear_ibuf [dreg:s6], $0x2FFFF;
	_ =	strace $0x9FFFFFFF  }
0xc2: {  	(tm) =	ssettm $0x7FFFFFFF  }
0xc3: {  	_ =	shalt  }
tec
execute0_lowered:
.L_overlay_start_1:
0x0: {  	(tag) =	ssettag $0x1  }
0x1: {  	s0 =	rddreg [dreg:$0x0]  }
0x2: {  	s2 =	rddreg [dreg:$0x1];
	s3 =	simm.s32 $0x0  }
0x3: {  	s12 =	stileid.u32;
	s4 =	srdreg.scid;
	s28 =	simm.s32 $0x14500  }
0x4: {  	s29 =	simm.s32 $0x6;
	s30 =	simm.s32 $0x14320;
	s1 =	smul.u32 $0x4E200, s12  }
0x5: {  	s31 =	simm.s32 $0x19500;
	[smem:$0x7FF] =	sst s3;
	s5 =	smul.u32 $0x14000, s12  }
0x6: {  	s6 =	sand.u32 $0x1, s4;
	s4 =	sadd.s32 $0x50E600, s0;
	s11 =	smul.u32 $0x4E20, s12  }
0x7: {  	s8 =	sadd.s32 $0x13200, s0;
	s13 =	sadd.s32 $0x9400, s0;
	s24 =	smul.u32 $0x9C4, s12  }
0x8: {  	_ =	strace $0x80000050;
	s7 =	ssub.s32 $0x2, s6;
	p0 =	seq.s32 s6, $0x0  }
0x9: {  	p1 =	sne.s32 s6, $0x0;
	s6 =	simm.s32 $0x14460;
	s1 =	sadd.s32 s1, s0  }
0xa: {  	s9 =	sshrl.u32 s5, $0x3;
	s10 =	sshrl.u32 s7, $0x1;
	s5 =	sadd.s32 s5, s2  }
0xb: {  	s11 =	sshrl.u32 s11, $0x3;
	s0 =	sadd.s32 s9, s0;
	s26 =	ssub.s32 s7, s10  }
0xc: {  	[dreg:$0x3] =	wrdreg s5;
	s10 =	sshll.u32 s12, $0x6;
	s15 =	sadd.s32 s13, s11  }
0xd: {  	s16 =	sadd.s32 s8, s11;
	s17 =	sadd.s32 $0x14, s11;
	[dreg:$0x6] =	wrdreg s15  }
0xe: {  	s19 =	sadd.s32 $0x28, s11;
	s23 =	sadd.s32 $0xFC7000, s1;
	[dreg:$0x7] =	wrdreg s16  }
0xf: {  	s21 =	sadd.s32 $0x3C, s11;
	s14 =	sadd.s32 $0xA17800, s0;
	[dreg:$0xe] =	wrdreg s23  }
0x10: {  	s9 =	simm.s32 $0x14140;
	s18 =	sadd.s32 s13, s17;
	[dreg:$0x4] =	wrdreg s14  }
0x11: {  	s11 =	simm.s32 $0x141E0;
	s5 =	sadd.s32 s8, s17;
	[dreg:$0x8] =	wrdreg s18  }
0x12: {  	s10 =	sor.u32 $0x1C07, s10;
	s20 =	sadd.s32 s13, s19;
	[dreg:$0x9] =	wrdreg s5  }
0x13: {  	s22 =	sadd.s32 s13, s21;
	s25 =	smax.u32 s26, $0x1;
	[dreg:$0xa] =	wrdreg s20  }
0x14: {  	s26 =	sadd.s32 $0xFC9800, s1;
	s23 =	simm.s32 $0x14280;
	[dreg:$0xc] =	wrdreg s22  }
0x15: {  	s1 =	simm.s32 $0x143C0;
	s15 =	simm.s32 $0x0;
	[dreg:$0xf] =	wrdreg s25  }
0x16: {  	s5 =	sadd.s32 s8, s19;
	[dreg:$0x11] =	wrdreg s26;
	s20 =	sadd.s32 s24, s8  }
0x17: {  	s22 =	simm.s32 $0x7;
	s25 =	simm.s32 $0x5;
	[dreg:$0x5] =	wrdreg s10  }
.Ltmp0:
0x18: {  	[dreg:$0xb] =	wrdreg s5;
	s5 =	sadd.s32 s8, s21;
	(pc) =	sbr.rel .LBB2_1-.Ltmp0, $4  }
0x19: {  	s26 =	simm.s32 $0xA0;
	[dreg:$0xd] =	wrdreg s5;
	s5 =	simm.s32 $0x535800  }
0x1a: {  	s21 =	sadd.s32 s24, s13;
	s24 =	simm.s32 $0x2;
	s5 =	simm.s32 @!p0 $0x55D800  }
0x1b: {  	s8 =	simm.s32 $0x14000;
	s13 =	simm.s32 $0x140A0;
	s0 =	sadd.s32 s5, s0  }
0x1c: {  	s5 =	simm.s32 $0x1;
	[dreg:$0x10] =	wrdreg s0;
	s0 =	simm.s32 $0x4  }
.LBB2_18:
0x1d: {  	_ =	swait.ge [sflag:s25], $0x5000  }
0x1e: {  	[sflag:s25] =	ssyncset.done $0x0  }
0x1f: {  	[sflag:s25] =	ssyncadd.s32 $0xFFFFB000  }
0x20: {  	[spmem:s2] =	stream.indirect.scatter.add.f32 [tilespmem:s28], [sflag:$0x7], $0x80, s23, s26, $0xb8;
	[tilespmem:$0x1E500] =	vst v63  }
0x21: {  	_ =	swait.ge [sflag:s22], $0x5000  }
0x22: {  	[sflag:s22] =	ssyncset.done $0x0  }
0x23: {  	[sflag:s22] =	ssyncadd.s32 $0xFFFFB000  }
0x24: {  	[bflag:$0x0] =	sbarrier.arrive $0xFFFF  }
0x25: {  	s10 =	rddreg [dreg:$0x5]  }
0x26: {  	s7 =	rddreg [dreg:$0x10]  }
0x27: {  	s12 =	rddreg [dreg:$0x12]  }
0x28: {  	[hbm:s7], [sflag:s10] =	dma.local [spmem:s12], $0x2800  }
0x29: {  	_ =	swait.ge [sflag:s22], $0x2800  }
0x2a: {  	s15 =	sadd.s32 $0x1, s15;
	s19 =	rddreg [dreg:$0xf]  }
0x2b: {  	p2 =	sne.s32 s15, s19  }
.Ltmp1:
0x2c: {  	_ = 	snop;
	(pc) =	sbr.rel @!p2 .LBB2_19-.Ltmp1, $3  }
0x2d: {  	_ =	sdelay $0x1  }
0x2e: {  	[sflag:s22] =	ssyncset.done $0x0  }
0x2f: {  	[sflag:s22] =	ssyncadd.s32 $0xFFFFD800  }
.LBB2_1:
0x30: {  	s7 =	rddreg [dreg:$0x3]  }
0x31: {  	s18 =	rddreg [dreg:$0x4];
	s12 =	sshrl.u32 s7, $0x3  }
0x32: {  	[dreg:$0x12] =	wrdreg s12  }
0x33: {  	[spmem:s12], [sflag:s10] =	dma.local [hbm:s18], $0x2800  }
0x34: {  	_ =	swait.ge [sflag:s22], $0x2800  }
0x35: {  	[sflag:s22] =	ssyncset.done $0x0  }
0x36: {  	[sflag:s22] =	ssyncadd.s32 $0xFFFFD800  }
0x37: {  	[bflag:$0x0] =	sbarrier.arrive $0xFFFF  }
0x38: {  	s19 =	rddreg [dreg:$0x6]  }
0x39: {  	[tilespmem:s23], [sflag:$0x1] =	stream.linear.gather [hbm4b:s19+s3], $0xA0, $0x38;
	[tilespmem:$0x1E500] =	vst v63  }
0x3a: {  	s17 =	simm.s32 @p0 $0x0;
	s18 =	simm.s32 @p0 $0x14320;
	s10 =	rddreg [dreg:$0x8]  }
0x3b: {  	[tilespmem:s18], [sflag:$0x2] =	stream.linear.gather @p0 [hbm4b:s10+s17], $0xA0, $0x38;
	[tilespmem:$0x1E500] =	vst v63  }
0x3c: {  	s12 =	rddreg [dreg:$0xa];
	s18 =	simm.s32 @p0 $0x143C0  }
0x3d: {  	[tilespmem:s18], [sflag:$0x3] =	stream.linear.gather @p0 [hbm4b:s12+s17], $0xA0, $0x38;
	[tilespmem:$0x1E500] =	vst v63  }
0x3e: {  	s14 =	rddreg [dreg:$0xc];
	s18 =	simm.s32 @p0 $0x14460  }
0x3f: {  	[tilespmem:s18], [sflag:$0x4] =	stream.linear.gather @p0 [hbm4b:s14+s17], $0xA0, $0x38;
	[tilespmem:$0x1E500] =	vst v63  }
0x40: {  	s18 =	simm.s32 @p0 $0x1  }
0x41: {  	_ =	swait.ge @p0 [sflag:s18], $0xA0  }
0x42: {  	[sflag:s18] =	ssyncset.done @p0 $0x0  }
0x43: {  	s7 =	rddreg [dreg:$0xe];
	[sflag:s18] =	ssyncadd.s32 @p0 $0xFFFFFF60;
	s18 =	simm.s32 @p0 $0x14500  }
0x44: {  	[tilespmem:s18], [sflag:$0x5] =	stream.linear.gather @p0 [hbm4b:s7+s17], $0x5000, $0x38;
	[tilespmem:$0x1E500] =	vst v63  }
0x45: {  	s17 =	simm.s32 @!p0 $0x0;
	s18 =	simm.s32 @!p0 $0x14000;
	s7 =	rddreg [dreg:$0x7]  }
0x46: {  	[tilespmem:s18], [sflag:$0x1] =	stream.linear.gather @!p0 [hbm4b:s7+s17], $0xA0, $0x38;
	[tilespmem:$0x1E500] =	vst v63  }
0x47: {  	s19 =	simm.s32 @!p0 $0x14320  }
0x48: {  	[tilespmem:s19], [sflag:$0x2] =	stream.linear.gather @!p0 [hbm4b:s10+s17], $0xA0, $0x38;
	[tilespmem:$0x1E500] =	vst v63  }
0x49: {  	s7 =	rddreg [dreg:$0x9];
	s19 =	simm.s32 @!p0 $0x140A0  }
0x4a: {  	[tilespmem:s19], [sflag:$0x2] =	stream.linear.gather @!p0 [hbm4b:s7+s17], $0xA0, $0x38;
	[tilespmem:$0x1E500] =	vst v63  }
0x4b: {  	s19 =	simm.s32 @!p0 $0x143C0  }
0x4c: {  	[tilespmem:s19], [sflag:$0x3] =	stream.linear.gather @!p0 [hbm4b:s12+s17], $0xA0, $0x38;
	[tilespmem:$0x1E500] =	vst v63  }
0x4d: {  	s7 =	rddreg [dreg:$0xb];
	s19 =	simm.s32 @!p0 $0x14140  }
0x4e: {  	[tilespmem:s19], [sflag:$0x3] =	stream.linear.gather @!p0 [hbm4b:s7+s17], $0xA0, $0x38;
	[tilespmem:$0x1E500] =	vst v63  }
0x4f: {  	s19 =	simm.s32 @!p0 $0x14460  }
0x50: {  	[tilespmem:s19], [sflag:$0x4] =	stream.linear.gather @!p0 [hbm4b:s14+s17], $0xA0, $0x38;
	[tilespmem:$0x1E500] =	vst v63  }
0x51: {  	s7 =	rddreg [dreg:$0xd];
	s19 =	simm.s32 @!p0 $0x141E0  }
0x52: {  	[tilespmem:s19], [sflag:$0x4] =	stream.linear.gather @!p0 [hbm4b:s7+s17], $0xA0, $0x38;
	[tilespmem:$0x1E500] =	vst v63  }
0x53: {  	s17 =	simm.s32 @!p0 $0x1  }
0x54: {  	_ =	swait.ge @!p0 [sflag:s17], $0xA0  }
0x55: {  	[sflag:s17] =	ssyncset.done @!p0 $0x0  }
0x56: {  	[sflag:s17] =	ssyncadd.s32 @!p0 $0xFFFFFF60  }
0x57: {  	_ =	swait.ge @!p0 [sflag:s17], $0xA0  }
0x58: {  	[sflag:s17] =	ssyncset.done @!p0 $0x0  }
0x59: {  	s19 =	simm.s32 @!p0 $0x14500;
	[sflag:s17] =	ssyncadd.s32 @!p0 $0xFFFFFF60;
	s17 =	simm.s32 @!p0 $0xA0  }
0x5a: {  	[tilespmem:s19], [sflag:$0x5] =	stream.indirect.gather @!p0 [hbm4b:s4+s17], $0x80, s18, s17, $0xb8;
	[tilespmem:$0x1E500] =	vst v63  }
0x5b: {  	s17 =	simm.s32 $0x0;
	s19 =	rddreg [dreg:$0x11]  }
.LBB2_2:
0x5c: {  	_ =	swait.ge [sflag:s24], $0xA0  }
0x5d: {  	[sflag:s24] =	ssyncset.done $0x0  }
0x5e: {  	s18 =	simm.s32 @p1 $0x2;
	[sflag:s24] =	ssyncadd.s32 $0xFFFFFF60  }
0x5f: {  	_ =	swait.ge @p1 [sflag:s18], $0xA0  }
0x60: {  	s7 =	simm.s32 @p1 $0xA0;
	[sflag:s18] =	ssyncset.done @p1 $0x0  }
0x61: {  	s10 =	simm.s32 @p1 $0x19500;
	[sflag:s18] =	ssyncadd.s32 @p1 $0xFFFFFF60;
	s18 =	simm.s32 @p1 $0x140A0  }
0x62: {  	[tilespmem:s10], [sflag:$0x6] =	stream.indirect.gather @p1 [hbm4b:s4+s7], $0x80, s18, s7, $0xb8;
	[tilespmem:$0x1E500] =	vst v63  }
0x63: {  	s12 =	simm.s32 @!p1 $0x0;
	s10 =	sadd.s32 @!p1 $0xFFFFE200, s19;
	s18 =	simm.s32 @!p1 $0x19500  }
0x64: {  	[tilespmem:s18], [sflag:$0x6] =	stream.linear.gather @!p1 [hbm4b:s10+s12], $0x5000, $0x38;
	[tilespmem:$0x1E500] =	vst v63  }
0x65: {  	_ =	swait.ge [sflag:s25], $0x5000  }
0x66: {  	[sflag:s25] =	ssyncset.done $0x0  }
0x67: {  	[sflag:s25] =	ssyncadd.s32 $0xFFFFB000  }
0x68: {  	[spmem:s2] =	stream.indirect.scatter.add.f32 [tilespmem:s28], [sflag:$0x7], $0x80, s23, s26, $0xb8;
	[tilespmem:$0x1E500] =	vst v63  }
0x69: {  	_ =	swait.ge [sflag:s22], $0x5000  }
0x6a: {  	s18 =	sadd.s32 s17, s21;
	[sflag:s22] =	ssyncset.done $0x0  }
0x6b: {  	s10 =	sadd.s32 @p1 s17, s20;
	s16 =	sadd.s32 $0x50, s18;
	[sflag:s22] =	ssyncadd.s32 $0xFFFFB000  }
0x6c: {  	[tilespmem:s23], [sflag:$0x1] =	stream.linear.gather [hbm4b:s16+s3], $0xA0, $0x38;
	[tilespmem:$0x1E500] =	vst v63  }
0x6d: {  	s14 =	simm.s32 @p1 $0x0;
	s10 =	sadd.s32 @p1 $0x50, s10;
	s16 =	simm.s32 @p1 $0x14000  }
0x6e: {  	[tilespmem:s16], [sflag:$0x1] =	stream.linear.gather @p1 [hbm4b:s10+s14], $0xA0, $0x38;
	[tilespmem:$0x1E500] =	vst v63  }
0x6f: {  	s10 =	simm.s32 @p1 $0x3  }
0x70: {  	_ =	swait.ge @p1 [sflag:s10], $0xA0  }
0x71: {  	[sflag:s10] =	ssyncset.done @p1 $0x0  }
0x72: {  	[sflag:s10] =	ssyncadd.s32 @p1 $0xFFFFFF60  }
0x73: {  	_ =	swait.ge @p1 [sflag:s10], $0xA0  }
0x74: {  	[sflag:s10] =	ssyncset.done @p1 $0x0  }
0x75: {  	s14 =	simm.s32 @p1 $0x14500;
	[sflag:s10] =	ssyncadd.s32 @p1 $0xFFFFFF60;
	s10 =	simm.s32 @p1 $0x14140  }
0x76: {  	[tilespmem:s14], [sflag:$0x5] =	stream.indirect.gather @p1 [hbm4b:s4+s7], $0x80, s10, s7, $0xb8;
	[tilespmem:$0x1E500] =	vst v63  }
0x77: {  	s7 =	simm.s32 @!p1 $0x3  }
0x78: {  	_ =	swait.ge @!p1 [sflag:s7], $0xA0  }
0x79: {  	[sflag:s7] =	ssyncset.done @!p1 $0x0  }
0x7a: {  	s10 =	simm.s32 @!p1 $0x14500;
	[sflag:s7] =	ssyncadd.s32 @!p1 $0xFFFFFF60;
	s7 =	sadd.s32 @!p1 $0xFFFFEC00, s19  }
0x7b: {  	[tilespmem:s10], [sflag:$0x5] =	stream.linear.gather @!p1 [hbm4b:s7+s12], $0x5000, $0x38;
	[tilespmem:$0x1E500] =	vst v63  }
0x7c: {  	_ =	swait.ge [sflag:s29], $0x5000  }
0x7d: {  	p2 =	seq.s32 s17, $0x960;
	[sflag:s29] =	ssyncset.done $0x0  }
.Ltmp2:
0x7e: {  	[sflag:s29] =	ssyncadd.s32 $0xFFFFB000;
	(pc) =	sbr.rel @!p2 .LBB2_3-.Ltmp2, $4  }
0x7f: {  	[spmem:s2] =	stream.indirect.scatter.add.f32 [tilespmem:s31], [sflag:$0x7], $0x80, s30, s26, $0xb8;
	[tilespmem:$0x1E500] =	vst v63  }
0x80: {  	_ =	swait.ge [sflag:s22], $0x5000  }
0x81: {  	[sflag:s22] =	ssyncset.done $0x0  }
0x82: {  	[sflag:s22] =	ssyncadd.s32 $0xFFFFB000  }
.Ltmp3:
0x83: {  	(pc) =	sbr.rel @p0 .LBB2_6-.Ltmp3, $4  }
.Ltmp4:
0x84: {  	(pc) =	sbr.rel @!p0 .LBB2_8-.Ltmp4, $4  }
0x85: {  	_ =	swait.ge [sflag:s0], $0xA0  }
0x86: {  	[sflag:s0] =	ssyncset.done $0x0  }
0x87: {  	[sflag:s0] =	ssyncadd.s32 $0xFFFFFF60  }
0x88: {  	_ = 	snop  }
.LBB2_3:
.Ltmp5:
0x89: {  	(pc) =	sbr.rel @!p0 .LBB2_4-.Ltmp5, $3  }
0x8a: {  	_ =	sdelay $0x1  }
0x8b: {  	s7 =	sadd.s32 $0x64, s18  }
0x8c: {  	[tilespmem:s30], [sflag:$0x2] =	stream.linear.gather [hbm4b:s7+s3], $0xA0, $0x38;
	[tilespmem:$0x1E500] =	vst v63  }
0x8d: {  	_ =	swait.ge [sflag:s0], $0xA0  }
0x8e: {  	[sflag:s0] =	ssyncset.done $0x0  }
0x8f: {  	[sflag:s0] =	ssyncadd.s32 $0xFFFFFF60  }
.LBB2_6:
.Ltmp6:
0x90: {  	(pc) =	sbr.rel .LBB2_9-.Ltmp6, $3  }
0x91: {  	_ =	sdelay $0x1  }
0x92: {  	s7 =	sadd.s32 $0xFFFFF600, s19  }
0x93: {  	[tilespmem:s31], [sflag:$0x6] =	stream.linear.gather [hbm4b:s7+s3], $0x5000, $0x38;
	[tilespmem:$0x1E500] =	vst v63  }
.LBB2_4:
0x94: {  	s7 =	sadd.s32 s17, s20  }
0x95: {  	s7 =	sadd.s32 $0x64, s7  }
0x96: {  	[tilespmem:s13], [sflag:$0x2] =	stream.linear.gather [hbm4b:s7+s3], $0xA0, $0x38;
	[tilespmem:$0x1E500] =	vst v63  }
0x97: {  	_ =	swait.ge [sflag:s0], $0xA0  }
0x98: {  	[sflag:s0] =	ssyncset.done $0x0  }
0x99: {  	[sflag:s0] =	ssyncadd.s32 $0xFFFFFF60  }
.LBB2_8:
0x9a: {  	_ =	swait.ge [sflag:s0], $0xA0  }
0x9b: {  	[sflag:s0] =	ssyncset.done $0x0  }
0x9c: {  	[sflag:s0] =	ssyncadd.s32 $0xFFFFFF60  }
0x9d: {  	[tilespmem:s31], [sflag:$0x6] =	stream.indirect.gather [hbm4b:s4+s26], $0x80, s11, s26, $0xb8;
	[tilespmem:$0x1E500] =	vst v63  }
.LBB2_9:
0x9e: {  	_ =	swait.ge [sflag:s25], $0x5000  }
0x9f: {  	[sflag:s25] =	ssyncset.done $0x0  }
.Ltmp7:
0xa0: {  	[sflag:s25] =	ssyncadd.s32 $0xFFFFB000;
	(pc) =	sbr.rel @!p2 .LBB2_10-.Ltmp7, $4  }
0xa1: {  	[spmem:s2] =	stream.indirect.scatter.add.f32 [tilespmem:s28], [sflag:$0x7], $0x80, s1, s26, $0xb8;
	[tilespmem:$0x1E500] =	vst v63  }
0xa2: {  	_ =	swait.ge [sflag:s22], $0x5000  }
0xa3: {  	[sflag:s22] =	ssyncset.done $0x0  }
0xa4: {  	[sflag:s22] =	ssyncadd.s32 $0xFFFFB000  }
.Ltmp8:
0xa5: {  	(pc) =	sbr.rel @p0 .LBB2_13-.Ltmp8, $4  }
.Ltmp9:
0xa6: {  	(pc) =	sbr.rel @!p0 .LBB2_15-.Ltmp9, $4  }
0xa7: {  	_ =	swait.ge [sflag:s5], $0xA0  }
0xa8: {  	[sflag:s5] =	ssyncset.done $0x0  }
0xa9: {  	[sflag:s5] =	ssyncadd.s32 $0xFFFFFF60  }
0xaa: {  	_ = 	snop  }
.LBB2_10:
.Ltmp10:
0xab: {  	(pc) =	sbr.rel @!p0 .LBB2_11-.Ltmp10, $3  }
0xac: {  	_ =	sdelay $0x1  }
0xad: {  	s7 =	sadd.s32 $0x78, s18  }
0xae: {  	[tilespmem:s1], [sflag:$0x3] =	stream.linear.gather [hbm4b:s7+s3], $0xA0, $0x38;
	[tilespmem:$0x1E500] =	vst v63  }
0xaf: {  	_ =	swait.ge [sflag:s5], $0xA0  }
0xb0: {  	[sflag:s5] =	ssyncset.done $0x0  }
0xb1: {  	[sflag:s5] =	ssyncadd.s32 $0xFFFFFF60  }
.LBB2_13:
.Ltmp11:
0xb2: {  	(pc) =	sbr.rel .LBB2_16-.Ltmp11, $2  }
0xb3: {  	_ =	sdelay $0x2  }
0xb4: {  	[tilespmem:s28], [sflag:$0x5] =	stream.linear.gather [hbm4b:s19+s3], $0x5000, $0x38;
	[tilespmem:$0x1E500] =	vst v63  }
.LBB2_11:
0xb5: {  	s7 =	sadd.s32 s17, s20  }
0xb6: {  	s7 =	sadd.s32 $0x78, s7  }
0xb7: {  	[tilespmem:s9], [sflag:$0x3] =	stream.linear.gather [hbm4b:s7+s3], $0xA0, $0x38;
	[tilespmem:$0x1E500] =	vst v63  }
0xb8: {  	_ =	swait.ge [sflag:s5], $0xA0  }
0xb9: {  	[sflag:s5] =	ssyncset.done $0x0  }
0xba: {  	[sflag:s5] =	ssyncadd.s32 $0xFFFFFF60  }
.LBB2_15:
0xbb: {  	_ =	swait.ge [sflag:s5], $0xA0  }
0xbc: {  	[sflag:s5] =	ssyncset.done $0x0  }
0xbd: {  	[sflag:s5] =	ssyncadd.s32 $0xFFFFFF60  }
0xbe: {  	[tilespmem:s28], [sflag:$0x5] =	stream.indirect.gather [hbm4b:s4+s26], $0x80, s8, s26, $0xb8;
	[tilespmem:$0x1E500] =	vst v63  }
.LBB2_16:
0xbf: {  	_ =	swait.ge [sflag:s29], $0x5000  }
0xc0: {  	[sflag:s29] =	ssyncset.done $0x0  }
.Ltmp12:
0xc1: {  	[sflag:s29] =	ssyncadd.s32 $0xFFFFB000;
	(pc) =	sbr.rel @p2 .LBB2_18-.Ltmp12, $4  }
0xc2: {  	[spmem:s2] =	stream.indirect.scatter.add.f32 [tilespmem:s31], [sflag:$0x7], $0x80, s6, s26, $0xb8;
	[tilespmem:$0x1E500] =	vst v63  }
0xc3: {  	_ =	swait.ge [sflag:s22], $0x5000  }
0xc4: {  	[sflag:s22] =	ssyncset.done $0x0  }
0xc5: {  	[sflag:s22] =	ssyncadd.s32 $0xFFFFB000  }
.Ltmp13:
0xc6: {  	s7 =	sadd.s32 $0x8C, s18;
	(pc) =	sbr.rel .LBB2_2-.Ltmp13, $4  }
0xc7: {  	[tilespmem:s6], [sflag:$0x4] =	stream.linear.gather [hbm4b:s7+s3], $0xA0, $0x38;
	[tilespmem:$0x1E500] =	vst v63  }
0xc8: {  	s10 =	simm.s32 @!p0 $0x0;
	s12 =	simm.s32 @!p0 $0x141E0;
	s7 =	sadd.s32 @!p0 s17, s20  }
0xc9: {  	s19 =	sadd.s32 $0x2800, s19;
	s17 =	sadd.s32 $0x50, s17;
	s7 =	sadd.s32 @!p0 $0x8C, s7  }
0xca: {  	[tilespmem:s12], [sflag:$0x4] =	stream.linear.gather @!p0 [hbm4b:s7+s10], $0xA0, $0x38;
	[tilespmem:$0x1E500] =	vst v63  }
.LBB2_19:
0xcb: {  	_ =	sfence.sel $0x180000  }
0xcc: {  	[bflag:$0x0] =	sbarrier.arrive $0xFFFF  }
0xcd: {  	_ =	strace $0x90000050  }
0xce: {  	s0 =	stileid.u32;
	[bflag:$0x2] =	sbarrier.arrive $0xFFFF  }
0xcf: {  	p0 =	sne.s32 s0, $0x0;
	s0 =	rddreg [dreg:$0x2]  }
0xd0: {  	s0 =	sadd.s32 @!p0 $0x100000, s0  }
0xd1: {  	[sflag:s0] =	ssyncadd.tile.s32 @!p0 $0x1;
	_ =	shalt  }
.Lfunc_end2:
_tile_overlayer_lowered:
.L_overlay_start_2:
0xd2: {  	(tag) =	ssettag $0x2  }
0xd3: {  	s0 =	rddreg [dreg:$0x0];
	s2 =	stileid.u32  }
0xd4: {  	s1 =	rddreg [dreg:$0x1];
	p0 =	sne.s32 s2, $0x0  }
0xd5: {  	s3 =	rddreg [dreg:$0x2];
	[bflag:$0x3] =	sbarrier.arrive $0xFFFF;
	s2 =	simm.s32 @!p0 $0x1C07  }
0xd6: {  	[timem:s3], [sflag:s2] =	dma.local @!p0 [hbm:s0], s1  }
0xd7: {  	s0 =	simm.s32 @!p0 $0x7  }
0xd8: {  	_ =	swait.ge @!p0 [sflag:s0], s1  }
0xd9: {  	s1 =	ssub.s32 @!p0 $0x0, s1;
	[sflag:s0] =	ssyncset.done @!p0 $0x0  }
0xda: {  	[sflag:s0] =	ssyncadd.s32 @!p0 s1  }
0xdb: {  	[bflag:$0x3] =	sbarrier.arrive $0xFFFF  }
0xdc: {  	_ =	shalt  }

// kernel: kernel.28.cloned.1.call-start
scs
__scs_entry_jumppad:
0x0: {  	(pc) =	sbr.rel $0x88, $3  }
0x1: {  	(tag) =	ssettag $0x0;
	lr =	simm.s32 $0x1  }
0x2: {  	[smem:$0x3F94] =	sst lr;
	_ =	strace $0xD0000000  }
0x3: {  	_ = 	snop  }
0x4: {  	_ = 	snop  }
0x5: {  	_ = 	snop  }
0x6: {  	_ = 	snop  }
0x7: {  	_ = 	snop  }
__scs_overlays_trampoline_lowered:
0x8: {  	[smem:$0x3FA3] =	sst s0  }
0x9: {  	[smem:$0x3FA4] =	sst s1  }
0xa: {  	[smem:$0x3FA5] =	sst s2  }
0xb: {  	[smem:$0x3FA6] =	sst s3  }
0xc: {  	[smem:$0x3FA7] =	sst s4  }
0xd: {  	[smem:$0x3FA8] =	sst s5  }
0xe: {  	[smem:$0x3FA9] =	sst s6  }
0xf: {  	[smem:$0x3FAA] =	sst s7  }
0x10: {  	[smem:$0x3FAB] =	sst s8  }
0x11: {  	[smem:$0x3FAC] =	sst s9;
	s0 =	simm.s32 @!p0 $0x0  }
0x12: {  	s1 =	sld [smem:$0x3F92];
	s0 =	simm.s32 @p0 $0x1  }
0x13: {  	[smem:$0x3FAD] =	sst s0;
	s0 =	simm.s32 @!p1 $0x0  }
0x14: {  	s2 =	sld [smem:$0x3F91];
	s0 =	simm.s32 @p1 $0x1  }
0x15: {  	[smem:$0x3FAE] =	sst s0;
	s0 =	simm.s32 @!p2 $0x0  }
0x16: {  	s3 =	sld [smem:$0x3FDB];
	s0 =	simm.s32 @p2 $0x1  }
0x17: {  	s4 =	simm.s32 $0x1BF5;
	[smem:$0x3FB0] =	sst s0  }
0x18: {  	s0 =	sld [smem:$0x3F93];
	_ =	swait.ge [sflag:s4], $0x0  }
0x19: {  	s7 =	sld [smem:$0x3F94]  }
0x1a: {  	s8 =	sadd.s32 $0xFFFFE003, lr  }
0x1b: {  	s9 =	sadd.s32 $0xFFFFFEF7, lr;
	s5 =	simm.s32 $0xFFFFFFFF;
	p2 =	slt.u32 s8, $0xFFFFF086  }
0x1c: {  	p1 =	slt.u32 s9, $0xF7A;
	s5 =	simm.s32 @!p2 $0x0  }
0x1d: {  	s5 =	simm.s32 @p1 $0x1;
	p0 =	seq.s32 s7, s2  }
0x1e: {  	s7 =	smul.u32 @!p0 $0xF7A, s2;
	p2 =	seq.s32 @!p0 s5, $0x0  }
0x1f: {  	s9 =	smul.u32 $0xF7A, s1;
	s8 =	simm.s32 @!p0 $0x1BF5;
	p2 =	por !p2, p0  }
0x20: {  	[sflag:s8] =	ssyncset.s32 @!p0 $0xFFFFF086;
	s6 =	sadd.s32 @!p0 s3, s7;
	s7 =	simm.s32 @!p0 $0x108  }
0x21: {  	s3 =	sadd.s32 s3, s9;
	s6 =	sadd.s32 @!p0 $0x88, s6;
	s7 =	simm.s32 @p2 $0x1082  }
0x22: {  	[simem:s7], [sflag:s8] =	dma.local @!p0 [hbm:s6], $0xF7A  }
0x23: {  	s9 =	sor.u32 $0xD0000000, s2;
	s6 =	simm.s32 $0x108;
	_ =	swait.ge @!p0 [sflag:s8], $0x0  }
0x24: {  	s3 =	sadd.s32 $0x88, s3;
	s6 =	simm.s32 @!p1 $0x1082;
	[sflag:s4] =	ssyncset.s32 $0xFFFFF086  }
0x25: {  	[simem:s6], [sflag:s4] =	dma.local [hbm:s3], $0xF7A  }
0x26: {  	[smem:$0x3F94] =	sst s1;
	(tag) =	ssettag s2;
	_ =	strace s9  }
0x27: {  	s1 =	sld [smem:$0x3FA4]  }
0x28: {  	s2 =	sld [smem:$0x3FA5]  }
0x29: {  	s4 =	sld [smem:$0x3FA7]  }
0x2a: {  	p0 =	seq.s32 s5, $0x0;
	s5 =	sld [smem:$0x3FA8]  }
0x2b: {  	s6 =	sld [smem:$0x3FA9]  }
0x2c: {  	s7 =	sld [smem:$0x3FAA]  }
0x2d: {  	s3 =	simm.s32 $0x108;
	s8 =	sld [smem:$0x3FAB]  }
0x2e: {  	s3 =	simm.s32 @!p0 $0x1082;
	s9 =	sld [smem:$0x3FAC]  }
0x2f: {  	lr =	sadd.s32 s0, s3;
	s0 =	sld [smem:$0x3FA3]  }
0x30: {  	s3 =	sld [smem:$0x3FA6]  }
0x31: {  	[smem:$0x3FAF] =	sst s10  }
0x32: {  	s10 =	sld [smem:$0x3FAD];
	_ =	sdelay $0x3  }
0x33: {  	p0 =	seq.s32 s10, $0x1;
	s10 =	sld [smem:$0x3FAF];
	_ =	sdelay $0x3  }
0x34: {  	[smem:$0x3FAF] =	sst s10  }
0x35: {  	s10 =	sld [smem:$0x3FAE];
	_ =	sdelay $0x3  }
0x36: {  	p1 =	seq.s32 s10, $0x1;
	s10 =	sld [smem:$0x3FAF];
	_ =	sdelay $0x3  }
0x37: {  	[smem:$0x3FAF] =	sst s10  }
0x38: {  	s10 =	sld [smem:$0x3FB0]  }
0x39: {  	_ = 	snop;
	(pc) =	sbr.ind lr, $3  }
0x3a: {  	_ = 	snop  }
0x3b: {  	_ = 	snop  }
0x3c: {  	p2 =	seq.s32 s10, $0x1;
	s10 =	sld [smem:$0x3FAF]  }
0x3d: {  	_ =	shalt  }
0x3e: {  	_ =	shalt  }
0x3f: {  	_ =	shalt  }
0x40: {  	_ =	shalt  }
0x41: {  	_ =	shalt  }
0x42: {  	_ =	shalt  }
0x43: {  	_ =	shalt  }
0x44: {  	_ =	shalt  }
0x45: {  	_ =	shalt  }
0x46: {  	_ =	shalt  }
0x47: {  	_ =	shalt  }
0x48: {  	_ =	shalt  }
0x49: {  	_ =	shalt  }
0x4a: {  	_ =	shalt  }
0x4b: {  	_ =	shalt  }
0x4c: {  	_ =	shalt  }
0x4d: {  	_ =	shalt  }
0x4e: {  	_ =	shalt  }
0x4f: {  	_ =	shalt  }
0x50: {  	_ =	shalt  }
0x51: {  	_ =	shalt  }
0x52: {  	_ =	shalt  }
0x53: {  	_ =	shalt  }
0x54: {  	_ =	shalt  }
0x55: {  	_ =	shalt  }
0x56: {  	_ =	shalt  }
0x57: {  	_ =	shalt  }
0x58: {  	_ =	shalt  }
0x59: {  	_ =	shalt  }
0x5a: {  	_ =	shalt  }
0x5b: {  	_ =	shalt  }
0x5c: {  	_ =	shalt  }
0x5d: {  	_ =	shalt  }
0x5e: {  	_ =	shalt  }
0x5f: {  	_ =	shalt  }
0x60: {  	_ =	shalt  }
0x61: {  	_ =	shalt  }
0x62: {  	_ =	shalt  }
0x63: {  	_ =	shalt  }
0x64: {  	_ =	shalt  }
0x65: {  	_ =	shalt  }
0x66: {  	_ =	shalt  }
0x67: {  	_ =	shalt  }
0x68: {  	_ =	shalt  }
0x69: {  	_ =	shalt  }
0x6a: {  	_ =	shalt  }
0x6b: {  	_ =	shalt  }
0x6c: {  	_ =	shalt  }
0x6d: {  	_ =	shalt  }
0x6e: {  	_ =	shalt  }
0x6f: {  	_ =	shalt  }
0x70: {  	_ =	shalt  }
0x71: {  	_ =	shalt  }
0x72: {  	_ =	shalt  }
0x73: {  	_ =	shalt  }
0x74: {  	_ =	shalt  }
0x75: {  	_ =	shalt  }
0x76: {  	_ =	shalt  }
0x77: {  	_ =	shalt  }
0x78: {  	_ =	shalt  }
0x79: {  	_ =	shalt  }
0x7a: {  	_ =	shalt  }
0x7b: {  	_ =	shalt  }
0x7c: {  	_ =	shalt  }
0x7d: {  	_ =	shalt  }
0x7e: {  	_ =	shalt  }
0x7f: {  	_ =	shalt  }
0x80: {  	_ =	shalt  }
0x81: {  	_ =	shalt  }
0x82: {  	_ =	shalt  }
0x83: {  	_ =	shalt  }
0x84: {  	_ =	shalt  }
0x85: {  	_ =	shalt  }
0x86: {  	_ =	shalt  }
0x87: {  	_ =	shalt  }
.Lfunc_end0:
.L_simem_size_0:
called_computation.4_lowered:
.L_overlay_start_0:
0x88: {  	s2 =	sld [smem:$0x3FD9]  }
0x89: {  	s3 =	sld [smem:$0x3FFE];
	_ =	sdelay $0x1  }
0x8a: {  	s1 =	srdreg.scid  }
0x8b: {  	s0 =	sand.u32 $0x1, s1  }
0x8c: {  	s16 =	sshll.u32 s0, $0xA;
	s2 =	sadd.s32 s3, s2  }
0x8d: {  	s2 =	sadd.s32 s2, s16  }
0x8e: {  	[smem:$0x3FBB] =	sst s2  }
0x8f: {  	_ = 	snop  }
0x90: {  	(tm) =	ssettm $0x1  }
0x91: {  	s17 =	sld [smem:$0x3FFB];
	_ =	sdelay $0x3  }
0x92: {  	_ =	strace s17  }
0x93: {  	s2 =	sld [smem:$0x3FFC];
	_ =	sdelay $0x3  }
0x94: {  	_ =	strace s2  }
0x95: {  	s2 =	sld [smem:$0x3FFD];
	_ =	sdelay $0x3  }
0x96: {  	_ =	strace s2  }
0x97: {  	_ =	strace $0x8FFFFFFF  }
0x98: {  	s18 =	sld [smem:$0x3FDB];
	_ =	sdelay $0x1  }
0x99: {  	s19 =	simm.s32 $_scs_section_size  }
0x9a: {  	s4 =	simm.s32 $_size__tile_overlayer_lowered;
	s5 =	simm.s32 $_tile_overlayer_lowered  }
0x9b: {  	s22 =	simm.s32 $0x1BFF;
	s21 =	sshll.u32 s5, $0x1;
	s2 =	sadd.s32 s19, s18  }
0x9c: {  	s6 =	simm.s32 $0x0;
	s20 =	sshll.u32 s4, $0x1;
	s4 =	sadd.s32 s21, s2  }
0x9d: {  	[timem:s6], [sflag:s22] =	dma.local [hbm:s4], s20  }
0x9e: {  	_ =	swait.ge [sflag:s22], s20  }
0x9f: {  	s3 =	ssub.s32 $0x0, s20;
	[sflag:s22] =	ssyncset.done $0x0  }
0xa0: {  	[sflag:s22] =	ssyncadd.s32 s3;
	_ =	sdelay $0x1  }
0xa1: {  	s23 =	simm.s32 $0x1B8B  }
0xa2: {  	_ =	swait.ge [sflag:s23], $0x1  }
0xa3: {  	[sflag:s23] =	ssyncset.done $0x0  }
0xa4: {  	s25 =	simm.s32 $0x1B8E;
	s24 =	sld [smem:$0x3FFE];
	[sflag:s23] =	ssyncadd.s32 $0xFFFFFFFF  }
0xa5: {  	s26 =	simm.s32 $execute0_lowered;
	[smem:$0x3FD2] =	sst s25  }
0xa6: {  	s4 =	sshll.u32 s26, $0x1;
	_ =	strace $0x80000052;
	[dreg:$0x1] =	wrdreg $0xFFFFFFFF  }
0xa7: {  	s28 =	simm.s32 $_size_execute0_lowered;
	s2 =	sadd.s32 s2, s4;
	[dreg:$0x0] =	wrdreg $0x0  }
0xa8: {  	s4 =	sshll.u32 s28, $0x1;
	[dreg:$0x2] =	wrdreg s2  }
0xa9: {  	[dreg:$0x3] =	wrdreg s4  }
0xaa: {  	[dreg:$0x4] =	wrdreg $0xC0  }
0xab: {  	_ =	task [dreg:s6], $0x5FFFF  }
0xac: {  	[dreg:$0x1] =	wrdreg $0xFFFFFFFF  }
0xad: {  	[dreg:$0x0] =	wrdreg $0x60  }
0xae: {  	[dreg:$0x2] =	wrdreg s24  }
0xaf: {  	[dreg:$0x3] =	wrdreg $0x0  }
0xb0: {  	[dreg:$0x4] =	wrdreg $0x9  }
0xb1: {  	_ =	task.clear_ibuf [dreg:s6], $0x5FFFF;
	_ =	strace $0x90000052  }
0xb2: {  	s29 =	simm.s32 $0x9;
	_ =	strace $0x80000054  }
0xb3: {  	_ =	swait.ge [sflag:s29], $0x1  }
0xb4: {  	[sflag:s29] =	ssyncadd.s32 $0xFFFFFFFF  }
0xb5: {  	_ =	strace $0x90000054  }
0xb6: {  	_ =	sfence  }
0xb7: {  	s30 =	sld [smem:$0x0];
	_ =	sdelay $0x2  }
0xb8: {  	s31 =	sshll.u32 s1, $0xD;
	s1 =	sshrl.u32 s1, $0x2  }
0xb9: {  	s3 =	sand.u32 $0x4000, s31;
	s1 =	sadd.s32 s1, s30  }
0xba: {  	s0 =	sor.u32 s3, s0;
	s1 =	sshll.u32 s1, $0x11  }
0xbb: {  	s0 =	sor.u32 s1, s0  }
0xbc: {  	s0 =	sadd.s32 $0x8F2B, s0  }
0xbd: {  	[sflag:s0] =	ssyncadd.remote.s32 $0x1  }
0xbe: {  	_ =	sfence.sel $0xFFFF  }
0xbf: {  	[dreg:$0x0] =	wrdreg $0xFFFFFFFF;
	(pc) =	sbr.abs _section_cstart, $3  }
0xc0: {  	[dreg:$0x1] =	wrdreg $0xFFFFFFFF  }
0xc1: {  	_ =	task.clear_ibuf [dreg:s6], $0x2FFFF;
	_ =	strace $0x9FFFFFFF  }
0xc2: {  	(tm) =	ssettm $0x7FFFFFFF  }
0xc3: {  	_ =	shalt  }
tec
execute0_lowered:
.L_overlay_start_1:
0x0: {  	(tag) =	ssettag $0x1  }
0x1: {  	s0 =	rddreg [dreg:$0x0]  }
0x2: {  	s2 =	rddreg [dreg:$0x1];
	s3 =	simm.s32 $0x0  }
0x3: {  	s12 =	stileid.u32;
	s4 =	srdreg.scid;
	s28 =	simm.s32 $0x14500  }
0x4: {  	s29 =	simm.s32 $0x6;
	s30 =	simm.s32 $0x14320;
	s1 =	smul.u32 $0x4E200, s12  }
0x5: {  	s31 =	simm.s32 $0x19500;
	[smem:$0x7FF] =	sst s3;
	s5 =	smul.u32 $0x14000, s12  }
0x6: {  	s6 =	sand.u32 $0x1, s4;
	s4 =	sadd.s32 $0xF21800, s0;
	s11 =	smul.u32 $0x4E20, s12  }
0x7: {  	s8 =	sadd.s32 $0x13200, s0;
	s13 =	sadd.s32 $0x9400, s0;
	s24 =	smul.u32 $0x9C4, s12  }
0x8: {  	_ =	strace $0x80000053;
	s7 =	ssub.s32 $0x2, s6;
	p0 =	seq.s32 s6, $0x0  }
0x9: {  	p1 =	sne.s32 s6, $0x0;
	s6 =	simm.s32 $0x14460;
	s1 =	sadd.s32 s1, s0  }
0xa: {  	s9 =	sshrl.u32 s5, $0x3;
	s10 =	sshrl.u32 s7, $0x1;
	s5 =	sadd.s32 s5, s2  }
0xb: {  	s11 =	sshrl.u32 s11, $0x3;
	s0 =	sadd.s32 s9, s0;
	s26 =	ssub.s32 s7, s10  }
0xc: {  	[dreg:$0x3] =	wrdreg s5;
	s10 =	sshll.u32 s12, $0x6;
	s15 =	sadd.s32 s13, s11  }
0xd: {  	s16 =	sadd.s32 s8, s11;
	s17 =	sadd.s32 $0x14, s11;
	[dreg:$0x6] =	wrdreg s15  }
0xe: {  	s19 =	sadd.s32 $0x28, s11;
	s23 =	sadd.s32 $0xA3F800, s1;
	[dreg:$0x7] =	wrdreg s16  }
0xf: {  	s21 =	sadd.s32 $0x3C, s11;
	s14 =	sadd.s32 $0xA17800, s0;
	[dreg:$0xe] =	wrdreg s23  }
0x10: {  	s9 =	simm.s32 $0x14140;
	s18 =	sadd.s32 s13, s17;
	[dreg:$0x4] =	wrdreg s14  }
0x11: {  	s11 =	simm.s32 $0x141E0;
	s5 =	sadd.s32 s8, s17;
	[dreg:$0x8] =	wrdreg s18  }
0x12: {  	s10 =	sor.u32 $0x1C07, s10;
	s20 =	sadd.s32 s13, s19;
	[dreg:$0x9] =	wrdreg s5  }
0x13: {  	s22 =	sadd.s32 s13, s21;
	s25 =	smax.u32 s26, $0x1;
	[dreg:$0xa] =	wrdreg s20  }
0x14: {  	s26 =	sadd.s32 $0xA42000, s1;
	s23 =	simm.s32 $0x14280;
	[dreg:$0xc] =	wrdreg s22  }
0x15: {  	s1 =	simm.s32 $0x143C0;
	s15 =	simm.s32 $0x0;
	[dreg:$0xf] =	wrdreg s25  }
0x16: {  	s5 =	sadd.s32 s8, s19;
	[dreg:$0x11] =	wrdreg s26;
	s20 =	sadd.s32 s24, s8  }
0x17: {  	s22 =	simm.s32 $0x7;
	s25 =	simm.s32 $0x5;
	[dreg:$0x5] =	wrdreg s10  }
.Ltmp0:
0x18: {  	[dreg:$0xb] =	wrdreg s5;
	s5 =	sadd.s32 s8, s21;
	(pc) =	sbr.rel .LBB2_1-.Ltmp0, $4  }
0x19: {  	s26 =	simm.s32 $0xA0;
	[dreg:$0xd] =	wrdreg s5;
	s5 =	simm.s32 $0xF48A00  }
0x1a: {  	s21 =	sadd.s32 s24, s13;
	s24 =	simm.s32 $0x2;
	s5 =	simm.s32 @!p0 $0x1D000  }
0x1b: {  	s8 =	simm.s32 $0x14000;
	s13 =	simm.s32 $0x140A0;
	s0 =	sadd.s32 s5, s0  }
0x1c: {  	s5 =	simm.s32 $0x1;
	[dreg:$0x10] =	wrdreg s0;
	s0 =	simm.s32 $0x4  }
.LBB2_18:
0x1d: {  	_ =	swait.ge [sflag:s25], $0x5000  }
0x1e: {  	[sflag:s25] =	ssyncset.done $0x0  }
0x1f: {  	[sflag:s25] =	ssyncadd.s32 $0xFFFFB000  }
0x20: {  	[spmem:s2] =	stream.indirect.scatter.add.f32 [tilespmem:s28], [sflag:$0x7], $0x80, s23, s26, $0xb8;
	[tilespmem:$0x1E500] =	vst v63  }
0x21: {  	_ =	swait.ge [sflag:s22], $0x5000  }
0x22: {  	[sflag:s22] =	ssyncset.done $0x0  }
0x23: {  	[sflag:s22] =	ssyncadd.s32 $0xFFFFB000  }
0x24: {  	[bflag:$0x0] =	sbarrier.arrive $0xFFFF  }
0x25: {  	s10 =	rddreg [dreg:$0x5]  }
0x26: {  	s7 =	rddreg [dreg:$0x10]  }
0x27: {  	s12 =	rddreg [dreg:$0x12]  }
0x28: {  	[hbm:s7], [sflag:s10] =	dma.local [spmem:s12], $0x2800  }
0x29: {  	_ =	swait.ge [sflag:s22], $0x2800  }
0x2a: {  	s15 =	sadd.s32 $0x1, s15;
	s19 =	rddreg [dreg:$0xf]  }
0x2b: {  	p2 =	sne.s32 s15, s19  }
.Ltmp1:
0x2c: {  	_ = 	snop;
	(pc) =	sbr.rel @!p2 .LBB2_19-.Ltmp1, $3  }
0x2d: {  	_ =	sdelay $0x1  }
0x2e: {  	[sflag:s22] =	ssyncset.done $0x0  }
0x2f: {  	[sflag:s22] =	ssyncadd.s32 $0xFFFFD800  }
.LBB2_1:
0x30: {  	s7 =	rddreg [dreg:$0x3]  }
0x31: {  	s18 =	rddreg [dreg:$0x4];
	s12 =	sshrl.u32 s7, $0x3  }
0x32: {  	[dreg:$0x12] =	wrdreg s12  }
0x33: {  	[spmem:s12], [sflag:s10] =	dma.local [hbm:s18], $0x2800  }
0x34: {  	_ =	swait.ge [sflag:s22], $0x2800  }
0x35: {  	[sflag:s22] =	ssyncset.done $0x0  }
0x36: {  	[sflag:s22] =	ssyncadd.s32 $0xFFFFD800  }
0x37: {  	[bflag:$0x0] =	sbarrier.arrive $0xFFFF  }
0x38: {  	s19 =	rddreg [dreg:$0x6]  }
0x39: {  	[tilespmem:s23], [sflag:$0x1] =	stream.linear.gather [hbm4b:s19+s3], $0xA0, $0x38;
	[tilespmem:$0x1E500] =	vst v63  }
0x3a: {  	s17 =	simm.s32 @p0 $0x0;
	s18 =	simm.s32 @p0 $0x14320;
	s10 =	rddreg [dreg:$0x8]  }
0x3b: {  	[tilespmem:s18], [sflag:$0x2] =	stream.linear.gather @p0 [hbm4b:s10+s17], $0xA0, $0x38;
	[tilespmem:$0x1E500] =	vst v63  }
0x3c: {  	s12 =	rddreg [dreg:$0xa];
	s18 =	simm.s32 @p0 $0x143C0  }
0x3d: {  	[tilespmem:s18], [sflag:$0x3] =	stream.linear.gather @p0 [hbm4b:s12+s17], $0xA0, $0x38;
	[tilespmem:$0x1E500] =	vst v63  }
0x3e: {  	s14 =	rddreg [dreg:$0xc];
	s18 =	simm.s32 @p0 $0x14460  }
0x3f: {  	[tilespmem:s18], [sflag:$0x4] =	stream.linear.gather @p0 [hbm4b:s14+s17], $0xA0, $0x38;
	[tilespmem:$0x1E500] =	vst v63  }
0x40: {  	s18 =	simm.s32 @p0 $0x1  }
0x41: {  	_ =	swait.ge @p0 [sflag:s18], $0xA0  }
0x42: {  	[sflag:s18] =	ssyncset.done @p0 $0x0  }
0x43: {  	s7 =	rddreg [dreg:$0xe];
	[sflag:s18] =	ssyncadd.s32 @p0 $0xFFFFFF60;
	s18 =	simm.s32 @p0 $0x14500  }
0x44: {  	[tilespmem:s18], [sflag:$0x5] =	stream.linear.gather @p0 [hbm4b:s7+s17], $0x5000, $0x38;
	[tilespmem:$0x1E500] =	vst v63  }
0x45: {  	s17 =	simm.s32 @!p0 $0x0;
	s18 =	simm.s32 @!p0 $0x14000;
	s7 =	rddreg [dreg:$0x7]  }
0x46: {  	[tilespmem:s18], [sflag:$0x1] =	stream.linear.gather @!p0 [hbm4b:s7+s17], $0xA0, $0x38;
	[tilespmem:$0x1E500] =	vst v63  }
0x47: {  	s19 =	simm.s32 @!p0 $0x14320  }
0x48: {  	[tilespmem:s19], [sflag:$0x2] =	stream.linear.gather @!p0 [hbm4b:s10+s17], $0xA0, $0x38;
	[tilespmem:$0x1E500] =	vst v63  }
0x49: {  	s7 =	rddreg [dreg:$0x9];
	s19 =	simm.s32 @!p0 $0x140A0  }
0x4a: {  	[tilespmem:s19], [sflag:$0x2] =	stream.linear.gather @!p0 [hbm4b:s7+s17], $0xA0, $0x38;
	[tilespmem:$0x1E500] =	vst v63  }
0x4b: {  	s19 =	simm.s32 @!p0 $0x143C0  }
0x4c: {  	[tilespmem:s19], [sflag:$0x3] =	stream.linear.gather @!p0 [hbm4b:s12+s17], $0xA0, $0x38;
	[tilespmem:$0x1E500] =	vst v63  }
0x4d: {  	s7 =	rddreg [dreg:$0xb];
	s19 =	simm.s32 @!p0 $0x14140  }
0x4e: {  	[tilespmem:s19], [sflag:$0x3] =	stream.linear.gather @!p0 [hbm4b:s7+s17], $0xA0, $0x38;
	[tilespmem:$0x1E500] =	vst v63  }
0x4f: {  	s19 =	simm.s32 @!p0 $0x14460  }
0x50: {  	[tilespmem:s19], [sflag:$0x4] =	stream.linear.gather @!p0 [hbm4b:s14+s17], $0xA0, $0x38;
	[tilespmem:$0x1E500] =	vst v63  }
0x51: {  	s7 =	rddreg [dreg:$0xd];
	s19 =	simm.s32 @!p0 $0x141E0  }
0x52: {  	[tilespmem:s19], [sflag:$0x4] =	stream.linear.gather @!p0 [hbm4b:s7+s17], $0xA0, $0x38;
	[tilespmem:$0x1E500] =	vst v63  }
0x53: {  	s17 =	simm.s32 @!p0 $0x1  }
0x54: {  	_ =	swait.ge @!p0 [sflag:s17], $0xA0  }
0x55: {  	[sflag:s17] =	ssyncset.done @!p0 $0x0  }
0x56: {  	[sflag:s17] =	ssyncadd.s32 @!p0 $0xFFFFFF60  }
0x57: {  	_ =	swait.ge @!p0 [sflag:s17], $0xA0  }
0x58: {  	[sflag:s17] =	ssyncset.done @!p0 $0x0  }
0x59: {  	s19 =	simm.s32 @!p0 $0x14500;
	[sflag:s17] =	ssyncadd.s32 @!p0 $0xFFFFFF60;
	s17 =	simm.s32 @!p0 $0xA0  }
0x5a: {  	[tilespmem:s19], [sflag:$0x5] =	stream.indirect.gather @!p0 [hbm4b:s4+s17], $0x80, s18, s17, $0xb8;
	[tilespmem:$0x1E500] =	vst v63  }
0x5b: {  	s17 =	simm.s32 $0x0;
	s19 =	rddreg [dreg:$0x11]  }
.LBB2_2:
0x5c: {  	_ =	swait.ge [sflag:s24], $0xA0  }
0x5d: {  	[sflag:s24] =	ssyncset.done $0x0  }
0x5e: {  	s18 =	simm.s32 @p1 $0x2;
	[sflag:s24] =	ssyncadd.s32 $0xFFFFFF60  }
0x5f: {  	_ =	swait.ge @p1 [sflag:s18], $0xA0  }
0x60: {  	s7 =	simm.s32 @p1 $0xA0;
	[sflag:s18] =	ssyncset.done @p1 $0x0  }
0x61: {  	s10 =	simm.s32 @p1 $0x19500;
	[sflag:s18] =	ssyncadd.s32 @p1 $0xFFFFFF60;
	s18 =	simm.s32 @p1 $0x140A0  }
0x62: {  	[tilespmem:s10], [sflag:$0x6] =	stream.indirect.gather @p1 [hbm4b:s4+s7], $0x80, s18, s7, $0xb8;
	[tilespmem:$0x1E500] =	vst v63  }
0x63: {  	s12 =	simm.s32 @!p1 $0x0;
	s10 =	sadd.s32 @!p1 $0xFFFFE200, s19;
	s18 =	simm.s32 @!p1 $0x19500  }
0x64: {  	[tilespmem:s18], [sflag:$0x6] =	stream.linear.gather @!p1 [hbm4b:s10+s12], $0x5000, $0x38;
	[tilespmem:$0x1E500] =	vst v63  }
0x65: {  	_ =	swait.ge [sflag:s25], $0x5000  }
0x66: {  	[sflag:s25] =	ssyncset.done $0x0  }
0x67: {  	[sflag:s25] =	ssyncadd.s32 $0xFFFFB000  }
0x68: {  	[spmem:s2] =	stream.indirect.scatter.add.f32 [tilespmem:s28], [sflag:$0x7], $0x80, s23, s26, $0xb8;
	[tilespmem:$0x1E500] =	vst v63  }
0x69: {  	_ =	swait.ge [sflag:s22], $0x5000  }
0x6a: {  	s18 =	sadd.s32 s17, s21;
	[sflag:s22] =	ssyncset.done $0x0  }
0x6b: {  	s10 =	sadd.s32 @p1 s17, s20;
	s16 =	sadd.s32 $0x50, s18;
	[sflag:s22] =	ssyncadd.s32 $0xFFFFB000  }
0x6c: {  	[tilespmem:s23], [sflag:$0x1] =	stream.linear.gather [hbm4b:s16+s3], $0xA0, $0x38;
	[tilespmem:$0x1E500] =	vst v63  }
0x6d: {  	s14 =	simm.s32 @p1 $0x0;
	s10 =	sadd.s32 @p1 $0x50, s10;
	s16 =	simm.s32 @p1 $0x14000  }
0x6e: {  	[tilespmem:s16], [sflag:$0x1] =	stream.linear.gather @p1 [hbm4b:s10+s14], $0xA0, $0x38;
	[tilespmem:$0x1E500] =	vst v63  }
0x6f: {  	s10 =	simm.s32 @p1 $0x3  }
0x70: {  	_ =	swait.ge @p1 [sflag:s10], $0xA0  }
0x71: {  	[sflag:s10] =	ssyncset.done @p1 $0x0  }
0x72: {  	[sflag:s10] =	ssyncadd.s32 @p1 $0xFFFFFF60  }
0x73: {  	_ =	swait.ge @p1 [sflag:s10], $0xA0  }
0x74: {  	[sflag:s10] =	ssyncset.done @p1 $0x0  }
0x75: {  	s14 =	simm.s32 @p1 $0x14500;
	[sflag:s10] =	ssyncadd.s32 @p1 $0xFFFFFF60;
	s10 =	simm.s32 @p1 $0x14140  }
0x76: {  	[tilespmem:s14], [sflag:$0x5] =	stream.indirect.gather @p1 [hbm4b:s4+s7], $0x80, s10, s7, $0xb8;
	[tilespmem:$0x1E500] =	vst v63  }
0x77: {  	s7 =	simm.s32 @!p1 $0x3  }
0x78: {  	_ =	swait.ge @!p1 [sflag:s7], $0xA0  }
0x79: {  	[sflag:s7] =	ssyncset.done @!p1 $0x0  }
0x7a: {  	s10 =	simm.s32 @!p1 $0x14500;
	[sflag:s7] =	ssyncadd.s32 @!p1 $0xFFFFFF60;
	s7 =	sadd.s32 @!p1 $0xFFFFEC00, s19  }
0x7b: {  	[tilespmem:s10], [sflag:$0x5] =	stream.linear.gather @!p1 [hbm4b:s7+s12], $0x5000, $0x38;
	[tilespmem:$0x1E500] =	vst v63  }
0x7c: {  	_ =	swait.ge [sflag:s29], $0x5000  }
0x7d: {  	p2 =	seq.s32 s17, $0x960;
	[sflag:s29] =	ssyncset.done $0x0  }
.Ltmp2:
0x7e: {  	[sflag:s29] =	ssyncadd.s32 $0xFFFFB000;
	(pc) =	sbr.rel @!p2 .LBB2_3-.Ltmp2, $4  }
0x7f: {  	[spmem:s2] =	stream.indirect.scatter.add.f32 [tilespmem:s31], [sflag:$0x7], $0x80, s30, s26, $0xb8;
	[tilespmem:$0x1E500] =	vst v63  }
0x80: {  	_ =	swait.ge [sflag:s22], $0x5000  }
0x81: {  	[sflag:s22] =	ssyncset.done $0x0  }
0x82: {  	[sflag:s22] =	ssyncadd.s32 $0xFFFFB000  }
.Ltmp3:
0x83: {  	(pc) =	sbr.rel @p0 .LBB2_6-.Ltmp3, $4  }
.Ltmp4:
0x84: {  	(pc) =	sbr.rel @!p0 .LBB2_8-.Ltmp4, $4  }
0x85: {  	_ =	swait.ge [sflag:s0], $0xA0  }
0x86: {  	[sflag:s0] =	ssyncset.done $0x0  }
0x87: {  	[sflag:s0] =	ssyncadd.s32 $0xFFFFFF60  }
0x88: {  	_ = 	snop  }
.LBB2_3:
.Ltmp5:
0x89: {  	(pc) =	sbr.rel @!p0 .LBB2_4-.Ltmp5, $3  }
0x8a: {  	_ =	sdelay $0x1  }
0x8b: {  	s7 =	sadd.s32 $0x64, s18  }
0x8c: {  	[tilespmem:s30], [sflag:$0x2] =	stream.linear.gather [hbm4b:s7+s3], $0xA0, $0x38;
	[tilespmem:$0x1E500] =	vst v63  }
0x8d: {  	_ =	swait.ge [sflag:s0], $0xA0  }
0x8e: {  	[sflag:s0] =	ssyncset.done $0x0  }
0x8f: {  	[sflag:s0] =	ssyncadd.s32 $0xFFFFFF60  }
.LBB2_6:
.Ltmp6:
0x90: {  	(pc) =	sbr.rel .LBB2_9-.Ltmp6, $3  }
0x91: {  	_ =	sdelay $0x1  }
0x92: {  	s7 =	sadd.s32 $0xFFFFF600, s19  }
0x93: {  	[tilespmem:s31], [sflag:$0x6] =	stream.linear.gather [hbm4b:s7+s3], $0x5000, $0x38;
	[tilespmem:$0x1E500] =	vst v63  }
.LBB2_4:
0x94: {  	s7 =	sadd.s32 s17, s20  }
0x95: {  	s7 =	sadd.s32 $0x64, s7  }
0x96: {  	[tilespmem:s13], [sflag:$0x2] =	stream.linear.gather [hbm4b:s7+s3], $0xA0, $0x38;
	[tilespmem:$0x1E500] =	vst v63  }
0x97: {  	_ =	swait.ge [sflag:s0], $0xA0  }
0x98: {  	[sflag:s0] =	ssyncset.done $0x0  }
0x99: {  	[sflag:s0] =	ssyncadd.s32 $0xFFFFFF60  }
.LBB2_8:
0x9a: {  	_ =	swait.ge [sflag:s0], $0xA0  }
0x9b: {  	[sflag:s0] =	ssyncset.done $0x0  }
0x9c: {  	[sflag:s0] =	ssyncadd.s32 $0xFFFFFF60  }
0x9d: {  	[tilespmem:s31], [sflag:$0x6] =	stream.indirect.gather [hbm4b:s4+s26], $0x80, s11, s26, $0xb8;
	[tilespmem:$0x1E500] =	vst v63  }
.LBB2_9:
0x9e: {  	_ =	swait.ge [sflag:s25], $0x5000  }
0x9f: {  	[sflag:s25] =	ssyncset.done $0x0  }
.Ltmp7:
0xa0: {  	[sflag:s25] =	ssyncadd.s32 $0xFFFFB000;
	(pc) =	sbr.rel @!p2 .LBB2_10-.Ltmp7, $4  }
0xa1: {  	[spmem:s2] =	stream.indirect.scatter.add.f32 [tilespmem:s28], [sflag:$0x7], $0x80, s1, s26, $0xb8;
	[tilespmem:$0x1E500] =	vst v63  }
0xa2: {  	_ =	swait.ge [sflag:s22], $0x5000  }
0xa3: {  	[sflag:s22] =	ssyncset.done $0x0  }
0xa4: {  	[sflag:s22] =	ssyncadd.s32 $0xFFFFB000  }
.Ltmp8:
0xa5: {  	(pc) =	sbr.rel @p0 .LBB2_13-.Ltmp8, $4  }
.Ltmp9:
0xa6: {  	(pc) =	sbr.rel @!p0 .LBB2_15-.Ltmp9, $4  }
0xa7: {  	_ =	swait.ge [sflag:s5], $0xA0  }
0xa8: {  	[sflag:s5] =	ssyncset.done $0x0  }
0xa9: {  	[sflag:s5] =	ssyncadd.s32 $0xFFFFFF60  }
0xaa: {  	_ = 	snop  }
.LBB2_10:
.Ltmp10:
0xab: {  	(pc) =	sbr.rel @!p0 .LBB2_11-.Ltmp10, $3  }
0xac: {  	_ =	sdelay $0x1  }
0xad: {  	s7 =	sadd.s32 $0x78, s18  }
0xae: {  	[tilespmem:s1], [sflag:$0x3] =	stream.linear.gather [hbm4b:s7+s3], $0xA0, $0x38;
	[tilespmem:$0x1E500] =	vst v63  }
0xaf: {  	_ =	swait.ge [sflag:s5], $0xA0  }
0xb0: {  	[sflag:s5] =	ssyncset.done $0x0  }
0xb1: {  	[sflag:s5] =	ssyncadd.s32 $0xFFFFFF60  }
.LBB2_13:
.Ltmp11:
0xb2: {  	(pc) =	sbr.rel .LBB2_16-.Ltmp11, $2  }
0xb3: {  	_ =	sdelay $0x2  }
0xb4: {  	[tilespmem:s28], [sflag:$0x5] =	stream.linear.gather [hbm4b:s19+s3], $0x5000, $0x38;
	[tilespmem:$0x1E500] =	vst v63  }
.LBB2_11:
0xb5: {  	s7 =	sadd.s32 s17, s20  }
0xb6: {  	s7 =	sadd.s32 $0x78, s7  }
0xb7: {  	[tilespmem:s9], [sflag:$0x3] =	stream.linear.gather [hbm4b:s7+s3], $0xA0, $0x38;
	[tilespmem:$0x1E500] =	vst v63  }
0xb8: {  	_ =	swait.ge [sflag:s5], $0xA0  }
0xb9: {  	[sflag:s5] =	ssyncset.done $0x0  }
0xba: {  	[sflag:s5] =	ssyncadd.s32 $0xFFFFFF60  }
.LBB2_15:
0xbb: {  	_ =	swait.ge [sflag:s5], $0xA0  }
0xbc: {  	[sflag:s5] =	ssyncset.done $0x0  }
0xbd: {  	[sflag:s5] =	ssyncadd.s32 $0xFFFFFF60  }
0xbe: {  	[tilespmem:s28], [sflag:$0x5] =	stream.indirect.gather [hbm4b:s4+s26], $0x80, s8, s26, $0xb8;
	[tilespmem:$0x1E500] =	vst v63  }
.LBB2_16:
0xbf: {  	_ =	swait.ge [sflag:s29], $0x5000  }
0xc0: {  	[sflag:s29] =	ssyncset.done $0x0  }
.Ltmp12:
0xc1: {  	[sflag:s29] =	ssyncadd.s32 $0xFFFFB000;
	(pc) =	sbr.rel @p2 .LBB2_18-.Ltmp12, $4  }
0xc2: {  	[spmem:s2] =	stream.indirect.scatter.add.f32 [tilespmem:s31], [sflag:$0x7], $0x80, s6, s26, $0xb8;
	[tilespmem:$0x1E500] =	vst v63  }
0xc3: {  	_ =	swait.ge [sflag:s22], $0x5000  }
0xc4: {  	[sflag:s22] =	ssyncset.done $0x0  }
0xc5: {  	[sflag:s22] =	ssyncadd.s32 $0xFFFFB000  }
.Ltmp13:
0xc6: {  	s7 =	sadd.s32 $0x8C, s18;
	(pc) =	sbr.rel .LBB2_2-.Ltmp13, $4  }
0xc7: {  	[tilespmem:s6], [sflag:$0x4] =	stream.linear.gather [hbm4b:s7+s3], $0xA0, $0x38;
	[tilespmem:$0x1E500] =	vst v63  }
0xc8: {  	s10 =	simm.s32 @!p0 $0x0;
	s12 =	simm.s32 @!p0 $0x141E0;
	s7 =	sadd.s32 @!p0 s17, s20  }
0xc9: {  	s19 =	sadd.s32 $0x2800, s19;
	s17 =	sadd.s32 $0x50, s17;
	s7 =	sadd.s32 @!p0 $0x8C, s7  }
0xca: {  	[tilespmem:s12], [sflag:$0x4] =	stream.linear.gather @!p0 [hbm4b:s7+s10], $0xA0, $0x38;
	[tilespmem:$0x1E500] =	vst v63  }
.LBB2_19:
0xcb: {  	_ =	sfence.sel $0x180000  }
0xcc: {  	[bflag:$0x0] =	sbarrier.arrive $0xFFFF  }
0xcd: {  	_ =	strace $0x90000053  }
0xce: {  	s0 =	stileid.u32;
	[bflag:$0x2] =	sbarrier.arrive $0xFFFF  }
0xcf: {  	p0 =	sne.s32 s0, $0x0;
	s0 =	rddreg [dreg:$0x2]  }
0xd0: {  	s0 =	sadd.s32 @!p0 $0x100000, s0  }
0xd1: {  	[sflag:s0] =	ssyncadd.tile.s32 @!p0 $0x1;
	_ =	shalt  }
.Lfunc_end2:
_tile_overlayer_lowered:
.L_overlay_start_2:
0xd2: {  	(tag) =	ssettag $0x2  }
0xd3: {  	s0 =	rddreg [dreg:$0x0];
	s2 =	stileid.u32  }
0xd4: {  	s1 =	rddreg [dreg:$0x1];
	p0 =	sne.s32 s2, $0x0  }
0xd5: {  	s3 =	rddreg [dreg:$0x2];
	[bflag:$0x3] =	sbarrier.arrive $0xFFFF;
	s2 =	simm.s32 @!p0 $0x1C07  }
0xd6: {  	[timem:s3], [sflag:s2] =	dma.local @!p0 [hbm:s0], s1  }
0xd7: {  	s0 =	simm.s32 @!p0 $0x7  }
0xd8: {  	_ =	swait.ge @!p0 [sflag:s0], s1  }
0xd9: {  	s1 =	ssub.s32 @!p0 $0x0, s1;
	[sflag:s0] =	ssyncset.done @!p0 $0x0  }
0xda: {  	[sflag:s0] =	ssyncadd.s32 @!p0 s1  }
0xdb: {  	[bflag:$0x3] =	sbarrier.arrive $0xFFFF  }
0xdc: {  	_ =	shalt  }

</sc_bundles>
